<compile_context>
chip_gen: v7x
topology: tpu7x:2x2x1
jax: 0.10.2.dev20260603
libtpu: 0.0.44.dev20260713+nightly
codegen_flags: <defaults>
</compile_context>

<pallas_src>
import jax
import jax.numpy as jnp
from jax import lax
from jax.experimental import pallas as pl
from jax.experimental.pallas import tpu as pltpu
from jax.experimental.pallas import tpu_sc as plsc

N = 4096
D = 768
E = 8
F = 768
TB = 512
T = 512
LOG2T = 9
NB = N // T + E
NPAD = NB * T
NBPAD = 32
NC = 2
NS = 16
NW = NC * NS
CHUNK = N // NW


def _gating_block(x_ref, wg_ref, bg_ref, noise_ref, wt_ref, eid_ref, cnt_ref):
    x = x_ref[...]
    s = lax.dot_general(x, wg_ref[...], (((1,), (1,)), ((), ())),
                        preferred_element_type=jnp.float32)
    s = s + bg_ref[...] + noise_ref[...]
    m = jnp.max(s, axis=1, keepdims=True)
    p = jnp.exp(s - m)
    gw = p / jnp.sum(p, axis=1, keepdims=True)
    wt = jnp.max(gw, axis=1, keepdims=True)
    ii = lax.broadcasted_iota(jnp.int32, (TB, E), 1)
    eid = jnp.min(jnp.where(gw == wt, ii, E), axis=1, keepdims=True)
    wt_ref[...] = wt
    eid_ref[...] = eid
    oh = (eid == lax.broadcasted_iota(jnp.int32, (TB, 16), 1)).astype(jnp.int32)
    for c in range(TB // CHUNK):
        cnt_ref[0, pl.ds(c, 1), :] = jnp.sum(
            oh[c * CHUNK:(c + 1) * CHUNK], axis=0, keepdims=True)


def _gating(x_flat, Wg, bg, noise):
    return pl.pallas_call(
        _gating_block,
        grid=(N // TB,),
        in_specs=[
            pl.BlockSpec((TB, D), lambda i: (i, 0)),
            pl.BlockSpec((E, D), lambda i: (0, 0)),
            pl.BlockSpec((1, E), lambda i: (0, 0)),
            pl.BlockSpec((TB, E), lambda i: (i, 0)),
        ],
        out_specs=[
            pl.BlockSpec((TB, 1), lambda i: (i, 0)),
            pl.BlockSpec((TB, 1), lambda i: (i, 0)),
            pl.BlockSpec((1, TB // CHUNK, 16), lambda i: (i, 0, 0)),
        ],
        out_shape=[
            jax.ShapeDtypeStruct((N, 1), jnp.float32),
            jax.ShapeDtypeStruct((N, 1), jnp.int32),
            jax.ShapeDtypeStruct((N // TB, TB // CHUNK, 16), jnp.int32),
        ],
    )(x_flat, Wg, bg.reshape(1, E), noise)


def _dispatch_body(e_hbm, cnt_hbm, x_hbm, xd_hbm, slots_hbm,
                   be_hbm, ev, cv, slots_v, xbuf, be_vm, sem):
    wid = lax.axis_index("c") * NS + lax.axis_index("s")
    base_tok = wid * CHUNK
    pltpu.sync_copy(e_hbm.at[pl.ds(base_tok, CHUNK)], ev)
    pltpu.sync_copy(cnt_hbm, cv)

    iota = lax.iota(jnp.int32, 16)
    widv = lax.broadcast_in_dim(wid, (16,), ())
    tot = jnp.zeros((16,), jnp.int32)
    pre = jnp.zeros((16,), jnp.int32)
    for r in range(NW):
        v = cv[pl.ds(r * 16, 16)]
        tot = tot + v
        rv = jnp.full((16,), r, jnp.int32)
        pre = pre + jnp.where(rv < widv, v, 0)
    totpad = ((tot + (T - 1)) >> LOG2T) << LOG2T
    ends = plsc.cumsum(totpad)
    base = (ends - totpad) + pre

    for j in range(CHUNK // 16):
        v = ev[pl.ds(j * 16, 16)]
        sj = jnp.zeros((16,), jnp.int32)
        for ex in range(E):
            msk = v == ex
            rk = plsc.cumsum(msk.astype(jnp.int32)) - 1
            bsc = jnp.sum(jnp.where(iota == ex, base, 0))
            sj = jnp.where(msk, bsc + rk, sj)
            csp = plsc.all_reduce_population_count(msk)
            base = base + jnp.where(iota == ex, csp, 0)
        slots_v[pl.ds(j * 16, 16)] = sj
    pltpu.sync_copy(slots_v, slots_hbm.at[pl.ds(base_tok, CHUNK)])

    pltpu.sync_copy(x_hbm.at[pl.ds(base_tok, CHUNK)], xbuf)
    cp_x = pltpu.async_copy(xbuf, xd_hbm.at[slots_v], sem)

    for g in range(NBPAD // 16):
        ids = iota + g * 16
        it = ids * T
        cnt = jnp.zeros((16,), jnp.int32)
        for ex in range(E):
            esc = jnp.sum(jnp.where(iota == ex, ends, 0))
            cnt = cnt + jnp.where(esc <= it, 1, 0)
        be_vm[pl.ds(g * 16, 16)] = jnp.minimum(cnt, E - 1)

    @pl.when(wid == 0)
    def _():
        pltpu.sync_copy(be_vm, be_hbm)

    cp_x.wait()


def _dispatch(e1d, counts_flat, x_flat):
    mesh = plsc.VectorSubcoreMesh(core_axis_name="c", subcore_axis_name="s",
                                  num_cores=NC, num_subcores=NS)
    f = pl.kernel(
        _dispatch_body,
        out_type=[
            jax.ShapeDtypeStruct((NPAD, D), jnp.float32),
            jax.ShapeDtypeStruct((N,), jnp.int32),
            jax.ShapeDtypeStruct((NBPAD,), jnp.int32),
        ],
        mesh=mesh,
        scratch_types=[
            pltpu.VMEM((CHUNK,), jnp.int32),
            pltpu.VMEM((NW * 16,), jnp.int32),
            pltpu.VMEM((CHUNK,), jnp.int32),
            pltpu.VMEM((CHUNK, D), jnp.float32),
            pltpu.VMEM((NBPAD,), jnp.int32),
            pltpu.SemaphoreType.DMA,
        ],
        compiler_params=pltpu.CompilerParams(needs_layout_passes=False),
    )
    return f(e1d, counts_flat, x_flat)


def _expert_block(be_ref, x_ref, we_ref, bex_ref, h_ref):
    h = lax.dot_general(x_ref[...], we_ref[0], (((1,), (1,)), ((), ())),
                        preferred_element_type=jnp.float32)
    h_ref[...] = h + bex_ref[0]


def _expert_mm(be_arr, x_disp, W_experts, b_experts):
    grid_spec = pltpu.PrefetchScalarGridSpec(
        num_scalar_prefetch=1,
        grid=(NB,),
        in_specs=[
            pl.BlockSpec((T, D), lambda i, be: (i, 0)),
            pl.BlockSpec((1, F, D), lambda i, be: (be[i], 0, 0)),
            pl.BlockSpec((1, 1, F), lambda i, be: (be[i], 0, 0)),
        ],
        out_specs=pl.BlockSpec((T, F), lambda i, be: (i, 0)),
    )
    return pl.pallas_call(
        _expert_block,
        grid_spec=grid_spec,
        out_shape=jax.ShapeDtypeStruct((NPAD, F), jnp.float32),
    )(be_arr, x_disp, W_experts, b_experts.reshape(E, 1, F))


def _proj_block(h_ref, wp_ref, bp_ref, wt_ref, out_ref):
    y = lax.dot_general(h_ref[...], wp_ref[...], (((1,), (1,)), ((), ())),
                        preferred_element_type=jnp.float32)
    out_ref[...] = (y + bp_ref[...]) * wt_ref[...]


def _projection(h_tok, Wp, bp, wt):
    return pl.pallas_call(
        _proj_block,
        grid=(N // TB,),
        in_specs=[
            pl.BlockSpec((TB, F), lambda i: (i, 0)),
            pl.BlockSpec((D, F), lambda i: (0, 0)),
            pl.BlockSpec((1, D), lambda i: (0, 0)),
            pl.BlockSpec((TB, 1), lambda i: (i, 0)),
        ],
        out_specs=pl.BlockSpec((TB, D), lambda i: (i, 0)),
        out_shape=jax.ShapeDtypeStruct((N, D), jnp.float32),
    )(h_tok, Wp, bp.reshape(1, D), wt)


def _gather_body(slots_hbm, y_hbm, out_hbm, sv, ybuf, sem):
    wid = lax.axis_index("c") * NS + lax.axis_index("s")
    base_tok = wid * CHUNK
    pltpu.sync_copy(slots_hbm.at[pl.ds(base_tok, CHUNK)], sv)
    pltpu.async_copy(y_hbm.at[sv], ybuf, sem).wait()
    pltpu.sync_copy(ybuf, out_hbm.at[pl.ds(base_tok, CHUNK)])


def _gather(slots, y_disp):
    mesh = plsc.VectorSubcoreMesh(core_axis_name="c", subcore_axis_name="s",
                                  num_cores=NC, num_subcores=NS)
    f = pl.kernel(
        _gather_body,
        out_type=jax.ShapeDtypeStruct((N, D), jnp.float32),
        mesh=mesh,
        scratch_types=[
            pltpu.VMEM((CHUNK,), jnp.int32),
            pltpu.VMEM((CHUNK, D), jnp.float32),
            pltpu.SemaphoreType.DMA,
        ],
        compiler_params=pltpu.CompilerParams(needs_layout_passes=False),
    )
    return f(slots, y_disp)


def kernel(x, Wg, bg, W_experts, b_experts, Wp, bp, noise):
    orig_shape = x.shape
    x_flat = x.reshape(N, D)
    wt, eid, counts = _gating(x_flat, Wg, bg, noise)
    x_disp, slots, be_arr = _dispatch(
        eid.reshape(N), counts.reshape(NW * 16), x_flat)
    h_disp = _expert_mm(be_arr, x_disp, W_experts, b_experts)
    h_tok = _gather(slots, h_disp)
    out = _projection(h_tok, Wp, bp, wt)
    return out.reshape(orig_shape)

# --- scband reference (transcript-rebuilt; emitter-appended) ---
"""Pipeline reference for scband-noisy-mixture-of-experts-71536975282232 (READ-ONLY COPY).

The authoritative reference and input builder live on the scoring server;
editing this copy changes nothing except your own understanding.
"""

import jax, jax.numpy as jnp
import numpy as np

DIM = 768
NUM_EXPERTS = 8
EXPERT_DIM = 768
TOP_K = 1  # module hardcodes self.top_k = 1 regardless of init arg
NOISE_SCALE = 0.1
B, H, W = 1, 64, 64


def setup_inputs(seed: int = 0) -> dict:
    key = jax.random.key(seed)
    ks = jax.random.split(key, 8)
    x = jax.random.normal(ks[0], (B, H, W, DIM), dtype=jnp.float32)
    s = 1.0 / np.sqrt(DIM)
    Wg = jax.random.uniform(ks[1], (NUM_EXPERTS, DIM), minval=-s, maxval=s, dtype=jnp.float32)
    bg = jax.random.uniform(ks[2], (NUM_EXPERTS,), minval=-s, maxval=s, dtype=jnp.float32)
    W_experts = jax.random.uniform(ks[3], (NUM_EXPERTS, EXPERT_DIM, DIM), minval=-s, maxval=s, dtype=jnp.float32)
    b_experts = jax.random.uniform(ks[4], (NUM_EXPERTS, EXPERT_DIM), minval=-s, maxval=s, dtype=jnp.float32)
    sp = 1.0 / np.sqrt(EXPERT_DIM)
    Wp = jax.random.uniform(ks[5], (DIM, EXPERT_DIM), minval=-sp, maxval=sp, dtype=jnp.float32)
    bp = jax.random.uniform(ks[6], (DIM,), minval=-sp, maxval=sp, dtype=jnp.float32)
    # torch uses randn_like noise at forward time; materialize it deterministically here
    noise = jax.random.normal(ks[7], (B * H * W, NUM_EXPERTS), dtype=jnp.float32) * NOISE_SCALE
    return {"x": x, "Wg": Wg, "bg": bg, "W_experts": W_experts, "b_experts": b_experts, "Wp": Wp, "bp": bp, "noise": noise}


def reference(x, Wg, bg, W_experts, b_experts, Wp, bp, noise):
    original_shape = x.shape
    dim = original_shape[-1]
    x_flat = x.reshape(-1, dim)
    gate_scores = x_flat @ Wg.T + bg
    gate_scores = gate_scores + noise
    gate_weights = jax.nn.softmax(gate_scores, axis=-1)
    top_k_weights, top_k_indices = jax.lax.top_k(gate_weights, TOP_K)
    # stack all expert outputs: (N, expert_dim, E)
    expert_outputs = jnp.einsum('nd,efd->nfe', x_flat, W_experts) + b_experts.T[None, :, :]
    output_flat = jnp.zeros_like(x_flat)
    for i in range(TOP_K):
        expert_idx = top_k_indices[:, i]
        expert_weight = top_k_weights[:, i]
        expert_output = jnp.take_along_axis(expert_outputs, expert_idx[:, None, None], axis=2)[..., 0]
        expert_output = expert_output @ Wp.T + bp
        output_flat = output_flat + expert_output * expert_weight[:, None]
    return output_flat.reshape(original_shape)

if __name__ == "__main__":
    import jax
    _d = setup_inputs()
    print(jax.jit(kernel)(*tuple(_d.values())))

</pallas_src>

<mosaic_0001>
#map = affine_map<(d0, d1) -> (0)>
#map1 = affine_map<(d0, d1) -> (0, 0)>
module attributes {stable_mosaic.version = 14 : i64} {
  func.func @_gather_body(%arg0: i32, %arg1: i32, %arg2: memref<4096xi32, #tpu.memory_space<hbm>>, %arg3: memref<8192x768xf32, #tpu.memory_space<hbm>>, %arg4: memref<4096x768xf32, #tpu.memory_space<hbm>>, %arg5: memref<128xi32, #tpu.memory_space<vmem>>, %arg6: memref<128x768xf32, #tpu.memory_space<vmem>>, %arg7: memref<!tpu.dma_semaphore, #tpu.memory_space<semaphore_mem>>) attributes {dimension_semantics = [#tpu.dimension_semantics<core_parallel>, #tpu.dimension_semantics<subcore_parallel>], iteration_bounds = array<i64: 2, 16>, scalar_prefetch = 0 : i64, scratch_operands = 3 : i64, tpu.core_type = #tpu.core_type<sc_vector_subcore>, window_params = [{transform_indices = #map}, {transform_indices = #map1}, {transform_indices = #map1}]} {
    %mul3A = arith.constant 16 : i32
    %mul3A_0 = arith.muli %arg0, %mul3A : i32
    %add3A = arith.addi %mul3A_0, %arg1 : i32
    %mul3A_1 = arith.constant 128 : i32
    %mul3A_2 = arith.muli %add3A, %mul3A_1 : i32
    "tpu.region"() ({
      %run_scoped3A = tpu.sem_alloc : memref<!tpu.dma_semaphore, #tpu.memory_space<semaphore_mem>>
      %dma_start3A_7 = tpu.memref_slice %arg2[%mul3A_2] : memref<4096xi32, #tpu.memory_space<hbm>> -> memref<128xi32, #tpu.memory_space<hbm>>
      %dma_start3A_8 = tpu.memref_slice %arg2[%mul3A_2] : memref<4096xi32, #tpu.memory_space<hbm>> -> memref<128xi32, #tpu.memory_space<hbm>>
      tpu.enqueue_dma source(%dma_start3A_8 : memref<128xi32, #tpu.memory_space<hbm>>) target(%arg5 : memref<128xi32, #tpu.memory_space<vmem>>) target_semaphore(%run_scoped3A : memref<!tpu.dma_semaphore, #tpu.memory_space<semaphore_mem>>)
      %dma_wait3A_9 = tpu.memref_slice %arg2[%mul3A_2] : memref<4096xi32, #tpu.memory_space<hbm>> -> memref<128xi32, #tpu.memory_space<hbm>>
      %dma_wait3A_10 = tpu.memref_slice %arg2[%mul3A_2] : memref<4096xi32, #tpu.memory_space<hbm>> -> memref<128xi32, #tpu.memory_space<hbm>>
      tpu.wait_dma2 semaphore(%run_scoped3A : memref<!tpu.dma_semaphore, #tpu.memory_space<semaphore_mem>>) src(%dma_wait3A_10 : memref<128xi32, #tpu.memory_space<hbm>>) dst(%arg5 : memref<128xi32, #tpu.memory_space<vmem>>)
      tpu.yield
    }) : () -> ()
    %dma_start3A = arith.constant 0 : i32
    %dma_start3A_3 = arith.constant 0 : i32
    %dma_start3A_4 = tpu.memref_slice %arg3[%dma_start3A, %dma_start3A_3] : memref<8192x768xf32, #tpu.memory_space<hbm>> -> memref<8192x768xf32, #tpu.memory_space<hbm>>
    tpu.enqueue_indirect_dma source(%dma_start3A_4 : memref<8192x768xf32, #tpu.memory_space<hbm>>) target(%arg6 : memref<128x768xf32, #tpu.memory_space<vmem>>) offsets(%arg5 : memref<128xi32, #tpu.memory_space<vmem>>) semaphore(%arg7 : memref<!tpu.dma_semaphore, #tpu.memory_space<semaphore_mem>>)
    %dma_wait3A = arith.constant 0 : i32
    %dma_wait3A_5 = arith.constant 0 : i32
    %dma_wait3A_6 = tpu.memref_slice %arg3[%dma_wait3A, %dma_wait3A_5] : memref<8192x768xf32, #tpu.memory_space<hbm>> -> memref<8192x768xf32, #tpu.memory_space<hbm>>
    tpu.wait_indirect_dma semaphore(%arg7 : memref<!tpu.dma_semaphore, #tpu.memory_space<semaphore_mem>>) src(%dma_wait3A_6 : memref<8192x768xf32, #tpu.memory_space<hbm>>) dst(%arg6 : memref<128x768xf32, #tpu.memory_space<vmem>>)
    "tpu.region"() ({
      %run_scoped3A = tpu.sem_alloc : memref<!tpu.dma_semaphore, #tpu.memory_space<semaphore_mem>>
      %dma_start3A_7 = arith.constant 0 : i32
      %dma_start3A_8 = tpu.memref_slice %arg4[%mul3A_2, %dma_start3A_7] : memref<4096x768xf32, #tpu.memory_space<hbm>> -> memref<128x768xf32, #tpu.memory_space<hbm>>
      %dma_start3A_9 = arith.constant 0 : i32
      %dma_start3A_10 = tpu.memref_slice %arg4[%mul3A_2, %dma_start3A_9] : memref<4096x768xf32, #tpu.memory_space<hbm>> -> memref<128x768xf32, #tpu.memory_space<hbm>>
      tpu.enqueue_dma source(%arg6 : memref<128x768xf32, #tpu.memory_space<vmem>>) target(%dma_start3A_10 : memref<128x768xf32, #tpu.memory_space<hbm>>) target_semaphore(%run_scoped3A : memref<!tpu.dma_semaphore, #tpu.memory_space<semaphore_mem>>)
      %dma_wait3A_11 = arith.constant 0 : i32
      %dma_wait3A_12 = tpu.memref_slice %arg4[%mul3A_2, %dma_wait3A_11] : memref<4096x768xf32, #tpu.memory_space<hbm>> -> memref<128x768xf32, #tpu.memory_space<hbm>>
      %dma_wait3A_13 = arith.constant 0 : i32
      %dma_wait3A_14 = tpu.memref_slice %arg4[%mul3A_2, %dma_wait3A_13] : memref<4096x768xf32, #tpu.memory_space<hbm>> -> memref<128x768xf32, #tpu.memory_space<hbm>>
      tpu.wait_dma2 semaphore(%run_scoped3A : memref<!tpu.dma_semaphore, #tpu.memory_space<semaphore_mem>>) src(%arg6 : memref<128x768xf32, #tpu.memory_space<vmem>>) dst(%dma_wait3A_14 : memref<128x768xf32, #tpu.memory_space<hbm>>)
      tpu.yield
    }) : () -> ()
    return
  }
}

#map = affine_map<(d0, d1) -> (0)>
#map1 = affine_map<(d0, d1) -> (0, 0)>
module attributes {stable_mosaic.version = 14 : i64} {
  func.func @_dispatch_body(%arg0: i32, %arg1: i32, %arg2: memref<4096xi32, #tpu.memory_space<hbm>>, %arg3: memref<512xi32, #tpu.memory_space<hbm>>, %arg4: memref<4096x768xf32, #tpu.memory_space<hbm>>, %arg5: memref<8192x768xf32, #tpu.memory_space<hbm>>, %arg6: memref<4096xi32, #tpu.memory_space<hbm>>, %arg7: memref<32xi32, #tpu.memory_space<hbm>>, %arg8: memref<128xi32, #tpu.memory_space<vmem>>, %arg9: memref<512xi32, #tpu.memory_space<vmem>>, %arg10: memref<128xi32, #tpu.memory_space<vmem>>, %arg11: memref<128x768xf32, #tpu.memory_space<vmem>>, %arg12: memref<32xi32, #tpu.memory_space<vmem>>, %arg13: memref<!tpu.dma_semaphore, #tpu.memory_space<semaphore_mem>>) attributes {dimension_semantics = [#tpu.dimension_semantics<core_parallel>, #tpu.dimension_semantics<subcore_parallel>], iteration_bounds = array<i64: 2, 16>, scalar_prefetch = 0 : i64, scratch_operands = 6 : i64, tpu.core_type = #tpu.core_type<sc_vector_subcore>, window_params = [{transform_indices = #map}, {transform_indices = #map}, {transform_indices = #map1}, {transform_indices = #map1}, {transform_indices = #map}, {transform_indices = #map}]} {
    %mul3A = arith.constant 16 : i32
    %mul3A_0 = arith.muli %arg0, %mul3A : i32
    %add3A = arith.addi %mul3A_0, %arg1 : i32
    %mul3A_1 = arith.constant 128 : i32
    %mul3A_2 = arith.muli %add3A, %mul3A_1 : i32
    "tpu.region"() ({
      %run_scoped3A = tpu.sem_alloc : memref<!tpu.dma_semaphore, #tpu.memory_space<semaphore_mem>>
      %dma_start3A_2680 = tpu.memref_slice %arg2[%mul3A_2] : memref<4096xi32, #tpu.memory_space<hbm>> -> memref<128xi32, #tpu.memory_space<hbm>>
      %dma_start3A_2681 = tpu.memref_slice %arg2[%mul3A_2] : memref<4096xi32, #tpu.memory_space<hbm>> -> memref<128xi32, #tpu.memory_space<hbm>>
      tpu.enqueue_dma source(%dma_start3A_2681 : memref<128xi32, #tpu.memory_space<hbm>>) target(%arg8 : memref<128xi32, #tpu.memory_space<vmem>>) target_semaphore(%run_scoped3A : memref<!tpu.dma_semaphore, #tpu.memory_space<semaphore_mem>>)
      %dma_wait3A_2682 = tpu.memref_slice %arg2[%mul3A_2] : memref<4096xi32, #tpu.memory_space<hbm>> -> memref<128xi32, #tpu.memory_space<hbm>>
      %dma_wait3A_2683 = tpu.memref_slice %arg2[%mul3A_2] : memref<4096xi32, #tpu.memory_space<hbm>> -> memref<128xi32, #tpu.memory_space<hbm>>
      tpu.wait_dma2 semaphore(%run_scoped3A : memref<!tpu.dma_semaphore, #tpu.memory_space<semaphore_mem>>) src(%dma_wait3A_2683 : memref<128xi32, #tpu.memory_space<hbm>>) dst(%arg8 : memref<128xi32, #tpu.memory_space<vmem>>)
      tpu.yield
    }) : () -> ()
    "tpu.region"() ({
      %run_scoped3A = tpu.sem_alloc : memref<!tpu.dma_semaphore, #tpu.memory_space<semaphore_mem>>
      tpu.enqueue_dma source(%arg3 : memref<512xi32, #tpu.memory_space<hbm>>) target(%arg9 : memref<512xi32, #tpu.memory_space<vmem>>) target_semaphore(%run_scoped3A : memref<!tpu.dma_semaphore, #tpu.memory_space<semaphore_mem>>)
      tpu.wait_dma2 semaphore(%run_scoped3A : memref<!tpu.dma_semaphore, #tpu.memory_space<semaphore_mem>>) src(%arg3 : memref<512xi32, #tpu.memory_space<hbm>>) dst(%arg9 : memref<512xi32, #tpu.memory_space<vmem>>)
      tpu.yield
    }) : () -> ()
    %iota3A = tpu.iota {dimensions = array<i32: 0>} : vector<16xi32>
    %broadcast_in_dim3A = vector.broadcast %add3A : i32 to vector<16xi32>
    %broadcast_in_dim3A_3 = arith.constant 0 : i32
    %broadcast_in_dim3A_4 = vector.broadcast %broadcast_in_dim3A_3 : i32 to vector<16xi32>
    %broadcast_in_dim3A_5 = arith.constant 0 : i32
    %broadcast_in_dim3A_6 = vector.broadcast %broadcast_in_dim3A_5 : i32 to vector<16xi32>
    %get3A = arith.constant 0 : index
    %get3A_7 = tpu.vector_load %arg9[%get3A] {strides = array<i32>} : memref<512xi32, #tpu.memory_space<vmem>>, vector<16xi32>,
    %add3A_8 = arith.addi %broadcast_in_dim3A_4, %get3A_7 : vector<16xi32>
    %broadcast_in_dim3A_9 = arith.constant 0 : i32
    %broadcast_in_dim3A_10 = vector.broadcast %broadcast_in_dim3A_9 : i32 to vector<16xi32>
    %lt3A = arith.cmpi slt, %broadcast_in_dim3A_10, %broadcast_in_dim3A : vector<16xi32>
    %jit3A = arith.constant 0 : i32
    %broadcast_in_dim3A_11 = vector.broadcast %jit3A : i32 to vector<16xi32>
    %select_n3A = arith.select %lt3A, %get3A_7, %broadcast_in_dim3A_11 : vector<16xi1>, vector<16xi32>
    %add3A_12 = arith.addi %broadcast_in_dim3A_6, %select_n3A : vector<16xi32>
    %get3A_13 = arith.constant 16 : index
    %get3A_14 = tpu.vector_load %arg9[%get3A_13] {strides = array<i32>} : memref<512xi32, #tpu.memory_space<vmem>>, vector<16xi32>,
    %add3A_15 = arith.addi %add3A_8, %get3A_14 : vector<16xi32>
    %broadcast_in_dim3A_16 = arith.constant 1 : i32
    %broadcast_in_dim3A_17 = vector.broadcast %broadcast_in_dim3A_16 : i32 to vector<16xi32>
    %lt3A_18 = arith.cmpi slt, %broadcast_in_dim3A_17, %broadcast_in_dim3A : vector<16xi32>
    %jit3A_19 = arith.constant 0 : i32
    %broadcast_in_dim3A_20 = vector.broadcast %jit3A_19 : i32 to vector<16xi32>
    %select_n3A_21 = arith.select %lt3A_18, %get3A_14, %broadcast_in_dim3A_20 : vector<16xi1>, vector<16xi32>
    %add3A_22 = arith.addi %add3A_12, %select_n3A_21 : vector<16xi32>
    %get3A_23 = arith.constant 32 : index
    %get3A_24 = tpu.vector_load %arg9[%get3A_23] {strides = array<i32>} : memref<512xi32, #tpu.memory_space<vmem>>, vector<16xi32>,
    %add3A_25 = arith.addi %add3A_15, %get3A_24 : vector<16xi32>
    %broadcast_in_dim3A_26 = arith.constant 2 : i32
    %broadcast_in_dim3A_27 = vector.broadcast %broadcast_in_dim3A_26 : i32 to vector<16xi32>
    %lt3A_28 = arith.cmpi slt, %broadcast_in_dim3A_27, %broadcast_in_dim3A : vector<16xi32>
    %jit3A_29 = arith.constant 0 : i32
    %broadcast_in_dim3A_30 = vector.broadcast %jit3A_29 : i32 to vector<16xi32>
    %select_n3A_31 = arith.select %lt3A_28, %get3A_24, %broadcast_in_dim3A_30 : vector<16xi1>, vector<16xi32>
    %add3A_32 = arith.addi %add3A_22, %select_n3A_31 : vector<16xi32>
    %get3A_33 = arith.constant 48 : index
    %get3A_34 = tpu.vector_load %arg9[%get3A_33] {strides = array<i32>} : memref<512xi32, #tpu.memory_space<vmem>>, vector<16xi32>,
    %add3A_35 = arith.addi %add3A_25, %get3A_34 : vector<16xi32>
    %broadcast_in_dim3A_36 = arith.constant 3 : i32
    %broadcast_in_dim3A_37 = vector.broadcast %broadcast_in_dim3A_36 : i32 to vector<16xi32>
    %lt3A_38 = arith.cmpi slt, %broadcast_in_dim3A_37, %broadcast_in_dim3A : vector<16xi32>
    %jit3A_39 = arith.constant 0 : i32
    %broadcast_in_dim3A_40 = vector.broadcast %jit3A_39 : i32 to vector<16xi32>
    %select_n3A_41 = arith.select %lt3A_38, %get3A_34, %broadcast_in_dim3A_40 : vector<16xi1>, vector<16xi32>
    %add3A_42 = arith.addi %add3A_32, %select_n3A_41 : vector<16xi32>
    %get3A_43 = arith.constant 64 : index
    %get3A_44 = tpu.vector_load %arg9[%get3A_43] {strides = array<i32>} : memref<512xi32, #tpu.memory_space<vmem>>, vector<16xi32>,
    %add3A_45 = arith.addi %add3A_35, %get3A_44 : vector<16xi32>
    %broadcast_in_dim3A_46 = arith.constant 4 : i32
    %broadcast_in_dim3A_47 = vector.broadcast %broadcast_in_dim3A_46 : i32 to vector<16xi32>
    %lt3A_48 = arith.cmpi slt, %broadcast_in_dim3A_47, %broadcast_in_dim3A : vector<16xi32>
    %jit3A_49 = arith.constant 0 : i32
    %broadcast_in_dim3A_50 = vector.broadcast %jit3A_49 : i32 to vector<16xi32>
    %select_n3A_51 = arith.select %lt3A_48, %get3A_44, %broadcast_in_dim3A_50 : vector<16xi1>, vector<16xi32>
    %add3A_52 = arith.addi %add3A_42, %select_n3A_51 : vector<16xi32>
    %get3A_53 = arith.constant 80 : index
    %get3A_54 = tpu.vector_load %arg9[%get3A_53] {strides = array<i32>} : memref<512xi32, #tpu.memory_space<vmem>>, vector<16xi32>,
    %add3A_55 = arith.addi %add3A_45, %get3A_54 : vector<16xi32>
    %broadcast_in_dim3A_56 = arith.constant 5 : i32
    %broadcast_in_dim3A_57 = vector.broadcast %broadcast_in_dim3A_56 : i32 to vector<16xi32>
    %lt3A_58 = arith.cmpi slt, %broadcast_in_dim3A_57, %broadcast_in_dim3A : vector<16xi32>
    %jit3A_59 = arith.constant 0 : i32
    %broadcast_in_dim3A_60 = vector.broadcast %jit3A_59 : i32 to vector<16xi32>
    %select_n3A_61 = arith.select %lt3A_58, %get3A_54, %broadcast_in_dim3A_60 : vector<16xi1>, vector<16xi32>
    %add3A_62 = arith.addi %add3A_52, %select_n3A_61 : vector<16xi32>
    %get3A_63 = arith.constant 96 : index
    %get3A_64 = tpu.vector_load %arg9[%get3A_63] {strides = array<i32>} : memref<512xi32, #tpu.memory_space<vmem>>, vector<16xi32>,
    %add3A_65 = arith.addi %add3A_55, %get3A_64 : vector<16xi32>
    %broadcast_in_dim3A_66 = arith.constant 6 : i32
    %broadcast_in_dim3A_67 = vector.broadcast %broadcast_in_dim3A_66 : i32 to vector<16xi32>
    %lt3A_68 = arith.cmpi slt, %broadcast_in_dim3A_67, %broadcast_in_dim3A : vector<16xi32>
    %jit3A_69 = arith.constant 0 : i32
    %broadcast_in_dim3A_70 = vector.broadcast %jit3A_69 : i32 to vector<16xi32>
    %select_n3A_71 = arith.select %lt3A_68, %get3A_64, %broadcast_in_dim3A_70 : vector<16xi1>, vector<16xi32>
    %add3A_72 = arith.addi %add3A_62, %select_n3A_71 : vector<16xi32>
    %get3A_73 = arith.constant 112 : index
    %get3A_74 = tpu.vector_load %arg9[%get3A_73] {strides = array<i32>} : memref<512xi32, #tpu.memory_space<vmem>>, vector<16xi32>,
    %add3A_75 = arith.addi %add3A_65, %get3A_74 : vector<16xi32>
    %broadcast_in_dim3A_76 = arith.constant 7 : i32
    %broadcast_in_dim3A_77 = vector.broadcast %broadcast_in_dim3A_76 : i32 to vector<16xi32>
    %lt3A_78 = arith.cmpi slt, %broadcast_in_dim3A_77, %broadcast_in_dim3A : vector<16xi32>
    %jit3A_79 = arith.constant 0 : i32
    %broadcast_in_dim3A_80 = vector.broadcast %jit3A_79 : i32 to vector<16xi32>
    %select_n3A_81 = arith.select %lt3A_78, %get3A_74, %broadcast_in_dim3A_80 : vector<16xi1>, vector<16xi32>
    %add3A_82 = arith.addi %add3A_72, %select_n3A_81 : vector<16xi32>
    %get3A_83 = arith.constant 128 : index
    %get3A_84 = tpu.vector_load %arg9[%get3A_83] {strides = array<i32>} : memref<512xi32, #tpu.memory_space<vmem>>, vector<16xi32>,
    %add3A_85 = arith.addi %add3A_75, %get3A_84 : vector<16xi32>
    %broadcast_in_dim3A_86 = arith.constant 8 : i32
    %broadcast_in_dim3A_87 = vector.broadcast %broadcast_in_dim3A_86 : i32 to vector<16xi32>
    %lt3A_88 = arith.cmpi slt, %broadcast_in_dim3A_87, %broadcast_in_dim3A : vector<16xi32>
    %jit3A_89 = arith.constant 0 : i32
    %broadcast_in_dim3A_90 = vector.broadcast %jit3A_89 : i32 to vector<16xi32>
    %select_n3A_91 = arith.select %lt3A_88, %get3A_84, %broadcast_in_dim3A_90 : vector<16xi1>, vector<16xi32>
    %add3A_92 = arith.addi %add3A_82, %select_n3A_91 : vector<16xi32>
    %get3A_93 = arith.constant 144 : index
    %get3A_94 = tpu.vector_load %arg9[%get3A_93] {strides = array<i32>} : memref<512xi32, #tpu.memory_space<vmem>>, vector<16xi32>,
    %add3A_95 = arith.addi %add3A_85, %get3A_94 : vector<16xi32>
    %broadcast_in_dim3A_96 = arith.constant 9 : i32
    %broadcast_in_dim3A_97 = vector.broadcast %broadcast_in_dim3A_96 : i32 to vector<16xi32>
    %lt3A_98 = arith.cmpi slt, %broadcast_in_dim3A_97, %broadcast_in_dim3A : vector<16xi32>
    %jit3A_99 = arith.constant 0 : i32
    %broadcast_in_dim3A_100 = vector.broadcast %jit3A_99 : i32 to vector<16xi32>
    %select_n3A_101 = arith.select %lt3A_98, %get3A_94, %broadcast_in_dim3A_100 : vector<16xi1>, vector<16xi32>
    %add3A_102 = arith.addi %add3A_92, %select_n3A_101 : vector<16xi32>
    %get3A_103 = arith.constant 160 : index
    %get3A_104 = tpu.vector_load %arg9[%get3A_103] {strides = array<i32>} : memref<512xi32, #tpu.memory_space<vmem>>, vector<16xi32>,
    %add3A_105 = arith.addi %add3A_95, %get3A_104 : vector<16xi32>
    %broadcast_in_dim3A_106 = arith.constant 10 : i32
    %broadcast_in_dim3A_107 = vector.broadcast %broadcast_in_dim3A_106 : i32 to vector<16xi32>
    %lt3A_108 = arith.cmpi slt, %broadcast_in_dim3A_107, %broadcast_in_dim3A : vector<16xi32>
    %jit3A_109 = arith.constant 0 : i32
    %broadcast_in_dim3A_110 = vector.broadcast %jit3A_109 : i32 to vector<16xi32>
    %select_n3A_111 = arith.select %lt3A_108, %get3A_104, %broadcast_in_dim3A_110 : vector<16xi1>, vector<16xi32>
    %add3A_112 = arith.addi %add3A_102, %select_n3A_111 : vector<16xi32>
    %get3A_113 = arith.constant 176 : index
    %get3A_114 = tpu.vector_load %arg9[%get3A_113] {strides = array<i32>} : memref<512xi32, #tpu.memory_space<vmem>>, vector<16xi32>,
    %add3A_115 = arith.addi %add3A_105, %get3A_114 : vector<16xi32>
    %broadcast_in_dim3A_116 = arith.constant 11 : i32
    %broadcast_in_dim3A_117 = vector.broadcast %broadcast_in_dim3A_116 : i32 to vector<16xi32>
    %lt3A_118 = arith.cmpi slt, %broadcast_in_dim3A_117, %broadcast_in_dim3A : vector<16xi32>
    %jit3A_119 = arith.constant 0 : i32
    %broadcast_in_dim3A_120 = vector.broadcast %jit3A_119 : i32 to vector<16xi32>
    %select_n3A_121 = arith.select %lt3A_118, %get3A_114, %broadcast_in_dim3A_120 : vector<16xi1>, vector<16xi32>
    %add3A_122 = arith.addi %add3A_112, %select_n3A_121 : vector<16xi32>
    %get3A_123 = arith.constant 192 : index
    %get3A_124 = tpu.vector_load %arg9[%get3A_123] {strides = array<i32>} : memref<512xi32, #tpu.memory_space<vmem>>, vector<16xi32>,
    %add3A_125 = arith.addi %add3A_115, %get3A_124 : vector<16xi32>
    %broadcast_in_dim3A_126 = arith.constant 12 : i32
    %broadcast_in_dim3A_127 = vector.broadcast %broadcast_in_dim3A_126 : i32 to vector<16xi32>
    %lt3A_128 = arith.cmpi slt, %broadcast_in_dim3A_127, %broadcast_in_dim3A : vector<16xi32>
    %jit3A_129 = arith.constant 0 : i32
    %broadcast_in_dim3A_130 = vector.broadcast %jit3A_129 : i32 to vector<16xi32>
    %select_n3A_131 = arith.select %lt3A_128, %get3A_124, %broadcast_in_dim3A_130 : vector<16xi1>, vector<16xi32>
    %add3A_132 = arith.addi %add3A_122, %select_n3A_131 : vector<16xi32>
    %get3A_133 = arith.constant 208 : index
    %get3A_134 = tpu.vector_load %arg9[%get3A_133] {strides = array<i32>} : memref<512xi32, #tpu.memory_space<vmem>>, vector<16xi32>,
    %add3A_135 = arith.addi %add3A_125, %get3A_134 : vector<16xi32>
    %broadcast_in_dim3A_136 = arith.constant 13 : i32
    %broadcast_in_dim3A_137 = vector.broadcast %broadcast_in_dim3A_136 : i32 to vector<16xi32>
    %lt3A_138 = arith.cmpi slt, %broadcast_in_dim3A_137, %broadcast_in_dim3A : vector<16xi32>
    %jit3A_139 = arith.constant 0 : i32
    %broadcast_in_dim3A_140 = vector.broadcast %jit3A_139 : i32 to vector<16xi32>
    %select_n3A_141 = arith.select %lt3A_138, %get3A_134, %broadcast_in_dim3A_140 : vector<16xi1>, vector<16xi32>
    %add3A_142 = arith.addi %add3A_132, %select_n3A_141 : vector<16xi32>
    %get3A_143 = arith.constant 224 : index
    %get3A_144 = tpu.vector_load %arg9[%get3A_143] {strides = array<i32>} : memref<512xi32, #tpu.memory_space<vmem>>, vector<16xi32>,
    %add3A_145 = arith.addi %add3A_135, %get3A_144 : vector<16xi32>
    %broadcast_in_dim3A_146 = arith.constant 14 : i32
    %broadcast_in_dim3A_147 = vector.broadcast %broadcast_in_dim3A_146 : i32 to vector<16xi32>
    %lt3A_148 = arith.cmpi slt, %broadcast_in_dim3A_147, %broadcast_in_dim3A : vector<16xi32>
    %jit3A_149 = arith.constant 0 : i32
    %broadcast_in_dim3A_150 = vector.broadcast %jit3A_149 : i32 to vector<16xi32>
    %select_n3A_151 = arith.select %lt3A_148, %get3A_144, %broadcast_in_dim3A_150 : vector<16xi1>, vector<16xi32>
    %add3A_152 = arith.addi %add3A_142, %select_n3A_151 : vector<16xi32>
    %get3A_153 = arith.constant 240 : index
    %get3A_154 = tpu.vector_load %arg9[%get3A_153] {strides = array<i32>} : memref<512xi32, #tpu.memory_space<vmem>>, vector<16xi32>,
    %add3A_155 = arith.addi %add3A_145, %get3A_154 : vector<16xi32>
    %broadcast_in_dim3A_156 = arith.constant 15 : i32
    %broadcast_in_dim3A_157 = vector.broadcast %broadcast_in_dim3A_156 : i32 to vector<16xi32>
    %lt3A_158 = arith.cmpi slt, %broadcast_in_dim3A_157, %broadcast_in_dim3A : vector<16xi32>
    %jit3A_159 = arith.constant 0 : i32
    %broadcast_in_dim3A_160 = vector.broadcast %jit3A_159 : i32 to vector<16xi32>
    %select_n3A_161 = arith.select %lt3A_158, %get3A_154, %broadcast_in_dim3A_160 : vector<16xi1>, vector<16xi32>
    %add3A_162 = arith.addi %add3A_152, %select_n3A_161 : vector<16xi32>
    %get3A_163 = arith.constant 256 : index
    %get3A_164 = tpu.vector_load %arg9[%get3A_163] {strides = array<i32>} : memref<512xi32, #tpu.memory_space<vmem>>, vector<16xi32>,
    %add3A_165 = arith.addi %add3A_155, %get3A_164 : vector<16xi32>
    %broadcast_in_dim3A_166 = arith.constant 16 : i32
    %broadcast_in_dim3A_167 = vector.broadcast %broadcast_in_dim3A_166 : i32 to vector<16xi32>
    %lt3A_168 = arith.cmpi slt, %broadcast_in_dim3A_167, %broadcast_in_dim3A : vector<16xi32>
    %jit3A_169 = arith.constant 0 : i32
    %broadcast_in_dim3A_170 = vector.broadcast %jit3A_169 : i32 to vector<16xi32>
    %select_n3A_171 = arith.select %lt3A_168, %get3A_164, %broadcast_in_dim3A_170 : vector<16xi1>, vector<16xi32>
    %add3A_172 = arith.addi %add3A_162, %select_n3A_171 : vector<16xi32>
    %get3A_173 = arith.constant 272 : index
    %get3A_174 = tpu.vector_load %arg9[%get3A_173] {strides = array<i32>} : memref<512xi32, #tpu.memory_space<vmem>>, vector<16xi32>,
    %add3A_175 = arith.addi %add3A_165, %get3A_174 : vector<16xi32>
    %broadcast_in_dim3A_176 = arith.constant 17 : i32
    %broadcast_in_dim3A_177 = vector.broadcast %broadcast_in_dim3A_176 : i32 to vector<16xi32>
    %lt3A_178 = arith.cmpi slt, %broadcast_in_dim3A_177, %broadcast_in_dim3A : vector<16xi32>
    %jit3A_179 = arith.constant 0 : i32
    %broadcast_in_dim3A_180 = vector.broadcast %jit3A_179 : i32 to vector<16xi32>
    %select_n3A_181 = arith.select %lt3A_178, %get3A_174, %broadcast_in_dim3A_180 : vector<16xi1>, vector<16xi32>
    %add3A_182 = arith.addi %add3A_172, %select_n3A_181 : vector<16xi32>
    %get3A_183 = arith.constant 288 : index
    %get3A_184 = tpu.vector_load %arg9[%get3A_183] {strides = array<i32>} : memref<512xi32, #tpu.memory_space<vmem>>, vector<16xi32>,
    %add3A_185 = arith.addi %add3A_175, %get3A_184 : vector<16xi32>
    %broadcast_in_dim3A_186 = arith.constant 18 : i32
    %broadcast_in_dim3A_187 = vector.broadcast %broadcast_in_dim3A_186 : i32 to vector<16xi32>
    %lt3A_188 = arith.cmpi slt, %broadcast_in_dim3A_187, %broadcast_in_dim3A : vector<16xi32>
    %jit3A_189 = arith.constant 0 : i32
    %broadcast_in_dim3A_190 = vector.broadcast %jit3A_189 : i32 to vector<16xi32>
    %select_n3A_191 = arith.select %lt3A_188, %get3A_184, %broadcast_in_dim3A_190 : vector<16xi1>, vector<16xi32>
    %add3A_192 = arith.addi %add3A_182, %select_n3A_191 : vector<16xi32>
    %get3A_193 = arith.constant 304 : index
    %get3A_194 = tpu.vector_load %arg9[%get3A_193] {strides = array<i32>} : memref<512xi32, #tpu.memory_space<vmem>>, vector<16xi32>,
    %add3A_195 = arith.addi %add3A_185, %get3A_194 : vector<16xi32>
    %broadcast_in_dim3A_196 = arith.constant 19 : i32
    %broadcast_in_dim3A_197 = vector.broadcast %broadcast_in_dim3A_196 : i32 to vector<16xi32>
    %lt3A_198 = arith.cmpi slt, %broadcast_in_dim3A_197, %broadcast_in_dim3A : vector<16xi32>
    %jit3A_199 = arith.constant 0 : i32
    %broadcast_in_dim3A_200 = vector.broadcast %jit3A_199 : i32 to vector<16xi32>
    %select_n3A_201 = arith.select %lt3A_198, %get3A_194, %broadcast_in_dim3A_200 : vector<16xi1>, vector<16xi32>
    %add3A_202 = arith.addi %add3A_192, %select_n3A_201 : vector<16xi32>
    %get3A_203 = arith.constant 320 : index
    %get3A_204 = tpu.vector_load %arg9[%get3A_203] {strides = array<i32>} : memref<512xi32, #tpu.memory_space<vmem>>, vector<16xi32>,
    %add3A_205 = arith.addi %add3A_195, %get3A_204 : vector<16xi32>
    %broadcast_in_dim3A_206 = arith.constant 20 : i32
    %broadcast_in_dim3A_207 = vector.broadcast %broadcast_in_dim3A_206 : i32 to vector<16xi32>
    %lt3A_208 = arith.cmpi slt, %broadcast_in_dim3A_207, %broadcast_in_dim3A : vector<16xi32>
    %jit3A_209 = arith.constant 0 : i32
    %broadcast_in_dim3A_210 = vector.broadcast %jit3A_209 : i32 to vector<16xi32>
    %select_n3A_211 = arith.select %lt3A_208, %get3A_204, %broadcast_in_dim3A_210 : vector<16xi1>, vector<16xi32>
    %add3A_212 = arith.addi %add3A_202, %select_n3A_211 : vector<16xi32>
    %get3A_213 = arith.constant 336 : index
    %get3A_214 = tpu.vector_load %arg9[%get3A_213] {strides = array<i32>} : memref<512xi32, #tpu.memory_space<vmem>>, vector<16xi32>,
    %add3A_215 = arith.addi %add3A_205, %get3A_214 : vector<16xi32>
    %broadcast_in_dim3A_216 = arith.constant 21 : i32
    %broadcast_in_dim3A_217 = vector.broadcast %broadcast_in_dim3A_216 : i32 to vector<16xi32>
    %lt3A_218 = arith.cmpi slt, %broadcast_in_dim3A_217, %broadcast_in_dim3A : vector<16xi32>
    %jit3A_219 = arith.constant 0 : i32
    %broadcast_in_dim3A_220 = vector.broadcast %jit3A_219 : i32 to vector<16xi32>
    %select_n3A_221 = arith.select %lt3A_218, %get3A_214, %broadcast_in_dim3A_220 : vector<16xi1>, vector<16xi32>
    %add3A_222 = arith.addi %add3A_212, %select_n3A_221 : vector<16xi32>
    %get3A_223 = arith.constant 352 : index
    %get3A_224 = tpu.vector_load %arg9[%get3A_223] {strides = array<i32>} : memref<512xi32, #tpu.memory_space<vmem>>, vector<16xi32>,
    %add3A_225 = arith.addi %add3A_215, %get3A_224 : vector<16xi32>
    %broadcast_in_dim3A_226 = arith.constant 22 : i32
    %broadcast_in_dim3A_227 = vector.broadcast %broadcast_in_dim3A_226 : i32 to vector<16xi32>
    %lt3A_228 = arith.cmpi slt, %broadcast_in_dim3A_227, %broadcast_in_dim3A : vector<16xi32>
    %jit3A_229 = arith.constant 0 : i32
    %broadcast_in_dim3A_230 = vector.broadcast %jit3A_229 : i32 to vector<16xi32>
    %select_n3A_231 = arith.select %lt3A_228, %get3A_224, %broadcast_in_dim3A_230 : vector<16xi1>, vector<16xi32>
    %add3A_232 = arith.addi %add3A_222, %select_n3A_231 : vector<16xi32>
    %get3A_233 = arith.constant 368 : index
    %get3A_234 = tpu.vector_load %arg9[%get3A_233] {strides = array<i32>} : memref<512xi32, #tpu.memory_space<vmem>>, vector<16xi32>,
    %add3A_235 = arith.addi %add3A_225, %get3A_234 : vector<16xi32>
    %broadcast_in_dim3A_236 = arith.constant 23 : i32
    %broadcast_in_dim3A_237 = vector.broadcast %broadcast_in_dim3A_236 : i32 to vector<16xi32>
    %lt3A_238 = arith.cmpi slt, %broadcast_in_dim3A_237, %broadcast_in_dim3A : vector<16xi32>
    %jit3A_239 = arith.constant 0 : i32
    %broadcast_in_dim3A_240 = vector.broadcast %jit3A_239 : i32 to vector<16xi32>
    %select_n3A_241 = arith.select %lt3A_238, %get3A_234, %broadcast_in_dim3A_240 : vector<16xi1>, vector<16xi32>
    %add3A_242 = arith.addi %add3A_232, %select_n3A_241 : vector<16xi32>
    %get3A_243 = arith.constant 384 : index
    %get3A_244 = tpu.vector_load %arg9[%get3A_243] {strides = array<i32>} : memref<512xi32, #tpu.memory_space<vmem>>, vector<16xi32>,
    %add3A_245 = arith.addi %add3A_235, %get3A_244 : vector<16xi32>
    %broadcast_in_dim3A_246 = arith.constant 24 : i32
    %broadcast_in_dim3A_247 = vector.broadcast %broadcast_in_dim3A_246 : i32 to vector<16xi32>
    %lt3A_248 = arith.cmpi slt, %broadcast_in_dim3A_247, %broadcast_in_dim3A : vector<16xi32>
    %jit3A_249 = arith.constant 0 : i32
    %broadcast_in_dim3A_250 = vector.broadcast %jit3A_249 : i32 to vector<16xi32>
    %select_n3A_251 = arith.select %lt3A_248, %get3A_244, %broadcast_in_dim3A_250 : vector<16xi1>, vector<16xi32>
    %add3A_252 = arith.addi %add3A_242, %select_n3A_251 : vector<16xi32>
    %get3A_253 = arith.constant 400 : index
    %get3A_254 = tpu.vector_load %arg9[%get3A_253] {strides = array<i32>} : memref<512xi32, #tpu.memory_space<vmem>>, vector<16xi32>,
    %add3A_255 = arith.addi %add3A_245, %get3A_254 : vector<16xi32>
    %broadcast_in_dim3A_256 = arith.constant 25 : i32
    %broadcast_in_dim3A_257 = vector.broadcast %broadcast_in_dim3A_256 : i32 to vector<16xi32>
    %lt3A_258 = arith.cmpi slt, %broadcast_in_dim3A_257, %broadcast_in_dim3A : vector<16xi32>
    %jit3A_259 = arith.constant 0 : i32
    %broadcast_in_dim3A_260 = vector.broadcast %jit3A_259 : i32 to vector<16xi32>
    %select_n3A_261 = arith.select %lt3A_258, %get3A_254, %broadcast_in_dim3A_260 : vector<16xi1>, vector<16xi32>
    %add3A_262 = arith.addi %add3A_252, %select_n3A_261 : vector<16xi32>
    %get3A_263 = arith.constant 416 : index
    %get3A_264 = tpu.vector_load %arg9[%get3A_263] {strides = array<i32>} : memref<512xi32, #tpu.memory_space<vmem>>, vector<16xi32>,
    %add3A_265 = arith.addi %add3A_255, %get3A_264 : vector<16xi32>
    %broadcast_in_dim3A_266 = arith.constant 26 : i32
    %broadcast_in_dim3A_267 = vector.broadcast %broadcast_in_dim3A_266 : i32 to vector<16xi32>
    %lt3A_268 = arith.cmpi slt, %broadcast_in_dim3A_267, %broadcast_in_dim3A : vector<16xi32>
    %jit3A_269 = arith.constant 0 : i32
    %broadcast_in_dim3A_270 = vector.broadcast %jit3A_269 : i32 to vector<16xi32>
    %select_n3A_271 = arith.select %lt3A_268, %get3A_264, %broadcast_in_dim3A_270 : vector<16xi1>, vector<16xi32>
    %add3A_272 = arith.addi %add3A_262, %select_n3A_271 : vector<16xi32>
    %get3A_273 = arith.constant 432 : index
    %get3A_274 = tpu.vector_load %arg9[%get3A_273] {strides = array<i32>} : memref<512xi32, #tpu.memory_space<vmem>>, vector<16xi32>,
    %add3A_275 = arith.addi %add3A_265, %get3A_274 : vector<16xi32>
    %broadcast_in_dim3A_276 = arith.constant 27 : i32
    %broadcast_in_dim3A_277 = vector.broadcast %broadcast_in_dim3A_276 : i32 to vector<16xi32>
    %lt3A_278 = arith.cmpi slt, %broadcast_in_dim3A_277, %broadcast_in_dim3A : vector<16xi32>
    %jit3A_279 = arith.constant 0 : i32
    %broadcast_in_dim3A_280 = vector.broadcast %jit3A_279 : i32 to vector<16xi32>
    %select_n3A_281 = arith.select %lt3A_278, %get3A_274, %broadcast_in_dim3A_280 : vector<16xi1>, vector<16xi32>
    %add3A_282 = arith.addi %add3A_272, %select_n3A_281 : vector<16xi32>
    %get3A_283 = arith.constant 448 : index
    %get3A_284 = tpu.vector_load %arg9[%get3A_283] {strides = array<i32>} : memref<512xi32, #tpu.memory_space<vmem>>, vector<16xi32>,
    %add3A_285 = arith.addi %add3A_275, %get3A_284 : vector<16xi32>
    %broadcast_in_dim3A_286 = arith.constant 28 : i32
    %broadcast_in_dim3A_287 = vector.broadcast %broadcast_in_dim3A_286 : i32 to vector<16xi32>
    %lt3A_288 = arith.cmpi slt, %broadcast_in_dim3A_287, %broadcast_in_dim3A : vector<16xi32>
    %jit3A_289 = arith.constant 0 : i32
    %broadcast_in_dim3A_290 = vector.broadcast %jit3A_289 : i32 to vector<16xi32>
    %select_n3A_291 = arith.select %lt3A_288, %get3A_284, %broadcast_in_dim3A_290 : vector<16xi1>, vector<16xi32>
    %add3A_292 = arith.addi %add3A_282, %select_n3A_291 : vector<16xi32>
    %get3A_293 = arith.constant 464 : index
    %get3A_294 = tpu.vector_load %arg9[%get3A_293] {strides = array<i32>} : memref<512xi32, #tpu.memory_space<vmem>>, vector<16xi32>,
    %add3A_295 = arith.addi %add3A_285, %get3A_294 : vector<16xi32>
    %broadcast_in_dim3A_296 = arith.constant 29 : i32
    %broadcast_in_dim3A_297 = vector.broadcast %broadcast_in_dim3A_296 : i32 to vector<16xi32>
    %lt3A_298 = arith.cmpi slt, %broadcast_in_dim3A_297, %broadcast_in_dim3A : vector<16xi32>
    %jit3A_299 = arith.constant 0 : i32
    %broadcast_in_dim3A_300 = vector.broadcast %jit3A_299 : i32 to vector<16xi32>
    %select_n3A_301 = arith.select %lt3A_298, %get3A_294, %broadcast_in_dim3A_300 : vector<16xi1>, vector<16xi32>
    %add3A_302 = arith.addi %add3A_292, %select_n3A_301 : vector<16xi32>
    %get3A_303 = arith.constant 480 : index
    %get3A_304 = tpu.vector_load %arg9[%get3A_303] {strides = array<i32>} : memref<512xi32, #tpu.memory_space<vmem>>, vector<16xi32>,
    %add3A_305 = arith.addi %add3A_295, %get3A_304 : vector<16xi32>
    %broadcast_in_dim3A_306 = arith.constant 30 : i32
    %broadcast_in_dim3A_307 = vector.broadcast %broadcast_in_dim3A_306 : i32 to vector<16xi32>
    %lt3A_308 = arith.cmpi slt, %broadcast_in_dim3A_307, %broadcast_in_dim3A : vector<16xi32>
    %jit3A_309 = arith.constant 0 : i32
    %broadcast_in_dim3A_310 = vector.broadcast %jit3A_309 : i32 to vector<16xi32>
    %select_n3A_311 = arith.select %lt3A_308, %get3A_304, %broadcast_in_dim3A_310 : vector<16xi1>, vector<16xi32>
    %add3A_312 = arith.addi %add3A_302, %select_n3A_311 : vector<16xi32>
    %get3A_313 = arith.constant 496 : index
    %get3A_314 = tpu.vector_load %arg9[%get3A_313] {strides = array<i32>} : memref<512xi32, #tpu.memory_space<vmem>>, vector<16xi32>,
    %add3A_315 = arith.addi %add3A_305, %get3A_314 : vector<16xi32>
    %broadcast_in_dim3A_316 = arith.constant 31 : i32
    %broadcast_in_dim3A_317 = vector.broadcast %broadcast_in_dim3A_316 : i32 to vector<16xi32>
    %lt3A_318 = arith.cmpi slt, %broadcast_in_dim3A_317, %broadcast_in_dim3A : vector<16xi32>
    %jit3A_319 = arith.constant 0 : i32
    %broadcast_in_dim3A_320 = vector.broadcast %jit3A_319 : i32 to vector<16xi32>
    %select_n3A_321 = arith.select %lt3A_318, %get3A_314, %broadcast_in_dim3A_320 : vector<16xi1>, vector<16xi32>
    %add3A_322 = arith.addi %add3A_312, %select_n3A_321 : vector<16xi32>
    %add3A_323 = arith.constant 511 : i32
    %add3A_324 = vector.broadcast %add3A_323 : i32 to vector<16xi32>
    %add3A_325 = arith.addi %add3A_315, %add3A_324 : vector<16xi32>
    %shift_right_arithmetic3A = arith.constant 9 : i32
    %shift_right_arithmetic3A_326 = vector.broadcast %shift_right_arithmetic3A : i32 to vector<16xi32>
    %shift_right_arithmetic3A_327 = arith.shrsi %add3A_325, %shift_right_arithmetic3A_326 : vector<16xi32>
    %shift_left3A = arith.constant 9 : i32
    %shift_left3A_328 = vector.broadcast %shift_left3A : i32 to vector<16xi32>
    %shift_left3A_329 = arith.shli %shift_right_arithmetic3A_327, %shift_left3A_328 : vector<16xi32>
    %broadcast_in_dim3A_330 = arith.constant true
    %broadcast_in_dim3A_331 = vector.broadcast %broadcast_in_dim3A_330 : i1 to vector<16xi1>
    %masked_cumsum3A = tpu.scan <sum>, %shift_left3A_329 masked %broadcast_in_dim3A_331 : vector<16xi32>, vector<16xi1> -> vector<16xi32>
    %sub3A = arith.subi %masked_cumsum3A, %shift_left3A_329 : vector<16xi32>
    %add3A_332 = arith.addi %sub3A, %add3A_322 : vector<16xi32>
    %get3A_333 = arith.constant 0 : index
    %get3A_334 = tpu.vector_load %arg8[%get3A_333] {strides = array<i32>} : memref<128xi32, #tpu.memory_space<vmem>>, vector<16xi32>,
    %broadcast_in_dim3A_335 = arith.constant 0 : i32
    %broadcast_in_dim3A_336 = vector.broadcast %broadcast_in_dim3A_335 : i32 to vector<16xi32>
    %eq3A = arith.constant 0 : i32
    %eq3A_337 = vector.broadcast %eq3A : i32 to vector<16xi32>
    %eq3A_338 = arith.cmpi eq, %get3A_334, %eq3A_337 : vector<16xi32>
    %convert_element_type3A = arith.extui %eq3A_338 : vector<16xi1> to vector<16xi32>
    %broadcast_in_dim3A_339 = arith.constant true
    %broadcast_in_dim3A_340 = vector.broadcast %broadcast_in_dim3A_339 : i1 to vector<16xi1>
    %masked_cumsum3A_341 = tpu.scan <sum>, %convert_element_type3A masked %broadcast_in_dim3A_340 : vector<16xi32>, vector<16xi1> -> vector<16xi32>
    %sub3A_342 = arith.constant 1 : i32
    %sub3A_343 = vector.broadcast %sub3A_342 : i32 to vector<16xi32>
    %sub3A_344 = arith.subi %masked_cumsum3A_341, %sub3A_343 : vector<16xi32>
    %eq3A_345 = arith.constant 0 : i32
    %eq3A_346 = vector.broadcast %eq3A_345 : i32 to vector<16xi32>
    %eq3A_347 = arith.cmpi eq, %iota3A, %eq3A_346 : vector<16xi32>
    %jit3A_348 = arith.constant 0 : i32
    %broadcast_in_dim3A_349 = vector.broadcast %jit3A_348 : i32 to vector<16xi32>
    %select_n3A_350 = arith.select %eq3A_347, %add3A_332, %broadcast_in_dim3A_349 : vector<16xi1>, vector<16xi32>
    %reduce_sum3A = arith.constant true
    %reduce_sum3A_351 = vector.broadcast %reduce_sum3A : i1 to vector<16xi1>
    %reduce_sum3A_352 = tpu.scan <sum>, %select_n3A_350 masked %reduce_sum3A_351 : vector<16xi32>, vector<16xi1> -> vector<16xi32>
    %reduce_sum3A_353 = vector.extract %reduce_sum3A_352[15] : i32 from vector<16xi32>
    %add3A_354 = vector.broadcast %reduce_sum3A_353 : i32 to vector<16xi32>
    %add3A_355 = arith.addi %add3A_354, %sub3A_344 : vector<16xi32>
    %select_n3A_356 = arith.select %eq3A_338, %add3A_355, %broadcast_in_dim3A_336 : vector<16xi1>, vector<16xi32>
    %all_reduce_population_count3A = tpu.all_reduce %eq3A_338 {dim = 0 : i64, kind = #tpu.reduction_kind<sum>} : vector<16xi1> -> vector<16xi32>
    %eq3A_357 = arith.constant 0 : i32
    %eq3A_358 = vector.broadcast %eq3A_357 : i32 to vector<16xi32>
    %eq3A_359 = arith.cmpi eq, %iota3A, %eq3A_358 : vector<16xi32>
    %jit3A_360 = arith.constant 0 : i32
    %broadcast_in_dim3A_361 = vector.broadcast %jit3A_360 : i32 to vector<16xi32>
    %select_n3A_362 = arith.select %eq3A_359, %all_reduce_population_count3A, %broadcast_in_dim3A_361 : vector<16xi1>, vector<16xi32>
    %add3A_363 = arith.addi %add3A_332, %select_n3A_362 : vector<16xi32>
    %eq3A_364 = arith.constant 1 : i32
    %eq3A_365 = vector.broadcast %eq3A_364 : i32 to vector<16xi32>
    %eq3A_366 = arith.cmpi eq, %get3A_334, %eq3A_365 : vector<16xi32>
    %convert_element_type3A_367 = arith.extui %eq3A_366 : vector<16xi1> to vector<16xi32>
    %broadcast_in_dim3A_368 = arith.constant true
    %broadcast_in_dim3A_369 = vector.broadcast %broadcast_in_dim3A_368 : i1 to vector<16xi1>
    %masked_cumsum3A_370 = tpu.scan <sum>, %convert_element_type3A_367 masked %broadcast_in_dim3A_369 : vector<16xi32>, vector<16xi1> -> vector<16xi32>
    %sub3A_371 = arith.constant 1 : i32
    %sub3A_372 = vector.broadcast %sub3A_371 : i32 to vector<16xi32>
    %sub3A_373 = arith.subi %masked_cumsum3A_370, %sub3A_372 : vector<16xi32>
    %eq3A_374 = arith.constant 1 : i32
    %eq3A_375 = vector.broadcast %eq3A_374 : i32 to vector<16xi32>
    %eq3A_376 = arith.cmpi eq, %iota3A, %eq3A_375 : vector<16xi32>
    %jit3A_377 = arith.constant 0 : i32
    %broadcast_in_dim3A_378 = vector.broadcast %jit3A_377 : i32 to vector<16xi32>
    %select_n3A_379 = arith.select %eq3A_376, %add3A_363, %broadcast_in_dim3A_378 : vector<16xi1>, vector<16xi32>
    %reduce_sum3A_380 = arith.constant true
    %reduce_sum3A_381 = vector.broadcast %reduce_sum3A_380 : i1 to vector<16xi1>
    %reduce_sum3A_382 = tpu.scan <sum>, %select_n3A_379 masked %reduce_sum3A_381 : vector<16xi32>, vector<16xi1> -> vector<16xi32>
    %reduce_sum3A_383 = vector.extract %reduce_sum3A_382[15] : i32 from vector<16xi32>
    %add3A_384 = vector.broadcast %reduce_sum3A_383 : i32 to vector<16xi32>
    %add3A_385 = arith.addi %add3A_384, %sub3A_373 : vector<16xi32>
    %select_n3A_386 = arith.select %eq3A_366, %add3A_385, %select_n3A_356 : vector<16xi1>, vector<16xi32>
    %all_reduce_population_count3A_387 = tpu.all_reduce %eq3A_366 {dim = 0 : i64, kind = #tpu.reduction_kind<sum>} : vector<16xi1> -> vector<16xi32>
    %eq3A_388 = arith.constant 1 : i32
    %eq3A_389 = vector.broadcast %eq3A_388 : i32 to vector<16xi32>
    %eq3A_390 = arith.cmpi eq, %iota3A, %eq3A_389 : vector<16xi32>
    %jit3A_391 = arith.constant 0 : i32
    %broadcast_in_dim3A_392 = vector.broadcast %jit3A_391 : i32 to vector<16xi32>
    %select_n3A_393 = arith.select %eq3A_390, %all_reduce_population_count3A_387, %broadcast_in_dim3A_392 : vector<16xi1>, vector<16xi32>
    %add3A_394 = arith.addi %add3A_363, %select_n3A_393 : vector<16xi32>
    %eq3A_395 = arith.constant 2 : i32
    %eq3A_396 = vector.broadcast %eq3A_395 : i32 to vector<16xi32>
    %eq3A_397 = arith.cmpi eq, %get3A_334, %eq3A_396 : vector<16xi32>
    %convert_element_type3A_398 = arith.extui %eq3A_397 : vector<16xi1> to vector<16xi32>
    %broadcast_in_dim3A_399 = arith.constant true
    %broadcast_in_dim3A_400 = vector.broadcast %broadcast_in_dim3A_399 : i1 to vector<16xi1>
    %masked_cumsum3A_401 = tpu.scan <sum>, %convert_element_type3A_398 masked %broadcast_in_dim3A_400 : vector<16xi32>, vector<16xi1> -> vector<16xi32>
    %sub3A_402 = arith.constant 1 : i32
    %sub3A_403 = vector.broadcast %sub3A_402 : i32 to vector<16xi32>
    %sub3A_404 = arith.subi %masked_cumsum3A_401, %sub3A_403 : vector<16xi32>
    %eq3A_405 = arith.constant 2 : i32
    %eq3A_406 = vector.broadcast %eq3A_405 : i32 to vector<16xi32>
    %eq3A_407 = arith.cmpi eq, %iota3A, %eq3A_406 : vector<16xi32>
    %jit3A_408 = arith.constant 0 : i32
    %broadcast_in_dim3A_409 = vector.broadcast %jit3A_408 : i32 to vector<16xi32>
    %select_n3A_410 = arith.select %eq3A_407, %add3A_394, %broadcast_in_dim3A_409 : vector<16xi1>, vector<16xi32>
    %reduce_sum3A_411 = arith.constant true
    %reduce_sum3A_412 = vector.broadcast %reduce_sum3A_411 : i1 to vector<16xi1>
    %reduce_sum3A_413 = tpu.scan <sum>, %select_n3A_410 masked %reduce_sum3A_412 : vector<16xi32>, vector<16xi1> -> vector<16xi32>
    %reduce_sum3A_414 = vector.extract %reduce_sum3A_413[15] : i32 from vector<16xi32>
    %add3A_415 = vector.broadcast %reduce_sum3A_414 : i32 to vector<16xi32>
    %add3A_416 = arith.addi %add3A_415, %sub3A_404 : vector<16xi32>
    %select_n3A_417 = arith.select %eq3A_397, %add3A_416, %select_n3A_386 : vector<16xi1>, vector<16xi32>
    %all_reduce_population_count3A_418 = tpu.all_reduce %eq3A_397 {dim = 0 : i64, kind = #tpu.reduction_kind<sum>} : vector<16xi1> -> vector<16xi32>
    %eq3A_419 = arith.constant 2 : i32
    %eq3A_420 = vector.broadcast %eq3A_419 : i32 to vector<16xi32>
    %eq3A_421 = arith.cmpi eq, %iota3A, %eq3A_420 : vector<16xi32>
    %jit3A_422 = arith.constant 0 : i32
    %broadcast_in_dim3A_423 = vector.broadcast %jit3A_422 : i32 to vector<16xi32>
    %select_n3A_424 = arith.select %eq3A_421, %all_reduce_population_count3A_418, %broadcast_in_dim3A_423 : vector<16xi1>, vector<16xi32>
    %add3A_425 = arith.addi %add3A_394, %select_n3A_424 : vector<16xi32>
    %eq3A_426 = arith.constant 3 : i32
    %eq3A_427 = vector.broadcast %eq3A_426 : i32 to vector<16xi32>
    %eq3A_428 = arith.cmpi eq, %get3A_334, %eq3A_427 : vector<16xi32>
    %convert_element_type3A_429 = arith.extui %eq3A_428 : vector<16xi1> to vector<16xi32>
    %broadcast_in_dim3A_430 = arith.constant true
    %broadcast_in_dim3A_431 = vector.broadcast %broadcast_in_dim3A_430 : i1 to vector<16xi1>
    %masked_cumsum3A_432 = tpu.scan <sum>, %convert_element_type3A_429 masked %broadcast_in_dim3A_431 : vector<16xi32>, vector<16xi1> -> vector<16xi32>
    %sub3A_433 = arith.constant 1 : i32
    %sub3A_434 = vector.broadcast %sub3A_433 : i32 to vector<16xi32>
    %sub3A_435 = arith.subi %masked_cumsum3A_432, %sub3A_434 : vector<16xi32>
    %eq3A_436 = arith.constant 3 : i32
    %eq3A_437 = vector.broadcast %eq3A_436 : i32 to vector<16xi32>
    %eq3A_438 = arith.cmpi eq, %iota3A, %eq3A_437 : vector<16xi32>
    %jit3A_439 = arith.constant 0 : i32
    %broadcast_in_dim3A_440 = vector.broadcast %jit3A_439 : i32 to vector<16xi32>
    %select_n3A_441 = arith.select %eq3A_438, %add3A_425, %broadcast_in_dim3A_440 : vector<16xi1>, vector<16xi32>
    %reduce_sum3A_442 = arith.constant true
    %reduce_sum3A_443 = vector.broadcast %reduce_sum3A_442 : i1 to vector<16xi1>
    %reduce_sum3A_444 = tpu.scan <sum>, %select_n3A_441 masked %reduce_sum3A_443 : vector<16xi32>, vector<16xi1> -> vector<16xi32>
    %reduce_sum3A_445 = vector.extract %reduce_sum3A_444[15] : i32 from vector<16xi32>
    %add3A_446 = vector.broadcast %reduce_sum3A_445 : i32 to vector<16xi32>
    %add3A_447 = arith.addi %add3A_446, %sub3A_435 : vector<16xi32>
    %select_n3A_448 = arith.select %eq3A_428, %add3A_447, %select_n3A_417 : vector<16xi1>, vector<16xi32>
    %all_reduce_population_count3A_449 = tpu.all_reduce %eq3A_428 {dim = 0 : i64, kind = #tpu.reduction_kind<sum>} : vector<16xi1> -> vector<16xi32>
    %eq3A_450 = arith.constant 3 : i32
    %eq3A_451 = vector.broadcast %eq3A_450 : i32 to vector<16xi32>
    %eq3A_452 = arith.cmpi eq, %iota3A, %eq3A_451 : vector<16xi32>
    %jit3A_453 = arith.constant 0 : i32
    %broadcast_in_dim3A_454 = vector.broadcast %jit3A_453 : i32 to vector<16xi32>
    %select_n3A_455 = arith.select %eq3A_452, %all_reduce_population_count3A_449, %broadcast_in_dim3A_454 : vector<16xi1>, vector<16xi32>
    %add3A_456 = arith.addi %add3A_425, %select_n3A_455 : vector<16xi32>
    %eq3A_457 = arith.constant 4 : i32
    %eq3A_458 = vector.broadcast %eq3A_457 : i32 to vector<16xi32>
    %eq3A_459 = arith.cmpi eq, %get3A_334, %eq3A_458 : vector<16xi32>
    %convert_element_type3A_460 = arith.extui %eq3A_459 : vector<16xi1> to vector<16xi32>
    %broadcast_in_dim3A_461 = arith.constant true
    %broadcast_in_dim3A_462 = vector.broadcast %broadcast_in_dim3A_461 : i1 to vector<16xi1>
    %masked_cumsum3A_463 = tpu.scan <sum>, %convert_element_type3A_460 masked %broadcast_in_dim3A_462 : vector<16xi32>, vector<16xi1> -> vector<16xi32>
    %sub3A_464 = arith.constant 1 : i32
    %sub3A_465 = vector.broadcast %sub3A_464 : i32 to vector<16xi32>
    %sub3A_466 = arith.subi %masked_cumsum3A_463, %sub3A_465 : vector<16xi32>
    %eq3A_467 = arith.constant 4 : i32
    %eq3A_468 = vector.broadcast %eq3A_467 : i32 to vector<16xi32>
    %eq3A_469 = arith.cmpi eq, %iota3A, %eq3A_468 : vector<16xi32>
    %jit3A_470 = arith.constant 0 : i32
    %broadcast_in_dim3A_471 = vector.broadcast %jit3A_470 : i32 to vector<16xi32>
    %select_n3A_472 = arith.select %eq3A_469, %add3A_456, %broadcast_in_dim3A_471 : vector<16xi1>, vector<16xi32>
    %reduce_sum3A_473 = arith.constant true
    %reduce_sum3A_474 = vector.broadcast %reduce_sum3A_473 : i1 to vector<16xi1>
    %reduce_sum3A_475 = tpu.scan <sum>, %select_n3A_472 masked %reduce_sum3A_474 : vector<16xi32>, vector<16xi1> -> vector<16xi32>
    %reduce_sum3A_476 = vector.extract %reduce_sum3A_475[15] : i32 from vector<16xi32>
    %add3A_477 = vector.broadcast %reduce_sum3A_476 : i32 to vector<16xi32>
    %add3A_478 = arith.addi %add3A_477, %sub3A_466 : vector<16xi32>
    %select_n3A_479 = arith.select %eq3A_459, %add3A_478, %select_n3A_448 : vector<16xi1>, vector<16xi32>
    %all_reduce_population_count3A_480 = tpu.all_reduce %eq3A_459 {dim = 0 : i64, kind = #tpu.reduction_kind<sum>} : vector<16xi1> -> vector<16xi32>
    %eq3A_481 = arith.constant 4 : i32
    %eq3A_482 = vector.broadcast %eq3A_481 : i32 to vector<16xi32>
    %eq3A_483 = arith.cmpi eq, %iota3A, %eq3A_482 : vector<16xi32>
    %jit3A_484 = arith.constant 0 : i32
    %broadcast_in_dim3A_485 = vector.broadcast %jit3A_484 : i32 to vector<16xi32>
    %select_n3A_486 = arith.select %eq3A_483, %all_reduce_population_count3A_480, %broadcast_in_dim3A_485 : vector<16xi1>, vector<16xi32>
    %add3A_487 = arith.addi %add3A_456, %select_n3A_486 : vector<16xi32>
    %eq3A_488 = arith.constant 5 : i32
    %eq3A_489 = vector.broadcast %eq3A_488 : i32 to vector<16xi32>
    %eq3A_490 = arith.cmpi eq, %get3A_334, %eq3A_489 : vector<16xi32>
    %convert_element_type3A_491 = arith.extui %eq3A_490 : vector<16xi1> to vector<16xi32>
    %broadcast_in_dim3A_492 = arith.constant true
    %broadcast_in_dim3A_493 = vector.broadcast %broadcast_in_dim3A_492 : i1 to vector<16xi1>
    %masked_cumsum3A_494 = tpu.scan <sum>, %convert_element_type3A_491 masked %broadcast_in_dim3A_493 : vector<16xi32>, vector<16xi1> -> vector<16xi32>
    %sub3A_495 = arith.constant 1 : i32
    %sub3A_496 = vector.broadcast %sub3A_495 : i32 to vector<16xi32>
    %sub3A_497 = arith.subi %masked_cumsum3A_494, %sub3A_496 : vector<16xi32>
    %eq3A_498 = arith.constant 5 : i32
    %eq3A_499 = vector.broadcast %eq3A_498 : i32 to vector<16xi32>
    %eq3A_500 = arith.cmpi eq, %iota3A, %eq3A_499 : vector<16xi32>
    %jit3A_501 = arith.constant 0 : i32
    %broadcast_in_dim3A_502 = vector.broadcast %jit3A_501 : i32 to vector<16xi32>
    %select_n3A_503 = arith.select %eq3A_500, %add3A_487, %broadcast_in_dim3A_502 : vector<16xi1>, vector<16xi32>
    %reduce_sum3A_504 = arith.constant true
    %reduce_sum3A_505 = vector.broadcast %reduce_sum3A_504 : i1 to vector<16xi1>
    %reduce_sum3A_506 = tpu.scan <sum>, %select_n3A_503 masked %reduce_sum3A_505 : vector<16xi32>, vector<16xi1> -> vector<16xi32>
    %reduce_sum3A_507 = vector.extract %reduce_sum3A_506[15] : i32 from vector<16xi32>
    %add3A_508 = vector.broadcast %reduce_sum3A_507 : i32 to vector<16xi32>
    %add3A_509 = arith.addi %add3A_508, %sub3A_497 : vector<16xi32>
    %select_n3A_510 = arith.select %eq3A_490, %add3A_509, %select_n3A_479 : vector<16xi1>, vector<16xi32>
    %all_reduce_population_count3A_511 = tpu.all_reduce %eq3A_490 {dim = 0 : i64, kind = #tpu.reduction_kind<sum>} : vector<16xi1> -> vector<16xi32>
    %eq3A_512 = arith.constant 5 : i32
    %eq3A_513 = vector.broadcast %eq3A_512 : i32 to vector<16xi32>
    %eq3A_514 = arith.cmpi eq, %iota3A, %eq3A_513 : vector<16xi32>
    %jit3A_515 = arith.constant 0 : i32
    %broadcast_in_dim3A_516 = vector.broadcast %jit3A_515 : i32 to vector<16xi32>
    %select_n3A_517 = arith.select %eq3A_514, %all_reduce_population_count3A_511, %broadcast_in_dim3A_516 : vector<16xi1>, vector<16xi32>
    %add3A_518 = arith.addi %add3A_487, %select_n3A_517 : vector<16xi32>
    %eq3A_519 = arith.constant 6 : i32
    %eq3A_520 = vector.broadcast %eq3A_519 : i32 to vector<16xi32>
    %eq3A_521 = arith.cmpi eq, %get3A_334, %eq3A_520 : vector<16xi32>
    %convert_element_type3A_522 = arith.extui %eq3A_521 : vector<16xi1> to vector<16xi32>
    %broadcast_in_dim3A_523 = arith.constant true
    %broadcast_in_dim3A_524 = vector.broadcast %broadcast_in_dim3A_523 : i1 to vector<16xi1>
    %masked_cumsum3A_525 = tpu.scan <sum>, %convert_element_type3A_522 masked %broadcast_in_dim3A_524 : vector<16xi32>, vector<16xi1> -> vector<16xi32>
    %sub3A_526 = arith.constant 1 : i32
    %sub3A_527 = vector.broadcast %sub3A_526 : i32 to vector<16xi32>
    %sub3A_528 = arith.subi %masked_cumsum3A_525, %sub3A_527 : vector<16xi32>
    %eq3A_529 = arith.constant 6 : i32
    %eq3A_530 = vector.broadcast %eq3A_529 : i32 to vector<16xi32>
    %eq3A_531 = arith.cmpi eq, %iota3A, %eq3A_530 : vector<16xi32>
    %jit3A_532 = arith.constant 0 : i32
    %broadcast_in_dim3A_533 = vector.broadcast %jit3A_532 : i32 to vector<16xi32>
    %select_n3A_534 = arith.select %eq3A_531, %add3A_518, %broadcast_in_dim3A_533 : vector<16xi1>, vector<16xi32>
    %reduce_sum3A_535 = arith.constant true
    %reduce_sum3A_536 = vector.broadcast %reduce_sum3A_535 : i1 to vector<16xi1>
    %reduce_sum3A_537 = tpu.scan <sum>, %select_n3A_534 masked %reduce_sum3A_536 : vector<16xi32>, vector<16xi1> -> vector<16xi32>
    %reduce_sum3A_538 = vector.extract %reduce_sum3A_537[15] : i32 from vector<16xi32>
    %add3A_539 = vector.broadcast %reduce_sum3A_538 : i32 to vector<16xi32>
    %add3A_540 = arith.addi %add3A_539, %sub3A_528 : vector<16xi32>
    %select_n3A_541 = arith.select %eq3A_521, %add3A_540, %select_n3A_510 : vector<16xi1>, vector<16xi32>
    %all_reduce_population_count3A_542 = tpu.all_reduce %eq3A_521 {dim = 0 : i64, kind = #tpu.reduction_kind<sum>} : vector<16xi1> -> vector<16xi32>
    %eq3A_543 = arith.constant 6 : i32
    %eq3A_544 = vector.broadcast %eq3A_543 : i32 to vector<16xi32>
    %eq3A_545 = arith.cmpi eq, %iota3A, %eq3A_544 : vector<16xi32>
    %jit3A_546 = arith.constant 0 : i32
    %broadcast_in_dim3A_547 = vector.broadcast %jit3A_546 : i32 to vector<16xi32>
    %select_n3A_548 = arith.select %eq3A_545, %all_reduce_population_count3A_542, %broadcast_in_dim3A_547 : vector<16xi1>, vector<16xi32>
    %add3A_549 = arith.addi %add3A_518, %select_n3A_548 : vector<16xi32>
    %eq3A_550 = arith.constant 7 : i32
    %eq3A_551 = vector.broadcast %eq3A_550 : i32 to vector<16xi32>
    %eq3A_552 = arith.cmpi eq, %get3A_334, %eq3A_551 : vector<16xi32>
    %convert_element_type3A_553 = arith.extui %eq3A_552 : vector<16xi1> to vector<16xi32>
    %broadcast_in_dim3A_554 = arith.constant true
    %broadcast_in_dim3A_555 = vector.broadcast %broadcast_in_dim3A_554 : i1 to vector<16xi1>
    %masked_cumsum3A_556 = tpu.scan <sum>, %convert_element_type3A_553 masked %broadcast_in_dim3A_555 : vector<16xi32>, vector<16xi1> -> vector<16xi32>
    %sub3A_557 = arith.constant 1 : i32
    %sub3A_558 = vector.broadcast %sub3A_557 : i32 to vector<16xi32>
    %sub3A_559 = arith.subi %masked_cumsum3A_556, %sub3A_558 : vector<16xi32>
    %eq3A_560 = arith.constant 7 : i32
    %eq3A_561 = vector.broadcast %eq3A_560 : i32 to vector<16xi32>
    %eq3A_562 = arith.cmpi eq, %iota3A, %eq3A_561 : vector<16xi32>
    %jit3A_563 = arith.constant 0 : i32
    %broadcast_in_dim3A_564 = vector.broadcast %jit3A_563 : i32 to vector<16xi32>
    %select_n3A_565 = arith.select %eq3A_562, %add3A_549, %broadcast_in_dim3A_564 : vector<16xi1>, vector<16xi32>
    %reduce_sum3A_566 = arith.constant true
    %reduce_sum3A_567 = vector.broadcast %reduce_sum3A_566 : i1 to vector<16xi1>
    %reduce_sum3A_568 = tpu.scan <sum>, %select_n3A_565 masked %reduce_sum3A_567 : vector<16xi32>, vector<16xi1> -> vector<16xi32>
    %reduce_sum3A_569 = vector.extract %reduce_sum3A_568[15] : i32 from vector<16xi32>
    %add3A_570 = vector.broadcast %reduce_sum3A_569 : i32 to vector<16xi32>
    %add3A_571 = arith.addi %add3A_570, %sub3A_559 : vector<16xi32>
    %select_n3A_572 = arith.select %eq3A_552, %add3A_571, %select_n3A_541 : vector<16xi1>, vector<16xi32>
    %all_reduce_population_count3A_573 = tpu.all_reduce %eq3A_552 {dim = 0 : i64, kind = #tpu.reduction_kind<sum>} : vector<16xi1> -> vector<16xi32>
    %eq3A_574 = arith.constant 7 : i32
    %eq3A_575 = vector.broadcast %eq3A_574 : i32 to vector<16xi32>
    %eq3A_576 = arith.cmpi eq, %iota3A, %eq3A_575 : vector<16xi32>
    %jit3A_577 = arith.constant 0 : i32
    %broadcast_in_dim3A_578 = vector.broadcast %jit3A_577 : i32 to vector<16xi32>
    %select_n3A_579 = arith.select %eq3A_576, %all_reduce_population_count3A_573, %broadcast_in_dim3A_578 : vector<16xi1>, vector<16xi32>
    %add3A_580 = arith.addi %add3A_549, %select_n3A_579 : vector<16xi32>
    %swap3A = arith.constant 0 : index
    %swap3A_581 = tpu.vector_load %arg10[%swap3A] {strides = array<i32>} : memref<128xi32, #tpu.memory_space<vmem>>, vector<16xi32>,
    tpu.vector_store %arg10[%swap3A], %select_n3A_572 {strides = array<i32>} : memref<128xi32, #tpu.memory_space<vmem>>, vector<16xi32>,
    %get3A_582 = arith.constant 16 : index
    %get3A_583 = tpu.vector_load %arg8[%get3A_582] {strides = array<i32>} : memref<128xi32, #tpu.memory_space<vmem>>, vector<16xi32>,
    %broadcast_in_dim3A_584 = arith.constant 0 : i32
    %broadcast_in_dim3A_585 = vector.broadcast %broadcast_in_dim3A_584 : i32 to vector<16xi32>
    %eq3A_586 = arith.constant 0 : i32
    %eq3A_587 = vector.broadcast %eq3A_586 : i32 to vector<16xi32>
    %eq3A_588 = arith.cmpi eq, %get3A_583, %eq3A_587 : vector<16xi32>
    %convert_element_type3A_589 = arith.extui %eq3A_588 : vector<16xi1> to vector<16xi32>
    %broadcast_in_dim3A_590 = arith.constant true
    %broadcast_in_dim3A_591 = vector.broadcast %broadcast_in_dim3A_590 : i1 to vector<16xi1>
    %masked_cumsum3A_592 = tpu.scan <sum>, %convert_element_type3A_589 masked %broadcast_in_dim3A_591 : vector<16xi32>, vector<16xi1> -> vector<16xi32>
    %sub3A_593 = arith.constant 1 : i32
    %sub3A_594 = vector.broadcast %sub3A_593 : i32 to vector<16xi32>
    %sub3A_595 = arith.subi %masked_cumsum3A_592, %sub3A_594 : vector<16xi32>
    %eq3A_596 = arith.constant 0 : i32
    %eq3A_597 = vector.broadcast %eq3A_596 : i32 to vector<16xi32>
    %eq3A_598 = arith.cmpi eq, %iota3A, %eq3A_597 : vector<16xi32>
    %jit3A_599 = arith.constant 0 : i32
    %broadcast_in_dim3A_600 = vector.broadcast %jit3A_599 : i32 to vector<16xi32>
    %select_n3A_601 = arith.select %eq3A_598, %add3A_580, %broadcast_in_dim3A_600 : vector<16xi1>, vector<16xi32>
    %reduce_sum3A_602 = arith.constant true
    %reduce_sum3A_603 = vector.broadcast %reduce_sum3A_602 : i1 to vector<16xi1>
    %reduce_sum3A_604 = tpu.scan <sum>, %select_n3A_601 masked %reduce_sum3A_603 : vector<16xi32>, vector<16xi1> -> vector<16xi32>
    %reduce_sum3A_605 = vector.extract %reduce_sum3A_604[15] : i32 from vector<16xi32>
    %add3A_606 = vector.broadcast %reduce_sum3A_605 : i32 to vector<16xi32>
    %add3A_607 = arith.addi %add3A_606, %sub3A_595 : vector<16xi32>
    %select_n3A_608 = arith.select %eq3A_588, %add3A_607, %broadcast_in_dim3A_585 : vector<16xi1>, vector<16xi32>
    %all_reduce_population_count3A_609 = tpu.all_reduce %eq3A_588 {dim = 0 : i64, kind = #tpu.reduction_kind<sum>} : vector<16xi1> -> vector<16xi32>
    %eq3A_610 = arith.constant 0 : i32
    %eq3A_611 = vector.broadcast %eq3A_610 : i32 to vector<16xi32>
    %eq3A_612 = arith.cmpi eq, %iota3A, %eq3A_611 : vector<16xi32>
    %jit3A_613 = arith.constant 0 : i32
    %broadcast_in_dim3A_614 = vector.broadcast %jit3A_613 : i32 to vector<16xi32>
    %select_n3A_615 = arith.select %eq3A_612, %all_reduce_population_count3A_609, %broadcast_in_dim3A_614 : vector<16xi1>, vector<16xi32>
    %add3A_616 = arith.addi %add3A_580, %select_n3A_615 : vector<16xi32>
    %eq3A_617 = arith.constant 1 : i32
    %eq3A_618 = vector.broadcast %eq3A_617 : i32 to vector<16xi32>
    %eq3A_619 = arith.cmpi eq, %get3A_583, %eq3A_618 : vector<16xi32>
    %convert_element_type3A_620 = arith.extui %eq3A_619 : vector<16xi1> to vector<16xi32>
    %broadcast_in_dim3A_621 = arith.constant true
    %broadcast_in_dim3A_622 = vector.broadcast %broadcast_in_dim3A_621 : i1 to vector<16xi1>
    %masked_cumsum3A_623 = tpu.scan <sum>, %convert_element_type3A_620 masked %broadcast_in_dim3A_622 : vector<16xi32>, vector<16xi1> -> vector<16xi32>
    %sub3A_624 = arith.constant 1 : i32
    %sub3A_625 = vector.broadcast %sub3A_624 : i32 to vector<16xi32>
    %sub3A_626 = arith.subi %masked_cumsum3A_623, %sub3A_625 : vector<16xi32>
    %eq3A_627 = arith.constant 1 : i32
    %eq3A_628 = vector.broadcast %eq3A_627 : i32 to vector<16xi32>
    %eq3A_629 = arith.cmpi eq, %iota3A, %eq3A_628 : vector<16xi32>
    %jit3A_630 = arith.constant 0 : i32
    %broadcast_in_dim3A_631 = vector.broadcast %jit3A_630 : i32 to vector<16xi32>
    %select_n3A_632 = arith.select %eq3A_629, %add3A_616, %broadcast_in_dim3A_631 : vector<16xi1>, vector<16xi32>
    %reduce_sum3A_633 = arith.constant true
    %reduce_sum3A_634 = vector.broadcast %reduce_sum3A_633 : i1 to vector<16xi1>
    %reduce_sum3A_635 = tpu.scan <sum>, %select_n3A_632 masked %reduce_sum3A_634 : vector<16xi32>, vector<16xi1> -> vector<16xi32>
    %reduce_sum3A_636 = vector.extract %reduce_sum3A_635[15] : i32 from vector<16xi32>
    %add3A_637 = vector.broadcast %reduce_sum3A_636 : i32 to vector<16xi32>
    %add3A_638 = arith.addi %add3A_637, %sub3A_626 : vector<16xi32>
    %select_n3A_639 = arith.select %eq3A_619, %add3A_638, %select_n3A_608 : vector<16xi1>, vector<16xi32>
    %all_reduce_population_count3A_640 = tpu.all_reduce %eq3A_619 {dim = 0 : i64, kind = #tpu.reduction_kind<sum>} : vector<16xi1> -> vector<16xi32>
    %eq3A_641 = arith.constant 1 : i32
    %eq3A_642 = vector.broadcast %eq3A_641 : i32 to vector<16xi32>
    %eq3A_643 = arith.cmpi eq, %iota3A, %eq3A_642 : vector<16xi32>
    %jit3A_644 = arith.constant 0 : i32
    %broadcast_in_dim3A_645 = vector.broadcast %jit3A_644 : i32 to vector<16xi32>
    %select_n3A_646 = arith.select %eq3A_643, %all_reduce_population_count3A_640, %broadcast_in_dim3A_645 : vector<16xi1>, vector<16xi32>
    %add3A_647 = arith.addi %add3A_616, %select_n3A_646 : vector<16xi32>
    %eq3A_648 = arith.constant 2 : i32
    %eq3A_649 = vector.broadcast %eq3A_648 : i32 to vector<16xi32>
    %eq3A_650 = arith.cmpi eq, %get3A_583, %eq3A_649 : vector<16xi32>
    %convert_element_type3A_651 = arith.extui %eq3A_650 : vector<16xi1> to vector<16xi32>
    %broadcast_in_dim3A_652 = arith.constant true
    %broadcast_in_dim3A_653 = vector.broadcast %broadcast_in_dim3A_652 : i1 to vector<16xi1>
    %masked_cumsum3A_654 = tpu.scan <sum>, %convert_element_type3A_651 masked %broadcast_in_dim3A_653 : vector<16xi32>, vector<16xi1> -> vector<16xi32>
    %sub3A_655 = arith.constant 1 : i32
    %sub3A_656 = vector.broadcast %sub3A_655 : i32 to vector<16xi32>
    %sub3A_657 = arith.subi %masked_cumsum3A_654, %sub3A_656 : vector<16xi32>
    %eq3A_658 = arith.constant 2 : i32
    %eq3A_659 = vector.broadcast %eq3A_658 : i32 to vector<16xi32>
    %eq3A_660 = arith.cmpi eq, %iota3A, %eq3A_659 : vector<16xi32>
    %jit3A_661 = arith.constant 0 : i32
    %broadcast_in_dim3A_662 = vector.broadcast %jit3A_661 : i32 to vector<16xi32>
    %select_n3A_663 = arith.select %eq3A_660, %add3A_647, %broadcast_in_dim3A_662 : vector<16xi1>, vector<16xi32>
    %reduce_sum3A_664 = arith.constant true
    %reduce_sum3A_665 = vector.broadcast %reduce_sum3A_664 : i1 to vector<16xi1>
    %reduce_sum3A_666 = tpu.scan <sum>, %select_n3A_663 masked %reduce_sum3A_665 : vector<16xi32>, vector<16xi1> -> vector<16xi32>
    %reduce_sum3A_667 = vector.extract %reduce_sum3A_666[15] : i32 from vector<16xi32>
    %add3A_668 = vector.broadcast %reduce_sum3A_667 : i32 to vector<16xi32>
    %add3A_669 = arith.addi %add3A_668, %sub3A_657 : vector<16xi32>
    %select_n3A_670 = arith.select %eq3A_650, %add3A_669, %select_n3A_639 : vector<16xi1>, vector<16xi32>
    %all_reduce_population_count3A_671 = tpu.all_reduce %eq3A_650 {dim = 0 : i64, kind = #tpu.reduction_kind<sum>} : vector<16xi1> -> vector<16xi32>
    %eq3A_672 = arith.constant 2 : i32
    %eq3A_673 = vector.broadcast %eq3A_672 : i32 to vector<16xi32>
    %eq3A_674 = arith.cmpi eq, %iota3A, %eq3A_673 : vector<16xi32>
    %jit3A_675 = arith.constant 0 : i32
    %broadcast_in_dim3A_676 = vector.broadcast %jit3A_675 : i32 to vector<16xi32>
    %select_n3A_677 = arith.select %eq3A_674, %all_reduce_population_count3A_671, %broadcast_in_dim3A_676 : vector<16xi1>, vector<16xi32>
    %add3A_678 = arith.addi %add3A_647, %select_n3A_677 : vector<16xi32>
    %eq3A_679 = arith.constant 3 : i32
    %eq3A_680 = vector.broadcast %eq3A_679 : i32 to vector<16xi32>
    %eq3A_681 = arith.cmpi eq, %get3A_583, %eq3A_680 : vector<16xi32>
    %convert_element_type3A_682 = arith.extui %eq3A_681 : vector<16xi1> to vector<16xi32>
    %broadcast_in_dim3A_683 = arith.constant true
    %broadcast_in_dim3A_684 = vector.broadcast %broadcast_in_dim3A_683 : i1 to vector<16xi1>
    %masked_cumsum3A_685 = tpu.scan <sum>, %convert_element_type3A_682 masked %broadcast_in_dim3A_684 : vector<16xi32>, vector<16xi1> -> vector<16xi32>
    %sub3A_686 = arith.constant 1 : i32
    %sub3A_687 = vector.broadcast %sub3A_686 : i32 to vector<16xi32>
    %sub3A_688 = arith.subi %masked_cumsum3A_685, %sub3A_687 : vector<16xi32>
    %eq3A_689 = arith.constant 3 : i32
    %eq3A_690 = vector.broadcast %eq3A_689 : i32 to vector<16xi32>
    %eq3A_691 = arith.cmpi eq, %iota3A, %eq3A_690 : vector<16xi32>
    %jit3A_692 = arith.constant 0 : i32
    %broadcast_in_dim3A_693 = vector.broadcast %jit3A_692 : i32 to vector<16xi32>
    %select_n3A_694 = arith.select %eq3A_691, %add3A_678, %broadcast_in_dim3A_693 : vector<16xi1>, vector<16xi32>
    %reduce_sum3A_695 = arith.constant true
    %reduce_sum3A_696 = vector.broadcast %reduce_sum3A_695 : i1 to vector<16xi1>
    %reduce_sum3A_697 = tpu.scan <sum>, %select_n3A_694 masked %reduce_sum3A_696 : vector<16xi32>, vector<16xi1> -> vector<16xi32>
    %reduce_sum3A_698 = vector.extract %reduce_sum3A_697[15] : i32 from vector<16xi32>
    %add3A_699 = vector.broadcast %reduce_sum3A_698 : i32 to vector<16xi32>
    %add3A_700 = arith.addi %add3A_699, %sub3A_688 : vector<16xi32>
    %select_n3A_701 = arith.select %eq3A_681, %add3A_700, %select_n3A_670 : vector<16xi1>, vector<16xi32>
    %all_reduce_population_count3A_702 = tpu.all_reduce %eq3A_681 {dim = 0 : i64, kind = #tpu.reduction_kind<sum>} : vector<16xi1> -> vector<16xi32>
    %eq3A_703 = arith.constant 3 : i32
    %eq3A_704 = vector.broadcast %eq3A_703 : i32 to vector<16xi32>
    %eq3A_705 = arith.cmpi eq, %iota3A, %eq3A_704 : vector<16xi32>
    %jit3A_706 = arith.constant 0 : i32
    %broadcast_in_dim3A_707 = vector.broadcast %jit3A_706 : i32 to vector<16xi32>
    %select_n3A_708 = arith.select %eq3A_705, %all_reduce_population_count3A_702, %broadcast_in_dim3A_707 : vector<16xi1>, vector<16xi32>
    %add3A_709 = arith.addi %add3A_678, %select_n3A_708 : vector<16xi32>
    %eq3A_710 = arith.constant 4 : i32
    %eq3A_711 = vector.broadcast %eq3A_710 : i32 to vector<16xi32>
    %eq3A_712 = arith.cmpi eq, %get3A_583, %eq3A_711 : vector<16xi32>
    %convert_element_type3A_713 = arith.extui %eq3A_712 : vector<16xi1> to vector<16xi32>
    %broadcast_in_dim3A_714 = arith.constant true
    %broadcast_in_dim3A_715 = vector.broadcast %broadcast_in_dim3A_714 : i1 to vector<16xi1>
    %masked_cumsum3A_716 = tpu.scan <sum>, %convert_element_type3A_713 masked %broadcast_in_dim3A_715 : vector<16xi32>, vector<16xi1> -> vector<16xi32>
    %sub3A_717 = arith.constant 1 : i32
    %sub3A_718 = vector.broadcast %sub3A_717 : i32 to vector<16xi32>
    %sub3A_719 = arith.subi %masked_cumsum3A_716, %sub3A_718 : vector<16xi32>
    %eq3A_720 = arith.constant 4 : i32
    %eq3A_721 = vector.broadcast %eq3A_720 : i32 to vector<16xi32>
    %eq3A_722 = arith.cmpi eq, %iota3A, %eq3A_721 : vector<16xi32>
    %jit3A_723 = arith.constant 0 : i32
    %broadcast_in_dim3A_724 = vector.broadcast %jit3A_723 : i32 to vector<16xi32>
    %select_n3A_725 = arith.select %eq3A_722, %add3A_709, %broadcast_in_dim3A_724 : vector<16xi1>, vector<16xi32>
    %reduce_sum3A_726 = arith.constant true
    %reduce_sum3A_727 = vector.broadcast %reduce_sum3A_726 : i1 to vector<16xi1>
    %reduce_sum3A_728 = tpu.scan <sum>, %select_n3A_725 masked %reduce_sum3A_727 : vector<16xi32>, vector<16xi1> -> vector<16xi32>
    %reduce_sum3A_729 = vector.extract %reduce_sum3A_728[15] : i32 from vector<16xi32>
    %add3A_730 = vector.broadcast %reduce_sum3A_729 : i32 to vector<16xi32>
    %add3A_731 = arith.addi %add3A_730, %sub3A_719 : vector<16xi32>
    %select_n3A_732 = arith.select %eq3A_712, %add3A_731, %select_n3A_701 : vector<16xi1>, vector<16xi32>
    %all_reduce_population_count3A_733 = tpu.all_reduce %eq3A_712 {dim = 0 : i64, kind = #tpu.reduction_kind<sum>} : vector<16xi1> -> vector<16xi32>
    %eq3A_734 = arith.constant 4 : i32
    %eq3A_735 = vector.broadcast %eq3A_734 : i32 to vector<16xi32>
    %eq3A_736 = arith.cmpi eq, %iota3A, %eq3A_735 : vector<16xi32>
    %jit3A_737 = arith.constant 0 : i32
    %broadcast_in_dim3A_738 = vector.broadcast %jit3A_737 : i32 to vector<16xi32>
    %select_n3A_739 = arith.select %eq3A_736, %all_reduce_population_count3A_733, %broadcast_in_dim3A_738 : vector<16xi1>, vector<16xi32>
    %add3A_740 = arith.addi %add3A_709, %select_n3A_739 : vector<16xi32>
    %eq3A_741 = arith.constant 5 : i32
    %eq3A_742 = vector.broadcast %eq3A_741 : i32 to vector<16xi32>
    %eq3A_743 = arith.cmpi eq, %get3A_583, %eq3A_742 : vector<16xi32>
    %convert_element_type3A_744 = arith.extui %eq3A_743 : vector<16xi1> to vector<16xi32>
    %broadcast_in_dim3A_745 = arith.constant true
    %broadcast_in_dim3A_746 = vector.broadcast %broadcast_in_dim3A_745 : i1 to vector<16xi1>
    %masked_cumsum3A_747 = tpu.scan <sum>, %convert_element_type3A_744 masked %broadcast_in_dim3A_746 : vector<16xi32>, vector<16xi1> -> vector<16xi32>
    %sub3A_748 = arith.constant 1 : i32
    %sub3A_749 = vector.broadcast %sub3A_748 : i32 to vector<16xi32>
    %sub3A_750 = arith.subi %masked_cumsum3A_747, %sub3A_749 : vector<16xi32>
    %eq3A_751 = arith.constant 5 : i32
    %eq3A_752 = vector.broadcast %eq3A_751 : i32 to vector<16xi32>
    %eq3A_753 = arith.cmpi eq, %iota3A, %eq3A_752 : vector<16xi32>
    %jit3A_754 = arith.constant 0 : i32
    %broadcast_in_dim3A_755 = vector.broadcast %jit3A_754 : i32 to vector<16xi32>
    %select_n3A_756 = arith.select %eq3A_753, %add3A_740, %broadcast_in_dim3A_755 : vector<16xi1>, vector<16xi32>
    %reduce_sum3A_757 = arith.constant true
    %reduce_sum3A_758 = vector.broadcast %reduce_sum3A_757 : i1 to vector<16xi1>
    %reduce_sum3A_759 = tpu.scan <sum>, %select_n3A_756 masked %reduce_sum3A_758 : vector<16xi32>, vector<16xi1> -> vector<16xi32>
    %reduce_sum3A_760 = vector.extract %reduce_sum3A_759[15] : i32 from vector<16xi32>
    %add3A_761 = vector.broadcast %reduce_sum3A_760 : i32 to vector<16xi32>
    %add3A_762 = arith.addi %add3A_761, %sub3A_750 : vector<16xi32>
    %select_n3A_763 = arith.select %eq3A_743, %add3A_762, %select_n3A_732 : vector<16xi1>, vector<16xi32>
    %all_reduce_population_count3A_764 = tpu.all_reduce %eq3A_743 {dim = 0 : i64, kind = #tpu.reduction_kind<sum>} : vector<16xi1> -> vector<16xi32>
    %eq3A_765 = arith.constant 5 : i32
    %eq3A_766 = vector.broadcast %eq3A_765 : i32 to vector<16xi32>
    %eq3A_767 = arith.cmpi eq, %iota3A, %eq3A_766 : vector<16xi32>
    %jit3A_768 = arith.constant 0 : i32
    %broadcast_in_dim3A_769 = vector.broadcast %jit3A_768 : i32 to vector<16xi32>
    %select_n3A_770 = arith.select %eq3A_767, %all_reduce_population_count3A_764, %broadcast_in_dim3A_769 : vector<16xi1>, vector<16xi32>
    %add3A_771 = arith.addi %add3A_740, %select_n3A_770 : vector<16xi32>
    %eq3A_772 = arith.constant 6 : i32
    %eq3A_773 = vector.broadcast %eq3A_772 : i32 to vector<16xi32>
    %eq3A_774 = arith.cmpi eq, %get3A_583, %eq3A_773 : vector<16xi32>
    %convert_element_type3A_775 = arith.extui %eq3A_774 : vector<16xi1> to vector<16xi32>
    %broadcast_in_dim3A_776 = arith.constant true
    %broadcast_in_dim3A_777 = vector.broadcast %broadcast_in_dim3A_776 : i1 to vector<16xi1>
    %masked_cumsum3A_778 = tpu.scan <sum>, %convert_element_type3A_775 masked %broadcast_in_dim3A_777 : vector<16xi32>, vector<16xi1> -> vector<16xi32>
    %sub3A_779 = arith.constant 1 : i32
    %sub3A_780 = vector.broadcast %sub3A_779 : i32 to vector<16xi32>
    %sub3A_781 = arith.subi %masked_cumsum3A_778, %sub3A_780 : vector<16xi32>
    %eq3A_782 = arith.constant 6 : i32
    %eq3A_783 = vector.broadcast %eq3A_782 : i32 to vector<16xi32>
    %eq3A_784 = arith.cmpi eq, %iota3A, %eq3A_783 : vector<16xi32>
    %jit3A_785 = arith.constant 0 : i32
    %broadcast_in_dim3A_786 = vector.broadcast %jit3A_785 : i32 to vector<16xi32>
    %select_n3A_787 = arith.select %eq3A_784, %add3A_771, %broadcast_in_dim3A_786 : vector<16xi1>, vector<16xi32>
    %reduce_sum3A_788 = arith.constant true
    %reduce_sum3A_789 = vector.broadcast %reduce_sum3A_788 : i1 to vector<16xi1>
    %reduce_sum3A_790 = tpu.scan <sum>, %select_n3A_787 masked %reduce_sum3A_789 : vector<16xi32>, vector<16xi1> -> vector<16xi32>
    %reduce_sum3A_791 = vector.extract %reduce_sum3A_790[15] : i32 from vector<16xi32>
    %add3A_792 = vector.broadcast %reduce_sum3A_791 : i32 to vector<16xi32>
    %add3A_793 = arith.addi %add3A_792, %sub3A_781 : vector<16xi32>
    %select_n3A_794 = arith.select %eq3A_774, %add3A_793, %select_n3A_763 : vector<16xi1>, vector<16xi32>
    %all_reduce_population_count3A_795 = tpu.all_reduce %eq3A_774 {dim = 0 : i64, kind = #tpu.reduction_kind<sum>} : vector<16xi1> -> vector<16xi32>
    %eq3A_796 = arith.constant 6 : i32
    %eq3A_797 = vector.broadcast %eq3A_796 : i32 to vector<16xi32>
    %eq3A_798 = arith.cmpi eq, %iota3A, %eq3A_797 : vector<16xi32>
    %jit3A_799 = arith.constant 0 : i32
    %broadcast_in_dim3A_800 = vector.broadcast %jit3A_799 : i32 to vector<16xi32>
    %select_n3A_801 = arith.select %eq3A_798, %all_reduce_population_count3A_795, %broadcast_in_dim3A_800 : vector<16xi1>, vector<16xi32>
    %add3A_802 = arith.addi %add3A_771, %select_n3A_801 : vector<16xi32>
    %eq3A_803 = arith.constant 7 : i32
    %eq3A_804 = vector.broadcast %eq3A_803 : i32 to vector<16xi32>
    %eq3A_805 = arith.cmpi eq, %get3A_583, %eq3A_804 : vector<16xi32>
    %convert_element_type3A_806 = arith.extui %eq3A_805 : vector<16xi1> to vector<16xi32>
    %broadcast_in_dim3A_807 = arith.constant true
    %broadcast_in_dim3A_808 = vector.broadcast %broadcast_in_dim3A_807 : i1 to vector<16xi1>
    %masked_cumsum3A_809 = tpu.scan <sum>, %convert_element_type3A_806 masked %broadcast_in_dim3A_808 : vector<16xi32>, vector<16xi1> -> vector<16xi32>
    %sub3A_810 = arith.constant 1 : i32
    %sub3A_811 = vector.broadcast %sub3A_810 : i32 to vector<16xi32>
    %sub3A_812 = arith.subi %masked_cumsum3A_809, %sub3A_811 : vector<16xi32>
    %eq3A_813 = arith.constant 7 : i32
    %eq3A_814 = vector.broadcast %eq3A_813 : i32 to vector<16xi32>
    %eq3A_815 = arith.cmpi eq, %iota3A, %eq3A_814 : vector<16xi32>
    %jit3A_816 = arith.constant 0 : i32
    %broadcast_in_dim3A_817 = vector.broadcast %jit3A_816 : i32 to vector<16xi32>
    %select_n3A_818 = arith.select %eq3A_815, %add3A_802, %broadcast_in_dim3A_817 : vector<16xi1>, vector<16xi32>
    %reduce_sum3A_819 = arith.constant true
    %reduce_sum3A_820 = vector.broadcast %reduce_sum3A_819 : i1 to vector<16xi1>
    %reduce_sum3A_821 = tpu.scan <sum>, %select_n3A_818 masked %reduce_sum3A_820 : vector<16xi32>, vector<16xi1> -> vector<16xi32>
    %reduce_sum3A_822 = vector.extract %reduce_sum3A_821[15] : i32 from vector<16xi32>
    %add3A_823 = vector.broadcast %reduce_sum3A_822 : i32 to vector<16xi32>
    %add3A_824 = arith.addi %add3A_823, %sub3A_812 : vector<16xi32>
    %select_n3A_825 = arith.select %eq3A_805, %add3A_824, %select_n3A_794 : vector<16xi1>, vector<16xi32>
    %all_reduce_population_count3A_826 = tpu.all_reduce %eq3A_805 {dim = 0 : i64, kind = #tpu.reduction_kind<sum>} : vector<16xi1> -> vector<16xi32>
    %eq3A_827 = arith.constant 7 : i32
    %eq3A_828 = vector.broadcast %eq3A_827 : i32 to vector<16xi32>
    %eq3A_829 = arith.cmpi eq, %iota3A, %eq3A_828 : vector<16xi32>
    %jit3A_830 = arith.constant 0 : i32
    %broadcast_in_dim3A_831 = vector.broadcast %jit3A_830 : i32 to vector<16xi32>
    %select_n3A_832 = arith.select %eq3A_829, %all_reduce_population_count3A_826, %broadcast_in_dim3A_831 : vector<16xi1>, vector<16xi32>
    %add3A_833 = arith.addi %add3A_802, %select_n3A_832 : vector<16xi32>
    %swap3A_834 = arith.constant 16 : index
    %swap3A_835 = tpu.vector_load %arg10[%swap3A_834] {strides = array<i32>} : memref<128xi32, #tpu.memory_space<vmem>>, vector<16xi32>,
    tpu.vector_store %arg10[%swap3A_834], %select_n3A_825 {strides = array<i32>} : memref<128xi32, #tpu.memory_space<vmem>>, vector<16xi32>,
    %get3A_836 = arith.constant 32 : index
    %get3A_837 = tpu.vector_load %arg8[%get3A_836] {strides = array<i32>} : memref<128xi32, #tpu.memory_space<vmem>>, vector<16xi32>,
    %broadcast_in_dim3A_838 = arith.constant 0 : i32
    %broadcast_in_dim3A_839 = vector.broadcast %broadcast_in_dim3A_838 : i32 to vector<16xi32>
    %eq3A_840 = arith.constant 0 : i32
    %eq3A_841 = vector.broadcast %eq3A_840 : i32 to vector<16xi32>
    %eq3A_842 = arith.cmpi eq, %get3A_837, %eq3A_841 : vector<16xi32>
    %convert_element_type3A_843 = arith.extui %eq3A_842 : vector<16xi1> to vector<16xi32>
    %broadcast_in_dim3A_844 = arith.constant true
    %broadcast_in_dim3A_845 = vector.broadcast %broadcast_in_dim3A_844 : i1 to vector<16xi1>
    %masked_cumsum3A_846 = tpu.scan <sum>, %convert_element_type3A_843 masked %broadcast_in_dim3A_845 : vector<16xi32>, vector<16xi1> -> vector<16xi32>
    %sub3A_847 = arith.constant 1 : i32
    %sub3A_848 = vector.broadcast %sub3A_847 : i32 to vector<16xi32>
    %sub3A_849 = arith.subi %masked_cumsum3A_846, %sub3A_848 : vector<16xi32>
    %eq3A_850 = arith.constant 0 : i32
    %eq3A_851 = vector.broadcast %eq3A_850 : i32 to vector<16xi32>
    %eq3A_852 = arith.cmpi eq, %iota3A, %eq3A_851 : vector<16xi32>
    %jit3A_853 = arith.constant 0 : i32
    %broadcast_in_dim3A_854 = vector.broadcast %jit3A_853 : i32 to vector<16xi32>
    %select_n3A_855 = arith.select %eq3A_852, %add3A_833, %broadcast_in_dim3A_854 : vector<16xi1>, vector<16xi32>
    %reduce_sum3A_856 = arith.constant true
    %reduce_sum3A_857 = vector.broadcast %reduce_sum3A_856 : i1 to vector<16xi1>
    %reduce_sum3A_858 = tpu.scan <sum>, %select_n3A_855 masked %reduce_sum3A_857 : vector<16xi32>, vector<16xi1> -> vector<16xi32>
    %reduce_sum3A_859 = vector.extract %reduce_sum3A_858[15] : i32 from vector<16xi32>
    %add3A_860 = vector.broadcast %reduce_sum3A_859 : i32 to vector<16xi32>
    %add3A_861 = arith.addi %add3A_860, %sub3A_849 : vector<16xi32>
    %select_n3A_862 = arith.select %eq3A_842, %add3A_861, %broadcast_in_dim3A_839 : vector<16xi1>, vector<16xi32>
    %all_reduce_population_count3A_863 = tpu.all_reduce %eq3A_842 {dim = 0 : i64, kind = #tpu.reduction_kind<sum>} : vector<16xi1> -> vector<16xi32>
    %eq3A_864 = arith.constant 0 : i32
    %eq3A_865 = vector.broadcast %eq3A_864 : i32 to vector<16xi32>
    %eq3A_866 = arith.cmpi eq, %iota3A, %eq3A_865 : vector<16xi32>
    %jit3A_867 = arith.constant 0 : i32
    %broadcast_in_dim3A_868 = vector.broadcast %jit3A_867 : i32 to vector<16xi32>
    %select_n3A_869 = arith.select %eq3A_866, %all_reduce_population_count3A_863, %broadcast_in_dim3A_868 : vector<16xi1>, vector<16xi32>
    %add3A_870 = arith.addi %add3A_833, %select_n3A_869 : vector<16xi32>
    %eq3A_871 = arith.constant 1 : i32
    %eq3A_872 = vector.broadcast %eq3A_871 : i32 to vector<16xi32>
    %eq3A_873 = arith.cmpi eq, %get3A_837, %eq3A_872 : vector<16xi32>
    %convert_element_type3A_874 = arith.extui %eq3A_873 : vector<16xi1> to vector<16xi32>
    %broadcast_in_dim3A_875 = arith.constant true
    %broadcast_in_dim3A_876 = vector.broadcast %broadcast_in_dim3A_875 : i1 to vector<16xi1>
    %masked_cumsum3A_877 = tpu.scan <sum>, %convert_element_type3A_874 masked %broadcast_in_dim3A_876 : vector<16xi32>, vector<16xi1> -> vector<16xi32>
    %sub3A_878 = arith.constant 1 : i32
    %sub3A_879 = vector.broadcast %sub3A_878 : i32 to vector<16xi32>
    %sub3A_880 = arith.subi %masked_cumsum3A_877, %sub3A_879 : vector<16xi32>
    %eq3A_881 = arith.constant 1 : i32
    %eq3A_882 = vector.broadcast %eq3A_881 : i32 to vector<16xi32>
    %eq3A_883 = arith.cmpi eq, %iota3A, %eq3A_882 : vector<16xi32>
    %jit3A_884 = arith.constant 0 : i32
    %broadcast_in_dim3A_885 = vector.broadcast %jit3A_884 : i32 to vector<16xi32>
    %select_n3A_886 = arith.select %eq3A_883, %add3A_870, %broadcast_in_dim3A_885 : vector<16xi1>, vector<16xi32>
    %reduce_sum3A_887 = arith.constant true
    %reduce_sum3A_888 = vector.broadcast %reduce_sum3A_887 : i1 to vector<16xi1>
    %reduce_sum3A_889 = tpu.scan <sum>, %select_n3A_886 masked %reduce_sum3A_888 : vector<16xi32>, vector<16xi1> -> vector<16xi32>
    %reduce_sum3A_890 = vector.extract %reduce_sum3A_889[15] : i32 from vector<16xi32>
    %add3A_891 = vector.broadcast %reduce_sum3A_890 : i32 to vector<16xi32>
    %add3A_892 = arith.addi %add3A_891, %sub3A_880 : vector<16xi32>
    %select_n3A_893 = arith.select %eq3A_873, %add3A_892, %select_n3A_862 : vector<16xi1>, vector<16xi32>
    %all_reduce_population_count3A_894 = tpu.all_reduce %eq3A_873 {dim = 0 : i64, kind = #tpu.reduction_kind<sum>} : vector<16xi1> -> vector<16xi32>
    %eq3A_895 = arith.constant 1 : i32
    %eq3A_896 = vector.broadcast %eq3A_895 : i32 to vector<16xi32>
    %eq3A_897 = arith.cmpi eq, %iota3A, %eq3A_896 : vector<16xi32>
    %jit3A_898 = arith.constant 0 : i32
    %broadcast_in_dim3A_899 = vector.broadcast %jit3A_898 : i32 to vector<16xi32>
    %select_n3A_900 = arith.select %eq3A_897, %all_reduce_population_count3A_894, %broadcast_in_dim3A_899 : vector<16xi1>, vector<16xi32>
    %add3A_901 = arith.addi %add3A_870, %select_n3A_900 : vector<16xi32>
    %eq3A_902 = arith.constant 2 : i32
    %eq3A_903 = vector.broadcast %eq3A_902 : i32 to vector<16xi32>
    %eq3A_904 = arith.cmpi eq, %get3A_837, %eq3A_903 : vector<16xi32>
    %convert_element_type3A_905 = arith.extui %eq3A_904 : vector<16xi1> to vector<16xi32>
    %broadcast_in_dim3A_906 = arith.constant true
    %broadcast_in_dim3A_907 = vector.broadcast %broadcast_in_dim3A_906 : i1 to vector<16xi1>
    %masked_cumsum3A_908 = tpu.scan <sum>, %convert_element_type3A_905 masked %broadcast_in_dim3A_907 : vector<16xi32>, vector<16xi1> -> vector<16xi32>
    %sub3A_909 = arith.constant 1 : i32
    %sub3A_910 = vector.broadcast %sub3A_909 : i32 to vector<16xi32>
    %sub3A_911 = arith.subi %masked_cumsum3A_908, %sub3A_910 : vector<16xi32>
    %eq3A_912 = arith.constant 2 : i32
    %eq3A_913 = vector.broadcast %eq3A_912 : i32 to vector<16xi32>
    %eq3A_914 = arith.cmpi eq, %iota3A, %eq3A_913 : vector<16xi32>
    %jit3A_915 = arith.constant 0 : i32
    %broadcast_in_dim3A_916 = vector.broadcast %jit3A_915 : i32 to vector<16xi32>
    %select_n3A_917 = arith.select %eq3A_914, %add3A_901, %broadcast_in_dim3A_916 : vector<16xi1>, vector<16xi32>
    %reduce_sum3A_918 = arith.constant true
    %reduce_sum3A_919 = vector.broadcast %reduce_sum3A_918 : i1 to vector<16xi1>
    %reduce_sum3A_920 = tpu.scan <sum>, %select_n3A_917 masked %reduce_sum3A_919 : vector<16xi32>, vector<16xi1> -> vector<16xi32>
    %reduce_sum3A_921 = vector.extract %reduce_sum3A_920[15] : i32 from vector<16xi32>
    %add3A_922 = vector.broadcast %reduce_sum3A_921 : i32 to vector<16xi32>
    %add3A_923 = arith.addi %add3A_922, %sub3A_911 : vector<16xi32>
    %select_n3A_924 = arith.select %eq3A_904, %add3A_923, %select_n3A_893 : vector<16xi1>, vector<16xi32>
    %all_reduce_population_count3A_925 = tpu.all_reduce %eq3A_904 {dim = 0 : i64, kind = #tpu.reduction_kind<sum>} : vector<16xi1> -> vector<16xi32>
    %eq3A_926 = arith.constant 2 : i32
    %eq3A_927 = vector.broadcast %eq3A_926 : i32 to vector<16xi32>
    %eq3A_928 = arith.cmpi eq, %iota3A, %eq3A_927 : vector<16xi32>
    %jit3A_929 = arith.constant 0 : i32
    %broadcast_in_dim3A_930 = vector.broadcast %jit3A_929 : i32 to vector<16xi32>
    %select_n3A_931 = arith.select %eq3A_928, %all_reduce_population_count3A_925, %broadcast_in_dim3A_930 : vector<16xi1>, vector<16xi32>
    %add3A_932 = arith.addi %add3A_901, %select_n3A_931 : vector<16xi32>
    %eq3A_933 = arith.constant 3 : i32
    %eq3A_934 = vector.broadcast %eq3A_933 : i32 to vector<16xi32>
    %eq3A_935 = arith.cmpi eq, %get3A_837, %eq3A_934 : vector<16xi32>
    %convert_element_type3A_936 = arith.extui %eq3A_935 : vector<16xi1> to vector<16xi32>
    %broadcast_in_dim3A_937 = arith.constant true
    %broadcast_in_dim3A_938 = vector.broadcast %broadcast_in_dim3A_937 : i1 to vector<16xi1>
    %masked_cumsum3A_939 = tpu.scan <sum>, %convert_element_type3A_936 masked %broadcast_in_dim3A_938 : vector<16xi32>, vector<16xi1> -> vector<16xi32>
    %sub3A_940 = arith.constant 1 : i32
    %sub3A_941 = vector.broadcast %sub3A_940 : i32 to vector<16xi32>
    %sub3A_942 = arith.subi %masked_cumsum3A_939, %sub3A_941 : vector<16xi32>
    %eq3A_943 = arith.constant 3 : i32
    %eq3A_944 = vector.broadcast %eq3A_943 : i32 to vector<16xi32>
    %eq3A_945 = arith.cmpi eq, %iota3A, %eq3A_944 : vector<16xi32>
    %jit3A_946 = arith.constant 0 : i32
    %broadcast_in_dim3A_947 = vector.broadcast %jit3A_946 : i32 to vector<16xi32>
    %select_n3A_948 = arith.select %eq3A_945, %add3A_932, %broadcast_in_dim3A_947 : vector<16xi1>, vector<16xi32>
    %reduce_sum3A_949 = arith.constant true
    %reduce_sum3A_950 = vector.broadcast %reduce_sum3A_949 : i1 to vector<16xi1>
    %reduce_sum3A_951 = tpu.scan <sum>, %select_n3A_948 masked %reduce_sum3A_950 : vector<16xi32>, vector<16xi1> -> vector<16xi32>
    %reduce_sum3A_952 = vector.extract %reduce_sum3A_951[15] : i32 from vector<16xi32>
    %add3A_953 = vector.broadcast %reduce_sum3A_952 : i32 to vector<16xi32>
    %add3A_954 = arith.addi %add3A_953, %sub3A_942 : vector<16xi32>
    %select_n3A_955 = arith.select %eq3A_935, %add3A_954, %select_n3A_924 : vector<16xi1>, vector<16xi32>
    %all_reduce_population_count3A_956 = tpu.all_reduce %eq3A_935 {dim = 0 : i64, kind = #tpu.reduction_kind<sum>} : vector<16xi1> -> vector<16xi32>
    %eq3A_957 = arith.constant 3 : i32
    %eq3A_958 = vector.broadcast %eq3A_957 : i32 to vector<16xi32>
    %eq3A_959 = arith.cmpi eq, %iota3A, %eq3A_958 : vector<16xi32>
    %jit3A_960 = arith.constant 0 : i32
    %broadcast_in_dim3A_961 = vector.broadcast %jit3A_960 : i32 to vector<16xi32>
    %select_n3A_962 = arith.select %eq3A_959, %all_reduce_population_count3A_956, %broadcast_in_dim3A_961 : vector<16xi1>, vector<16xi32>
    %add3A_963 = arith.addi %add3A_932, %select_n3A_962 : vector<16xi32>
    %eq3A_964 = arith.constant 4 : i32
    %eq3A_965 = vector.broadcast %eq3A_964 : i32 to vector<16xi32>
    %eq3A_966 = arith.cmpi eq, %get3A_837, %eq3A_965 : vector<16xi32>
    %convert_element_type3A_967 = arith.extui %eq3A_966 : vector<16xi1> to vector<16xi32>
    %broadcast_in_dim3A_968 = arith.constant true
    %broadcast_in_dim3A_969 = vector.broadcast %broadcast_in_dim3A_968 : i1 to vector<16xi1>
    %masked_cumsum3A_970 = tpu.scan <sum>, %convert_element_type3A_967 masked %broadcast_in_dim3A_969 : vector<16xi32>, vector<16xi1> -> vector<16xi32>
    %sub3A_971 = arith.constant 1 : i32
    %sub3A_972 = vector.broadcast %sub3A_971 : i32 to vector<16xi32>
    %sub3A_973 = arith.subi %masked_cumsum3A_970, %sub3A_972 : vector<16xi32>
    %eq3A_974 = arith.constant 4 : i32
    %eq3A_975 = vector.broadcast %eq3A_974 : i32 to vector<16xi32>
    %eq3A_976 = arith.cmpi eq, %iota3A, %eq3A_975 : vector<16xi32>
    %jit3A_977 = arith.constant 0 : i32
    %broadcast_in_dim3A_978 = vector.broadcast %jit3A_977 : i32 to vector<16xi32>
    %select_n3A_979 = arith.select %eq3A_976, %add3A_963, %broadcast_in_dim3A_978 : vector<16xi1>, vector<16xi32>
    %reduce_sum3A_980 = arith.constant true
    %reduce_sum3A_981 = vector.broadcast %reduce_sum3A_980 : i1 to vector<16xi1>
    %reduce_sum3A_982 = tpu.scan <sum>, %select_n3A_979 masked %reduce_sum3A_981 : vector<16xi32>, vector<16xi1> -> vector<16xi32>
    %reduce_sum3A_983 = vector.extract %reduce_sum3A_982[15] : i32 from vector<16xi32>
    %add3A_984 = vector.broadcast %reduce_sum3A_983 : i32 to vector<16xi32>
    %add3A_985 = arith.addi %add3A_984, %sub3A_973 : vector<16xi32>
    %select_n3A_986 = arith.select %eq3A_966, %add3A_985, %select_n3A_955 : vector<16xi1>, vector<16xi32>
    %all_reduce_population_count3A_987 = tpu.all_reduce %eq3A_966 {dim = 0 : i64, kind = #tpu.reduction_kind<sum>} : vector<16xi1> -> vector<16xi32>
    %eq3A_988 = arith.constant 4 : i32
    %eq3A_989 = vector.broadcast %eq3A_988 : i32 to vector<16xi32>
    %eq3A_990 = arith.cmpi eq, %iota3A, %eq3A_989 : vector<16xi32>
    %jit3A_991 = arith.constant 0 : i32
    %broadcast_in_dim3A_992 = vector.broadcast %jit3A_991 : i32 to vector<16xi32>
    %select_n3A_993 = arith.select %eq3A_990, %all_reduce_population_count3A_987, %broadcast_in_dim3A_992 : vector<16xi1>, vector<16xi32>
    %add3A_994 = arith.addi %add3A_963, %select_n3A_993 : vector<16xi32>
    %eq3A_995 = arith.constant 5 : i32
    %eq3A_996 = vector.broadcast %eq3A_995 : i32 to vector<16xi32>
    %eq3A_997 = arith.cmpi eq, %get3A_837, %eq3A_996 : vector<16xi32>
    %convert_element_type3A_998 = arith.extui %eq3A_997 : vector<16xi1> to vector<16xi32>
    %broadcast_in_dim3A_999 = arith.constant true
    %broadcast_in_dim3A_1000 = vector.broadcast %broadcast_in_dim3A_999 : i1 to vector<16xi1>
    %masked_cumsum3A_1001 = tpu.scan <sum>, %convert_element_type3A_998 masked %broadcast_in_dim3A_1000 : vector<16xi32>, vector<16xi1> -> vector<16xi32>
    %sub3A_1002 = arith.constant 1 : i32
    %sub3A_1003 = vector.broadcast %sub3A_1002 : i32 to vector<16xi32>
    %sub3A_1004 = arith.subi %masked_cumsum3A_1001, %sub3A_1003 : vector<16xi32>
    %eq3A_1005 = arith.constant 5 : i32
    %eq3A_1006 = vector.broadcast %eq3A_1005 : i32 to vector<16xi32>
    %eq3A_1007 = arith.cmpi eq, %iota3A, %eq3A_1006 : vector<16xi32>
    %jit3A_1008 = arith.constant 0 : i32
    %broadcast_in_dim3A_1009 = vector.broadcast %jit3A_1008 : i32 to vector<16xi32>
    %select_n3A_1010 = arith.select %eq3A_1007, %add3A_994, %broadcast_in_dim3A_1009 : vector<16xi1>, vector<16xi32>
    %reduce_sum3A_1011 = arith.constant true
    %reduce_sum3A_1012 = vector.broadcast %reduce_sum3A_1011 : i1 to vector<16xi1>
    %reduce_sum3A_1013 = tpu.scan <sum>, %select_n3A_1010 masked %reduce_sum3A_1012 : vector<16xi32>, vector<16xi1> -> vector<16xi32>
    %reduce_sum3A_1014 = vector.extract %reduce_sum3A_1013[15] : i32 from vector<16xi32>
    %add3A_1015 = vector.broadcast %reduce_sum3A_1014 : i32 to vector<16xi32>
    %add3A_1016 = arith.addi %add3A_1015, %sub3A_1004 : vector<16xi32>
    %select_n3A_1017 = arith.select %eq3A_997, %add3A_1016, %select_n3A_986 : vector<16xi1>, vector<16xi32>
    %all_reduce_population_count3A_1018 = tpu.all_reduce %eq3A_997 {dim = 0 : i64, kind = #tpu.reduction_kind<sum>} : vector<16xi1> -> vector<16xi32>
    %eq3A_1019 = arith.constant 5 : i32
    %eq3A_1020 = vector.broadcast %eq3A_1019 : i32 to vector<16xi32>
    %eq3A_1021 = arith.cmpi eq, %iota3A, %eq3A_1020 : vector<16xi32>
    %jit3A_1022 = arith.constant 0 : i32
    %broadcast_in_dim3A_1023 = vector.broadcast %jit3A_1022 : i32 to vector<16xi32>
    %select_n3A_1024 = arith.select %eq3A_1021, %all_reduce_population_count3A_1018, %broadcast_in_dim3A_1023 : vector<16xi1>, vector<16xi32>
    %add3A_1025 = arith.addi %add3A_994, %select_n3A_1024 : vector<16xi32>
    %eq3A_1026 = arith.constant 6 : i32
    %eq3A_1027 = vector.broadcast %eq3A_1026 : i32 to vector<16xi32>
    %eq3A_1028 = arith.cmpi eq, %get3A_837, %eq3A_1027 : vector<16xi32>
    %convert_element_type3A_1029 = arith.extui %eq3A_1028 : vector<16xi1> to vector<16xi32>
    %broadcast_in_dim3A_1030 = arith.constant true
    %broadcast_in_dim3A_1031 = vector.broadcast %broadcast_in_dim3A_1030 : i1 to vector<16xi1>
    %masked_cumsum3A_1032 = tpu.scan <sum>, %convert_element_type3A_1029 masked %broadcast_in_dim3A_1031 : vector<16xi32>, vector<16xi1> -> vector<16xi32>
    %sub3A_1033 = arith.constant 1 : i32
    %sub3A_1034 = vector.broadcast %sub3A_1033 : i32 to vector<16xi32>
    %sub3A_1035 = arith.subi %masked_cumsum3A_1032, %sub3A_1034 : vector<16xi32>
    %eq3A_1036 = arith.constant 6 : i32
    %eq3A_1037 = vector.broadcast %eq3A_1036 : i32 to vector<16xi32>
    %eq3A_1038 = arith.cmpi eq, %iota3A, %eq3A_1037 : vector<16xi32>
    %jit3A_1039 = arith.constant 0 : i32
    %broadcast_in_dim3A_1040 = vector.broadcast %jit3A_1039 : i32 to vector<16xi32>
    %select_n3A_1041 = arith.select %eq3A_1038, %add3A_1025, %broadcast_in_dim3A_1040 : vector<16xi1>, vector<16xi32>
    %reduce_sum3A_1042 = arith.constant true
    %reduce_sum3A_1043 = vector.broadcast %reduce_sum3A_1042 : i1 to vector<16xi1>
    %reduce_sum3A_1044 = tpu.scan <sum>, %select_n3A_1041 masked %reduce_sum3A_1043 : vector<16xi32>, vector<16xi1> -> vector<16xi32>
    %reduce_sum3A_1045 = vector.extract %reduce_sum3A_1044[15] : i32 from vector<16xi32>
    %add3A_1046 = vector.broadcast %reduce_sum3A_1045 : i32 to vector<16xi32>
    %add3A_1047 = arith.addi %add3A_1046, %sub3A_1035 : vector<16xi32>
    %select_n3A_1048 = arith.select %eq3A_1028, %add3A_1047, %select_n3A_1017 : vector<16xi1>, vector<16xi32>
    %all_reduce_population_count3A_1049 = tpu.all_reduce %eq3A_1028 {dim = 0 : i64, kind = #tpu.reduction_kind<sum>} : vector<16xi1> -> vector<16xi32>
    %eq3A_1050 = arith.constant 6 : i32
    %eq3A_1051 = vector.broadcast %eq3A_1050 : i32 to vector<16xi32>
    %eq3A_1052 = arith.cmpi eq, %iota3A, %eq3A_1051 : vector<16xi32>
    %jit3A_1053 = arith.constant 0 : i32
    %broadcast_in_dim3A_1054 = vector.broadcast %jit3A_1053 : i32 to vector<16xi32>
    %select_n3A_1055 = arith.select %eq3A_1052, %all_reduce_population_count3A_1049, %broadcast_in_dim3A_1054 : vector<16xi1>, vector<16xi32>
    %add3A_1056 = arith.addi %add3A_1025, %select_n3A_1055 : vector<16xi32>
    %eq3A_1057 = arith.constant 7 : i32
    %eq3A_1058 = vector.broadcast %eq3A_1057 : i32 to vector<16xi32>
    %eq3A_1059 = arith.cmpi eq, %get3A_837, %eq3A_1058 : vector<16xi32>
    %convert_element_type3A_1060 = arith.extui %eq3A_1059 : vector<16xi1> to vector<16xi32>
    %broadcast_in_dim3A_1061 = arith.constant true
    %broadcast_in_dim3A_1062 = vector.broadcast %broadcast_in_dim3A_1061 : i1 to vector<16xi1>
    %masked_cumsum3A_1063 = tpu.scan <sum>, %convert_element_type3A_1060 masked %broadcast_in_dim3A_1062 : vector<16xi32>, vector<16xi1> -> vector<16xi32>
    %sub3A_1064 = arith.constant 1 : i32
    %sub3A_1065 = vector.broadcast %sub3A_1064 : i32 to vector<16xi32>
    %sub3A_1066 = arith.subi %masked_cumsum3A_1063, %sub3A_1065 : vector<16xi32>
    %eq3A_1067 = arith.constant 7 : i32
    %eq3A_1068 = vector.broadcast %eq3A_1067 : i32 to vector<16xi32>
    %eq3A_1069 = arith.cmpi eq, %iota3A, %eq3A_1068 : vector<16xi32>
    %jit3A_1070 = arith.constant 0 : i32
    %broadcast_in_dim3A_1071 = vector.broadcast %jit3A_1070 : i32 to vector<16xi32>
    %select_n3A_1072 = arith.select %eq3A_1069, %add3A_1056, %broadcast_in_dim3A_1071 : vector<16xi1>, vector<16xi32>
    %reduce_sum3A_1073 = arith.constant true
    %reduce_sum3A_1074 = vector.broadcast %reduce_sum3A_1073 : i1 to vector<16xi1>
    %reduce_sum3A_1075 = tpu.scan <sum>, %select_n3A_1072 masked %reduce_sum3A_1074 : vector<16xi32>, vector<16xi1> -> vector<16xi32>
    %reduce_sum3A_1076 = vector.extract %reduce_sum3A_1075[15] : i32 from vector<16xi32>
    %add3A_1077 = vector.broadcast %reduce_sum3A_1076 : i32 to vector<16xi32>
    %add3A_1078 = arith.addi %add3A_1077, %sub3A_1066 : vector<16xi32>
    %select_n3A_1079 = arith.select %eq3A_1059, %add3A_1078, %select_n3A_1048 : vector<16xi1>, vector<16xi32>
    %all_reduce_population_count3A_1080 = tpu.all_reduce %eq3A_1059 {dim = 0 : i64, kind = #tpu.reduction_kind<sum>} : vector<16xi1> -> vector<16xi32>
    %eq3A_1081 = arith.constant 7 : i32
    %eq3A_1082 = vector.broadcast %eq3A_1081 : i32 to vector<16xi32>
    %eq3A_1083 = arith.cmpi eq, %iota3A, %eq3A_1082 : vector<16xi32>
    %jit3A_1084 = arith.constant 0 : i32
    %broadcast_in_dim3A_1085 = vector.broadcast %jit3A_1084 : i32 to vector<16xi32>
    %select_n3A_1086 = arith.select %eq3A_1083, %all_reduce_population_count3A_1080, %broadcast_in_dim3A_1085 : vector<16xi1>, vector<16xi32>
    %add3A_1087 = arith.addi %add3A_1056, %select_n3A_1086 : vector<16xi32>
    %swap3A_1088 = arith.constant 32 : index
    %swap3A_1089 = tpu.vector_load %arg10[%swap3A_1088] {strides = array<i32>} : memref<128xi32, #tpu.memory_space<vmem>>, vector<16xi32>,
    tpu.vector_store %arg10[%swap3A_1088], %select_n3A_1079 {strides = array<i32>} : memref<128xi32, #tpu.memory_space<vmem>>, vector<16xi32>,
    %get3A_1090 = arith.constant 48 : index
    %get3A_1091 = tpu.vector_load %arg8[%get3A_1090] {strides = array<i32>} : memref<128xi32, #tpu.memory_space<vmem>>, vector<16xi32>,
    %broadcast_in_dim3A_1092 = arith.constant 0 : i32
    %broadcast_in_dim3A_1093 = vector.broadcast %broadcast_in_dim3A_1092 : i32 to vector<16xi32>
    %eq3A_1094 = arith.constant 0 : i32
    %eq3A_1095 = vector.broadcast %eq3A_1094 : i32 to vector<16xi32>
    %eq3A_1096 = arith.cmpi eq, %get3A_1091, %eq3A_1095 : vector<16xi32>
    %convert_element_type3A_1097 = arith.extui %eq3A_1096 : vector<16xi1> to vector<16xi32>
    %broadcast_in_dim3A_1098 = arith.constant true
    %broadcast_in_dim3A_1099 = vector.broadcast %broadcast_in_dim3A_1098 : i1 to vector<16xi1>
    %masked_cumsum3A_1100 = tpu.scan <sum>, %convert_element_type3A_1097 masked %broadcast_in_dim3A_1099 : vector<16xi32>, vector<16xi1> -> vector<16xi32>
    %sub3A_1101 = arith.constant 1 : i32
    %sub3A_1102 = vector.broadcast %sub3A_1101 : i32 to vector<16xi32>
    %sub3A_1103 = arith.subi %masked_cumsum3A_1100, %sub3A_1102 : vector<16xi32>
    %eq3A_1104 = arith.constant 0 : i32
    %eq3A_1105 = vector.broadcast %eq3A_1104 : i32 to vector<16xi32>
    %eq3A_1106 = arith.cmpi eq, %iota3A, %eq3A_1105 : vector<16xi32>
    %jit3A_1107 = arith.constant 0 : i32
    %broadcast_in_dim3A_1108 = vector.broadcast %jit3A_1107 : i32 to vector<16xi32>
    %select_n3A_1109 = arith.select %eq3A_1106, %add3A_1087, %broadcast_in_dim3A_1108 : vector<16xi1>, vector<16xi32>
    %reduce_sum3A_1110 = arith.constant true
    %reduce_sum3A_1111 = vector.broadcast %reduce_sum3A_1110 : i1 to vector<16xi1>
    %reduce_sum3A_1112 = tpu.scan <sum>, %select_n3A_1109 masked %reduce_sum3A_1111 : vector<16xi32>, vector<16xi1> -> vector<16xi32>
    %reduce_sum3A_1113 = vector.extract %reduce_sum3A_1112[15] : i32 from vector<16xi32>
    %add3A_1114 = vector.broadcast %reduce_sum3A_1113 : i32 to vector<16xi32>
    %add3A_1115 = arith.addi %add3A_1114, %sub3A_1103 : vector<16xi32>
    %select_n3A_1116 = arith.select %eq3A_1096, %add3A_1115, %broadcast_in_dim3A_1093 : vector<16xi1>, vector<16xi32>
    %all_reduce_population_count3A_1117 = tpu.all_reduce %eq3A_1096 {dim = 0 : i64, kind = #tpu.reduction_kind<sum>} : vector<16xi1> -> vector<16xi32>
    %eq3A_1118 = arith.constant 0 : i32
    %eq3A_1119 = vector.broadcast %eq3A_1118 : i32 to vector<16xi32>
    %eq3A_1120 = arith.cmpi eq, %iota3A, %eq3A_1119 : vector<16xi32>
    %jit3A_1121 = arith.constant 0 : i32
    %broadcast_in_dim3A_1122 = vector.broadcast %jit3A_1121 : i32 to vector<16xi32>
    %select_n3A_1123 = arith.select %eq3A_1120, %all_reduce_population_count3A_1117, %broadcast_in_dim3A_1122 : vector<16xi1>, vector<16xi32>
    %add3A_1124 = arith.addi %add3A_1087, %select_n3A_1123 : vector<16xi32>
    %eq3A_1125 = arith.constant 1 : i32
    %eq3A_1126 = vector.broadcast %eq3A_1125 : i32 to vector<16xi32>
    %eq3A_1127 = arith.cmpi eq, %get3A_1091, %eq3A_1126 : vector<16xi32>
    %convert_element_type3A_1128 = arith.extui %eq3A_1127 : vector<16xi1> to vector<16xi32>
    %broadcast_in_dim3A_1129 = arith.constant true
    %broadcast_in_dim3A_1130 = vector.broadcast %broadcast_in_dim3A_1129 : i1 to vector<16xi1>
    %masked_cumsum3A_1131 = tpu.scan <sum>, %convert_element_type3A_1128 masked %broadcast_in_dim3A_1130 : vector<16xi32>, vector<16xi1> -> vector<16xi32>
    %sub3A_1132 = arith.constant 1 : i32
    %sub3A_1133 = vector.broadcast %sub3A_1132 : i32 to vector<16xi32>
    %sub3A_1134 = arith.subi %masked_cumsum3A_1131, %sub3A_1133 : vector<16xi32>
    %eq3A_1135 = arith.constant 1 : i32
    %eq3A_1136 = vector.broadcast %eq3A_1135 : i32 to vector<16xi32>
    %eq3A_1137 = arith.cmpi eq, %iota3A, %eq3A_1136 : vector<16xi32>
    %jit3A_1138 = arith.constant 0 : i32
    %broadcast_in_dim3A_1139 = vector.broadcast %jit3A_1138 : i32 to vector<16xi32>
    %select_n3A_1140 = arith.select %eq3A_1137, %add3A_1124, %broadcast_in_dim3A_1139 : vector<16xi1>, vector<16xi32>
    %reduce_sum3A_1141 = arith.constant true
    %reduce_sum3A_1142 = vector.broadcast %reduce_sum3A_1141 : i1 to vector<16xi1>
    %reduce_sum3A_1143 = tpu.scan <sum>, %select_n3A_1140 masked %reduce_sum3A_1142 : vector<16xi32>, vector<16xi1> -> vector<16xi32>
    %reduce_sum3A_1144 = vector.extract %reduce_sum3A_1143[15] : i32 from vector<16xi32>
    %add3A_1145 = vector.broadcast %reduce_sum3A_1144 : i32 to vector<16xi32>
    %add3A_1146 = arith.addi %add3A_1145, %sub3A_1134 : vector<16xi32>
    %select_n3A_1147 = arith.select %eq3A_1127, %add3A_1146, %select_n3A_1116 : vector<16xi1>, vector<16xi32>
    %all_reduce_population_count3A_1148 = tpu.all_reduce %eq3A_1127 {dim = 0 : i64, kind = #tpu.reduction_kind<sum>} : vector<16xi1> -> vector<16xi32>
    %eq3A_1149 = arith.constant 1 : i32
    %eq3A_1150 = vector.broadcast %eq3A_1149 : i32 to vector<16xi32>
    %eq3A_1151 = arith.cmpi eq, %iota3A, %eq3A_1150 : vector<16xi32>
    %jit3A_1152 = arith.constant 0 : i32
    %broadcast_in_dim3A_1153 = vector.broadcast %jit3A_1152 : i32 to vector<16xi32>
    %select_n3A_1154 = arith.select %eq3A_1151, %all_reduce_population_count3A_1148, %broadcast_in_dim3A_1153 : vector<16xi1>, vector<16xi32>
    %add3A_1155 = arith.addi %add3A_1124, %select_n3A_1154 : vector<16xi32>
    %eq3A_1156 = arith.constant 2 : i32
    %eq3A_1157 = vector.broadcast %eq3A_1156 : i32 to vector<16xi32>
    %eq3A_1158 = arith.cmpi eq, %get3A_1091, %eq3A_1157 : vector<16xi32>
    %convert_element_type3A_1159 = arith.extui %eq3A_1158 : vector<16xi1> to vector<16xi32>
    %broadcast_in_dim3A_1160 = arith.constant true
    %broadcast_in_dim3A_1161 = vector.broadcast %broadcast_in_dim3A_1160 : i1 to vector<16xi1>
    %masked_cumsum3A_1162 = tpu.scan <sum>, %convert_element_type3A_1159 masked %broadcast_in_dim3A_1161 : vector<16xi32>, vector<16xi1> -> vector<16xi32>
    %sub3A_1163 = arith.constant 1 : i32
    %sub3A_1164 = vector.broadcast %sub3A_1163 : i32 to vector<16xi32>
    %sub3A_1165 = arith.subi %masked_cumsum3A_1162, %sub3A_1164 : vector<16xi32>
    %eq3A_1166 = arith.constant 2 : i32
    %eq3A_1167 = vector.broadcast %eq3A_1166 : i32 to vector<16xi32>
    %eq3A_1168 = arith.cmpi eq, %iota3A, %eq3A_1167 : vector<16xi32>
    %jit3A_1169 = arith.constant 0 : i32
    %broadcast_in_dim3A_1170 = vector.broadcast %jit3A_1169 : i32 to vector<16xi32>
    %select_n3A_1171 = arith.select %eq3A_1168, %add3A_1155, %broadcast_in_dim3A_1170 : vector<16xi1>, vector<16xi32>
    %reduce_sum3A_1172 = arith.constant true
    %reduce_sum3A_1173 = vector.broadcast %reduce_sum3A_1172 : i1 to vector<16xi1>
    %reduce_sum3A_1174 = tpu.scan <sum>, %select_n3A_1171 masked %reduce_sum3A_1173 : vector<16xi32>, vector<16xi1> -> vector<16xi32>
    %reduce_sum3A_1175 = vector.extract %reduce_sum3A_1174[15] : i32 from vector<16xi32>
    %add3A_1176 = vector.broadcast %reduce_sum3A_1175 : i32 to vector<16xi32>
    %add3A_1177 = arith.addi %add3A_1176, %sub3A_1165 : vector<16xi32>
    %select_n3A_1178 = arith.select %eq3A_1158, %add3A_1177, %select_n3A_1147 : vector<16xi1>, vector<16xi32>
    %all_reduce_population_count3A_1179 = tpu.all_reduce %eq3A_1158 {dim = 0 : i64, kind = #tpu.reduction_kind<sum>} : vector<16xi1> -> vector<16xi32>
    %eq3A_1180 = arith.constant 2 : i32
    %eq3A_1181 = vector.broadcast %eq3A_1180 : i32 to vector<16xi32>
    %eq3A_1182 = arith.cmpi eq, %iota3A, %eq3A_1181 : vector<16xi32>
    %jit3A_1183 = arith.constant 0 : i32
    %broadcast_in_dim3A_1184 = vector.broadcast %jit3A_1183 : i32 to vector<16xi32>
    %select_n3A_1185 = arith.select %eq3A_1182, %all_reduce_population_count3A_1179, %broadcast_in_dim3A_1184 : vector<16xi1>, vector<16xi32>
    %add3A_1186 = arith.addi %add3A_1155, %select_n3A_1185 : vector<16xi32>
    %eq3A_1187 = arith.constant 3 : i32
    %eq3A_1188 = vector.broadcast %eq3A_1187 : i32 to vector<16xi32>
    %eq3A_1189 = arith.cmpi eq, %get3A_1091, %eq3A_1188 : vector<16xi32>
    %convert_element_type3A_1190 = arith.extui %eq3A_1189 : vector<16xi1> to vector<16xi32>
    %broadcast_in_dim3A_1191 = arith.constant true
    %broadcast_in_dim3A_1192 = vector.broadcast %broadcast_in_dim3A_1191 : i1 to vector<16xi1>
    %masked_cumsum3A_1193 = tpu.scan <sum>, %convert_element_type3A_1190 masked %broadcast_in_dim3A_1192 : vector<16xi32>, vector<16xi1> -> vector<16xi32>
    %sub3A_1194 = arith.constant 1 : i32
    %sub3A_1195 = vector.broadcast %sub3A_1194 : i32 to vector<16xi32>
    %sub3A_1196 = arith.subi %masked_cumsum3A_1193, %sub3A_1195 : vector<16xi32>
    %eq3A_1197 = arith.constant 3 : i32
    %eq3A_1198 = vector.broadcast %eq3A_1197 : i32 to vector<16xi32>
    %eq3A_1199 = arith.cmpi eq, %iota3A, %eq3A_1198 : vector<16xi32>
    %jit3A_1200 = arith.constant 0 : i32
    %broadcast_in_dim3A_1201 = vector.broadcast %jit3A_1200 : i32 to vector<16xi32>
    %select_n3A_1202 = arith.select %eq3A_1199, %add3A_1186, %broadcast_in_dim3A_1201 : vector<16xi1>, vector<16xi32>
    %reduce_sum3A_1203 = arith.constant true
    %reduce_sum3A_1204 = vector.broadcast %reduce_sum3A_1203 : i1 to vector<16xi1>
    %reduce_sum3A_1205 = tpu.scan <sum>, %select_n3A_1202 masked %reduce_sum3A_1204 : vector<16xi32>, vector<16xi1> -> vector<16xi32>
    %reduce_sum3A_1206 = vector.extract %reduce_sum3A_1205[15] : i32 from vector<16xi32>
    %add3A_1207 = vector.broadcast %reduce_sum3A_1206 : i32 to vector<16xi32>
    %add3A_1208 = arith.addi %add3A_1207, %sub3A_1196 : vector<16xi32>
    %select_n3A_1209 = arith.select %eq3A_1189, %add3A_1208, %select_n3A_1178 : vector<16xi1>, vector<16xi32>
    %all_reduce_population_count3A_1210 = tpu.all_reduce %eq3A_1189 {dim = 0 : i64, kind = #tpu.reduction_kind<sum>} : vector<16xi1> -> vector<16xi32>
    %eq3A_1211 = arith.constant 3 : i32
    %eq3A_1212 = vector.broadcast %eq3A_1211 : i32 to vector<16xi32>
    %eq3A_1213 = arith.cmpi eq, %iota3A, %eq3A_1212 : vector<16xi32>
    %jit3A_1214 = arith.constant 0 : i32
    %broadcast_in_dim3A_1215 = vector.broadcast %jit3A_1214 : i32 to vector<16xi32>
    %select_n3A_1216 = arith.select %eq3A_1213, %all_reduce_population_count3A_1210, %broadcast_in_dim3A_1215 : vector<16xi1>, vector<16xi32>
    %add3A_1217 = arith.addi %add3A_1186, %select_n3A_1216 : vector<16xi32>
    %eq3A_1218 = arith.constant 4 : i32
    %eq3A_1219 = vector.broadcast %eq3A_1218 : i32 to vector<16xi32>
    %eq3A_1220 = arith.cmpi eq, %get3A_1091, %eq3A_1219 : vector<16xi32>
    %convert_element_type3A_1221 = arith.extui %eq3A_1220 : vector<16xi1> to vector<16xi32>
    %broadcast_in_dim3A_1222 = arith.constant true
    %broadcast_in_dim3A_1223 = vector.broadcast %broadcast_in_dim3A_1222 : i1 to vector<16xi1>
    %masked_cumsum3A_1224 = tpu.scan <sum>, %convert_element_type3A_1221 masked %broadcast_in_dim3A_1223 : vector<16xi32>, vector<16xi1> -> vector<16xi32>
    %sub3A_1225 = arith.constant 1 : i32
    %sub3A_1226 = vector.broadcast %sub3A_1225 : i32 to vector<16xi32>
    %sub3A_1227 = arith.subi %masked_cumsum3A_1224, %sub3A_1226 : vector<16xi32>
    %eq3A_1228 = arith.constant 4 : i32
    %eq3A_1229 = vector.broadcast %eq3A_1228 : i32 to vector<16xi32>
    %eq3A_1230 = arith.cmpi eq, %iota3A, %eq3A_1229 : vector<16xi32>
    %jit3A_1231 = arith.constant 0 : i32
    %broadcast_in_dim3A_1232 = vector.broadcast %jit3A_1231 : i32 to vector<16xi32>
    %select_n3A_1233 = arith.select %eq3A_1230, %add3A_1217, %broadcast_in_dim3A_1232 : vector<16xi1>, vector<16xi32>
    %reduce_sum3A_1234 = arith.constant true
    %reduce_sum3A_1235 = vector.broadcast %reduce_sum3A_1234 : i1 to vector<16xi1>
    %reduce_sum3A_1236 = tpu.scan <sum>, %select_n3A_1233 masked %reduce_sum3A_1235 : vector<16xi32>, vector<16xi1> -> vector<16xi32>
    %reduce_sum3A_1237 = vector.extract %reduce_sum3A_1236[15] : i32 from vector<16xi32>
    %add3A_1238 = vector.broadcast %reduce_sum3A_1237 : i32 to vector<16xi32>
    %add3A_1239 = arith.addi %add3A_1238, %sub3A_1227 : vector<16xi32>
    %select_n3A_1240 = arith.select %eq3A_1220, %add3A_1239, %select_n3A_1209 : vector<16xi1>, vector<16xi32>
    %all_reduce_population_count3A_1241 = tpu.all_reduce %eq3A_1220 {dim = 0 : i64, kind = #tpu.reduction_kind<sum>} : vector<16xi1> -> vector<16xi32>
    %eq3A_1242 = arith.constant 4 : i32
    %eq3A_1243 = vector.broadcast %eq3A_1242 : i32 to vector<16xi32>
    %eq3A_1244 = arith.cmpi eq, %iota3A, %eq3A_1243 : vector<16xi32>
    %jit3A_1245 = arith.constant 0 : i32
    %broadcast_in_dim3A_1246 = vector.broadcast %jit3A_1245 : i32 to vector<16xi32>
    %select_n3A_1247 = arith.select %eq3A_1244, %all_reduce_population_count3A_1241, %broadcast_in_dim3A_1246 : vector<16xi1>, vector<16xi32>
    %add3A_1248 = arith.addi %add3A_1217, %select_n3A_1247 : vector<16xi32>
    %eq3A_1249 = arith.constant 5 : i32
    %eq3A_1250 = vector.broadcast %eq3A_1249 : i32 to vector<16xi32>
    %eq3A_1251 = arith.cmpi eq, %get3A_1091, %eq3A_1250 : vector<16xi32>
    %convert_element_type3A_1252 = arith.extui %eq3A_1251 : vector<16xi1> to vector<16xi32>
    %broadcast_in_dim3A_1253 = arith.constant true
    %broadcast_in_dim3A_1254 = vector.broadcast %broadcast_in_dim3A_1253 : i1 to vector<16xi1>
    %masked_cumsum3A_1255 = tpu.scan <sum>, %convert_element_type3A_1252 masked %broadcast_in_dim3A_1254 : vector<16xi32>, vector<16xi1> -> vector<16xi32>
    %sub3A_1256 = arith.constant 1 : i32
    %sub3A_1257 = vector.broadcast %sub3A_1256 : i32 to vector<16xi32>
    %sub3A_1258 = arith.subi %masked_cumsum3A_1255, %sub3A_1257 : vector<16xi32>
    %eq3A_1259 = arith.constant 5 : i32
    %eq3A_1260 = vector.broadcast %eq3A_1259 : i32 to vector<16xi32>
    %eq3A_1261 = arith.cmpi eq, %iota3A, %eq3A_1260 : vector<16xi32>
    %jit3A_1262 = arith.constant 0 : i32
    %broadcast_in_dim3A_1263 = vector.broadcast %jit3A_1262 : i32 to vector<16xi32>
    %select_n3A_1264 = arith.select %eq3A_1261, %add3A_1248, %broadcast_in_dim3A_1263 : vector<16xi1>, vector<16xi32>
    %reduce_sum3A_1265 = arith.constant true
    %reduce_sum3A_1266 = vector.broadcast %reduce_sum3A_1265 : i1 to vector<16xi1>
    %reduce_sum3A_1267 = tpu.scan <sum>, %select_n3A_1264 masked %reduce_sum3A_1266 : vector<16xi32>, vector<16xi1> -> vector<16xi32>
    %reduce_sum3A_1268 = vector.extract %reduce_sum3A_1267[15] : i32 from vector<16xi32>
    %add3A_1269 = vector.broadcast %reduce_sum3A_1268 : i32 to vector<16xi32>
    %add3A_1270 = arith.addi %add3A_1269, %sub3A_1258 : vector<16xi32>
    %select_n3A_1271 = arith.select %eq3A_1251, %add3A_1270, %select_n3A_1240 : vector<16xi1>, vector<16xi32>
    %all_reduce_population_count3A_1272 = tpu.all_reduce %eq3A_1251 {dim = 0 : i64, kind = #tpu.reduction_kind<sum>} : vector<16xi1> -> vector<16xi32>
    %eq3A_1273 = arith.constant 5 : i32
    %eq3A_1274 = vector.broadcast %eq3A_1273 : i32 to vector<16xi32>
    %eq3A_1275 = arith.cmpi eq, %iota3A, %eq3A_1274 : vector<16xi32>
    %jit3A_1276 = arith.constant 0 : i32
    %broadcast_in_dim3A_1277 = vector.broadcast %jit3A_1276 : i32 to vector<16xi32>
    %select_n3A_1278 = arith.select %eq3A_1275, %all_reduce_population_count3A_1272, %broadcast_in_dim3A_1277 : vector<16xi1>, vector<16xi32>
    %add3A_1279 = arith.addi %add3A_1248, %select_n3A_1278 : vector<16xi32>
    %eq3A_1280 = arith.constant 6 : i32
    %eq3A_1281 = vector.broadcast %eq3A_1280 : i32 to vector<16xi32>
    %eq3A_1282 = arith.cmpi eq, %get3A_1091, %eq3A_1281 : vector<16xi32>
    %convert_element_type3A_1283 = arith.extui %eq3A_1282 : vector<16xi1> to vector<16xi32>
    %broadcast_in_dim3A_1284 = arith.constant true
    %broadcast_in_dim3A_1285 = vector.broadcast %broadcast_in_dim3A_1284 : i1 to vector<16xi1>
    %masked_cumsum3A_1286 = tpu.scan <sum>, %convert_element_type3A_1283 masked %broadcast_in_dim3A_1285 : vector<16xi32>, vector<16xi1> -> vector<16xi32>
    %sub3A_1287 = arith.constant 1 : i32
    %sub3A_1288 = vector.broadcast %sub3A_1287 : i32 to vector<16xi32>
    %sub3A_1289 = arith.subi %masked_cumsum3A_1286, %sub3A_1288 : vector<16xi32>
    %eq3A_1290 = arith.constant 6 : i32
    %eq3A_1291 = vector.broadcast %eq3A_1290 : i32 to vector<16xi32>
    %eq3A_1292 = arith.cmpi eq, %iota3A, %eq3A_1291 : vector<16xi32>
    %jit3A_1293 = arith.constant 0 : i32
    %broadcast_in_dim3A_1294 = vector.broadcast %jit3A_1293 : i32 to vector<16xi32>
    %select_n3A_1295 = arith.select %eq3A_1292, %add3A_1279, %broadcast_in_dim3A_1294 : vector<16xi1>, vector<16xi32>
    %reduce_sum3A_1296 = arith.constant true
    %reduce_sum3A_1297 = vector.broadcast %reduce_sum3A_1296 : i1 to vector<16xi1>
    %reduce_sum3A_1298 = tpu.scan <sum>, %select_n3A_1295 masked %reduce_sum3A_1297 : vector<16xi32>, vector<16xi1> -> vector<16xi32>
    %reduce_sum3A_1299 = vector.extract %reduce_sum3A_1298[15] : i32 from vector<16xi32>
    %add3A_1300 = vector.broadcast %reduce_sum3A_1299 : i32 to vector<16xi32>
    %add3A_1301 = arith.addi %add3A_1300, %sub3A_1289 : vector<16xi32>
    %select_n3A_1302 = arith.select %eq3A_1282, %add3A_1301, %select_n3A_1271 : vector<16xi1>, vector<16xi32>
    %all_reduce_population_count3A_1303 = tpu.all_reduce %eq3A_1282 {dim = 0 : i64, kind = #tpu.reduction_kind<sum>} : vector<16xi1> -> vector<16xi32>
    %eq3A_1304 = arith.constant 6 : i32
    %eq3A_1305 = vector.broadcast %eq3A_1304 : i32 to vector<16xi32>
    %eq3A_1306 = arith.cmpi eq, %iota3A, %eq3A_1305 : vector<16xi32>
    %jit3A_1307 = arith.constant 0 : i32
    %broadcast_in_dim3A_1308 = vector.broadcast %jit3A_1307 : i32 to vector<16xi32>
    %select_n3A_1309 = arith.select %eq3A_1306, %all_reduce_population_count3A_1303, %broadcast_in_dim3A_1308 : vector<16xi1>, vector<16xi32>
    %add3A_1310 = arith.addi %add3A_1279, %select_n3A_1309 : vector<16xi32>
    %eq3A_1311 = arith.constant 7 : i32
    %eq3A_1312 = vector.broadcast %eq3A_1311 : i32 to vector<16xi32>
    %eq3A_1313 = arith.cmpi eq, %get3A_1091, %eq3A_1312 : vector<16xi32>
    %convert_element_type3A_1314 = arith.extui %eq3A_1313 : vector<16xi1> to vector<16xi32>
    %broadcast_in_dim3A_1315 = arith.constant true
    %broadcast_in_dim3A_1316 = vector.broadcast %broadcast_in_dim3A_1315 : i1 to vector<16xi1>
    %masked_cumsum3A_1317 = tpu.scan <sum>, %convert_element_type3A_1314 masked %broadcast_in_dim3A_1316 : vector<16xi32>, vector<16xi1> -> vector<16xi32>
    %sub3A_1318 = arith.constant 1 : i32
    %sub3A_1319 = vector.broadcast %sub3A_1318 : i32 to vector<16xi32>
    %sub3A_1320 = arith.subi %masked_cumsum3A_1317, %sub3A_1319 : vector<16xi32>
    %eq3A_1321 = arith.constant 7 : i32
    %eq3A_1322 = vector.broadcast %eq3A_1321 : i32 to vector<16xi32>
    %eq3A_1323 = arith.cmpi eq, %iota3A, %eq3A_1322 : vector<16xi32>
    %jit3A_1324 = arith.constant 0 : i32
    %broadcast_in_dim3A_1325 = vector.broadcast %jit3A_1324 : i32 to vector<16xi32>
    %select_n3A_1326 = arith.select %eq3A_1323, %add3A_1310, %broadcast_in_dim3A_1325 : vector<16xi1>, vector<16xi32>
    %reduce_sum3A_1327 = arith.constant true
    %reduce_sum3A_1328 = vector.broadcast %reduce_sum3A_1327 : i1 to vector<16xi1>
    %reduce_sum3A_1329 = tpu.scan <sum>, %select_n3A_1326 masked %reduce_sum3A_1328 : vector<16xi32>, vector<16xi1> -> vector<16xi32>
    %reduce_sum3A_1330 = vector.extract %reduce_sum3A_1329[15] : i32 from vector<16xi32>
    %add3A_1331 = vector.broadcast %reduce_sum3A_1330 : i32 to vector<16xi32>
    %add3A_1332 = arith.addi %add3A_1331, %sub3A_1320 : vector<16xi32>
    %select_n3A_1333 = arith.select %eq3A_1313, %add3A_1332, %select_n3A_1302 : vector<16xi1>, vector<16xi32>
    %all_reduce_population_count3A_1334 = tpu.all_reduce %eq3A_1313 {dim = 0 : i64, kind = #tpu.reduction_kind<sum>} : vector<16xi1> -> vector<16xi32>
    %eq3A_1335 = arith.constant 7 : i32
    %eq3A_1336 = vector.broadcast %eq3A_1335 : i32 to vector<16xi32>
    %eq3A_1337 = arith.cmpi eq, %iota3A, %eq3A_1336 : vector<16xi32>
    %jit3A_1338 = arith.constant 0 : i32
    %broadcast_in_dim3A_1339 = vector.broadcast %jit3A_1338 : i32 to vector<16xi32>
    %select_n3A_1340 = arith.select %eq3A_1337, %all_reduce_population_count3A_1334, %broadcast_in_dim3A_1339 : vector<16xi1>, vector<16xi32>
    %add3A_1341 = arith.addi %add3A_1310, %select_n3A_1340 : vector<16xi32>
    %swap3A_1342 = arith.constant 48 : index
    %swap3A_1343 = tpu.vector_load %arg10[%swap3A_1342] {strides = array<i32>} : memref<128xi32, #tpu.memory_space<vmem>>, vector<16xi32>,
    tpu.vector_store %arg10[%swap3A_1342], %select_n3A_1333 {strides = array<i32>} : memref<128xi32, #tpu.memory_space<vmem>>, vector<16xi32>,
    %get3A_1344 = arith.constant 64 : index
    %get3A_1345 = tpu.vector_load %arg8[%get3A_1344] {strides = array<i32>} : memref<128xi32, #tpu.memory_space<vmem>>, vector<16xi32>,
    %broadcast_in_dim3A_1346 = arith.constant 0 : i32
    %broadcast_in_dim3A_1347 = vector.broadcast %broadcast_in_dim3A_1346 : i32 to vector<16xi32>
    %eq3A_1348 = arith.constant 0 : i32
    %eq3A_1349 = vector.broadcast %eq3A_1348 : i32 to vector<16xi32>
    %eq3A_1350 = arith.cmpi eq, %get3A_1345, %eq3A_1349 : vector<16xi32>
    %convert_element_type3A_1351 = arith.extui %eq3A_1350 : vector<16xi1> to vector<16xi32>
    %broadcast_in_dim3A_1352 = arith.constant true
    %broadcast_in_dim3A_1353 = vector.broadcast %broadcast_in_dim3A_1352 : i1 to vector<16xi1>
    %masked_cumsum3A_1354 = tpu.scan <sum>, %convert_element_type3A_1351 masked %broadcast_in_dim3A_1353 : vector<16xi32>, vector<16xi1> -> vector<16xi32>
    %sub3A_1355 = arith.constant 1 : i32
    %sub3A_1356 = vector.broadcast %sub3A_1355 : i32 to vector<16xi32>
    %sub3A_1357 = arith.subi %masked_cumsum3A_1354, %sub3A_1356 : vector<16xi32>
    %eq3A_1358 = arith.constant 0 : i32
    %eq3A_1359 = vector.broadcast %eq3A_1358 : i32 to vector<16xi32>
    %eq3A_1360 = arith.cmpi eq, %iota3A, %eq3A_1359 : vector<16xi32>
    %jit3A_1361 = arith.constant 0 : i32
    %broadcast_in_dim3A_1362 = vector.broadcast %jit3A_1361 : i32 to vector<16xi32>
    %select_n3A_1363 = arith.select %eq3A_1360, %add3A_1341, %broadcast_in_dim3A_1362 : vector<16xi1>, vector<16xi32>
    %reduce_sum3A_1364 = arith.constant true
    %reduce_sum3A_1365 = vector.broadcast %reduce_sum3A_1364 : i1 to vector<16xi1>
    %reduce_sum3A_1366 = tpu.scan <sum>, %select_n3A_1363 masked %reduce_sum3A_1365 : vector<16xi32>, vector<16xi1> -> vector<16xi32>
    %reduce_sum3A_1367 = vector.extract %reduce_sum3A_1366[15] : i32 from vector<16xi32>
    %add3A_1368 = vector.broadcast %reduce_sum3A_1367 : i32 to vector<16xi32>
    %add3A_1369 = arith.addi %add3A_1368, %sub3A_1357 : vector<16xi32>
    %select_n3A_1370 = arith.select %eq3A_1350, %add3A_1369, %broadcast_in_dim3A_1347 : vector<16xi1>, vector<16xi32>
    %all_reduce_population_count3A_1371 = tpu.all_reduce %eq3A_1350 {dim = 0 : i64, kind = #tpu.reduction_kind<sum>} : vector<16xi1> -> vector<16xi32>
    %eq3A_1372 = arith.constant 0 : i32
    %eq3A_1373 = vector.broadcast %eq3A_1372 : i32 to vector<16xi32>
    %eq3A_1374 = arith.cmpi eq, %iota3A, %eq3A_1373 : vector<16xi32>
    %jit3A_1375 = arith.constant 0 : i32
    %broadcast_in_dim3A_1376 = vector.broadcast %jit3A_1375 : i32 to vector<16xi32>
    %select_n3A_1377 = arith.select %eq3A_1374, %all_reduce_population_count3A_1371, %broadcast_in_dim3A_1376 : vector<16xi1>, vector<16xi32>
    %add3A_1378 = arith.addi %add3A_1341, %select_n3A_1377 : vector<16xi32>
    %eq3A_1379 = arith.constant 1 : i32
    %eq3A_1380 = vector.broadcast %eq3A_1379 : i32 to vector<16xi32>
    %eq3A_1381 = arith.cmpi eq, %get3A_1345, %eq3A_1380 : vector<16xi32>
    %convert_element_type3A_1382 = arith.extui %eq3A_1381 : vector<16xi1> to vector<16xi32>
    %broadcast_in_dim3A_1383 = arith.constant true
    %broadcast_in_dim3A_1384 = vector.broadcast %broadcast_in_dim3A_1383 : i1 to vector<16xi1>
    %masked_cumsum3A_1385 = tpu.scan <sum>, %convert_element_type3A_1382 masked %broadcast_in_dim3A_1384 : vector<16xi32>, vector<16xi1> -> vector<16xi32>
    %sub3A_1386 = arith.constant 1 : i32
    %sub3A_1387 = vector.broadcast %sub3A_1386 : i32 to vector<16xi32>
    %sub3A_1388 = arith.subi %masked_cumsum3A_1385, %sub3A_1387 : vector<16xi32>
    %eq3A_1389 = arith.constant 1 : i32
    %eq3A_1390 = vector.broadcast %eq3A_1389 : i32 to vector<16xi32>
    %eq3A_1391 = arith.cmpi eq, %iota3A, %eq3A_1390 : vector<16xi32>
    %jit3A_1392 = arith.constant 0 : i32
    %broadcast_in_dim3A_1393 = vector.broadcast %jit3A_1392 : i32 to vector<16xi32>
    %select_n3A_1394 = arith.select %eq3A_1391, %add3A_1378, %broadcast_in_dim3A_1393 : vector<16xi1>, vector<16xi32>
    %reduce_sum3A_1395 = arith.constant true
    %reduce_sum3A_1396 = vector.broadcast %reduce_sum3A_1395 : i1 to vector<16xi1>
    %reduce_sum3A_1397 = tpu.scan <sum>, %select_n3A_1394 masked %reduce_sum3A_1396 : vector<16xi32>, vector<16xi1> -> vector<16xi32>
    %reduce_sum3A_1398 = vector.extract %reduce_sum3A_1397[15] : i32 from vector<16xi32>
    %add3A_1399 = vector.broadcast %reduce_sum3A_1398 : i32 to vector<16xi32>
    %add3A_1400 = arith.addi %add3A_1399, %sub3A_1388 : vector<16xi32>
    %select_n3A_1401 = arith.select %eq3A_1381, %add3A_1400, %select_n3A_1370 : vector<16xi1>, vector<16xi32>
    %all_reduce_population_count3A_1402 = tpu.all_reduce %eq3A_1381 {dim = 0 : i64, kind = #tpu.reduction_kind<sum>} : vector<16xi1> -> vector<16xi32>
    %eq3A_1403 = arith.constant 1 : i32
    %eq3A_1404 = vector.broadcast %eq3A_1403 : i32 to vector<16xi32>
    %eq3A_1405 = arith.cmpi eq, %iota3A, %eq3A_1404 : vector<16xi32>
    %jit3A_1406 = arith.constant 0 : i32
    %broadcast_in_dim3A_1407 = vector.broadcast %jit3A_1406 : i32 to vector<16xi32>
    %select_n3A_1408 = arith.select %eq3A_1405, %all_reduce_population_count3A_1402, %broadcast_in_dim3A_1407 : vector<16xi1>, vector<16xi32>
    %add3A_1409 = arith.addi %add3A_1378, %select_n3A_1408 : vector<16xi32>
    %eq3A_1410 = arith.constant 2 : i32
    %eq3A_1411 = vector.broadcast %eq3A_1410 : i32 to vector<16xi32>
    %eq3A_1412 = arith.cmpi eq, %get3A_1345, %eq3A_1411 : vector<16xi32>
    %convert_element_type3A_1413 = arith.extui %eq3A_1412 : vector<16xi1> to vector<16xi32>
    %broadcast_in_dim3A_1414 = arith.constant true
    %broadcast_in_dim3A_1415 = vector.broadcast %broadcast_in_dim3A_1414 : i1 to vector<16xi1>
    %masked_cumsum3A_1416 = tpu.scan <sum>, %convert_element_type3A_1413 masked %broadcast_in_dim3A_1415 : vector<16xi32>, vector<16xi1> -> vector<16xi32>
    %sub3A_1417 = arith.constant 1 : i32
    %sub3A_1418 = vector.broadcast %sub3A_1417 : i32 to vector<16xi32>
    %sub3A_1419 = arith.subi %masked_cumsum3A_1416, %sub3A_1418 : vector<16xi32>
    %eq3A_1420 = arith.constant 2 : i32
    %eq3A_1421 = vector.broadcast %eq3A_1420 : i32 to vector<16xi32>
    %eq3A_1422 = arith.cmpi eq, %iota3A, %eq3A_1421 : vector<16xi32>
    %jit3A_1423 = arith.constant 0 : i32
    %broadcast_in_dim3A_1424 = vector.broadcast %jit3A_1423 : i32 to vector<16xi32>
    %select_n3A_1425 = arith.select %eq3A_1422, %add3A_1409, %broadcast_in_dim3A_1424 : vector<16xi1>, vector<16xi32>
    %reduce_sum3A_1426 = arith.constant true
    %reduce_sum3A_1427 = vector.broadcast %reduce_sum3A_1426 : i1 to vector<16xi1>
    %reduce_sum3A_1428 = tpu.scan <sum>, %select_n3A_1425 masked %reduce_sum3A_1427 : vector<16xi32>, vector<16xi1> -> vector<16xi32>
    %reduce_sum3A_1429 = vector.extract %reduce_sum3A_1428[15] : i32 from vector<16xi32>
    %add3A_1430 = vector.broadcast %reduce_sum3A_1429 : i32 to vector<16xi32>
    %add3A_1431 = arith.addi %add3A_1430, %sub3A_1419 : vector<16xi32>
    %select_n3A_1432 = arith.select %eq3A_1412, %add3A_1431, %select_n3A_1401 : vector<16xi1>, vector<16xi32>
    %all_reduce_population_count3A_1433 = tpu.all_reduce %eq3A_1412 {dim = 0 : i64, kind = #tpu.reduction_kind<sum>} : vector<16xi1> -> vector<16xi32>
    %eq3A_1434 = arith.constant 2 : i32
    %eq3A_1435 = vector.broadcast %eq3A_1434 : i32 to vector<16xi32>
    %eq3A_1436 = arith.cmpi eq, %iota3A, %eq3A_1435 : vector<16xi32>
    %jit3A_1437 = arith.constant 0 : i32
    %broadcast_in_dim3A_1438 = vector.broadcast %jit3A_1437 : i32 to vector<16xi32>
    %select_n3A_1439 = arith.select %eq3A_1436, %all_reduce_population_count3A_1433, %broadcast_in_dim3A_1438 : vector<16xi1>, vector<16xi32>
    %add3A_1440 = arith.addi %add3A_1409, %select_n3A_1439 : vector<16xi32>
    %eq3A_1441 = arith.constant 3 : i32
    %eq3A_1442 = vector.broadcast %eq3A_1441 : i32 to vector<16xi32>
    %eq3A_1443 = arith.cmpi eq, %get3A_1345, %eq3A_1442 : vector<16xi32>
    %convert_element_type3A_1444 = arith.extui %eq3A_1443 : vector<16xi1> to vector<16xi32>
    %broadcast_in_dim3A_1445 = arith.constant true
    %broadcast_in_dim3A_1446 = vector.broadcast %broadcast_in_dim3A_1445 : i1 to vector<16xi1>
    %masked_cumsum3A_1447 = tpu.scan <sum>, %convert_element_type3A_1444 masked %broadcast_in_dim3A_1446 : vector<16xi32>, vector<16xi1> -> vector<16xi32>
    %sub3A_1448 = arith.constant 1 : i32
    %sub3A_1449 = vector.broadcast %sub3A_1448 : i32 to vector<16xi32>
    %sub3A_1450 = arith.subi %masked_cumsum3A_1447, %sub3A_1449 : vector<16xi32>
    %eq3A_1451 = arith.constant 3 : i32
    %eq3A_1452 = vector.broadcast %eq3A_1451 : i32 to vector<16xi32>
    %eq3A_1453 = arith.cmpi eq, %iota3A, %eq3A_1452 : vector<16xi32>
    %jit3A_1454 = arith.constant 0 : i32
    %broadcast_in_dim3A_1455 = vector.broadcast %jit3A_1454 : i32 to vector<16xi32>
    %select_n3A_1456 = arith.select %eq3A_1453, %add3A_1440, %broadcast_in_dim3A_1455 : vector<16xi1>, vector<16xi32>
    %reduce_sum3A_1457 = arith.constant true
    %reduce_sum3A_1458 = vector.broadcast %reduce_sum3A_1457 : i1 to vector<16xi1>
    %reduce_sum3A_1459 = tpu.scan <sum>, %select_n3A_1456 masked %reduce_sum3A_1458 : vector<16xi32>, vector<16xi1> -> vector<16xi32>
    %reduce_sum3A_1460 = vector.extract %reduce_sum3A_1459[15] : i32 from vector<16xi32>
    %add3A_1461 = vector.broadcast %reduce_sum3A_1460 : i32 to vector<16xi32>
    %add3A_1462 = arith.addi %add3A_1461, %sub3A_1450 : vector<16xi32>
    %select_n3A_1463 = arith.select %eq3A_1443, %add3A_1462, %select_n3A_1432 : vector<16xi1>, vector<16xi32>
    %all_reduce_population_count3A_1464 = tpu.all_reduce %eq3A_1443 {dim = 0 : i64, kind = #tpu.reduction_kind<sum>} : vector<16xi1> -> vector<16xi32>
    %eq3A_1465 = arith.constant 3 : i32
    %eq3A_1466 = vector.broadcast %eq3A_1465 : i32 to vector<16xi32>
    %eq3A_1467 = arith.cmpi eq, %iota3A, %eq3A_1466 : vector<16xi32>
    %jit3A_1468 = arith.constant 0 : i32
    %broadcast_in_dim3A_1469 = vector.broadcast %jit3A_1468 : i32 to vector<16xi32>
    %select_n3A_1470 = arith.select %eq3A_1467, %all_reduce_population_count3A_1464, %broadcast_in_dim3A_1469 : vector<16xi1>, vector<16xi32>
    %add3A_1471 = arith.addi %add3A_1440, %select_n3A_1470 : vector<16xi32>
    %eq3A_1472 = arith.constant 4 : i32
    %eq3A_1473 = vector.broadcast %eq3A_1472 : i32 to vector<16xi32>
    %eq3A_1474 = arith.cmpi eq, %get3A_1345, %eq3A_1473 : vector<16xi32>
    %convert_element_type3A_1475 = arith.extui %eq3A_1474 : vector<16xi1> to vector<16xi32>
    %broadcast_in_dim3A_1476 = arith.constant true
    %broadcast_in_dim3A_1477 = vector.broadcast %broadcast_in_dim3A_1476 : i1 to vector<16xi1>
    %masked_cumsum3A_1478 = tpu.scan <sum>, %convert_element_type3A_1475 masked %broadcast_in_dim3A_1477 : vector<16xi32>, vector<16xi1> -> vector<16xi32>
    %sub3A_1479 = arith.constant 1 : i32
    %sub3A_1480 = vector.broadcast %sub3A_1479 : i32 to vector<16xi32>
    %sub3A_1481 = arith.subi %masked_cumsum3A_1478, %sub3A_1480 : vector<16xi32>
    %eq3A_1482 = arith.constant 4 : i32
    %eq3A_1483 = vector.broadcast %eq3A_1482 : i32 to vector<16xi32>
    %eq3A_1484 = arith.cmpi eq, %iota3A, %eq3A_1483 : vector<16xi32>
    %jit3A_1485 = arith.constant 0 : i32
    %broadcast_in_dim3A_1486 = vector.broadcast %jit3A_1485 : i32 to vector<16xi32>
    %select_n3A_1487 = arith.select %eq3A_1484, %add3A_1471, %broadcast_in_dim3A_1486 : vector<16xi1>, vector<16xi32>
    %reduce_sum3A_1488 = arith.constant true
    %reduce_sum3A_1489 = vector.broadcast %reduce_sum3A_1488 : i1 to vector<16xi1>
    %reduce_sum3A_1490 = tpu.scan <sum>, %select_n3A_1487 masked %reduce_sum3A_1489 : vector<16xi32>, vector<16xi1> -> vector<16xi32>
    %reduce_sum3A_1491 = vector.extract %reduce_sum3A_1490[15] : i32 from vector<16xi32>
    %add3A_1492 = vector.broadcast %reduce_sum3A_1491 : i32 to vector<16xi32>
    %add3A_1493 = arith.addi %add3A_1492, %sub3A_1481 : vector<16xi32>
    %select_n3A_1494 = arith.select %eq3A_1474, %add3A_1493, %select_n3A_1463 : vector<16xi1>, vector<16xi32>
    %all_reduce_population_count3A_1495 = tpu.all_reduce %eq3A_1474 {dim = 0 : i64, kind = #tpu.reduction_kind<sum>} : vector<16xi1> -> vector<16xi32>
    %eq3A_1496 = arith.constant 4 : i32
    %eq3A_1497 = vector.broadcast %eq3A_1496 : i32 to vector<16xi32>
    %eq3A_1498 = arith.cmpi eq, %iota3A, %eq3A_1497 : vector<16xi32>
    %jit3A_1499 = arith.constant 0 : i32
    %broadcast_in_dim3A_1500 = vector.broadcast %jit3A_1499 : i32 to vector<16xi32>
    %select_n3A_1501 = arith.select %eq3A_1498, %all_reduce_population_count3A_1495, %broadcast_in_dim3A_1500 : vector<16xi1>, vector<16xi32>
    %add3A_1502 = arith.addi %add3A_1471, %select_n3A_1501 : vector<16xi32>
    %eq3A_1503 = arith.constant 5 : i32
    %eq3A_1504 = vector.broadcast %eq3A_1503 : i32 to vector<16xi32>
    %eq3A_1505 = arith.cmpi eq, %get3A_1345, %eq3A_1504 : vector<16xi32>
    %convert_element_type3A_1506 = arith.extui %eq3A_1505 : vector<16xi1> to vector<16xi32>
    %broadcast_in_dim3A_1507 = arith.constant true
    %broadcast_in_dim3A_1508 = vector.broadcast %broadcast_in_dim3A_1507 : i1 to vector<16xi1>
    %masked_cumsum3A_1509 = tpu.scan <sum>, %convert_element_type3A_1506 masked %broadcast_in_dim3A_1508 : vector<16xi32>, vector<16xi1> -> vector<16xi32>
    %sub3A_1510 = arith.constant 1 : i32
    %sub3A_1511 = vector.broadcast %sub3A_1510 : i32 to vector<16xi32>
    %sub3A_1512 = arith.subi %masked_cumsum3A_1509, %sub3A_1511 : vector<16xi32>
    %eq3A_1513 = arith.constant 5 : i32
    %eq3A_1514 = vector.broadcast %eq3A_1513 : i32 to vector<16xi32>
    %eq3A_1515 = arith.cmpi eq, %iota3A, %eq3A_1514 : vector<16xi32>
    %jit3A_1516 = arith.constant 0 : i32
    %broadcast_in_dim3A_1517 = vector.broadcast %jit3A_1516 : i32 to vector<16xi32>
    %select_n3A_1518 = arith.select %eq3A_1515, %add3A_1502, %broadcast_in_dim3A_1517 : vector<16xi1>, vector<16xi32>
    %reduce_sum3A_1519 = arith.constant true
    %reduce_sum3A_1520 = vector.broadcast %reduce_sum3A_1519 : i1 to vector<16xi1>
    %reduce_sum3A_1521 = tpu.scan <sum>, %select_n3A_1518 masked %reduce_sum3A_1520 : vector<16xi32>, vector<16xi1> -> vector<16xi32>
    %reduce_sum3A_1522 = vector.extract %reduce_sum3A_1521[15] : i32 from vector<16xi32>
    %add3A_1523 = vector.broadcast %reduce_sum3A_1522 : i32 to vector<16xi32>
    %add3A_1524 = arith.addi %add3A_1523, %sub3A_1512 : vector<16xi32>
    %select_n3A_1525 = arith.select %eq3A_1505, %add3A_1524, %select_n3A_1494 : vector<16xi1>, vector<16xi32>
    %all_reduce_population_count3A_1526 = tpu.all_reduce %eq3A_1505 {dim = 0 : i64, kind = #tpu.reduction_kind<sum>} : vector<16xi1> -> vector<16xi32>
    %eq3A_1527 = arith.constant 5 : i32
    %eq3A_1528 = vector.broadcast %eq3A_1527 : i32 to vector<16xi32>
    %eq3A_1529 = arith.cmpi eq, %iota3A, %eq3A_1528 : vector<16xi32>
    %jit3A_1530 = arith.constant 0 : i32
    %broadcast_in_dim3A_1531 = vector.broadcast %jit3A_1530 : i32 to vector<16xi32>
    %select_n3A_1532 = arith.select %eq3A_1529, %all_reduce_population_count3A_1526, %broadcast_in_dim3A_1531 : vector<16xi1>, vector<16xi32>
    %add3A_1533 = arith.addi %add3A_1502, %select_n3A_1532 : vector<16xi32>
    %eq3A_1534 = arith.constant 6 : i32
    %eq3A_1535 = vector.broadcast %eq3A_1534 : i32 to vector<16xi32>
    %eq3A_1536 = arith.cmpi eq, %get3A_1345, %eq3A_1535 : vector<16xi32>
    %convert_element_type3A_1537 = arith.extui %eq3A_1536 : vector<16xi1> to vector<16xi32>
    %broadcast_in_dim3A_1538 = arith.constant true
    %broadcast_in_dim3A_1539 = vector.broadcast %broadcast_in_dim3A_1538 : i1 to vector<16xi1>
    %masked_cumsum3A_1540 = tpu.scan <sum>, %convert_element_type3A_1537 masked %broadcast_in_dim3A_1539 : vector<16xi32>, vector<16xi1> -> vector<16xi32>
    %sub3A_1541 = arith.constant 1 : i32
    %sub3A_1542 = vector.broadcast %sub3A_1541 : i32 to vector<16xi32>
    %sub3A_1543 = arith.subi %masked_cumsum3A_1540, %sub3A_1542 : vector<16xi32>
    %eq3A_1544 = arith.constant 6 : i32
    %eq3A_1545 = vector.broadcast %eq3A_1544 : i32 to vector<16xi32>
    %eq3A_1546 = arith.cmpi eq, %iota3A, %eq3A_1545 : vector<16xi32>
    %jit3A_1547 = arith.constant 0 : i32
    %broadcast_in_dim3A_1548 = vector.broadcast %jit3A_1547 : i32 to vector<16xi32>
    %select_n3A_1549 = arith.select %eq3A_1546, %add3A_1533, %broadcast_in_dim3A_1548 : vector<16xi1>, vector<16xi32>
    %reduce_sum3A_1550 = arith.constant true
    %reduce_sum3A_1551 = vector.broadcast %reduce_sum3A_1550 : i1 to vector<16xi1>
    %reduce_sum3A_1552 = tpu.scan <sum>, %select_n3A_1549 masked %reduce_sum3A_1551 : vector<16xi32>, vector<16xi1> -> vector<16xi32>
    %reduce_sum3A_1553 = vector.extract %reduce_sum3A_1552[15] : i32 from vector<16xi32>
    %add3A_1554 = vector.broadcast %reduce_sum3A_1553 : i32 to vector<16xi32>
    %add3A_1555 = arith.addi %add3A_1554, %sub3A_1543 : vector<16xi32>
    %select_n3A_1556 = arith.select %eq3A_1536, %add3A_1555, %select_n3A_1525 : vector<16xi1>, vector<16xi32>
    %all_reduce_population_count3A_1557 = tpu.all_reduce %eq3A_1536 {dim = 0 : i64, kind = #tpu.reduction_kind<sum>} : vector<16xi1> -> vector<16xi32>
    %eq3A_1558 = arith.constant 6 : i32
    %eq3A_1559 = vector.broadcast %eq3A_1558 : i32 to vector<16xi32>
    %eq3A_1560 = arith.cmpi eq, %iota3A, %eq3A_1559 : vector<16xi32>
    %jit3A_1561 = arith.constant 0 : i32
    %broadcast_in_dim3A_1562 = vector.broadcast %jit3A_1561 : i32 to vector<16xi32>
    %select_n3A_1563 = arith.select %eq3A_1560, %all_reduce_population_count3A_1557, %broadcast_in_dim3A_1562 : vector<16xi1>, vector<16xi32>
    %add3A_1564 = arith.addi %add3A_1533, %select_n3A_1563 : vector<16xi32>
    %eq3A_1565 = arith.constant 7 : i32
    %eq3A_1566 = vector.broadcast %eq3A_1565 : i32 to vector<16xi32>
    %eq3A_1567 = arith.cmpi eq, %get3A_1345, %eq3A_1566 : vector<16xi32>
    %convert_element_type3A_1568 = arith.extui %eq3A_1567 : vector<16xi1> to vector<16xi32>
    %broadcast_in_dim3A_1569 = arith.constant true
    %broadcast_in_dim3A_1570 = vector.broadcast %broadcast_in_dim3A_1569 : i1 to vector<16xi1>
    %masked_cumsum3A_1571 = tpu.scan <sum>, %convert_element_type3A_1568 masked %broadcast_in_dim3A_1570 : vector<16xi32>, vector<16xi1> -> vector<16xi32>
    %sub3A_1572 = arith.constant 1 : i32
    %sub3A_1573 = vector.broadcast %sub3A_1572 : i32 to vector<16xi32>
    %sub3A_1574 = arith.subi %masked_cumsum3A_1571, %sub3A_1573 : vector<16xi32>
    %eq3A_1575 = arith.constant 7 : i32
    %eq3A_1576 = vector.broadcast %eq3A_1575 : i32 to vector<16xi32>
    %eq3A_1577 = arith.cmpi eq, %iota3A, %eq3A_1576 : vector<16xi32>
    %jit3A_1578 = arith.constant 0 : i32
    %broadcast_in_dim3A_1579 = vector.broadcast %jit3A_1578 : i32 to vector<16xi32>
    %select_n3A_1580 = arith.select %eq3A_1577, %add3A_1564, %broadcast_in_dim3A_1579 : vector<16xi1>, vector<16xi32>
    %reduce_sum3A_1581 = arith.constant true
    %reduce_sum3A_1582 = vector.broadcast %reduce_sum3A_1581 : i1 to vector<16xi1>
    %reduce_sum3A_1583 = tpu.scan <sum>, %select_n3A_1580 masked %reduce_sum3A_1582 : vector<16xi32>, vector<16xi1> -> vector<16xi32>
    %reduce_sum3A_1584 = vector.extract %reduce_sum3A_1583[15] : i32 from vector<16xi32>
    %add3A_1585 = vector.broadcast %reduce_sum3A_1584 : i32 to vector<16xi32>
    %add3A_1586 = arith.addi %add3A_1585, %sub3A_1574 : vector<16xi32>
    %select_n3A_1587 = arith.select %eq3A_1567, %add3A_1586, %select_n3A_1556 : vector<16xi1>, vector<16xi32>
    %all_reduce_population_count3A_1588 = tpu.all_reduce %eq3A_1567 {dim = 0 : i64, kind = #tpu.reduction_kind<sum>} : vector<16xi1> -> vector<16xi32>
    %eq3A_1589 = arith.constant 7 : i32
    %eq3A_1590 = vector.broadcast %eq3A_1589 : i32 to vector<16xi32>
    %eq3A_1591 = arith.cmpi eq, %iota3A, %eq3A_1590 : vector<16xi32>
    %jit3A_1592 = arith.constant 0 : i32
    %broadcast_in_dim3A_1593 = vector.broadcast %jit3A_1592 : i32 to vector<16xi32>
    %select_n3A_1594 = arith.select %eq3A_1591, %all_reduce_population_count3A_1588, %broadcast_in_dim3A_1593 : vector<16xi1>, vector<16xi32>
    %add3A_1595 = arith.addi %add3A_1564, %select_n3A_1594 : vector<16xi32>
    %swap3A_1596 = arith.constant 64 : index
    %swap3A_1597 = tpu.vector_load %arg10[%swap3A_1596] {strides = array<i32>} : memref<128xi32, #tpu.memory_space<vmem>>, vector<16xi32>,
    tpu.vector_store %arg10[%swap3A_1596], %select_n3A_1587 {strides = array<i32>} : memref<128xi32, #tpu.memory_space<vmem>>, vector<16xi32>,
    %get3A_1598 = arith.constant 80 : index
    %get3A_1599 = tpu.vector_load %arg8[%get3A_1598] {strides = array<i32>} : memref<128xi32, #tpu.memory_space<vmem>>, vector<16xi32>,
    %broadcast_in_dim3A_1600 = arith.constant 0 : i32
    %broadcast_in_dim3A_1601 = vector.broadcast %broadcast_in_dim3A_1600 : i32 to vector<16xi32>
    %eq3A_1602 = arith.constant 0 : i32
    %eq3A_1603 = vector.broadcast %eq3A_1602 : i32 to vector<16xi32>
    %eq3A_1604 = arith.cmpi eq, %get3A_1599, %eq3A_1603 : vector<16xi32>
    %convert_element_type3A_1605 = arith.extui %eq3A_1604 : vector<16xi1> to vector<16xi32>
    %broadcast_in_dim3A_1606 = arith.constant true
    %broadcast_in_dim3A_1607 = vector.broadcast %broadcast_in_dim3A_1606 : i1 to vector<16xi1>
    %masked_cumsum3A_1608 = tpu.scan <sum>, %convert_element_type3A_1605 masked %broadcast_in_dim3A_1607 : vector<16xi32>, vector<16xi1> -> vector<16xi32>
    %sub3A_1609 = arith.constant 1 : i32
    %sub3A_1610 = vector.broadcast %sub3A_1609 : i32 to vector<16xi32>
    %sub3A_1611 = arith.subi %masked_cumsum3A_1608, %sub3A_1610 : vector<16xi32>
    %eq3A_1612 = arith.constant 0 : i32
    %eq3A_1613 = vector.broadcast %eq3A_1612 : i32 to vector<16xi32>
    %eq3A_1614 = arith.cmpi eq, %iota3A, %eq3A_1613 : vector<16xi32>
    %jit3A_1615 = arith.constant 0 : i32
    %broadcast_in_dim3A_1616 = vector.broadcast %jit3A_1615 : i32 to vector<16xi32>
    %select_n3A_1617 = arith.select %eq3A_1614, %add3A_1595, %broadcast_in_dim3A_1616 : vector<16xi1>, vector<16xi32>
    %reduce_sum3A_1618 = arith.constant true
    %reduce_sum3A_1619 = vector.broadcast %reduce_sum3A_1618 : i1 to vector<16xi1>
    %reduce_sum3A_1620 = tpu.scan <sum>, %select_n3A_1617 masked %reduce_sum3A_1619 : vector<16xi32>, vector<16xi1> -> vector<16xi32>
    %reduce_sum3A_1621 = vector.extract %reduce_sum3A_1620[15] : i32 from vector<16xi32>
    %add3A_1622 = vector.broadcast %reduce_sum3A_1621 : i32 to vector<16xi32>
    %add3A_1623 = arith.addi %add3A_1622, %sub3A_1611 : vector<16xi32>
    %select_n3A_1624 = arith.select %eq3A_1604, %add3A_1623, %broadcast_in_dim3A_1601 : vector<16xi1>, vector<16xi32>
    %all_reduce_population_count3A_1625 = tpu.all_reduce %eq3A_1604 {dim = 0 : i64, kind = #tpu.reduction_kind<sum>} : vector<16xi1> -> vector<16xi32>
    %eq3A_1626 = arith.constant 0 : i32
    %eq3A_1627 = vector.broadcast %eq3A_1626 : i32 to vector<16xi32>
    %eq3A_1628 = arith.cmpi eq, %iota3A, %eq3A_1627 : vector<16xi32>
    %jit3A_1629 = arith.constant 0 : i32
    %broadcast_in_dim3A_1630 = vector.broadcast %jit3A_1629 : i32 to vector<16xi32>
    %select_n3A_1631 = arith.select %eq3A_1628, %all_reduce_population_count3A_1625, %broadcast_in_dim3A_1630 : vector<16xi1>, vector<16xi32>
    %add3A_1632 = arith.addi %add3A_1595, %select_n3A_1631 : vector<16xi32>
    %eq3A_1633 = arith.constant 1 : i32
    %eq3A_1634 = vector.broadcast %eq3A_1633 : i32 to vector<16xi32>
    %eq3A_1635 = arith.cmpi eq, %get3A_1599, %eq3A_1634 : vector<16xi32>
    %convert_element_type3A_1636 = arith.extui %eq3A_1635 : vector<16xi1> to vector<16xi32>
    %broadcast_in_dim3A_1637 = arith.constant true
    %broadcast_in_dim3A_1638 = vector.broadcast %broadcast_in_dim3A_1637 : i1 to vector<16xi1>
    %masked_cumsum3A_1639 = tpu.scan <sum>, %convert_element_type3A_1636 masked %broadcast_in_dim3A_1638 : vector<16xi32>, vector<16xi1> -> vector<16xi32>
    %sub3A_1640 = arith.constant 1 : i32
    %sub3A_1641 = vector.broadcast %sub3A_1640 : i32 to vector<16xi32>
    %sub3A_1642 = arith.subi %masked_cumsum3A_1639, %sub3A_1641 : vector<16xi32>
    %eq3A_1643 = arith.constant 1 : i32
    %eq3A_1644 = vector.broadcast %eq3A_1643 : i32 to vector<16xi32>
    %eq3A_1645 = arith.cmpi eq, %iota3A, %eq3A_1644 : vector<16xi32>
    %jit3A_1646 = arith.constant 0 : i32
    %broadcast_in_dim3A_1647 = vector.broadcast %jit3A_1646 : i32 to vector<16xi32>
    %select_n3A_1648 = arith.select %eq3A_1645, %add3A_1632, %broadcast_in_dim3A_1647 : vector<16xi1>, vector<16xi32>
    %reduce_sum3A_1649 = arith.constant true
    %reduce_sum3A_1650 = vector.broadcast %reduce_sum3A_1649 : i1 to vector<16xi1>
    %reduce_sum3A_1651 = tpu.scan <sum>, %select_n3A_1648 masked %reduce_sum3A_1650 : vector<16xi32>, vector<16xi1> -> vector<16xi32>
    %reduce_sum3A_1652 = vector.extract %reduce_sum3A_1651[15] : i32 from vector<16xi32>
    %add3A_1653 = vector.broadcast %reduce_sum3A_1652 : i32 to vector<16xi32>
    %add3A_1654 = arith.addi %add3A_1653, %sub3A_1642 : vector<16xi32>
    %select_n3A_1655 = arith.select %eq3A_1635, %add3A_1654, %select_n3A_1624 : vector<16xi1>, vector<16xi32>
    %all_reduce_population_count3A_1656 = tpu.all_reduce %eq3A_1635 {dim = 0 : i64, kind = #tpu.reduction_kind<sum>} : vector<16xi1> -> vector<16xi32>
    %eq3A_1657 = arith.constant 1 : i32
    %eq3A_1658 = vector.broadcast %eq3A_1657 : i32 to vector<16xi32>
    %eq3A_1659 = arith.cmpi eq, %iota3A, %eq3A_1658 : vector<16xi32>
    %jit3A_1660 = arith.constant 0 : i32
    %broadcast_in_dim3A_1661 = vector.broadcast %jit3A_1660 : i32 to vector<16xi32>
    %select_n3A_1662 = arith.select %eq3A_1659, %all_reduce_population_count3A_1656, %broadcast_in_dim3A_1661 : vector<16xi1>, vector<16xi32>
    %add3A_1663 = arith.addi %add3A_1632, %select_n3A_1662 : vector<16xi32>
    %eq3A_1664 = arith.constant 2 : i32
    %eq3A_1665 = vector.broadcast %eq3A_1664 : i32 to vector<16xi32>
    %eq3A_1666 = arith.cmpi eq, %get3A_1599, %eq3A_1665 : vector<16xi32>
    %convert_element_type3A_1667 = arith.extui %eq3A_1666 : vector<16xi1> to vector<16xi32>
    %broadcast_in_dim3A_1668 = arith.constant true
    %broadcast_in_dim3A_1669 = vector.broadcast %broadcast_in_dim3A_1668 : i1 to vector<16xi1>
    %masked_cumsum3A_1670 = tpu.scan <sum>, %convert_element_type3A_1667 masked %broadcast_in_dim3A_1669 : vector<16xi32>, vector<16xi1> -> vector<16xi32>
    %sub3A_1671 = arith.constant 1 : i32
    %sub3A_1672 = vector.broadcast %sub3A_1671 : i32 to vector<16xi32>
    %sub3A_1673 = arith.subi %masked_cumsum3A_1670, %sub3A_1672 : vector<16xi32>
    %eq3A_1674 = arith.constant 2 : i32
    %eq3A_1675 = vector.broadcast %eq3A_1674 : i32 to vector<16xi32>
    %eq3A_1676 = arith.cmpi eq, %iota3A, %eq3A_1675 : vector<16xi32>
    %jit3A_1677 = arith.constant 0 : i32
    %broadcast_in_dim3A_1678 = vector.broadcast %jit3A_1677 : i32 to vector<16xi32>
    %select_n3A_1679 = arith.select %eq3A_1676, %add3A_1663, %broadcast_in_dim3A_1678 : vector<16xi1>, vector<16xi32>
    %reduce_sum3A_1680 = arith.constant true
    %reduce_sum3A_1681 = vector.broadcast %reduce_sum3A_1680 : i1 to vector<16xi1>
    %reduce_sum3A_1682 = tpu.scan <sum>, %select_n3A_1679 masked %reduce_sum3A_1681 : vector<16xi32>, vector<16xi1> -> vector<16xi32>
    %reduce_sum3A_1683 = vector.extract %reduce_sum3A_1682[15] : i32 from vector<16xi32>
    %add3A_1684 = vector.broadcast %reduce_sum3A_1683 : i32 to vector<16xi32>
    %add3A_1685 = arith.addi %add3A_1684, %sub3A_1673 : vector<16xi32>
    %select_n3A_1686 = arith.select %eq3A_1666, %add3A_1685, %select_n3A_1655 : vector<16xi1>, vector<16xi32>
    %all_reduce_population_count3A_1687 = tpu.all_reduce %eq3A_1666 {dim = 0 : i64, kind = #tpu.reduction_kind<sum>} : vector<16xi1> -> vector<16xi32>
    %eq3A_1688 = arith.constant 2 : i32
    %eq3A_1689 = vector.broadcast %eq3A_1688 : i32 to vector<16xi32>
    %eq3A_1690 = arith.cmpi eq, %iota3A, %eq3A_1689 : vector<16xi32>
    %jit3A_1691 = arith.constant 0 : i32
    %broadcast_in_dim3A_1692 = vector.broadcast %jit3A_1691 : i32 to vector<16xi32>
    %select_n3A_1693 = arith.select %eq3A_1690, %all_reduce_population_count3A_1687, %broadcast_in_dim3A_1692 : vector<16xi1>, vector<16xi32>
    %add3A_1694 = arith.addi %add3A_1663, %select_n3A_1693 : vector<16xi32>
    %eq3A_1695 = arith.constant 3 : i32
    %eq3A_1696 = vector.broadcast %eq3A_1695 : i32 to vector<16xi32>
    %eq3A_1697 = arith.cmpi eq, %get3A_1599, %eq3A_1696 : vector<16xi32>
    %convert_element_type3A_1698 = arith.extui %eq3A_1697 : vector<16xi1> to vector<16xi32>
    %broadcast_in_dim3A_1699 = arith.constant true
    %broadcast_in_dim3A_1700 = vector.broadcast %broadcast_in_dim3A_1699 : i1 to vector<16xi1>
    %masked_cumsum3A_1701 = tpu.scan <sum>, %convert_element_type3A_1698 masked %broadcast_in_dim3A_1700 : vector<16xi32>, vector<16xi1> -> vector<16xi32>
    %sub3A_1702 = arith.constant 1 : i32
    %sub3A_1703 = vector.broadcast %sub3A_1702 : i32 to vector<16xi32>
    %sub3A_1704 = arith.subi %masked_cumsum3A_1701, %sub3A_1703 : vector<16xi32>
    %eq3A_1705 = arith.constant 3 : i32
    %eq3A_1706 = vector.broadcast %eq3A_1705 : i32 to vector<16xi32>
    %eq3A_1707 = arith.cmpi eq, %iota3A, %eq3A_1706 : vector<16xi32>
    %jit3A_1708 = arith.constant 0 : i32
    %broadcast_in_dim3A_1709 = vector.broadcast %jit3A_1708 : i32 to vector<16xi32>
    %select_n3A_1710 = arith.select %eq3A_1707, %add3A_1694, %broadcast_in_dim3A_1709 : vector<16xi1>, vector<16xi32>
    %reduce_sum3A_1711 = arith.constant true
    %reduce_sum3A_1712 = vector.broadcast %reduce_sum3A_1711 : i1 to vector<16xi1>
    %reduce_sum3A_1713 = tpu.scan <sum>, %select_n3A_1710 masked %reduce_sum3A_1712 : vector<16xi32>, vector<16xi1> -> vector<16xi32>
    %reduce_sum3A_1714 = vector.extract %reduce_sum3A_1713[15] : i32 from vector<16xi32>
    %add3A_1715 = vector.broadcast %reduce_sum3A_1714 : i32 to vector<16xi32>
    %add3A_1716 = arith.addi %add3A_1715, %sub3A_1704 : vector<16xi32>
    %select_n3A_1717 = arith.select %eq3A_1697, %add3A_1716, %select_n3A_1686 : vector<16xi1>, vector<16xi32>
    %all_reduce_population_count3A_1718 = tpu.all_reduce %eq3A_1697 {dim = 0 : i64, kind = #tpu.reduction_kind<sum>} : vector<16xi1> -> vector<16xi32>
    %eq3A_1719 = arith.constant 3 : i32
    %eq3A_1720 = vector.broadcast %eq3A_1719 : i32 to vector<16xi32>
    %eq3A_1721 = arith.cmpi eq, %iota3A, %eq3A_1720 : vector<16xi32>
    %jit3A_1722 = arith.constant 0 : i32
    %broadcast_in_dim3A_1723 = vector.broadcast %jit3A_1722 : i32 to vector<16xi32>
    %select_n3A_1724 = arith.select %eq3A_1721, %all_reduce_population_count3A_1718, %broadcast_in_dim3A_1723 : vector<16xi1>, vector<16xi32>
    %add3A_1725 = arith.addi %add3A_1694, %select_n3A_1724 : vector<16xi32>
    %eq3A_1726 = arith.constant 4 : i32
    %eq3A_1727 = vector.broadcast %eq3A_1726 : i32 to vector<16xi32>
    %eq3A_1728 = arith.cmpi eq, %get3A_1599, %eq3A_1727 : vector<16xi32>
    %convert_element_type3A_1729 = arith.extui %eq3A_1728 : vector<16xi1> to vector<16xi32>
    %broadcast_in_dim3A_1730 = arith.constant true
    %broadcast_in_dim3A_1731 = vector.broadcast %broadcast_in_dim3A_1730 : i1 to vector<16xi1>
    %masked_cumsum3A_1732 = tpu.scan <sum>, %convert_element_type3A_1729 masked %broadcast_in_dim3A_1731 : vector<16xi32>, vector<16xi1> -> vector<16xi32>
    %sub3A_1733 = arith.constant 1 : i32
    %sub3A_1734 = vector.broadcast %sub3A_1733 : i32 to vector<16xi32>
    %sub3A_1735 = arith.subi %masked_cumsum3A_1732, %sub3A_1734 : vector<16xi32>
    %eq3A_1736 = arith.constant 4 : i32
    %eq3A_1737 = vector.broadcast %eq3A_1736 : i32 to vector<16xi32>
    %eq3A_1738 = arith.cmpi eq, %iota3A, %eq3A_1737 : vector<16xi32>
    %jit3A_1739 = arith.constant 0 : i32
    %broadcast_in_dim3A_1740 = vector.broadcast %jit3A_1739 : i32 to vector<16xi32>
    %select_n3A_1741 = arith.select %eq3A_1738, %add3A_1725, %broadcast_in_dim3A_1740 : vector<16xi1>, vector<16xi32>
    %reduce_sum3A_1742 = arith.constant true
    %reduce_sum3A_1743 = vector.broadcast %reduce_sum3A_1742 : i1 to vector<16xi1>
    %reduce_sum3A_1744 = tpu.scan <sum>, %select_n3A_1741 masked %reduce_sum3A_1743 : vector<16xi32>, vector<16xi1> -> vector<16xi32>
    %reduce_sum3A_1745 = vector.extract %reduce_sum3A_1744[15] : i32 from vector<16xi32>
    %add3A_1746 = vector.broadcast %reduce_sum3A_1745 : i32 to vector<16xi32>
    %add3A_1747 = arith.addi %add3A_1746, %sub3A_1735 : vector<16xi32>
    %select_n3A_1748 = arith.select %eq3A_1728, %add3A_1747, %select_n3A_1717 : vector<16xi1>, vector<16xi32>
    %all_reduce_population_count3A_1749 = tpu.all_reduce %eq3A_1728 {dim = 0 : i64, kind = #tpu.reduction_kind<sum>} : vector<16xi1> -> vector<16xi32>
    %eq3A_1750 = arith.constant 4 : i32
    %eq3A_1751 = vector.broadcast %eq3A_1750 : i32 to vector<16xi32>
    %eq3A_1752 = arith.cmpi eq, %iota3A, %eq3A_1751 : vector<16xi32>
    %jit3A_1753 = arith.constant 0 : i32
    %broadcast_in_dim3A_1754 = vector.broadcast %jit3A_1753 : i32 to vector<16xi32>
    %select_n3A_1755 = arith.select %eq3A_1752, %all_reduce_population_count3A_1749, %broadcast_in_dim3A_1754 : vector<16xi1>, vector<16xi32>
    %add3A_1756 = arith.addi %add3A_1725, %select_n3A_1755 : vector<16xi32>
    %eq3A_1757 = arith.constant 5 : i32
    %eq3A_1758 = vector.broadcast %eq3A_1757 : i32 to vector<16xi32>
    %eq3A_1759 = arith.cmpi eq, %get3A_1599, %eq3A_1758 : vector<16xi32>
    %convert_element_type3A_1760 = arith.extui %eq3A_1759 : vector<16xi1> to vector<16xi32>
    %broadcast_in_dim3A_1761 = arith.constant true
    %broadcast_in_dim3A_1762 = vector.broadcast %broadcast_in_dim3A_1761 : i1 to vector<16xi1>
    %masked_cumsum3A_1763 = tpu.scan <sum>, %convert_element_type3A_1760 masked %broadcast_in_dim3A_1762 : vector<16xi32>, vector<16xi1> -> vector<16xi32>
    %sub3A_1764 = arith.constant 1 : i32
    %sub3A_1765 = vector.broadcast %sub3A_1764 : i32 to vector<16xi32>
    %sub3A_1766 = arith.subi %masked_cumsum3A_1763, %sub3A_1765 : vector<16xi32>
    %eq3A_1767 = arith.constant 5 : i32
    %eq3A_1768 = vector.broadcast %eq3A_1767 : i32 to vector<16xi32>
    %eq3A_1769 = arith.cmpi eq, %iota3A, %eq3A_1768 : vector<16xi32>
    %jit3A_1770 = arith.constant 0 : i32
    %broadcast_in_dim3A_1771 = vector.broadcast %jit3A_1770 : i32 to vector<16xi32>
    %select_n3A_1772 = arith.select %eq3A_1769, %add3A_1756, %broadcast_in_dim3A_1771 : vector<16xi1>, vector<16xi32>
    %reduce_sum3A_1773 = arith.constant true
    %reduce_sum3A_1774 = vector.broadcast %reduce_sum3A_1773 : i1 to vector<16xi1>
    %reduce_sum3A_1775 = tpu.scan <sum>, %select_n3A_1772 masked %reduce_sum3A_1774 : vector<16xi32>, vector<16xi1> -> vector<16xi32>
    %reduce_sum3A_1776 = vector.extract %reduce_sum3A_1775[15] : i32 from vector<16xi32>
    %add3A_1777 = vector.broadcast %reduce_sum3A_1776 : i32 to vector<16xi32>
    %add3A_1778 = arith.addi %add3A_1777, %sub3A_1766 : vector<16xi32>
    %select_n3A_1779 = arith.select %eq3A_1759, %add3A_1778, %select_n3A_1748 : vector<16xi1>, vector<16xi32>
    %all_reduce_population_count3A_1780 = tpu.all_reduce %eq3A_1759 {dim = 0 : i64, kind = #tpu.reduction_kind<sum>} : vector<16xi1> -> vector<16xi32>
    %eq3A_1781 = arith.constant 5 : i32
    %eq3A_1782 = vector.broadcast %eq3A_1781 : i32 to vector<16xi32>
    %eq3A_1783 = arith.cmpi eq, %iota3A, %eq3A_1782 : vector<16xi32>
    %jit3A_1784 = arith.constant 0 : i32
    %broadcast_in_dim3A_1785 = vector.broadcast %jit3A_1784 : i32 to vector<16xi32>
    %select_n3A_1786 = arith.select %eq3A_1783, %all_reduce_population_count3A_1780, %broadcast_in_dim3A_1785 : vector<16xi1>, vector<16xi32>
    %add3A_1787 = arith.addi %add3A_1756, %select_n3A_1786 : vector<16xi32>
    %eq3A_1788 = arith.constant 6 : i32
    %eq3A_1789 = vector.broadcast %eq3A_1788 : i32 to vector<16xi32>
    %eq3A_1790 = arith.cmpi eq, %get3A_1599, %eq3A_1789 : vector<16xi32>
    %convert_element_type3A_1791 = arith.extui %eq3A_1790 : vector<16xi1> to vector<16xi32>
    %broadcast_in_dim3A_1792 = arith.constant true
    %broadcast_in_dim3A_1793 = vector.broadcast %broadcast_in_dim3A_1792 : i1 to vector<16xi1>
    %masked_cumsum3A_1794 = tpu.scan <sum>, %convert_element_type3A_1791 masked %broadcast_in_dim3A_1793 : vector<16xi32>, vector<16xi1> -> vector<16xi32>
    %sub3A_1795 = arith.constant 1 : i32
    %sub3A_1796 = vector.broadcast %sub3A_1795 : i32 to vector<16xi32>
    %sub3A_1797 = arith.subi %masked_cumsum3A_1794, %sub3A_1796 : vector<16xi32>
    %eq3A_1798 = arith.constant 6 : i32
    %eq3A_1799 = vector.broadcast %eq3A_1798 : i32 to vector<16xi32>
    %eq3A_1800 = arith.cmpi eq, %iota3A, %eq3A_1799 : vector<16xi32>
    %jit3A_1801 = arith.constant 0 : i32
    %broadcast_in_dim3A_1802 = vector.broadcast %jit3A_1801 : i32 to vector<16xi32>
    %select_n3A_1803 = arith.select %eq3A_1800, %add3A_1787, %broadcast_in_dim3A_1802 : vector<16xi1>, vector<16xi32>
    %reduce_sum3A_1804 = arith.constant true
    %reduce_sum3A_1805 = vector.broadcast %reduce_sum3A_1804 : i1 to vector<16xi1>
    %reduce_sum3A_1806 = tpu.scan <sum>, %select_n3A_1803 masked %reduce_sum3A_1805 : vector<16xi32>, vector<16xi1> -> vector<16xi32>
    %reduce_sum3A_1807 = vector.extract %reduce_sum3A_1806[15] : i32 from vector<16xi32>
    %add3A_1808 = vector.broadcast %reduce_sum3A_1807 : i32 to vector<16xi32>
    %add3A_1809 = arith.addi %add3A_1808, %sub3A_1797 : vector<16xi32>
    %select_n3A_1810 = arith.select %eq3A_1790, %add3A_1809, %select_n3A_1779 : vector<16xi1>, vector<16xi32>
    %all_reduce_population_count3A_1811 = tpu.all_reduce %eq3A_1790 {dim = 0 : i64, kind = #tpu.reduction_kind<sum>} : vector<16xi1> -> vector<16xi32>
    %eq3A_1812 = arith.constant 6 : i32
    %eq3A_1813 = vector.broadcast %eq3A_1812 : i32 to vector<16xi32>
    %eq3A_1814 = arith.cmpi eq, %iota3A, %eq3A_1813 : vector<16xi32>
    %jit3A_1815 = arith.constant 0 : i32
    %broadcast_in_dim3A_1816 = vector.broadcast %jit3A_1815 : i32 to vector<16xi32>
    %select_n3A_1817 = arith.select %eq3A_1814, %all_reduce_population_count3A_1811, %broadcast_in_dim3A_1816 : vector<16xi1>, vector<16xi32>
    %add3A_1818 = arith.addi %add3A_1787, %select_n3A_1817 : vector<16xi32>
    %eq3A_1819 = arith.constant 7 : i32
    %eq3A_1820 = vector.broadcast %eq3A_1819 : i32 to vector<16xi32>
    %eq3A_1821 = arith.cmpi eq, %get3A_1599, %eq3A_1820 : vector<16xi32>
    %convert_element_type3A_1822 = arith.extui %eq3A_1821 : vector<16xi1> to vector<16xi32>
    %broadcast_in_dim3A_1823 = arith.constant true
    %broadcast_in_dim3A_1824 = vector.broadcast %broadcast_in_dim3A_1823 : i1 to vector<16xi1>
    %masked_cumsum3A_1825 = tpu.scan <sum>, %convert_element_type3A_1822 masked %broadcast_in_dim3A_1824 : vector<16xi32>, vector<16xi1> -> vector<16xi32>
    %sub3A_1826 = arith.constant 1 : i32
    %sub3A_1827 = vector.broadcast %sub3A_1826 : i32 to vector<16xi32>
    %sub3A_1828 = arith.subi %masked_cumsum3A_1825, %sub3A_1827 : vector<16xi32>
    %eq3A_1829 = arith.constant 7 : i32
    %eq3A_1830 = vector.broadcast %eq3A_1829 : i32 to vector<16xi32>
    %eq3A_1831 = arith.cmpi eq, %iota3A, %eq3A_1830 : vector<16xi32>
    %jit3A_1832 = arith.constant 0 : i32
    %broadcast_in_dim3A_1833 = vector.broadcast %jit3A_1832 : i32 to vector<16xi32>
    %select_n3A_1834 = arith.select %eq3A_1831, %add3A_1818, %broadcast_in_dim3A_1833 : vector<16xi1>, vector<16xi32>
    %reduce_sum3A_1835 = arith.constant true
    %reduce_sum3A_1836 = vector.broadcast %reduce_sum3A_1835 : i1 to vector<16xi1>
    %reduce_sum3A_1837 = tpu.scan <sum>, %select_n3A_1834 masked %reduce_sum3A_1836 : vector<16xi32>, vector<16xi1> -> vector<16xi32>
    %reduce_sum3A_1838 = vector.extract %reduce_sum3A_1837[15] : i32 from vector<16xi32>
    %add3A_1839 = vector.broadcast %reduce_sum3A_1838 : i32 to vector<16xi32>
    %add3A_1840 = arith.addi %add3A_1839, %sub3A_1828 : vector<16xi32>
    %select_n3A_1841 = arith.select %eq3A_1821, %add3A_1840, %select_n3A_1810 : vector<16xi1>, vector<16xi32>
    %all_reduce_population_count3A_1842 = tpu.all_reduce %eq3A_1821 {dim = 0 : i64, kind = #tpu.reduction_kind<sum>} : vector<16xi1> -> vector<16xi32>
    %eq3A_1843 = arith.constant 7 : i32
    %eq3A_1844 = vector.broadcast %eq3A_1843 : i32 to vector<16xi32>
    %eq3A_1845 = arith.cmpi eq, %iota3A, %eq3A_1844 : vector<16xi32>
    %jit3A_1846 = arith.constant 0 : i32
    %broadcast_in_dim3A_1847 = vector.broadcast %jit3A_1846 : i32 to vector<16xi32>
    %select_n3A_1848 = arith.select %eq3A_1845, %all_reduce_population_count3A_1842, %broadcast_in_dim3A_1847 : vector<16xi1>, vector<16xi32>
    %add3A_1849 = arith.addi %add3A_1818, %select_n3A_1848 : vector<16xi32>
    %swap3A_1850 = arith.constant 80 : index
    %swap3A_1851 = tpu.vector_load %arg10[%swap3A_1850] {strides = array<i32>} : memref<128xi32, #tpu.memory_space<vmem>>, vector<16xi32>,
    tpu.vector_store %arg10[%swap3A_1850], %select_n3A_1841 {strides = array<i32>} : memref<128xi32, #tpu.memory_space<vmem>>, vector<16xi32>,
    %get3A_1852 = arith.constant 96 : index
    %get3A_1853 = tpu.vector_load %arg8[%get3A_1852] {strides = array<i32>} : memref<128xi32, #tpu.memory_space<vmem>>, vector<16xi32>,
    %broadcast_in_dim3A_1854 = arith.constant 0 : i32
    %broadcast_in_dim3A_1855 = vector.broadcast %broadcast_in_dim3A_1854 : i32 to vector<16xi32>
    %eq3A_1856 = arith.constant 0 : i32
    %eq3A_1857 = vector.broadcast %eq3A_1856 : i32 to vector<16xi32>
    %eq3A_1858 = arith.cmpi eq, %get3A_1853, %eq3A_1857 : vector<16xi32>
    %convert_element_type3A_1859 = arith.extui %eq3A_1858 : vector<16xi1> to vector<16xi32>
    %broadcast_in_dim3A_1860 = arith.constant true
    %broadcast_in_dim3A_1861 = vector.broadcast %broadcast_in_dim3A_1860 : i1 to vector<16xi1>
    %masked_cumsum3A_1862 = tpu.scan <sum>, %convert_element_type3A_1859 masked %broadcast_in_dim3A_1861 : vector<16xi32>, vector<16xi1> -> vector<16xi32>
    %sub3A_1863 = arith.constant 1 : i32
    %sub3A_1864 = vector.broadcast %sub3A_1863 : i32 to vector<16xi32>
    %sub3A_1865 = arith.subi %masked_cumsum3A_1862, %sub3A_1864 : vector<16xi32>
    %eq3A_1866 = arith.constant 0 : i32
    %eq3A_1867 = vector.broadcast %eq3A_1866 : i32 to vector<16xi32>
    %eq3A_1868 = arith.cmpi eq, %iota3A, %eq3A_1867 : vector<16xi32>
    %jit3A_1869 = arith.constant 0 : i32
    %broadcast_in_dim3A_1870 = vector.broadcast %jit3A_1869 : i32 to vector<16xi32>
    %select_n3A_1871 = arith.select %eq3A_1868, %add3A_1849, %broadcast_in_dim3A_1870 : vector<16xi1>, vector<16xi32>
    %reduce_sum3A_1872 = arith.constant true
    %reduce_sum3A_1873 = vector.broadcast %reduce_sum3A_1872 : i1 to vector<16xi1>
    %reduce_sum3A_1874 = tpu.scan <sum>, %select_n3A_1871 masked %reduce_sum3A_1873 : vector<16xi32>, vector<16xi1> -> vector<16xi32>
    %reduce_sum3A_1875 = vector.extract %reduce_sum3A_1874[15] : i32 from vector<16xi32>
    %add3A_1876 = vector.broadcast %reduce_sum3A_1875 : i32 to vector<16xi32>
    %add3A_1877 = arith.addi %add3A_1876, %sub3A_1865 : vector<16xi32>
    %select_n3A_1878 = arith.select %eq3A_1858, %add3A_1877, %broadcast_in_dim3A_1855 : vector<16xi1>, vector<16xi32>
    %all_reduce_population_count3A_1879 = tpu.all_reduce %eq3A_1858 {dim = 0 : i64, kind = #tpu.reduction_kind<sum>} : vector<16xi1> -> vector<16xi32>
    %eq3A_1880 = arith.constant 0 : i32
    %eq3A_1881 = vector.broadcast %eq3A_1880 : i32 to vector<16xi32>
    %eq3A_1882 = arith.cmpi eq, %iota3A, %eq3A_1881 : vector<16xi32>
    %jit3A_1883 = arith.constant 0 : i32
    %broadcast_in_dim3A_1884 = vector.broadcast %jit3A_1883 : i32 to vector<16xi32>
    %select_n3A_1885 = arith.select %eq3A_1882, %all_reduce_population_count3A_1879, %broadcast_in_dim3A_1884 : vector<16xi1>, vector<16xi32>
    %add3A_1886 = arith.addi %add3A_1849, %select_n3A_1885 : vector<16xi32>
    %eq3A_1887 = arith.constant 1 : i32
    %eq3A_1888 = vector.broadcast %eq3A_1887 : i32 to vector<16xi32>
    %eq3A_1889 = arith.cmpi eq, %get3A_1853, %eq3A_1888 : vector<16xi32>
    %convert_element_type3A_1890 = arith.extui %eq3A_1889 : vector<16xi1> to vector<16xi32>
    %broadcast_in_dim3A_1891 = arith.constant true
    %broadcast_in_dim3A_1892 = vector.broadcast %broadcast_in_dim3A_1891 : i1 to vector<16xi1>
    %masked_cumsum3A_1893 = tpu.scan <sum>, %convert_element_type3A_1890 masked %broadcast_in_dim3A_1892 : vector<16xi32>, vector<16xi1> -> vector<16xi32>
    %sub3A_1894 = arith.constant 1 : i32
    %sub3A_1895 = vector.broadcast %sub3A_1894 : i32 to vector<16xi32>
    %sub3A_1896 = arith.subi %masked_cumsum3A_1893, %sub3A_1895 : vector<16xi32>
    %eq3A_1897 = arith.constant 1 : i32
    %eq3A_1898 = vector.broadcast %eq3A_1897 : i32 to vector<16xi32>
    %eq3A_1899 = arith.cmpi eq, %iota3A, %eq3A_1898 : vector<16xi32>
    %jit3A_1900 = arith.constant 0 : i32
    %broadcast_in_dim3A_1901 = vector.broadcast %jit3A_1900 : i32 to vector<16xi32>
    %select_n3A_1902 = arith.select %eq3A_1899, %add3A_1886, %broadcast_in_dim3A_1901 : vector<16xi1>, vector<16xi32>
    %reduce_sum3A_1903 = arith.constant true
    %reduce_sum3A_1904 = vector.broadcast %reduce_sum3A_1903 : i1 to vector<16xi1>
    %reduce_sum3A_1905 = tpu.scan <sum>, %select_n3A_1902 masked %reduce_sum3A_1904 : vector<16xi32>, vector<16xi1> -> vector<16xi32>
    %reduce_sum3A_1906 = vector.extract %reduce_sum3A_1905[15] : i32 from vector<16xi32>
    %add3A_1907 = vector.broadcast %reduce_sum3A_1906 : i32 to vector<16xi32>
    %add3A_1908 = arith.addi %add3A_1907, %sub3A_1896 : vector<16xi32>
    %select_n3A_1909 = arith.select %eq3A_1889, %add3A_1908, %select_n3A_1878 : vector<16xi1>, vector<16xi32>
    %all_reduce_population_count3A_1910 = tpu.all_reduce %eq3A_1889 {dim = 0 : i64, kind = #tpu.reduction_kind<sum>} : vector<16xi1> -> vector<16xi32>
    %eq3A_1911 = arith.constant 1 : i32
    %eq3A_1912 = vector.broadcast %eq3A_1911 : i32 to vector<16xi32>
    %eq3A_1913 = arith.cmpi eq, %iota3A, %eq3A_1912 : vector<16xi32>
    %jit3A_1914 = arith.constant 0 : i32
    %broadcast_in_dim3A_1915 = vector.broadcast %jit3A_1914 : i32 to vector<16xi32>
    %select_n3A_1916 = arith.select %eq3A_1913, %all_reduce_population_count3A_1910, %broadcast_in_dim3A_1915 : vector<16xi1>, vector<16xi32>
    %add3A_1917 = arith.addi %add3A_1886, %select_n3A_1916 : vector<16xi32>
    %eq3A_1918 = arith.constant 2 : i32
    %eq3A_1919 = vector.broadcast %eq3A_1918 : i32 to vector<16xi32>
    %eq3A_1920 = arith.cmpi eq, %get3A_1853, %eq3A_1919 : vector<16xi32>
    %convert_element_type3A_1921 = arith.extui %eq3A_1920 : vector<16xi1> to vector<16xi32>
    %broadcast_in_dim3A_1922 = arith.constant true
    %broadcast_in_dim3A_1923 = vector.broadcast %broadcast_in_dim3A_1922 : i1 to vector<16xi1>
    %masked_cumsum3A_1924 = tpu.scan <sum>, %convert_element_type3A_1921 masked %broadcast_in_dim3A_1923 : vector<16xi32>, vector<16xi1> -> vector<16xi32>
    %sub3A_1925 = arith.constant 1 : i32
    %sub3A_1926 = vector.broadcast %sub3A_1925 : i32 to vector<16xi32>
    %sub3A_1927 = arith.subi %masked_cumsum3A_1924, %sub3A_1926 : vector<16xi32>
    %eq3A_1928 = arith.constant 2 : i32
    %eq3A_1929 = vector.broadcast %eq3A_1928 : i32 to vector<16xi32>
    %eq3A_1930 = arith.cmpi eq, %iota3A, %eq3A_1929 : vector<16xi32>
    %jit3A_1931 = arith.constant 0 : i32
    %broadcast_in_dim3A_1932 = vector.broadcast %jit3A_1931 : i32 to vector<16xi32>
    %select_n3A_1933 = arith.select %eq3A_1930, %add3A_1917, %broadcast_in_dim3A_1932 : vector<16xi1>, vector<16xi32>
    %reduce_sum3A_1934 = arith.constant true
    %reduce_sum3A_1935 = vector.broadcast %reduce_sum3A_1934 : i1 to vector<16xi1>
    %reduce_sum3A_1936 = tpu.scan <sum>, %select_n3A_1933 masked %reduce_sum3A_1935 : vector<16xi32>, vector<16xi1> -> vector<16xi32>
    %reduce_sum3A_1937 = vector.extract %reduce_sum3A_1936[15] : i32 from vector<16xi32>
    %add3A_1938 = vector.broadcast %reduce_sum3A_1937 : i32 to vector<16xi32>
    %add3A_1939 = arith.addi %add3A_1938, %sub3A_1927 : vector<16xi32>
    %select_n3A_1940 = arith.select %eq3A_1920, %add3A_1939, %select_n3A_1909 : vector<16xi1>, vector<16xi32>
    %all_reduce_population_count3A_1941 = tpu.all_reduce %eq3A_1920 {dim = 0 : i64, kind = #tpu.reduction_kind<sum>} : vector<16xi1> -> vector<16xi32>
    %eq3A_1942 = arith.constant 2 : i32
    %eq3A_1943 = vector.broadcast %eq3A_1942 : i32 to vector<16xi32>
    %eq3A_1944 = arith.cmpi eq, %iota3A, %eq3A_1943 : vector<16xi32>
    %jit3A_1945 = arith.constant 0 : i32
    %broadcast_in_dim3A_1946 = vector.broadcast %jit3A_1945 : i32 to vector<16xi32>
    %select_n3A_1947 = arith.select %eq3A_1944, %all_reduce_population_count3A_1941, %broadcast_in_dim3A_1946 : vector<16xi1>, vector<16xi32>
    %add3A_1948 = arith.addi %add3A_1917, %select_n3A_1947 : vector<16xi32>
    %eq3A_1949 = arith.constant 3 : i32
    %eq3A_1950 = vector.broadcast %eq3A_1949 : i32 to vector<16xi32>
    %eq3A_1951 = arith.cmpi eq, %get3A_1853, %eq3A_1950 : vector<16xi32>
    %convert_element_type3A_1952 = arith.extui %eq3A_1951 : vector<16xi1> to vector<16xi32>
    %broadcast_in_dim3A_1953 = arith.constant true
    %broadcast_in_dim3A_1954 = vector.broadcast %broadcast_in_dim3A_1953 : i1 to vector<16xi1>
    %masked_cumsum3A_1955 = tpu.scan <sum>, %convert_element_type3A_1952 masked %broadcast_in_dim3A_1954 : vector<16xi32>, vector<16xi1> -> vector<16xi32>
    %sub3A_1956 = arith.constant 1 : i32
    %sub3A_1957 = vector.broadcast %sub3A_1956 : i32 to vector<16xi32>
    %sub3A_1958 = arith.subi %masked_cumsum3A_1955, %sub3A_1957 : vector<16xi32>
    %eq3A_1959 = arith.constant 3 : i32
    %eq3A_1960 = vector.broadcast %eq3A_1959 : i32 to vector<16xi32>
    %eq3A_1961 = arith.cmpi eq, %iota3A, %eq3A_1960 : vector<16xi32>
    %jit3A_1962 = arith.constant 0 : i32
    %broadcast_in_dim3A_1963 = vector.broadcast %jit3A_1962 : i32 to vector<16xi32>
    %select_n3A_1964 = arith.select %eq3A_1961, %add3A_1948, %broadcast_in_dim3A_1963 : vector<16xi1>, vector<16xi32>
    %reduce_sum3A_1965 = arith.constant true
    %reduce_sum3A_1966 = vector.broadcast %reduce_sum3A_1965 : i1 to vector<16xi1>
    %reduce_sum3A_1967 = tpu.scan <sum>, %select_n3A_1964 masked %reduce_sum3A_1966 : vector<16xi32>, vector<16xi1> -> vector<16xi32>
    %reduce_sum3A_1968 = vector.extract %reduce_sum3A_1967[15] : i32 from vector<16xi32>
    %add3A_1969 = vector.broadcast %reduce_sum3A_1968 : i32 to vector<16xi32>
    %add3A_1970 = arith.addi %add3A_1969, %sub3A_1958 : vector<16xi32>
    %select_n3A_1971 = arith.select %eq3A_1951, %add3A_1970, %select_n3A_1940 : vector<16xi1>, vector<16xi32>
    %all_reduce_population_count3A_1972 = tpu.all_reduce %eq3A_1951 {dim = 0 : i64, kind = #tpu.reduction_kind<sum>} : vector<16xi1> -> vector<16xi32>
    %eq3A_1973 = arith.constant 3 : i32
    %eq3A_1974 = vector.broadcast %eq3A_1973 : i32 to vector<16xi32>
    %eq3A_1975 = arith.cmpi eq, %iota3A, %eq3A_1974 : vector<16xi32>
    %jit3A_1976 = arith.constant 0 : i32
    %broadcast_in_dim3A_1977 = vector.broadcast %jit3A_1976 : i32 to vector<16xi32>
    %select_n3A_1978 = arith.select %eq3A_1975, %all_reduce_population_count3A_1972, %broadcast_in_dim3A_1977 : vector<16xi1>, vector<16xi32>
    %add3A_1979 = arith.addi %add3A_1948, %select_n3A_1978 : vector<16xi32>
    %eq3A_1980 = arith.constant 4 : i32
    %eq3A_1981 = vector.broadcast %eq3A_1980 : i32 to vector<16xi32>
    %eq3A_1982 = arith.cmpi eq, %get3A_1853, %eq3A_1981 : vector<16xi32>
    %convert_element_type3A_1983 = arith.extui %eq3A_1982 : vector<16xi1> to vector<16xi32>
    %broadcast_in_dim3A_1984 = arith.constant true
    %broadcast_in_dim3A_1985 = vector.broadcast %broadcast_in_dim3A_1984 : i1 to vector<16xi1>
    %masked_cumsum3A_1986 = tpu.scan <sum>, %convert_element_type3A_1983 masked %broadcast_in_dim3A_1985 : vector<16xi32>, vector<16xi1> -> vector<16xi32>
    %sub3A_1987 = arith.constant 1 : i32
    %sub3A_1988 = vector.broadcast %sub3A_1987 : i32 to vector<16xi32>
    %sub3A_1989 = arith.subi %masked_cumsum3A_1986, %sub3A_1988 : vector<16xi32>
    %eq3A_1990 = arith.constant 4 : i32
    %eq3A_1991 = vector.broadcast %eq3A_1990 : i32 to vector<16xi32>
    %eq3A_1992 = arith.cmpi eq, %iota3A, %eq3A_1991 : vector<16xi32>
    %jit3A_1993 = arith.constant 0 : i32
    %broadcast_in_dim3A_1994 = vector.broadcast %jit3A_1993 : i32 to vector<16xi32>
    %select_n3A_1995 = arith.select %eq3A_1992, %add3A_1979, %broadcast_in_dim3A_1994 : vector<16xi1>, vector<16xi32>
    %reduce_sum3A_1996 = arith.constant true
    %reduce_sum3A_1997 = vector.broadcast %reduce_sum3A_1996 : i1 to vector<16xi1>
    %reduce_sum3A_1998 = tpu.scan <sum>, %select_n3A_1995 masked %reduce_sum3A_1997 : vector<16xi32>, vector<16xi1> -> vector<16xi32>
    %reduce_sum3A_1999 = vector.extract %reduce_sum3A_1998[15] : i32 from vector<16xi32>
    %add3A_2000 = vector.broadcast %reduce_sum3A_1999 : i32 to vector<16xi32>
    %add3A_2001 = arith.addi %add3A_2000, %sub3A_1989 : vector<16xi32>
    %select_n3A_2002 = arith.select %eq3A_1982, %add3A_2001, %select_n3A_1971 : vector<16xi1>, vector<16xi32>
    %all_reduce_population_count3A_2003 = tpu.all_reduce %eq3A_1982 {dim = 0 : i64, kind = #tpu.reduction_kind<sum>} : vector<16xi1> -> vector<16xi32>
    %eq3A_2004 = arith.constant 4 : i32
    %eq3A_2005 = vector.broadcast %eq3A_2004 : i32 to vector<16xi32>
    %eq3A_2006 = arith.cmpi eq, %iota3A, %eq3A_2005 : vector<16xi32>
    %jit3A_2007 = arith.constant 0 : i32
    %broadcast_in_dim3A_2008 = vector.broadcast %jit3A_2007 : i32 to vector<16xi32>
    %select_n3A_2009 = arith.select %eq3A_2006, %all_reduce_population_count3A_2003, %broadcast_in_dim3A_2008 : vector<16xi1>, vector<16xi32>
    %add3A_2010 = arith.addi %add3A_1979, %select_n3A_2009 : vector<16xi32>
    %eq3A_2011 = arith.constant 5 : i32
    %eq3A_2012 = vector.broadcast %eq3A_2011 : i32 to vector<16xi32>
    %eq3A_2013 = arith.cmpi eq, %get3A_1853, %eq3A_2012 : vector<16xi32>
    %convert_element_type3A_2014 = arith.extui %eq3A_2013 : vector<16xi1> to vector<16xi32>
    %broadcast_in_dim3A_2015 = arith.constant true
    %broadcast_in_dim3A_2016 = vector.broadcast %broadcast_in_dim3A_2015 : i1 to vector<16xi1>
    %masked_cumsum3A_2017 = tpu.scan <sum>, %convert_element_type3A_2014 masked %broadcast_in_dim3A_2016 : vector<16xi32>, vector<16xi1> -> vector<16xi32>
    %sub3A_2018 = arith.constant 1 : i32
    %sub3A_2019 = vector.broadcast %sub3A_2018 : i32 to vector<16xi32>
    %sub3A_2020 = arith.subi %masked_cumsum3A_2017, %sub3A_2019 : vector<16xi32>
    %eq3A_2021 = arith.constant 5 : i32
    %eq3A_2022 = vector.broadcast %eq3A_2021 : i32 to vector<16xi32>
    %eq3A_2023 = arith.cmpi eq, %iota3A, %eq3A_2022 : vector<16xi32>
    %jit3A_2024 = arith.constant 0 : i32
    %broadcast_in_dim3A_2025 = vector.broadcast %jit3A_2024 : i32 to vector<16xi32>
    %select_n3A_2026 = arith.select %eq3A_2023, %add3A_2010, %broadcast_in_dim3A_2025 : vector<16xi1>, vector<16xi32>
    %reduce_sum3A_2027 = arith.constant true
    %reduce_sum3A_2028 = vector.broadcast %reduce_sum3A_2027 : i1 to vector<16xi1>
    %reduce_sum3A_2029 = tpu.scan <sum>, %select_n3A_2026 masked %reduce_sum3A_2028 : vector<16xi32>, vector<16xi1> -> vector<16xi32>
    %reduce_sum3A_2030 = vector.extract %reduce_sum3A_2029[15] : i32 from vector<16xi32>
    %add3A_2031 = vector.broadcast %reduce_sum3A_2030 : i32 to vector<16xi32>
    %add3A_2032 = arith.addi %add3A_2031, %sub3A_2020 : vector<16xi32>
    %select_n3A_2033 = arith.select %eq3A_2013, %add3A_2032, %select_n3A_2002 : vector<16xi1>, vector<16xi32>
    %all_reduce_population_count3A_2034 = tpu.all_reduce %eq3A_2013 {dim = 0 : i64, kind = #tpu.reduction_kind<sum>} : vector<16xi1> -> vector<16xi32>
    %eq3A_2035 = arith.constant 5 : i32
    %eq3A_2036 = vector.broadcast %eq3A_2035 : i32 to vector<16xi32>
    %eq3A_2037 = arith.cmpi eq, %iota3A, %eq3A_2036 : vector<16xi32>
    %jit3A_2038 = arith.constant 0 : i32
    %broadcast_in_dim3A_2039 = vector.broadcast %jit3A_2038 : i32 to vector<16xi32>
    %select_n3A_2040 = arith.select %eq3A_2037, %all_reduce_population_count3A_2034, %broadcast_in_dim3A_2039 : vector<16xi1>, vector<16xi32>
    %add3A_2041 = arith.addi %add3A_2010, %select_n3A_2040 : vector<16xi32>
    %eq3A_2042 = arith.constant 6 : i32
    %eq3A_2043 = vector.broadcast %eq3A_2042 : i32 to vector<16xi32>
    %eq3A_2044 = arith.cmpi eq, %get3A_1853, %eq3A_2043 : vector<16xi32>
    %convert_element_type3A_2045 = arith.extui %eq3A_2044 : vector<16xi1> to vector<16xi32>
    %broadcast_in_dim3A_2046 = arith.constant true
    %broadcast_in_dim3A_2047 = vector.broadcast %broadcast_in_dim3A_2046 : i1 to vector<16xi1>
    %masked_cumsum3A_2048 = tpu.scan <sum>, %convert_element_type3A_2045 masked %broadcast_in_dim3A_2047 : vector<16xi32>, vector<16xi1> -> vector<16xi32>
    %sub3A_2049 = arith.constant 1 : i32
    %sub3A_2050 = vector.broadcast %sub3A_2049 : i32 to vector<16xi32>
    %sub3A_2051 = arith.subi %masked_cumsum3A_2048, %sub3A_2050 : vector<16xi32>
    %eq3A_2052 = arith.constant 6 : i32
    %eq3A_2053 = vector.broadcast %eq3A_2052 : i32 to vector<16xi32>
    %eq3A_2054 = arith.cmpi eq, %iota3A, %eq3A_2053 : vector<16xi32>
    %jit3A_2055 = arith.constant 0 : i32
    %broadcast_in_dim3A_2056 = vector.broadcast %jit3A_2055 : i32 to vector<16xi32>
    %select_n3A_2057 = arith.select %eq3A_2054, %add3A_2041, %broadcast_in_dim3A_2056 : vector<16xi1>, vector<16xi32>
    %reduce_sum3A_2058 = arith.constant true
    %reduce_sum3A_2059 = vector.broadcast %reduce_sum3A_2058 : i1 to vector<16xi1>
    %reduce_sum3A_2060 = tpu.scan <sum>, %select_n3A_2057 masked %reduce_sum3A_2059 : vector<16xi32>, vector<16xi1> -> vector<16xi32>
    %reduce_sum3A_2061 = vector.extract %reduce_sum3A_2060[15] : i32 from vector<16xi32>
    %add3A_2062 = vector.broadcast %reduce_sum3A_2061 : i32 to vector<16xi32>
    %add3A_2063 = arith.addi %add3A_2062, %sub3A_2051 : vector<16xi32>
    %select_n3A_2064 = arith.select %eq3A_2044, %add3A_2063, %select_n3A_2033 : vector<16xi1>, vector<16xi32>
    %all_reduce_population_count3A_2065 = tpu.all_reduce %eq3A_2044 {dim = 0 : i64, kind = #tpu.reduction_kind<sum>} : vector<16xi1> -> vector<16xi32>
    %eq3A_2066 = arith.constant 6 : i32
    %eq3A_2067 = vector.broadcast %eq3A_2066 : i32 to vector<16xi32>
    %eq3A_2068 = arith.cmpi eq, %iota3A, %eq3A_2067 : vector<16xi32>
    %jit3A_2069 = arith.constant 0 : i32
    %broadcast_in_dim3A_2070 = vector.broadcast %jit3A_2069 : i32 to vector<16xi32>
    %select_n3A_2071 = arith.select %eq3A_2068, %all_reduce_population_count3A_2065, %broadcast_in_dim3A_2070 : vector<16xi1>, vector<16xi32>
    %add3A_2072 = arith.addi %add3A_2041, %select_n3A_2071 : vector<16xi32>
    %eq3A_2073 = arith.constant 7 : i32
    %eq3A_2074 = vector.broadcast %eq3A_2073 : i32 to vector<16xi32>
    %eq3A_2075 = arith.cmpi eq, %get3A_1853, %eq3A_2074 : vector<16xi32>
    %convert_element_type3A_2076 = arith.extui %eq3A_2075 : vector<16xi1> to vector<16xi32>
    %broadcast_in_dim3A_2077 = arith.constant true
    %broadcast_in_dim3A_2078 = vector.broadcast %broadcast_in_dim3A_2077 : i1 to vector<16xi1>
    %masked_cumsum3A_2079 = tpu.scan <sum>, %convert_element_type3A_2076 masked %broadcast_in_dim3A_2078 : vector<16xi32>, vector<16xi1> -> vector<16xi32>
    %sub3A_2080 = arith.constant 1 : i32
    %sub3A_2081 = vector.broadcast %sub3A_2080 : i32 to vector<16xi32>
    %sub3A_2082 = arith.subi %masked_cumsum3A_2079, %sub3A_2081 : vector<16xi32>
    %eq3A_2083 = arith.constant 7 : i32
    %eq3A_2084 = vector.broadcast %eq3A_2083 : i32 to vector<16xi32>
    %eq3A_2085 = arith.cmpi eq, %iota3A, %eq3A_2084 : vector<16xi32>
    %jit3A_2086 = arith.constant 0 : i32
    %broadcast_in_dim3A_2087 = vector.broadcast %jit3A_2086 : i32 to vector<16xi32>
    %select_n3A_2088 = arith.select %eq3A_2085, %add3A_2072, %broadcast_in_dim3A_2087 : vector<16xi1>, vector<16xi32>
    %reduce_sum3A_2089 = arith.constant true
    %reduce_sum3A_2090 = vector.broadcast %reduce_sum3A_2089 : i1 to vector<16xi1>
    %reduce_sum3A_2091 = tpu.scan <sum>, %select_n3A_2088 masked %reduce_sum3A_2090 : vector<16xi32>, vector<16xi1> -> vector<16xi32>
    %reduce_sum3A_2092 = vector.extract %reduce_sum3A_2091[15] : i32 from vector<16xi32>
    %add3A_2093 = vector.broadcast %reduce_sum3A_2092 : i32 to vector<16xi32>
    %add3A_2094 = arith.addi %add3A_2093, %sub3A_2082 : vector<16xi32>
    %select_n3A_2095 = arith.select %eq3A_2075, %add3A_2094, %select_n3A_2064 : vector<16xi1>, vector<16xi32>
    %all_reduce_population_count3A_2096 = tpu.all_reduce %eq3A_2075 {dim = 0 : i64, kind = #tpu.reduction_kind<sum>} : vector<16xi1> -> vector<16xi32>
    %eq3A_2097 = arith.constant 7 : i32
    %eq3A_2098 = vector.broadcast %eq3A_2097 : i32 to vector<16xi32>
    %eq3A_2099 = arith.cmpi eq, %iota3A, %eq3A_2098 : vector<16xi32>
    %jit3A_2100 = arith.constant 0 : i32
    %broadcast_in_dim3A_2101 = vector.broadcast %jit3A_2100 : i32 to vector<16xi32>
    %select_n3A_2102 = arith.select %eq3A_2099, %all_reduce_population_count3A_2096, %broadcast_in_dim3A_2101 : vector<16xi1>, vector<16xi32>
    %add3A_2103 = arith.addi %add3A_2072, %select_n3A_2102 : vector<16xi32>
    %swap3A_2104 = arith.constant 96 : index
    %swap3A_2105 = tpu.vector_load %arg10[%swap3A_2104] {strides = array<i32>} : memref<128xi32, #tpu.memory_space<vmem>>, vector<16xi32>,
    tpu.vector_store %arg10[%swap3A_2104], %select_n3A_2095 {strides = array<i32>} : memref<128xi32, #tpu.memory_space<vmem>>, vector<16xi32>,
    %get3A_2106 = arith.constant 112 : index
    %get3A_2107 = tpu.vector_load %arg8[%get3A_2106] {strides = array<i32>} : memref<128xi32, #tpu.memory_space<vmem>>, vector<16xi32>,
    %broadcast_in_dim3A_2108 = arith.constant 0 : i32
    %broadcast_in_dim3A_2109 = vector.broadcast %broadcast_in_dim3A_2108 : i32 to vector<16xi32>
    %eq3A_2110 = arith.constant 0 : i32
    %eq3A_2111 = vector.broadcast %eq3A_2110 : i32 to vector<16xi32>
    %eq3A_2112 = arith.cmpi eq, %get3A_2107, %eq3A_2111 : vector<16xi32>
    %convert_element_type3A_2113 = arith.extui %eq3A_2112 : vector<16xi1> to vector<16xi32>
    %broadcast_in_dim3A_2114 = arith.constant true
    %broadcast_in_dim3A_2115 = vector.broadcast %broadcast_in_dim3A_2114 : i1 to vector<16xi1>
    %masked_cumsum3A_2116 = tpu.scan <sum>, %convert_element_type3A_2113 masked %broadcast_in_dim3A_2115 : vector<16xi32>, vector<16xi1> -> vector<16xi32>
    %sub3A_2117 = arith.constant 1 : i32
    %sub3A_2118 = vector.broadcast %sub3A_2117 : i32 to vector<16xi32>
    %sub3A_2119 = arith.subi %masked_cumsum3A_2116, %sub3A_2118 : vector<16xi32>
    %eq3A_2120 = arith.constant 0 : i32
    %eq3A_2121 = vector.broadcast %eq3A_2120 : i32 to vector<16xi32>
    %eq3A_2122 = arith.cmpi eq, %iota3A, %eq3A_2121 : vector<16xi32>
    %jit3A_2123 = arith.constant 0 : i32
    %broadcast_in_dim3A_2124 = vector.broadcast %jit3A_2123 : i32 to vector<16xi32>
    %select_n3A_2125 = arith.select %eq3A_2122, %add3A_2103, %broadcast_in_dim3A_2124 : vector<16xi1>, vector<16xi32>
    %reduce_sum3A_2126 = arith.constant true
    %reduce_sum3A_2127 = vector.broadcast %reduce_sum3A_2126 : i1 to vector<16xi1>
    %reduce_sum3A_2128 = tpu.scan <sum>, %select_n3A_2125 masked %reduce_sum3A_2127 : vector<16xi32>, vector<16xi1> -> vector<16xi32>
    %reduce_sum3A_2129 = vector.extract %reduce_sum3A_2128[15] : i32 from vector<16xi32>
    %add3A_2130 = vector.broadcast %reduce_sum3A_2129 : i32 to vector<16xi32>
    %add3A_2131 = arith.addi %add3A_2130, %sub3A_2119 : vector<16xi32>
    %select_n3A_2132 = arith.select %eq3A_2112, %add3A_2131, %broadcast_in_dim3A_2109 : vector<16xi1>, vector<16xi32>
    %all_reduce_population_count3A_2133 = tpu.all_reduce %eq3A_2112 {dim = 0 : i64, kind = #tpu.reduction_kind<sum>} : vector<16xi1> -> vector<16xi32>
    %eq3A_2134 = arith.constant 0 : i32
    %eq3A_2135 = vector.broadcast %eq3A_2134 : i32 to vector<16xi32>
    %eq3A_2136 = arith.cmpi eq, %iota3A, %eq3A_2135 : vector<16xi32>
    %jit3A_2137 = arith.constant 0 : i32
    %broadcast_in_dim3A_2138 = vector.broadcast %jit3A_2137 : i32 to vector<16xi32>
    %select_n3A_2139 = arith.select %eq3A_2136, %all_reduce_population_count3A_2133, %broadcast_in_dim3A_2138 : vector<16xi1>, vector<16xi32>
    %add3A_2140 = arith.addi %add3A_2103, %select_n3A_2139 : vector<16xi32>
    %eq3A_2141 = arith.constant 1 : i32
    %eq3A_2142 = vector.broadcast %eq3A_2141 : i32 to vector<16xi32>
    %eq3A_2143 = arith.cmpi eq, %get3A_2107, %eq3A_2142 : vector<16xi32>
    %convert_element_type3A_2144 = arith.extui %eq3A_2143 : vector<16xi1> to vector<16xi32>
    %broadcast_in_dim3A_2145 = arith.constant true
    %broadcast_in_dim3A_2146 = vector.broadcast %broadcast_in_dim3A_2145 : i1 to vector<16xi1>
    %masked_cumsum3A_2147 = tpu.scan <sum>, %convert_element_type3A_2144 masked %broadcast_in_dim3A_2146 : vector<16xi32>, vector<16xi1> -> vector<16xi32>
    %sub3A_2148 = arith.constant 1 : i32
    %sub3A_2149 = vector.broadcast %sub3A_2148 : i32 to vector<16xi32>
    %sub3A_2150 = arith.subi %masked_cumsum3A_2147, %sub3A_2149 : vector<16xi32>
    %eq3A_2151 = arith.constant 1 : i32
    %eq3A_2152 = vector.broadcast %eq3A_2151 : i32 to vector<16xi32>
    %eq3A_2153 = arith.cmpi eq, %iota3A, %eq3A_2152 : vector<16xi32>
    %jit3A_2154 = arith.constant 0 : i32
    %broadcast_in_dim3A_2155 = vector.broadcast %jit3A_2154 : i32 to vector<16xi32>
    %select_n3A_2156 = arith.select %eq3A_2153, %add3A_2140, %broadcast_in_dim3A_2155 : vector<16xi1>, vector<16xi32>
    %reduce_sum3A_2157 = arith.constant true
    %reduce_sum3A_2158 = vector.broadcast %reduce_sum3A_2157 : i1 to vector<16xi1>
    %reduce_sum3A_2159 = tpu.scan <sum>, %select_n3A_2156 masked %reduce_sum3A_2158 : vector<16xi32>, vector<16xi1> -> vector<16xi32>
    %reduce_sum3A_2160 = vector.extract %reduce_sum3A_2159[15] : i32 from vector<16xi32>
    %add3A_2161 = vector.broadcast %reduce_sum3A_2160 : i32 to vector<16xi32>
    %add3A_2162 = arith.addi %add3A_2161, %sub3A_2150 : vector<16xi32>
    %select_n3A_2163 = arith.select %eq3A_2143, %add3A_2162, %select_n3A_2132 : vector<16xi1>, vector<16xi32>
    %all_reduce_population_count3A_2164 = tpu.all_reduce %eq3A_2143 {dim = 0 : i64, kind = #tpu.reduction_kind<sum>} : vector<16xi1> -> vector<16xi32>
    %eq3A_2165 = arith.constant 1 : i32
    %eq3A_2166 = vector.broadcast %eq3A_2165 : i32 to vector<16xi32>
    %eq3A_2167 = arith.cmpi eq, %iota3A, %eq3A_2166 : vector<16xi32>
    %jit3A_2168 = arith.constant 0 : i32
    %broadcast_in_dim3A_2169 = vector.broadcast %jit3A_2168 : i32 to vector<16xi32>
    %select_n3A_2170 = arith.select %eq3A_2167, %all_reduce_population_count3A_2164, %broadcast_in_dim3A_2169 : vector<16xi1>, vector<16xi32>
    %add3A_2171 = arith.addi %add3A_2140, %select_n3A_2170 : vector<16xi32>
    %eq3A_2172 = arith.constant 2 : i32
    %eq3A_2173 = vector.broadcast %eq3A_2172 : i32 to vector<16xi32>
    %eq3A_2174 = arith.cmpi eq, %get3A_2107, %eq3A_2173 : vector<16xi32>
    %convert_element_type3A_2175 = arith.extui %eq3A_2174 : vector<16xi1> to vector<16xi32>
    %broadcast_in_dim3A_2176 = arith.constant true
    %broadcast_in_dim3A_2177 = vector.broadcast %broadcast_in_dim3A_2176 : i1 to vector<16xi1>
    %masked_cumsum3A_2178 = tpu.scan <sum>, %convert_element_type3A_2175 masked %broadcast_in_dim3A_2177 : vector<16xi32>, vector<16xi1> -> vector<16xi32>
    %sub3A_2179 = arith.constant 1 : i32
    %sub3A_2180 = vector.broadcast %sub3A_2179 : i32 to vector<16xi32>
    %sub3A_2181 = arith.subi %masked_cumsum3A_2178, %sub3A_2180 : vector<16xi32>
    %eq3A_2182 = arith.constant 2 : i32
    %eq3A_2183 = vector.broadcast %eq3A_2182 : i32 to vector<16xi32>
    %eq3A_2184 = arith.cmpi eq, %iota3A, %eq3A_2183 : vector<16xi32>
    %jit3A_2185 = arith.constant 0 : i32
    %broadcast_in_dim3A_2186 = vector.broadcast %jit3A_2185 : i32 to vector<16xi32>
    %select_n3A_2187 = arith.select %eq3A_2184, %add3A_2171, %broadcast_in_dim3A_2186 : vector<16xi1>, vector<16xi32>
    %reduce_sum3A_2188 = arith.constant true
    %reduce_sum3A_2189 = vector.broadcast %reduce_sum3A_2188 : i1 to vector<16xi1>
    %reduce_sum3A_2190 = tpu.scan <sum>, %select_n3A_2187 masked %reduce_sum3A_2189 : vector<16xi32>, vector<16xi1> -> vector<16xi32>
    %reduce_sum3A_2191 = vector.extract %reduce_sum3A_2190[15] : i32 from vector<16xi32>
    %add3A_2192 = vector.broadcast %reduce_sum3A_2191 : i32 to vector<16xi32>
    %add3A_2193 = arith.addi %add3A_2192, %sub3A_2181 : vector<16xi32>
    %select_n3A_2194 = arith.select %eq3A_2174, %add3A_2193, %select_n3A_2163 : vector<16xi1>, vector<16xi32>
    %all_reduce_population_count3A_2195 = tpu.all_reduce %eq3A_2174 {dim = 0 : i64, kind = #tpu.reduction_kind<sum>} : vector<16xi1> -> vector<16xi32>
    %eq3A_2196 = arith.constant 2 : i32
    %eq3A_2197 = vector.broadcast %eq3A_2196 : i32 to vector<16xi32>
    %eq3A_2198 = arith.cmpi eq, %iota3A, %eq3A_2197 : vector<16xi32>
    %jit3A_2199 = arith.constant 0 : i32
    %broadcast_in_dim3A_2200 = vector.broadcast %jit3A_2199 : i32 to vector<16xi32>
    %select_n3A_2201 = arith.select %eq3A_2198, %all_reduce_population_count3A_2195, %broadcast_in_dim3A_2200 : vector<16xi1>, vector<16xi32>
    %add3A_2202 = arith.addi %add3A_2171, %select_n3A_2201 : vector<16xi32>
    %eq3A_2203 = arith.constant 3 : i32
    %eq3A_2204 = vector.broadcast %eq3A_2203 : i32 to vector<16xi32>
    %eq3A_2205 = arith.cmpi eq, %get3A_2107, %eq3A_2204 : vector<16xi32>
    %convert_element_type3A_2206 = arith.extui %eq3A_2205 : vector<16xi1> to vector<16xi32>
    %broadcast_in_dim3A_2207 = arith.constant true
    %broadcast_in_dim3A_2208 = vector.broadcast %broadcast_in_dim3A_2207 : i1 to vector<16xi1>
    %masked_cumsum3A_2209 = tpu.scan <sum>, %convert_element_type3A_2206 masked %broadcast_in_dim3A_2208 : vector<16xi32>, vector<16xi1> -> vector<16xi32>
    %sub3A_2210 = arith.constant 1 : i32
    %sub3A_2211 = vector.broadcast %sub3A_2210 : i32 to vector<16xi32>
    %sub3A_2212 = arith.subi %masked_cumsum3A_2209, %sub3A_2211 : vector<16xi32>
    %eq3A_2213 = arith.constant 3 : i32
    %eq3A_2214 = vector.broadcast %eq3A_2213 : i32 to vector<16xi32>
    %eq3A_2215 = arith.cmpi eq, %iota3A, %eq3A_2214 : vector<16xi32>
    %jit3A_2216 = arith.constant 0 : i32
    %broadcast_in_dim3A_2217 = vector.broadcast %jit3A_2216 : i32 to vector<16xi32>
    %select_n3A_2218 = arith.select %eq3A_2215, %add3A_2202, %broadcast_in_dim3A_2217 : vector<16xi1>, vector<16xi32>
    %reduce_sum3A_2219 = arith.constant true
    %reduce_sum3A_2220 = vector.broadcast %reduce_sum3A_2219 : i1 to vector<16xi1>
    %reduce_sum3A_2221 = tpu.scan <sum>, %select_n3A_2218 masked %reduce_sum3A_2220 : vector<16xi32>, vector<16xi1> -> vector<16xi32>
    %reduce_sum3A_2222 = vector.extract %reduce_sum3A_2221[15] : i32 from vector<16xi32>
    %add3A_2223 = vector.broadcast %reduce_sum3A_2222 : i32 to vector<16xi32>
    %add3A_2224 = arith.addi %add3A_2223, %sub3A_2212 : vector<16xi32>
    %select_n3A_2225 = arith.select %eq3A_2205, %add3A_2224, %select_n3A_2194 : vector<16xi1>, vector<16xi32>
    %all_reduce_population_count3A_2226 = tpu.all_reduce %eq3A_2205 {dim = 0 : i64, kind = #tpu.reduction_kind<sum>} : vector<16xi1> -> vector<16xi32>
    %eq3A_2227 = arith.constant 3 : i32
    %eq3A_2228 = vector.broadcast %eq3A_2227 : i32 to vector<16xi32>
    %eq3A_2229 = arith.cmpi eq, %iota3A, %eq3A_2228 : vector<16xi32>
    %jit3A_2230 = arith.constant 0 : i32
    %broadcast_in_dim3A_2231 = vector.broadcast %jit3A_2230 : i32 to vector<16xi32>
    %select_n3A_2232 = arith.select %eq3A_2229, %all_reduce_population_count3A_2226, %broadcast_in_dim3A_2231 : vector<16xi1>, vector<16xi32>
    %add3A_2233 = arith.addi %add3A_2202, %select_n3A_2232 : vector<16xi32>
    %eq3A_2234 = arith.constant 4 : i32
    %eq3A_2235 = vector.broadcast %eq3A_2234 : i32 to vector<16xi32>
    %eq3A_2236 = arith.cmpi eq, %get3A_2107, %eq3A_2235 : vector<16xi32>
    %convert_element_type3A_2237 = arith.extui %eq3A_2236 : vector<16xi1> to vector<16xi32>
    %broadcast_in_dim3A_2238 = arith.constant true
    %broadcast_in_dim3A_2239 = vector.broadcast %broadcast_in_dim3A_2238 : i1 to vector<16xi1>
    %masked_cumsum3A_2240 = tpu.scan <sum>, %convert_element_type3A_2237 masked %broadcast_in_dim3A_2239 : vector<16xi32>, vector<16xi1> -> vector<16xi32>
    %sub3A_2241 = arith.constant 1 : i32
    %sub3A_2242 = vector.broadcast %sub3A_2241 : i32 to vector<16xi32>
    %sub3A_2243 = arith.subi %masked_cumsum3A_2240, %sub3A_2242 : vector<16xi32>
    %eq3A_2244 = arith.constant 4 : i32
    %eq3A_2245 = vector.broadcast %eq3A_2244 : i32 to vector<16xi32>
    %eq3A_2246 = arith.cmpi eq, %iota3A, %eq3A_2245 : vector<16xi32>
    %jit3A_2247 = arith.constant 0 : i32
    %broadcast_in_dim3A_2248 = vector.broadcast %jit3A_2247 : i32 to vector<16xi32>
    %select_n3A_2249 = arith.select %eq3A_2246, %add3A_2233, %broadcast_in_dim3A_2248 : vector<16xi1>, vector<16xi32>
    %reduce_sum3A_2250 = arith.constant true
    %reduce_sum3A_2251 = vector.broadcast %reduce_sum3A_2250 : i1 to vector<16xi1>
    %reduce_sum3A_2252 = tpu.scan <sum>, %select_n3A_2249 masked %reduce_sum3A_2251 : vector<16xi32>, vector<16xi1> -> vector<16xi32>
    %reduce_sum3A_2253 = vector.extract %reduce_sum3A_2252[15] : i32 from vector<16xi32>
    %add3A_2254 = vector.broadcast %reduce_sum3A_2253 : i32 to vector<16xi32>
    %add3A_2255 = arith.addi %add3A_2254, %sub3A_2243 : vector<16xi32>
    %select_n3A_2256 = arith.select %eq3A_2236, %add3A_2255, %select_n3A_2225 : vector<16xi1>, vector<16xi32>
    %all_reduce_population_count3A_2257 = tpu.all_reduce %eq3A_2236 {dim = 0 : i64, kind = #tpu.reduction_kind<sum>} : vector<16xi1> -> vector<16xi32>
    %eq3A_2258 = arith.constant 4 : i32
    %eq3A_2259 = vector.broadcast %eq3A_2258 : i32 to vector<16xi32>
    %eq3A_2260 = arith.cmpi eq, %iota3A, %eq3A_2259 : vector<16xi32>
    %jit3A_2261 = arith.constant 0 : i32
    %broadcast_in_dim3A_2262 = vector.broadcast %jit3A_2261 : i32 to vector<16xi32>
    %select_n3A_2263 = arith.select %eq3A_2260, %all_reduce_population_count3A_2257, %broadcast_in_dim3A_2262 : vector<16xi1>, vector<16xi32>
    %add3A_2264 = arith.addi %add3A_2233, %select_n3A_2263 : vector<16xi32>
    %eq3A_2265 = arith.constant 5 : i32
    %eq3A_2266 = vector.broadcast %eq3A_2265 : i32 to vector<16xi32>
    %eq3A_2267 = arith.cmpi eq, %get3A_2107, %eq3A_2266 : vector<16xi32>
    %convert_element_type3A_2268 = arith.extui %eq3A_2267 : vector<16xi1> to vector<16xi32>
    %broadcast_in_dim3A_2269 = arith.constant true
    %broadcast_in_dim3A_2270 = vector.broadcast %broadcast_in_dim3A_2269 : i1 to vector<16xi1>
    %masked_cumsum3A_2271 = tpu.scan <sum>, %convert_element_type3A_2268 masked %broadcast_in_dim3A_2270 : vector<16xi32>, vector<16xi1> -> vector<16xi32>
    %sub3A_2272 = arith.constant 1 : i32
    %sub3A_2273 = vector.broadcast %sub3A_2272 : i32 to vector<16xi32>
    %sub3A_2274 = arith.subi %masked_cumsum3A_2271, %sub3A_2273 : vector<16xi32>
    %eq3A_2275 = arith.constant 5 : i32
    %eq3A_2276 = vector.broadcast %eq3A_2275 : i32 to vector<16xi32>
    %eq3A_2277 = arith.cmpi eq, %iota3A, %eq3A_2276 : vector<16xi32>
    %jit3A_2278 = arith.constant 0 : i32
    %broadcast_in_dim3A_2279 = vector.broadcast %jit3A_2278 : i32 to vector<16xi32>
    %select_n3A_2280 = arith.select %eq3A_2277, %add3A_2264, %broadcast_in_dim3A_2279 : vector<16xi1>, vector<16xi32>
    %reduce_sum3A_2281 = arith.constant true
    %reduce_sum3A_2282 = vector.broadcast %reduce_sum3A_2281 : i1 to vector<16xi1>
    %reduce_sum3A_2283 = tpu.scan <sum>, %select_n3A_2280 masked %reduce_sum3A_2282 : vector<16xi32>, vector<16xi1> -> vector<16xi32>
    %reduce_sum3A_2284 = vector.extract %reduce_sum3A_2283[15] : i32 from vector<16xi32>
    %add3A_2285 = vector.broadcast %reduce_sum3A_2284 : i32 to vector<16xi32>
    %add3A_2286 = arith.addi %add3A_2285, %sub3A_2274 : vector<16xi32>
    %select_n3A_2287 = arith.select %eq3A_2267, %add3A_2286, %select_n3A_2256 : vector<16xi1>, vector<16xi32>
    %all_reduce_population_count3A_2288 = tpu.all_reduce %eq3A_2267 {dim = 0 : i64, kind = #tpu.reduction_kind<sum>} : vector<16xi1> -> vector<16xi32>
    %eq3A_2289 = arith.constant 5 : i32
    %eq3A_2290 = vector.broadcast %eq3A_2289 : i32 to vector<16xi32>
    %eq3A_2291 = arith.cmpi eq, %iota3A, %eq3A_2290 : vector<16xi32>
    %jit3A_2292 = arith.constant 0 : i32
    %broadcast_in_dim3A_2293 = vector.broadcast %jit3A_2292 : i32 to vector<16xi32>
    %select_n3A_2294 = arith.select %eq3A_2291, %all_reduce_population_count3A_2288, %broadcast_in_dim3A_2293 : vector<16xi1>, vector<16xi32>
    %add3A_2295 = arith.addi %add3A_2264, %select_n3A_2294 : vector<16xi32>
    %eq3A_2296 = arith.constant 6 : i32
    %eq3A_2297 = vector.broadcast %eq3A_2296 : i32 to vector<16xi32>
    %eq3A_2298 = arith.cmpi eq, %get3A_2107, %eq3A_2297 : vector<16xi32>
    %convert_element_type3A_2299 = arith.extui %eq3A_2298 : vector<16xi1> to vector<16xi32>
    %broadcast_in_dim3A_2300 = arith.constant true
    %broadcast_in_dim3A_2301 = vector.broadcast %broadcast_in_dim3A_2300 : i1 to vector<16xi1>
    %masked_cumsum3A_2302 = tpu.scan <sum>, %convert_element_type3A_2299 masked %broadcast_in_dim3A_2301 : vector<16xi32>, vector<16xi1> -> vector<16xi32>
    %sub3A_2303 = arith.constant 1 : i32
    %sub3A_2304 = vector.broadcast %sub3A_2303 : i32 to vector<16xi32>
    %sub3A_2305 = arith.subi %masked_cumsum3A_2302, %sub3A_2304 : vector<16xi32>
    %eq3A_2306 = arith.constant 6 : i32
    %eq3A_2307 = vector.broadcast %eq3A_2306 : i32 to vector<16xi32>
    %eq3A_2308 = arith.cmpi eq, %iota3A, %eq3A_2307 : vector<16xi32>
    %jit3A_2309 = arith.constant 0 : i32
    %broadcast_in_dim3A_2310 = vector.broadcast %jit3A_2309 : i32 to vector<16xi32>
    %select_n3A_2311 = arith.select %eq3A_2308, %add3A_2295, %broadcast_in_dim3A_2310 : vector<16xi1>, vector<16xi32>
    %reduce_sum3A_2312 = arith.constant true
    %reduce_sum3A_2313 = vector.broadcast %reduce_sum3A_2312 : i1 to vector<16xi1>
    %reduce_sum3A_2314 = tpu.scan <sum>, %select_n3A_2311 masked %reduce_sum3A_2313 : vector<16xi32>, vector<16xi1> -> vector<16xi32>
    %reduce_sum3A_2315 = vector.extract %reduce_sum3A_2314[15] : i32 from vector<16xi32>
    %add3A_2316 = vector.broadcast %reduce_sum3A_2315 : i32 to vector<16xi32>
    %add3A_2317 = arith.addi %add3A_2316, %sub3A_2305 : vector<16xi32>
    %select_n3A_2318 = arith.select %eq3A_2298, %add3A_2317, %select_n3A_2287 : vector<16xi1>, vector<16xi32>
    %all_reduce_population_count3A_2319 = tpu.all_reduce %eq3A_2298 {dim = 0 : i64, kind = #tpu.reduction_kind<sum>} : vector<16xi1> -> vector<16xi32>
    %eq3A_2320 = arith.constant 6 : i32
    %eq3A_2321 = vector.broadcast %eq3A_2320 : i32 to vector<16xi32>
    %eq3A_2322 = arith.cmpi eq, %iota3A, %eq3A_2321 : vector<16xi32>
    %jit3A_2323 = arith.constant 0 : i32
    %broadcast_in_dim3A_2324 = vector.broadcast %jit3A_2323 : i32 to vector<16xi32>
    %select_n3A_2325 = arith.select %eq3A_2322, %all_reduce_population_count3A_2319, %broadcast_in_dim3A_2324 : vector<16xi1>, vector<16xi32>
    %add3A_2326 = arith.addi %add3A_2295, %select_n3A_2325 : vector<16xi32>
    %eq3A_2327 = arith.constant 7 : i32
    %eq3A_2328 = vector.broadcast %eq3A_2327 : i32 to vector<16xi32>
    %eq3A_2329 = arith.cmpi eq, %get3A_2107, %eq3A_2328 : vector<16xi32>
    %convert_element_type3A_2330 = arith.extui %eq3A_2329 : vector<16xi1> to vector<16xi32>
    %broadcast_in_dim3A_2331 = arith.constant true
    %broadcast_in_dim3A_2332 = vector.broadcast %broadcast_in_dim3A_2331 : i1 to vector<16xi1>
    %masked_cumsum3A_2333 = tpu.scan <sum>, %convert_element_type3A_2330 masked %broadcast_in_dim3A_2332 : vector<16xi32>, vector<16xi1> -> vector<16xi32>
    %sub3A_2334 = arith.constant 1 : i32
    %sub3A_2335 = vector.broadcast %sub3A_2334 : i32 to vector<16xi32>
    %sub3A_2336 = arith.subi %masked_cumsum3A_2333, %sub3A_2335 : vector<16xi32>
    %eq3A_2337 = arith.constant 7 : i32
    %eq3A_2338 = vector.broadcast %eq3A_2337 : i32 to vector<16xi32>
    %eq3A_2339 = arith.cmpi eq, %iota3A, %eq3A_2338 : vector<16xi32>
    %jit3A_2340 = arith.constant 0 : i32
    %broadcast_in_dim3A_2341 = vector.broadcast %jit3A_2340 : i32 to vector<16xi32>
    %select_n3A_2342 = arith.select %eq3A_2339, %add3A_2326, %broadcast_in_dim3A_2341 : vector<16xi1>, vector<16xi32>
    %reduce_sum3A_2343 = arith.constant true
    %reduce_sum3A_2344 = vector.broadcast %reduce_sum3A_2343 : i1 to vector<16xi1>
    %reduce_sum3A_2345 = tpu.scan <sum>, %select_n3A_2342 masked %reduce_sum3A_2344 : vector<16xi32>, vector<16xi1> -> vector<16xi32>
    %reduce_sum3A_2346 = vector.extract %reduce_sum3A_2345[15] : i32 from vector<16xi32>
    %add3A_2347 = vector.broadcast %reduce_sum3A_2346 : i32 to vector<16xi32>
    %add3A_2348 = arith.addi %add3A_2347, %sub3A_2336 : vector<16xi32>
    %select_n3A_2349 = arith.select %eq3A_2329, %add3A_2348, %select_n3A_2318 : vector<16xi1>, vector<16xi32>
    %all_reduce_population_count3A_2350 = tpu.all_reduce %eq3A_2329 {dim = 0 : i64, kind = #tpu.reduction_kind<sum>} : vector<16xi1> -> vector<16xi32>
    %eq3A_2351 = arith.constant 7 : i32
    %eq3A_2352 = vector.broadcast %eq3A_2351 : i32 to vector<16xi32>
    %eq3A_2353 = arith.cmpi eq, %iota3A, %eq3A_2352 : vector<16xi32>
    %jit3A_2354 = arith.constant 0 : i32
    %broadcast_in_dim3A_2355 = vector.broadcast %jit3A_2354 : i32 to vector<16xi32>
    %select_n3A_2356 = arith.select %eq3A_2353, %all_reduce_population_count3A_2350, %broadcast_in_dim3A_2355 : vector<16xi1>, vector<16xi32>
    %add3A_2357 = arith.addi %add3A_2326, %select_n3A_2356 : vector<16xi32>
    %swap3A_2358 = arith.constant 112 : index
    %swap3A_2359 = tpu.vector_load %arg10[%swap3A_2358] {strides = array<i32>} : memref<128xi32, #tpu.memory_space<vmem>>, vector<16xi32>,
    tpu.vector_store %arg10[%swap3A_2358], %select_n3A_2349 {strides = array<i32>} : memref<128xi32, #tpu.memory_space<vmem>>, vector<16xi32>,
    "tpu.region"() ({
      %run_scoped3A = tpu.sem_alloc : memref<!tpu.dma_semaphore, #tpu.memory_space<semaphore_mem>>
      %dma_start3A_2680 = tpu.memref_slice %arg6[%mul3A_2] : memref<4096xi32, #tpu.memory_space<hbm>> -> memref<128xi32, #tpu.memory_space<hbm>>
      %dma_start3A_2681 = tpu.memref_slice %arg6[%mul3A_2] : memref<4096xi32, #tpu.memory_space<hbm>> -> memref<128xi32, #tpu.memory_space<hbm>>
      tpu.enqueue_dma source(%arg10 : memref<128xi32, #tpu.memory_space<vmem>>) target(%dma_start3A_2681 : memref<128xi32, #tpu.memory_space<hbm>>) target_semaphore(%run_scoped3A : memref<!tpu.dma_semaphore, #tpu.memory_space<semaphore_mem>>)
      %dma_wait3A_2682 = tpu.memref_slice %arg6[%mul3A_2] : memref<4096xi32, #tpu.memory_space<hbm>> -> memref<128xi32, #tpu.memory_space<hbm>>
      %dma_wait3A_2683 = tpu.memref_slice %arg6[%mul3A_2] : memref<4096xi32, #tpu.memory_space<hbm>> -> memref<128xi32, #tpu.memory_space<hbm>>
      tpu.wait_dma2 semaphore(%run_scoped3A : memref<!tpu.dma_semaphore, #tpu.memory_space<semaphore_mem>>) src(%arg10 : memref<128xi32, #tpu.memory_space<vmem>>) dst(%dma_wait3A_2683 : memref<128xi32, #tpu.memory_space<hbm>>)
      tpu.yield
    }) : () -> ()
    "tpu.region"() ({
      %run_scoped3A = tpu.sem_alloc : memref<!tpu.dma_semaphore, #tpu.memory_space<semaphore_mem>>
      %dma_start3A_2680 = arith.constant 0 : i32
      %dma_start3A_2681 = tpu.memref_slice %arg4[%mul3A_2, %dma_start3A_2680] : memref<4096x768xf32, #tpu.memory_space<hbm>> -> memref<128x768xf32, #tpu.memory_space<hbm>>
      %dma_start3A_2682 = arith.constant 0 : i32
      %dma_start3A_2683 = tpu.memref_slice %arg4[%mul3A_2, %dma_start3A_2682] : memref<4096x768xf32, #tpu.memory_space<hbm>> -> memref<128x768xf32, #tpu.memory_space<hbm>>
      tpu.enqueue_dma source(%dma_start3A_2683 : memref<128x768xf32, #tpu.memory_space<hbm>>) target(%arg11 : memref<128x768xf32, #tpu.memory_space<vmem>>) target_semaphore(%run_scoped3A : memref<!tpu.dma_semaphore, #tpu.memory_space<semaphore_mem>>)
      %dma_wait3A_2684 = arith.constant 0 : i32
      %dma_wait3A_2685 = tpu.memref_slice %arg4[%mul3A_2, %dma_wait3A_2684] : memref<4096x768xf32, #tpu.memory_space<hbm>> -> memref<128x768xf32, #tpu.memory_space<hbm>>
      %dma_wait3A_2686 = arith.constant 0 : i32
      %dma_wait3A_2687 = tpu.memref_slice %arg4[%mul3A_2, %dma_wait3A_2686] : memref<4096x768xf32, #tpu.memory_space<hbm>> -> memref<128x768xf32, #tpu.memory_space<hbm>>
      tpu.wait_dma2 semaphore(%run_scoped3A : memref<!tpu.dma_semaphore, #tpu.memory_space<semaphore_mem>>) src(%dma_wait3A_2687 : memref<128x768xf32, #tpu.memory_space<hbm>>) dst(%arg11 : memref<128x768xf32, #tpu.memory_space<vmem>>)
      tpu.yield
    }) : () -> ()
    %dma_start3A = arith.constant 0 : i32
    %dma_start3A_2360 = arith.constant 0 : i32
    %dma_start3A_2361 = tpu.memref_slice %arg5[%dma_start3A, %dma_start3A_2360] : memref<8192x768xf32, #tpu.memory_space<hbm>> -> memref<8192x768xf32, #tpu.memory_space<hbm>>
    tpu.enqueue_indirect_dma source(%arg11 : memref<128x768xf32, #tpu.memory_space<vmem>>) target(%dma_start3A_2361 : memref<8192x768xf32, #tpu.memory_space<hbm>>) offsets(%arg10 : memref<128xi32, #tpu.memory_space<vmem>>) semaphore(%arg13 : memref<!tpu.dma_semaphore, #tpu.memory_space<semaphore_mem>>)
    %add3A_2362 = arith.constant 0 : i32
    %add3A_2363 = vector.broadcast %add3A_2362 : i32 to vector<16xi32>
    %add3A_2364 = arith.addi %iota3A, %add3A_2363 : vector<16xi32>
    %mul3A_2365 = arith.constant 512 : i32
    %mul3A_2366 = vector.broadcast %mul3A_2365 : i32 to vector<16xi32>
    %mul3A_2367 = arith.muli %add3A_2364, %mul3A_2366 : vector<16xi32>
    %broadcast_in_dim3A_2368 = arith.constant 0 : i32
    %broadcast_in_dim3A_2369 = vector.broadcast %broadcast_in_dim3A_2368 : i32 to vector<16xi32>
    %eq3A_2370 = arith.constant 0 : i32
    %eq3A_2371 = vector.broadcast %eq3A_2370 : i32 to vector<16xi32>
    %eq3A_2372 = arith.cmpi eq, %iota3A, %eq3A_2371 : vector<16xi32>
    %jit3A_2373 = arith.constant 0 : i32
    %broadcast_in_dim3A_2374 = vector.broadcast %jit3A_2373 : i32 to vector<16xi32>
    %select_n3A_2375 = arith.select %eq3A_2372, %masked_cumsum3A, %broadcast_in_dim3A_2374 : vector<16xi1>, vector<16xi32>
    %reduce_sum3A_2376 = arith.constant true
    %reduce_sum3A_2377 = vector.broadcast %reduce_sum3A_2376 : i1 to vector<16xi1>
    %reduce_sum3A_2378 = tpu.scan <sum>, %select_n3A_2375 masked %reduce_sum3A_2377 : vector<16xi32>, vector<16xi1> -> vector<16xi32>
    %reduce_sum3A_2379 = vector.extract %reduce_sum3A_2378[15] : i32 from vector<16xi32>
    %le3A = vector.broadcast %reduce_sum3A_2379 : i32 to vector<16xi32>
    %le3A_2380 = arith.cmpi sle, %le3A, %mul3A_2367 : vector<16xi32>
    %jit3A_2381 = arith.constant 1 : i32
    %jit3A_2382 = arith.constant 0 : i32
    %broadcast_in_dim3A_2383 = vector.broadcast %jit3A_2381 : i32 to vector<16xi32>
    %broadcast_in_dim3A_2384 = vector.broadcast %jit3A_2382 : i32 to vector<16xi32>
    %select_n3A_2385 = arith.select %le3A_2380, %broadcast_in_dim3A_2383, %broadcast_in_dim3A_2384 : vector<16xi1>, vector<16xi32>
    %add3A_2386 = arith.addi %broadcast_in_dim3A_2369, %select_n3A_2385 : vector<16xi32>
    %eq3A_2387 = arith.constant 1 : i32
    %eq3A_2388 = vector.broadcast %eq3A_2387 : i32 to vector<16xi32>
    %eq3A_2389 = arith.cmpi eq, %iota3A, %eq3A_2388 : vector<16xi32>
    %jit3A_2390 = arith.constant 0 : i32
    %broadcast_in_dim3A_2391 = vector.broadcast %jit3A_2390 : i32 to vector<16xi32>
    %select_n3A_2392 = arith.select %eq3A_2389, %masked_cumsum3A, %broadcast_in_dim3A_2391 : vector<16xi1>, vector<16xi32>
    %reduce_sum3A_2393 = arith.constant true
    %reduce_sum3A_2394 = vector.broadcast %reduce_sum3A_2393 : i1 to vector<16xi1>
    %reduce_sum3A_2395 = tpu.scan <sum>, %select_n3A_2392 masked %reduce_sum3A_2394 : vector<16xi32>, vector<16xi1> -> vector<16xi32>
    %reduce_sum3A_2396 = vector.extract %reduce_sum3A_2395[15] : i32 from vector<16xi32>
    %le3A_2397 = vector.broadcast %reduce_sum3A_2396 : i32 to vector<16xi32>
    %le3A_2398 = arith.cmpi sle, %le3A_2397, %mul3A_2367 : vector<16xi32>
    %jit3A_2399 = arith.constant 1 : i32
    %jit3A_2400 = arith.constant 0 : i32
    %broadcast_in_dim3A_2401 = vector.broadcast %jit3A_2399 : i32 to vector<16xi32>
    %broadcast_in_dim3A_2402 = vector.broadcast %jit3A_2400 : i32 to vector<16xi32>
    %select_n3A_2403 = arith.select %le3A_2398, %broadcast_in_dim3A_2401, %broadcast_in_dim3A_2402 : vector<16xi1>, vector<16xi32>
    %add3A_2404 = arith.addi %add3A_2386, %select_n3A_2403 : vector<16xi32>
    %eq3A_2405 = arith.constant 2 : i32
    %eq3A_2406 = vector.broadcast %eq3A_2405 : i32 to vector<16xi32>
    %eq3A_2407 = arith.cmpi eq, %iota3A, %eq3A_2406 : vector<16xi32>
    %jit3A_2408 = arith.constant 0 : i32
    %broadcast_in_dim3A_2409 = vector.broadcast %jit3A_2408 : i32 to vector<16xi32>
    %select_n3A_2410 = arith.select %eq3A_2407, %masked_cumsum3A, %broadcast_in_dim3A_2409 : vector<16xi1>, vector<16xi32>
    %reduce_sum3A_2411 = arith.constant true
    %reduce_sum3A_2412 = vector.broadcast %reduce_sum3A_2411 : i1 to vector<16xi1>
    %reduce_sum3A_2413 = tpu.scan <sum>, %select_n3A_2410 masked %reduce_sum3A_2412 : vector<16xi32>, vector<16xi1> -> vector<16xi32>
    %reduce_sum3A_2414 = vector.extract %reduce_sum3A_2413[15] : i32 from vector<16xi32>
    %le3A_2415 = vector.broadcast %reduce_sum3A_2414 : i32 to vector<16xi32>
    %le3A_2416 = arith.cmpi sle, %le3A_2415, %mul3A_2367 : vector<16xi32>
    %jit3A_2417 = arith.constant 1 : i32
    %jit3A_2418 = arith.constant 0 : i32
    %broadcast_in_dim3A_2419 = vector.broadcast %jit3A_2417 : i32 to vector<16xi32>
    %broadcast_in_dim3A_2420 = vector.broadcast %jit3A_2418 : i32 to vector<16xi32>
    %select_n3A_2421 = arith.select %le3A_2416, %broadcast_in_dim3A_2419, %broadcast_in_dim3A_2420 : vector<16xi1>, vector<16xi32>
    %add3A_2422 = arith.addi %add3A_2404, %select_n3A_2421 : vector<16xi32>
    %eq3A_2423 = arith.constant 3 : i32
    %eq3A_2424 = vector.broadcast %eq3A_2423 : i32 to vector<16xi32>
    %eq3A_2425 = arith.cmpi eq, %iota3A, %eq3A_2424 : vector<16xi32>
    %jit3A_2426 = arith.constant 0 : i32
    %broadcast_in_dim3A_2427 = vector.broadcast %jit3A_2426 : i32 to vector<16xi32>
    %select_n3A_2428 = arith.select %eq3A_2425, %masked_cumsum3A, %broadcast_in_dim3A_2427 : vector<16xi1>, vector<16xi32>
    %reduce_sum3A_2429 = arith.constant true
    %reduce_sum3A_2430 = vector.broadcast %reduce_sum3A_2429 : i1 to vector<16xi1>
    %reduce_sum3A_2431 = tpu.scan <sum>, %select_n3A_2428 masked %reduce_sum3A_2430 : vector<16xi32>, vector<16xi1> -> vector<16xi32>
    %reduce_sum3A_2432 = vector.extract %reduce_sum3A_2431[15] : i32 from vector<16xi32>
    %le3A_2433 = vector.broadcast %reduce_sum3A_2432 : i32 to vector<16xi32>
    %le3A_2434 = arith.cmpi sle, %le3A_2433, %mul3A_2367 : vector<16xi32>
    %jit3A_2435 = arith.constant 1 : i32
    %jit3A_2436 = arith.constant 0 : i32
    %broadcast_in_dim3A_2437 = vector.broadcast %jit3A_2435 : i32 to vector<16xi32>
    %broadcast_in_dim3A_2438 = vector.broadcast %jit3A_2436 : i32 to vector<16xi32>
    %select_n3A_2439 = arith.select %le3A_2434, %broadcast_in_dim3A_2437, %broadcast_in_dim3A_2438 : vector<16xi1>, vector<16xi32>
    %add3A_2440 = arith.addi %add3A_2422, %select_n3A_2439 : vector<16xi32>
    %eq3A_2441 = arith.constant 4 : i32
    %eq3A_2442 = vector.broadcast %eq3A_2441 : i32 to vector<16xi32>
    %eq3A_2443 = arith.cmpi eq, %iota3A, %eq3A_2442 : vector<16xi32>
    %jit3A_2444 = arith.constant 0 : i32
    %broadcast_in_dim3A_2445 = vector.broadcast %jit3A_2444 : i32 to vector<16xi32>
    %select_n3A_2446 = arith.select %eq3A_2443, %masked_cumsum3A, %broadcast_in_dim3A_2445 : vector<16xi1>, vector<16xi32>
    %reduce_sum3A_2447 = arith.constant true
    %reduce_sum3A_2448 = vector.broadcast %reduce_sum3A_2447 : i1 to vector<16xi1>
    %reduce_sum3A_2449 = tpu.scan <sum>, %select_n3A_2446 masked %reduce_sum3A_2448 : vector<16xi32>, vector<16xi1> -> vector<16xi32>
    %reduce_sum3A_2450 = vector.extract %reduce_sum3A_2449[15] : i32 from vector<16xi32>
    %le3A_2451 = vector.broadcast %reduce_sum3A_2450 : i32 to vector<16xi32>
    %le3A_2452 = arith.cmpi sle, %le3A_2451, %mul3A_2367 : vector<16xi32>
    %jit3A_2453 = arith.constant 1 : i32
    %jit3A_2454 = arith.constant 0 : i32
    %broadcast_in_dim3A_2455 = vector.broadcast %jit3A_2453 : i32 to vector<16xi32>
    %broadcast_in_dim3A_2456 = vector.broadcast %jit3A_2454 : i32 to vector<16xi32>
    %select_n3A_2457 = arith.select %le3A_2452, %broadcast_in_dim3A_2455, %broadcast_in_dim3A_2456 : vector<16xi1>, vector<16xi32>
    %add3A_2458 = arith.addi %add3A_2440, %select_n3A_2457 : vector<16xi32>
    %eq3A_2459 = arith.constant 5 : i32
    %eq3A_2460 = vector.broadcast %eq3A_2459 : i32 to vector<16xi32>
    %eq3A_2461 = arith.cmpi eq, %iota3A, %eq3A_2460 : vector<16xi32>
    %jit3A_2462 = arith.constant 0 : i32
    %broadcast_in_dim3A_2463 = vector.broadcast %jit3A_2462 : i32 to vector<16xi32>
    %select_n3A_2464 = arith.select %eq3A_2461, %masked_cumsum3A, %broadcast_in_dim3A_2463 : vector<16xi1>, vector<16xi32>
    %reduce_sum3A_2465 = arith.constant true
    %reduce_sum3A_2466 = vector.broadcast %reduce_sum3A_2465 : i1 to vector<16xi1>
    %reduce_sum3A_2467 = tpu.scan <sum>, %select_n3A_2464 masked %reduce_sum3A_2466 : vector<16xi32>, vector<16xi1> -> vector<16xi32>
    %reduce_sum3A_2468 = vector.extract %reduce_sum3A_2467[15] : i32 from vector<16xi32>
    %le3A_2469 = vector.broadcast %reduce_sum3A_2468 : i32 to vector<16xi32>
    %le3A_2470 = arith.cmpi sle, %le3A_2469, %mul3A_2367 : vector<16xi32>
    %jit3A_2471 = arith.constant 1 : i32
    %jit3A_2472 = arith.constant 0 : i32
    %broadcast_in_dim3A_2473 = vector.broadcast %jit3A_2471 : i32 to vector<16xi32>
    %broadcast_in_dim3A_2474 = vector.broadcast %jit3A_2472 : i32 to vector<16xi32>
    %select_n3A_2475 = arith.select %le3A_2470, %broadcast_in_dim3A_2473, %broadcast_in_dim3A_2474 : vector<16xi1>, vector<16xi32>
    %add3A_2476 = arith.addi %add3A_2458, %select_n3A_2475 : vector<16xi32>
    %eq3A_2477 = arith.constant 6 : i32
    %eq3A_2478 = vector.broadcast %eq3A_2477 : i32 to vector<16xi32>
    %eq3A_2479 = arith.cmpi eq, %iota3A, %eq3A_2478 : vector<16xi32>
    %jit3A_2480 = arith.constant 0 : i32
    %broadcast_in_dim3A_2481 = vector.broadcast %jit3A_2480 : i32 to vector<16xi32>
    %select_n3A_2482 = arith.select %eq3A_2479, %masked_cumsum3A, %broadcast_in_dim3A_2481 : vector<16xi1>, vector<16xi32>
    %reduce_sum3A_2483 = arith.constant true
    %reduce_sum3A_2484 = vector.broadcast %reduce_sum3A_2483 : i1 to vector<16xi1>
    %reduce_sum3A_2485 = tpu.scan <sum>, %select_n3A_2482 masked %reduce_sum3A_2484 : vector<16xi32>, vector<16xi1> -> vector<16xi32>
    %reduce_sum3A_2486 = vector.extract %reduce_sum3A_2485[15] : i32 from vector<16xi32>
    %le3A_2487 = vector.broadcast %reduce_sum3A_2486 : i32 to vector<16xi32>
    %le3A_2488 = arith.cmpi sle, %le3A_2487, %mul3A_2367 : vector<16xi32>
    %jit3A_2489 = arith.constant 1 : i32
    %jit3A_2490 = arith.constant 0 : i32
    %broadcast_in_dim3A_2491 = vector.broadcast %jit3A_2489 : i32 to vector<16xi32>
    %broadcast_in_dim3A_2492 = vector.broadcast %jit3A_2490 : i32 to vector<16xi32>
    %select_n3A_2493 = arith.select %le3A_2488, %broadcast_in_dim3A_2491, %broadcast_in_dim3A_2492 : vector<16xi1>, vector<16xi32>
    %add3A_2494 = arith.addi %add3A_2476, %select_n3A_2493 : vector<16xi32>
    %eq3A_2495 = arith.constant 7 : i32
    %eq3A_2496 = vector.broadcast %eq3A_2495 : i32 to vector<16xi32>
    %eq3A_2497 = arith.cmpi eq, %iota3A, %eq3A_2496 : vector<16xi32>
    %jit3A_2498 = arith.constant 0 : i32
    %broadcast_in_dim3A_2499 = vector.broadcast %jit3A_2498 : i32 to vector<16xi32>
    %select_n3A_2500 = arith.select %eq3A_2497, %masked_cumsum3A, %broadcast_in_dim3A_2499 : vector<16xi1>, vector<16xi32>
    %reduce_sum3A_2501 = arith.constant true
    %reduce_sum3A_2502 = vector.broadcast %reduce_sum3A_2501 : i1 to vector<16xi1>
    %reduce_sum3A_2503 = tpu.scan <sum>, %select_n3A_2500 masked %reduce_sum3A_2502 : vector<16xi32>, vector<16xi1> -> vector<16xi32>
    %reduce_sum3A_2504 = vector.extract %reduce_sum3A_2503[15] : i32 from vector<16xi32>
    %le3A_2505 = vector.broadcast %reduce_sum3A_2504 : i32 to vector<16xi32>
    %le3A_2506 = arith.cmpi sle, %le3A_2505, %mul3A_2367 : vector<16xi32>
    %jit3A_2507 = arith.constant 1 : i32
    %jit3A_2508 = arith.constant 0 : i32
    %broadcast_in_dim3A_2509 = vector.broadcast %jit3A_2507 : i32 to vector<16xi32>
    %broadcast_in_dim3A_2510 = vector.broadcast %jit3A_2508 : i32 to vector<16xi32>
    %select_n3A_2511 = arith.select %le3A_2506, %broadcast_in_dim3A_2509, %broadcast_in_dim3A_2510 : vector<16xi1>, vector<16xi32>
    %add3A_2512 = arith.addi %add3A_2494, %select_n3A_2511 : vector<16xi32>
    %min3A = arith.constant 7 : i32
    %min3A_2513 = vector.broadcast %min3A : i32 to vector<16xi32>
    %min3A_2514 = arith.minsi %add3A_2512, %min3A_2513 : vector<16xi32>
    %swap3A_2515 = arith.constant 0 : index
    %swap3A_2516 = tpu.vector_load %arg12[%swap3A_2515] {strides = array<i32>} : memref<32xi32, #tpu.memory_space<vmem>>, vector<16xi32>,
    tpu.vector_store %arg12[%swap3A_2515], %min3A_2514 {strides = array<i32>} : memref<32xi32, #tpu.memory_space<vmem>>, vector<16xi32>,
    %add3A_2517 = arith.constant 16 : i32
    %add3A_2518 = vector.broadcast %add3A_2517 : i32 to vector<16xi32>
    %add3A_2519 = arith.addi %iota3A, %add3A_2518 : vector<16xi32>
    %mul3A_2520 = arith.constant 512 : i32
    %mul3A_2521 = vector.broadcast %mul3A_2520 : i32 to vector<16xi32>
    %mul3A_2522 = arith.muli %add3A_2519, %mul3A_2521 : vector<16xi32>
    %broadcast_in_dim3A_2523 = arith.constant 0 : i32
    %broadcast_in_dim3A_2524 = vector.broadcast %broadcast_in_dim3A_2523 : i32 to vector<16xi32>
    %eq3A_2525 = arith.constant 0 : i32
    %eq3A_2526 = vector.broadcast %eq3A_2525 : i32 to vector<16xi32>
    %eq3A_2527 = arith.cmpi eq, %iota3A, %eq3A_2526 : vector<16xi32>
    %jit3A_2528 = arith.constant 0 : i32
    %broadcast_in_dim3A_2529 = vector.broadcast %jit3A_2528 : i32 to vector<16xi32>
    %select_n3A_2530 = arith.select %eq3A_2527, %masked_cumsum3A, %broadcast_in_dim3A_2529 : vector<16xi1>, vector<16xi32>
    %reduce_sum3A_2531 = arith.constant true
    %reduce_sum3A_2532 = vector.broadcast %reduce_sum3A_2531 : i1 to vector<16xi1>
    %reduce_sum3A_2533 = tpu.scan <sum>, %select_n3A_2530 masked %reduce_sum3A_2532 : vector<16xi32>, vector<16xi1> -> vector<16xi32>
    %reduce_sum3A_2534 = vector.extract %reduce_sum3A_2533[15] : i32 from vector<16xi32>
    %le3A_2535 = vector.broadcast %reduce_sum3A_2534 : i32 to vector<16xi32>
    %le3A_2536 = arith.cmpi sle, %le3A_2535, %mul3A_2522 : vector<16xi32>
    %jit3A_2537 = arith.constant 1 : i32
    %jit3A_2538 = arith.constant 0 : i32
    %broadcast_in_dim3A_2539 = vector.broadcast %jit3A_2537 : i32 to vector<16xi32>
    %broadcast_in_dim3A_2540 = vector.broadcast %jit3A_2538 : i32 to vector<16xi32>
    %select_n3A_2541 = arith.select %le3A_2536, %broadcast_in_dim3A_2539, %broadcast_in_dim3A_2540 : vector<16xi1>, vector<16xi32>
    %add3A_2542 = arith.addi %broadcast_in_dim3A_2524, %select_n3A_2541 : vector<16xi32>
    %eq3A_2543 = arith.constant 1 : i32
    %eq3A_2544 = vector.broadcast %eq3A_2543 : i32 to vector<16xi32>
    %eq3A_2545 = arith.cmpi eq, %iota3A, %eq3A_2544 : vector<16xi32>
    %jit3A_2546 = arith.constant 0 : i32
    %broadcast_in_dim3A_2547 = vector.broadcast %jit3A_2546 : i32 to vector<16xi32>
    %select_n3A_2548 = arith.select %eq3A_2545, %masked_cumsum3A, %broadcast_in_dim3A_2547 : vector<16xi1>, vector<16xi32>
    %reduce_sum3A_2549 = arith.constant true
    %reduce_sum3A_2550 = vector.broadcast %reduce_sum3A_2549 : i1 to vector<16xi1>
    %reduce_sum3A_2551 = tpu.scan <sum>, %select_n3A_2548 masked %reduce_sum3A_2550 : vector<16xi32>, vector<16xi1> -> vector<16xi32>
    %reduce_sum3A_2552 = vector.extract %reduce_sum3A_2551[15] : i32 from vector<16xi32>
    %le3A_2553 = vector.broadcast %reduce_sum3A_2552 : i32 to vector<16xi32>
    %le3A_2554 = arith.cmpi sle, %le3A_2553, %mul3A_2522 : vector<16xi32>
    %jit3A_2555 = arith.constant 1 : i32
    %jit3A_2556 = arith.constant 0 : i32
    %broadcast_in_dim3A_2557 = vector.broadcast %jit3A_2555 : i32 to vector<16xi32>
    %broadcast_in_dim3A_2558 = vector.broadcast %jit3A_2556 : i32 to vector<16xi32>
    %select_n3A_2559 = arith.select %le3A_2554, %broadcast_in_dim3A_2557, %broadcast_in_dim3A_2558 : vector<16xi1>, vector<16xi32>
    %add3A_2560 = arith.addi %add3A_2542, %select_n3A_2559 : vector<16xi32>
    %eq3A_2561 = arith.constant 2 : i32
    %eq3A_2562 = vector.broadcast %eq3A_2561 : i32 to vector<16xi32>
    %eq3A_2563 = arith.cmpi eq, %iota3A, %eq3A_2562 : vector<16xi32>
    %jit3A_2564 = arith.constant 0 : i32
    %broadcast_in_dim3A_2565 = vector.broadcast %jit3A_2564 : i32 to vector<16xi32>
    %select_n3A_2566 = arith.select %eq3A_2563, %masked_cumsum3A, %broadcast_in_dim3A_2565 : vector<16xi1>, vector<16xi32>
    %reduce_sum3A_2567 = arith.constant true
    %reduce_sum3A_2568 = vector.broadcast %reduce_sum3A_2567 : i1 to vector<16xi1>
    %reduce_sum3A_2569 = tpu.scan <sum>, %select_n3A_2566 masked %reduce_sum3A_2568 : vector<16xi32>, vector<16xi1> -> vector<16xi32>
    %reduce_sum3A_2570 = vector.extract %reduce_sum3A_2569[15] : i32 from vector<16xi32>
    %le3A_2571 = vector.broadcast %reduce_sum3A_2570 : i32 to vector<16xi32>
    %le3A_2572 = arith.cmpi sle, %le3A_2571, %mul3A_2522 : vector<16xi32>
    %jit3A_2573 = arith.constant 1 : i32
    %jit3A_2574 = arith.constant 0 : i32
    %broadcast_in_dim3A_2575 = vector.broadcast %jit3A_2573 : i32 to vector<16xi32>
    %broadcast_in_dim3A_2576 = vector.broadcast %jit3A_2574 : i32 to vector<16xi32>
    %select_n3A_2577 = arith.select %le3A_2572, %broadcast_in_dim3A_2575, %broadcast_in_dim3A_2576 : vector<16xi1>, vector<16xi32>
    %add3A_2578 = arith.addi %add3A_2560, %select_n3A_2577 : vector<16xi32>
    %eq3A_2579 = arith.constant 3 : i32
    %eq3A_2580 = vector.broadcast %eq3A_2579 : i32 to vector<16xi32>
    %eq3A_2581 = arith.cmpi eq, %iota3A, %eq3A_2580 : vector<16xi32>
    %jit3A_2582 = arith.constant 0 : i32
    %broadcast_in_dim3A_2583 = vector.broadcast %jit3A_2582 : i32 to vector<16xi32>
    %select_n3A_2584 = arith.select %eq3A_2581, %masked_cumsum3A, %broadcast_in_dim3A_2583 : vector<16xi1>, vector<16xi32>
    %reduce_sum3A_2585 = arith.constant true
    %reduce_sum3A_2586 = vector.broadcast %reduce_sum3A_2585 : i1 to vector<16xi1>
    %reduce_sum3A_2587 = tpu.scan <sum>, %select_n3A_2584 masked %reduce_sum3A_2586 : vector<16xi32>, vector<16xi1> -> vector<16xi32>
    %reduce_sum3A_2588 = vector.extract %reduce_sum3A_2587[15] : i32 from vector<16xi32>
    %le3A_2589 = vector.broadcast %reduce_sum3A_2588 : i32 to vector<16xi32>
    %le3A_2590 = arith.cmpi sle, %le3A_2589, %mul3A_2522 : vector<16xi32>
    %jit3A_2591 = arith.constant 1 : i32
    %jit3A_2592 = arith.constant 0 : i32
    %broadcast_in_dim3A_2593 = vector.broadcast %jit3A_2591 : i32 to vector<16xi32>
    %broadcast_in_dim3A_2594 = vector.broadcast %jit3A_2592 : i32 to vector<16xi32>
    %select_n3A_2595 = arith.select %le3A_2590, %broadcast_in_dim3A_2593, %broadcast_in_dim3A_2594 : vector<16xi1>, vector<16xi32>
    %add3A_2596 = arith.addi %add3A_2578, %select_n3A_2595 : vector<16xi32>
    %eq3A_2597 = arith.constant 4 : i32
    %eq3A_2598 = vector.broadcast %eq3A_2597 : i32 to vector<16xi32>
    %eq3A_2599 = arith.cmpi eq, %iota3A, %eq3A_2598 : vector<16xi32>
    %jit3A_2600 = arith.constant 0 : i32
    %broadcast_in_dim3A_2601 = vector.broadcast %jit3A_2600 : i32 to vector<16xi32>
    %select_n3A_2602 = arith.select %eq3A_2599, %masked_cumsum3A, %broadcast_in_dim3A_2601 : vector<16xi1>, vector<16xi32>
    %reduce_sum3A_2603 = arith.constant true
    %reduce_sum3A_2604 = vector.broadcast %reduce_sum3A_2603 : i1 to vector<16xi1>
    %reduce_sum3A_2605 = tpu.scan <sum>, %select_n3A_2602 masked %reduce_sum3A_2604 : vector<16xi32>, vector<16xi1> -> vector<16xi32>
    %reduce_sum3A_2606 = vector.extract %reduce_sum3A_2605[15] : i32 from vector<16xi32>
    %le3A_2607 = vector.broadcast %reduce_sum3A_2606 : i32 to vector<16xi32>
    %le3A_2608 = arith.cmpi sle, %le3A_2607, %mul3A_2522 : vector<16xi32>
    %jit3A_2609 = arith.constant 1 : i32
    %jit3A_2610 = arith.constant 0 : i32
    %broadcast_in_dim3A_2611 = vector.broadcast %jit3A_2609 : i32 to vector<16xi32>
    %broadcast_in_dim3A_2612 = vector.broadcast %jit3A_2610 : i32 to vector<16xi32>
    %select_n3A_2613 = arith.select %le3A_2608, %broadcast_in_dim3A_2611, %broadcast_in_dim3A_2612 : vector<16xi1>, vector<16xi32>
    %add3A_2614 = arith.addi %add3A_2596, %select_n3A_2613 : vector<16xi32>
    %eq3A_2615 = arith.constant 5 : i32
    %eq3A_2616 = vector.broadcast %eq3A_2615 : i32 to vector<16xi32>
    %eq3A_2617 = arith.cmpi eq, %iota3A, %eq3A_2616 : vector<16xi32>
    %jit3A_2618 = arith.constant 0 : i32
    %broadcast_in_dim3A_2619 = vector.broadcast %jit3A_2618 : i32 to vector<16xi32>
    %select_n3A_2620 = arith.select %eq3A_2617, %masked_cumsum3A, %broadcast_in_dim3A_2619 : vector<16xi1>, vector<16xi32>
    %reduce_sum3A_2621 = arith.constant true
    %reduce_sum3A_2622 = vector.broadcast %reduce_sum3A_2621 : i1 to vector<16xi1>
    %reduce_sum3A_2623 = tpu.scan <sum>, %select_n3A_2620 masked %reduce_sum3A_2622 : vector<16xi32>, vector<16xi1> -> vector<16xi32>
    %reduce_sum3A_2624 = vector.extract %reduce_sum3A_2623[15] : i32 from vector<16xi32>
    %le3A_2625 = vector.broadcast %reduce_sum3A_2624 : i32 to vector<16xi32>
    %le3A_2626 = arith.cmpi sle, %le3A_2625, %mul3A_2522 : vector<16xi32>
    %jit3A_2627 = arith.constant 1 : i32
    %jit3A_2628 = arith.constant 0 : i32
    %broadcast_in_dim3A_2629 = vector.broadcast %jit3A_2627 : i32 to vector<16xi32>
    %broadcast_in_dim3A_2630 = vector.broadcast %jit3A_2628 : i32 to vector<16xi32>
    %select_n3A_2631 = arith.select %le3A_2626, %broadcast_in_dim3A_2629, %broadcast_in_dim3A_2630 : vector<16xi1>, vector<16xi32>
    %add3A_2632 = arith.addi %add3A_2614, %select_n3A_2631 : vector<16xi32>
    %eq3A_2633 = arith.constant 6 : i32
    %eq3A_2634 = vector.broadcast %eq3A_2633 : i32 to vector<16xi32>
    %eq3A_2635 = arith.cmpi eq, %iota3A, %eq3A_2634 : vector<16xi32>
    %jit3A_2636 = arith.constant 0 : i32
    %broadcast_in_dim3A_2637 = vector.broadcast %jit3A_2636 : i32 to vector<16xi32>
    %select_n3A_2638 = arith.select %eq3A_2635, %masked_cumsum3A, %broadcast_in_dim3A_2637 : vector<16xi1>, vector<16xi32>
    %reduce_sum3A_2639 = arith.constant true
    %reduce_sum3A_2640 = vector.broadcast %reduce_sum3A_2639 : i1 to vector<16xi1>
    %reduce_sum3A_2641 = tpu.scan <sum>, %select_n3A_2638 masked %reduce_sum3A_2640 : vector<16xi32>, vector<16xi1> -> vector<16xi32>
    %reduce_sum3A_2642 = vector.extract %reduce_sum3A_2641[15] : i32 from vector<16xi32>
    %le3A_2643 = vector.broadcast %reduce_sum3A_2642 : i32 to vector<16xi32>
    %le3A_2644 = arith.cmpi sle, %le3A_2643, %mul3A_2522 : vector<16xi32>
    %jit3A_2645 = arith.constant 1 : i32
    %jit3A_2646 = arith.constant 0 : i32
    %broadcast_in_dim3A_2647 = vector.broadcast %jit3A_2645 : i32 to vector<16xi32>
    %broadcast_in_dim3A_2648 = vector.broadcast %jit3A_2646 : i32 to vector<16xi32>
    %select_n3A_2649 = arith.select %le3A_2644, %broadcast_in_dim3A_2647, %broadcast_in_dim3A_2648 : vector<16xi1>, vector<16xi32>
    %add3A_2650 = arith.addi %add3A_2632, %select_n3A_2649 : vector<16xi32>
    %eq3A_2651 = arith.constant 7 : i32
    %eq3A_2652 = vector.broadcast %eq3A_2651 : i32 to vector<16xi32>
    %eq3A_2653 = arith.cmpi eq, %iota3A, %eq3A_2652 : vector<16xi32>
    %jit3A_2654 = arith.constant 0 : i32
    %broadcast_in_dim3A_2655 = vector.broadcast %jit3A_2654 : i32 to vector<16xi32>
    %select_n3A_2656 = arith.select %eq3A_2653, %masked_cumsum3A, %broadcast_in_dim3A_2655 : vector<16xi1>, vector<16xi32>
    %reduce_sum3A_2657 = arith.constant true
    %reduce_sum3A_2658 = vector.broadcast %reduce_sum3A_2657 : i1 to vector<16xi1>
    %reduce_sum3A_2659 = tpu.scan <sum>, %select_n3A_2656 masked %reduce_sum3A_2658 : vector<16xi32>, vector<16xi1> -> vector<16xi32>
    %reduce_sum3A_2660 = vector.extract %reduce_sum3A_2659[15] : i32 from vector<16xi32>
    %le3A_2661 = vector.broadcast %reduce_sum3A_2660 : i32 to vector<16xi32>
    %le3A_2662 = arith.cmpi sle, %le3A_2661, %mul3A_2522 : vector<16xi32>
    %jit3A_2663 = arith.constant 1 : i32
    %jit3A_2664 = arith.constant 0 : i32
    %broadcast_in_dim3A_2665 = vector.broadcast %jit3A_2663 : i32 to vector<16xi32>
    %broadcast_in_dim3A_2666 = vector.broadcast %jit3A_2664 : i32 to vector<16xi32>
    %select_n3A_2667 = arith.select %le3A_2662, %broadcast_in_dim3A_2665, %broadcast_in_dim3A_2666 : vector<16xi1>, vector<16xi32>
    %add3A_2668 = arith.addi %add3A_2650, %select_n3A_2667 : vector<16xi32>
    %min3A_2669 = arith.constant 7 : i32
    %min3A_2670 = vector.broadcast %min3A_2669 : i32 to vector<16xi32>
    %min3A_2671 = arith.minsi %add3A_2668, %min3A_2670 : vector<16xi32>
    %swap3A_2672 = arith.constant 16 : index
    %swap3A_2673 = tpu.vector_load %arg12[%swap3A_2672] {strides = array<i32>} : memref<32xi32, #tpu.memory_space<vmem>>, vector<16xi32>,
    tpu.vector_store %arg12[%swap3A_2672], %min3A_2671 {strides = array<i32>} : memref<32xi32, #tpu.memory_space<vmem>>, vector<16xi32>,
    %eq3A_2674 = arith.constant 0 : i32
    %eq3A_2675 = arith.cmpi eq, %add3A, %eq3A_2674 : i32
    %convert_element_type3A_2676 = arith.extui %eq3A_2675 : i1 to i32
    %cond3A = arith.constant 0 : i32
    %cond3A_2677 = arith.cmpi ne, %convert_element_type3A_2676, %cond3A : i32
    scf.if %cond3A_2677 {
      "tpu.region"() ({
        %run_scoped3A = tpu.sem_alloc : memref<!tpu.dma_semaphore, #tpu.memory_space<semaphore_mem>>
        tpu.enqueue_dma source(%arg12 : memref<32xi32, #tpu.memory_space<vmem>>) target(%arg7 : memref<32xi32, #tpu.memory_space<hbm>>) target_semaphore(%run_scoped3A : memref<!tpu.dma_semaphore, #tpu.memory_space<semaphore_mem>>)
        tpu.wait_dma2 semaphore(%run_scoped3A : memref<!tpu.dma_semaphore, #tpu.memory_space<semaphore_mem>>) src(%arg12 : memref<32xi32, #tpu.memory_space<vmem>>) dst(%arg7 : memref<32xi32, #tpu.memory_space<hbm>>)
        tpu.yield
      }) : () -> ()
    } else {
    }
    %dma_wait3A = arith.constant 0 : i32
    %dma_wait3A_2678 = arith.constant 0 : i32
    %dma_wait3A_2679 = tpu.memref_slice %arg5[%dma_wait3A, %dma_wait3A_2678] : memref<8192x768xf32, #tpu.memory_space<hbm>> -> memref<8192x768xf32, #tpu.memory_space<hbm>>
    tpu.wait_indirect_dma semaphore(%arg13 : memref<!tpu.dma_semaphore, #tpu.memory_space<semaphore_mem>>) src(%arg11 : memref<128x768xf32, #tpu.memory_space<vmem>>) dst(%dma_wait3A_2679 : memref<8192x768xf32, #tpu.memory_space<hbm>>)
    return
  }
}

module attributes {stable_mosaic.version = 14 : i64} {
  func.func @_gating_block(%arg0: i32, %arg1: memref<512x768xf32, #tpu.memory_space<vmem>>, %arg2: memref<8x768xf32, #tpu.memory_space<vmem>>, %arg3: memref<1x8xf32, #tpu.memory_space<vmem>>, %arg4: memref<512x8xf32, #tpu.memory_space<vmem>>, %arg5: memref<512x1xf32, #tpu.memory_space<vmem>>, %arg6: memref<512x1xi32, #tpu.memory_space<vmem>>, %arg7: memref<1x4x16xi32, #tpu.memory_space<vmem>>) attributes {dimension_semantics = [#tpu.dimension_semantics<arbitrary>], iteration_bounds = array<i64: 8>, scalar_prefetch = 0 : i64, scratch_operands = 0 : i64, tpu.core_type = #tpu.core_type<tc>, window_params = [{transform_indices = @transform_0, window_bounds = array<i64: 512, 768>}, {pipeline_mode = #tpu.pipeline_mode<synchronous>, transform_indices = @transform_1, window_bounds = array<i64: 8, 768>}, {pipeline_mode = #tpu.pipeline_mode<synchronous>, transform_indices = @transform_2, window_bounds = array<i64: 1, 8>}, {transform_indices = @transform_3, window_bounds = array<i64: 512, 8>}, {transform_indices = @transform_4, window_bounds = array<i64: 512, 1>}, {transform_indices = @transform_5, window_bounds = array<i64: 512, 1>}, {transform_indices = @transform_6, window_bounds = array<i64: 1, 4, 16>}]} {
    %get3A = arith.constant 0 : index
    %get3A_0 = arith.constant 0 : index
    %get3A_1 = vector.load %arg1[%get3A, %get3A_0] : memref<512x768xf32, #tpu.memory_space<vmem>>, vector<512x768xf32>
    %get3A_2 = arith.constant 0 : index
    %get3A_3 = arith.constant 0 : index
    %get3A_4 = vector.load %arg2[%get3A_2, %get3A_3] : memref<8x768xf32, #tpu.memory_space<vmem>>, vector<8x768xf32>
    %dot_general3A = arith.constant dense<0.000000e+00> : vector<512x8xf32>
    %dot_general3A_5 = tpu.matmul %get3A_1, %get3A_4, %dot_general3A {dimension_numbers = #tpu.dot_dimension_numbers<[1], [1], [0], [0], [0, 0, 1, 0], [], []>, transpose_lhs_hint = false} : vector<512x768xf32>, vector<8x768xf32>, vector<512x8xf32> -> vector<512x8xf32>
    %get3A_6 = arith.constant 0 : index
    %get3A_7 = arith.constant 0 : index
    %get3A_8 = vector.load %arg3[%get3A_6, %get3A_7] : memref<1x8xf32, #tpu.memory_space<vmem>>, vector<1x8xf32>
    %add3A = vector.broadcast %get3A_8 : vector<1x8xf32> to vector<512x8xf32>
    %add3A_9 = arith.addf %dot_general3A_5, %add3A : vector<512x8xf32>
    %get3A_10 = arith.constant 0 : index
    %get3A_11 = arith.constant 0 : index
    %get3A_12 = vector.load %arg4[%get3A_10, %get3A_11] : memref<512x8xf32, #tpu.memory_space<vmem>>, vector<512x8xf32>
    %add3A_13 = arith.addf %add3A_9, %get3A_12 : vector<512x8xf32>
    %reduce_max3A = arith.constant dense<0xFF800000> : vector<512xf32>
    %reduce_max3A_14 = vector.multi_reduction <maximumf>, %add3A_13, %reduce_max3A [1] : vector<512x8xf32> to vector<512xf32>
    %broadcast_in_dim3A = vector.shape_cast %reduce_max3A_14 : vector<512xf32> to vector<512x1xf32>
    %sub3A = vector.broadcast %broadcast_in_dim3A : vector<512x1xf32> to vector<512x8xf32>
    %sub3A_15 = arith.subf %add3A_13, %sub3A : vector<512x8xf32>
    %exp3A = math.exp %sub3A_15 : vector<512x8xf32>
    %reduce_sum3A = arith.constant dense<0.000000e+00> : vector<512xf32>
    %reduce_sum3A_16 = vector.multi_reduction <add>, %exp3A, %reduce_sum3A [1] : vector<512x8xf32> to vector<512xf32>
    %broadcast_in_dim3A_17 = vector.shape_cast %reduce_sum3A_16 : vector<512xf32> to vector<512x1xf32>
    %div3A = vector.broadcast %broadcast_in_dim3A_17 : vector<512x1xf32> to vector<512x8xf32>
    %div3A_18 = arith.divf %exp3A, %div3A : vector<512x8xf32>
    %reduce_max3A_19 = arith.constant dense<0xFF800000> : vector<512xf32>
    %reduce_max3A_20 = vector.multi_reduction <maximumf>, %div3A_18, %reduce_max3A_19 [1] : vector<512x8xf32> to vector<512xf32>
    %broadcast_in_dim3A_21 = vector.shape_cast %reduce_max3A_20 : vector<512xf32> to vector<512x1xf32>
    %iota3A = tpu.iota {dimensions = array<i32: 1>} : vector<512x8xi32>
    %eq3A = vector.broadcast %broadcast_in_dim3A_21 : vector<512x1xf32> to vector<512x8xf32>
    %eq3A_22 = arith.cmpf oeq, %div3A_18, %eq3A : vector<512x8xf32>
    %jit3A = arith.constant 8 : i32
    %broadcast_in_dim3A_23 = vector.broadcast %jit3A : i32 to vector<512x8xi32>
    %select_n3A = arith.select %eq3A_22, %iota3A, %broadcast_in_dim3A_23 : vector<512x8xi1>, vector<512x8xi32>
    %reduce_min3A = arith.constant dense<2147483647> : vector<512xi32>
    %reduce_min3A_24 = vector.multi_reduction <minsi>, %select_n3A, %reduce_min3A [1] : vector<512x8xi32> to vector<512xi32>
    %broadcast_in_dim3A_25 = vector.shape_cast %reduce_min3A_24 : vector<512xi32> to vector<512x1xi32>
    %swap3A = arith.constant 0 : index
    %swap3A_26 = arith.constant 0 : index
    %swap3A_27 = vector.load %arg5[%swap3A, %swap3A_26] : memref<512x1xf32, #tpu.memory_space<vmem>>, vector<512x1xf32>
    tpu.vector_store %arg5[%swap3A, %swap3A_26], %broadcast_in_dim3A_21 {strides = array<i32>} : memref<512x1xf32, #tpu.memory_space<vmem>>, vector<512x1xf32>,
    %swap3A_28 = arith.constant 0 : index
    %swap3A_29 = arith.constant 0 : index
    %swap3A_30 = vector.load %arg6[%swap3A_28, %swap3A_29] : memref<512x1xi32, #tpu.memory_space<vmem>>, vector<512x1xi32>
    tpu.vector_store %arg6[%swap3A_28, %swap3A_29], %broadcast_in_dim3A_25 {strides = array<i32>} : memref<512x1xi32, #tpu.memory_space<vmem>>, vector<512x1xi32>,
    %iota3A_31 = tpu.iota {dimensions = array<i32: 1>} : vector<512x16xi32>
    %eq3A_32 = vector.broadcast %broadcast_in_dim3A_25 : vector<512x1xi32> to vector<512x16xi32>
    %eq3A_33 = arith.cmpi eq, %eq3A_32, %iota3A_31 : vector<512x16xi32>
    %convert_element_type3A = arith.extui %eq3A_33 : vector<512x16xi1> to vector<512x16xi32>
    %slice3A = vector.extract_strided_slice %convert_element_type3A {offsets = [0, 0], sizes = [128, 16], strides = [1, 1]} : vector<512x16xi32> to vector<128x16xi32>
    %reduce_sum3A_34 = arith.constant dense<0> : vector<16xi32>
    %reduce_sum3A_35 = vector.multi_reduction <add>, %slice3A, %reduce_sum3A_34 [0] : vector<128x16xi32> to vector<16xi32>
    %broadcast_in_dim3A_36 = vector.shape_cast %reduce_sum3A_35 : vector<16xi32> to vector<1x16xi32>
    %swap3A_37 = arith.constant 0 : index
    %swap3A_38 = arith.constant 0 : index
    %swap3A_39 = arith.constant 0 : index
    %swap3A_40 = vector.load %arg7[%swap3A_37, %swap3A_38, %swap3A_39] : memref<1x4x16xi32, #tpu.memory_space<vmem>>, vector<1x1x16xi32>
    %swap3A_41 = vector.shape_cast %swap3A_40 : vector<1x1x16xi32> to vector<1x16xi32>
    %swap3A_42 = vector.shape_cast %broadcast_in_dim3A_36 : vector<1x16xi32> to vector<1x1x16xi32>
    tpu.vector_store %arg7[%swap3A_37, %swap3A_38, %swap3A_39], %swap3A_42 {strides = array<i32>} : memref<1x4x16xi32, #tpu.memory_space<vmem>>, vector<1x1x16xi32>,
    %slice3A_43 = vector.extract_strided_slice %convert_element_type3A {offsets = [128, 0], sizes = [128, 16], strides = [1, 1]} : vector<512x16xi32> to vector<128x16xi32>
    %reduce_sum3A_44 = arith.constant dense<0> : vector<16xi32>
    %reduce_sum3A_45 = vector.multi_reduction <add>, %slice3A_43, %reduce_sum3A_44 [0] : vector<128x16xi32> to vector<16xi32>
    %broadcast_in_dim3A_46 = vector.shape_cast %reduce_sum3A_45 : vector<16xi32> to vector<1x16xi32>
    %swap3A_47 = arith.constant 0 : index
    %swap3A_48 = arith.constant 1 : index
    %swap3A_49 = arith.constant 0 : index
    %swap3A_50 = vector.load %arg7[%swap3A_47, %swap3A_48, %swap3A_49] : memref<1x4x16xi32, #tpu.memory_space<vmem>>, vector<1x1x16xi32>
    %swap3A_51 = vector.shape_cast %swap3A_50 : vector<1x1x16xi32> to vector<1x16xi32>
    %swap3A_52 = vector.shape_cast %broadcast_in_dim3A_46 : vector<1x16xi32> to vector<1x1x16xi32>
    tpu.vector_store %arg7[%swap3A_47, %swap3A_48, %swap3A_49], %swap3A_52 {strides = array<i32>} : memref<1x4x16xi32, #tpu.memory_space<vmem>>, vector<1x1x16xi32>,
    %slice3A_53 = vector.extract_strided_slice %convert_element_type3A {offsets = [256, 0], sizes = [128, 16], strides = [1, 1]} : vector<512x16xi32> to vector<128x16xi32>
    %reduce_sum3A_54 = arith.constant dense<0> : vector<16xi32>
    %reduce_sum3A_55 = vector.multi_reduction <add>, %slice3A_53, %reduce_sum3A_54 [0] : vector<128x16xi32> to vector<16xi32>
    %broadcast_in_dim3A_56 = vector.shape_cast %reduce_sum3A_55 : vector<16xi32> to vector<1x16xi32>
    %swap3A_57 = arith.constant 0 : index
    %swap3A_58 = arith.constant 2 : index
    %swap3A_59 = arith.constant 0 : index
    %swap3A_60 = vector.load %arg7[%swap3A_57, %swap3A_58, %swap3A_59] : memref<1x4x16xi32, #tpu.memory_space<vmem>>, vector<1x1x16xi32>
    %swap3A_61 = vector.shape_cast %swap3A_60 : vector<1x1x16xi32> to vector<1x16xi32>
    %swap3A_62 = vector.shape_cast %broadcast_in_dim3A_56 : vector<1x16xi32> to vector<1x1x16xi32>
    tpu.vector_store %arg7[%swap3A_57, %swap3A_58, %swap3A_59], %swap3A_62 {strides = array<i32>} : memref<1x4x16xi32, #tpu.memory_space<vmem>>, vector<1x1x16xi32>,
    %slice3A_63 = vector.extract_strided_slice %convert_element_type3A {offsets = [384, 0], sizes = [128, 16], strides = [1, 1]} : vector<512x16xi32> to vector<128x16xi32>
    %reduce_sum3A_64 = arith.constant dense<0> : vector<16xi32>
    %reduce_sum3A_65 = vector.multi_reduction <add>, %slice3A_63, %reduce_sum3A_64 [0] : vector<128x16xi32> to vector<16xi32>
    %broadcast_in_dim3A_66 = vector.shape_cast %reduce_sum3A_65 : vector<16xi32> to vector<1x16xi32>
    %swap3A_67 = arith.constant 0 : index
    %swap3A_68 = arith.constant 3 : index
    %swap3A_69 = arith.constant 0 : index
    %swap3A_70 = vector.load %arg7[%swap3A_67, %swap3A_68, %swap3A_69] : memref<1x4x16xi32, #tpu.memory_space<vmem>>, vector<1x1x16xi32>
    %swap3A_71 = vector.shape_cast %swap3A_70 : vector<1x1x16xi32> to vector<1x16xi32>
    %swap3A_72 = vector.shape_cast %broadcast_in_dim3A_66 : vector<1x16xi32> to vector<1x1x16xi32>
    tpu.vector_store %arg7[%swap3A_67, %swap3A_68, %swap3A_69], %swap3A_72 {strides = array<i32>} : memref<1x4x16xi32, #tpu.memory_space<vmem>>, vector<1x1x16xi32>,
    return
  }
  func.func @transform_0(%arg0: i32) -> (i32, i32) {
    %c0_i32 = arith.constant 0 : i32
    %c0_i32_0 = arith.constant 0 : i32
    return %arg0, %c0_i32 : i32, i32
  }
  func.func @transform_1(%arg0: i32) -> (i32, i32) {
    %c0_i32 = arith.constant 0 : i32
    %c0_i32_0 = arith.constant 0 : i32
    %c0_i32_1 = arith.constant 0 : i32
    return %c0_i32, %c0_i32_0 : i32, i32
  }
  func.func @transform_2(%arg0: i32) -> (i32, i32) {
    %c0_i32 = arith.constant 0 : i32
    %c0_i32_0 = arith.constant 0 : i32
    %c0_i32_1 = arith.constant 0 : i32
    return %c0_i32, %c0_i32_0 : i32, i32
  }
  func.func @transform_3(%arg0: i32) -> (i32, i32) {
    %c0_i32 = arith.constant 0 : i32
    %c0_i32_0 = arith.constant 0 : i32
    return %arg0, %c0_i32 : i32, i32
  }
  func.func @transform_4(%arg0: i32) -> (i32, i32) {
    %c0_i32 = arith.constant 0 : i32
    %c0_i32_0 = arith.constant 0 : i32
    return %arg0, %c0_i32 : i32, i32
  }
  func.func @transform_5(%arg0: i32) -> (i32, i32) {
    %c0_i32 = arith.constant 0 : i32
    %c0_i32_0 = arith.constant 0 : i32
    return %arg0, %c0_i32 : i32, i32
  }
  func.func @transform_6(%arg0: i32) -> (i32, i32, i32) {
    %c0_i32 = arith.constant 0 : i32
    %c0_i32_0 = arith.constant 0 : i32
    %c0_i32_1 = arith.constant 0 : i32
    return %arg0, %c0_i32, %c0_i32_0 : i32, i32, i32
  }
}

module attributes {stable_mosaic.version = 14 : i64} {
  func.func @_expert_block(%arg0: i32, %arg1: memref<32xi32, #tpu.memory_space<smem>>, %arg2: memref<512x768xf32, #tpu.memory_space<vmem>>, %arg3: memref<1x768x768xf32, #tpu.memory_space<vmem>>, %arg4: memref<1x1x768xf32, #tpu.memory_space<vmem>>, %arg5: memref<512x768xf32, #tpu.memory_space<vmem>>) attributes {dimension_semantics = [#tpu.dimension_semantics<arbitrary>], iteration_bounds = array<i64: 16>, scalar_prefetch = 1 : i64, scratch_operands = 0 : i64, tpu.core_type = #tpu.core_type<tc>, window_params = [{transform_indices = @transform_0, window_bounds = array<i64: 512, 768>}, {transform_indices = @transform_1, window_bounds = array<i64: 1, 768, 768>}, {transform_indices = @transform_2, window_bounds = array<i64: 1, 1, 768>}, {transform_indices = @transform_3, window_bounds = array<i64: 512, 768>}]} {
    %get3A = arith.constant 0 : index
    %get3A_0 = arith.constant 0 : index
    %get3A_1 = vector.load %arg2[%get3A, %get3A_0] : memref<512x768xf32, #tpu.memory_space<vmem>>, vector<512x768xf32>
    %get3A_2 = arith.constant 0 : index
    %get3A_3 = arith.constant 0 : index
    %get3A_4 = arith.constant 0 : index
    %get3A_5 = vector.load %arg3[%get3A_2, %get3A_3, %get3A_4] : memref<1x768x768xf32, #tpu.memory_space<vmem>>, vector<1x768x768xf32>
    %get3A_6 = vector.shape_cast %get3A_5 : vector<1x768x768xf32> to vector<768x768xf32>
    %dot_general3A = arith.constant dense<0.000000e+00> : vector<512x768xf32>
    %dot_general3A_7 = tpu.matmul %get3A_1, %get3A_6, %dot_general3A {dimension_numbers = #tpu.dot_dimension_numbers<[1], [1], [0], [0], [0, 0, 1, 0], [], []>, transpose_lhs_hint = false} : vector<512x768xf32>, vector<768x768xf32>, vector<512x768xf32> -> vector<512x768xf32>
    %get3A_8 = arith.constant 0 : index
    %get3A_9 = arith.constant 0 : index
    %get3A_10 = arith.constant 0 : index
    %get3A_11 = vector.load %arg4[%get3A_8, %get3A_9, %get3A_10] : memref<1x1x768xf32, #tpu.memory_space<vmem>>, vector<1x1x768xf32>
    %get3A_12 = vector.shape_cast %get3A_11 : vector<1x1x768xf32> to vector<1x768xf32>
    %add3A = vector.broadcast %get3A_12 : vector<1x768xf32> to vector<512x768xf32>
    %add3A_13 = arith.addf %dot_general3A_7, %add3A : vector<512x768xf32>
    %swap3A = arith.constant 0 : index
    %swap3A_14 = arith.constant 0 : index
    %swap3A_15 = vector.load %arg5[%swap3A, %swap3A_14] : memref<512x768xf32, #tpu.memory_space<vmem>>, vector<512x768xf32>
    tpu.vector_store %arg5[%swap3A, %swap3A_14], %add3A_13 {strides = array<i32>} : memref<512x768xf32, #tpu.memory_space<vmem>>, vector<512x768xf32>,
    return
  }
  func.func @transform_0(%arg0: i32, %arg1: memref<32xi32, #tpu.memory_space<smem>>) -> (i32, i32) {
    %c0_i32 = arith.constant 0 : i32
    %c0_i32_0 = arith.constant 0 : i32
    return %arg0, %c0_i32 : i32, i32
  }
  func.func @transform_1(%arg0: i32, %arg1: memref<32xi32, #tpu.memory_space<smem>>) -> (i32, i32, i32) {
    %get3A = arith.index_cast %arg0 : i32 to index
    %get3A_0 = memref.load %arg1[%get3A] : memref<32xi32, #tpu.memory_space<smem>>
    %c0_i32 = arith.constant 0 : i32
    %c0_i32_1 = arith.constant 0 : i32
    %c0_i32_2 = arith.constant 0 : i32
    return %get3A_0, %c0_i32, %c0_i32_1 : i32, i32, i32
  }
  func.func @transform_2(%arg0: i32, %arg1: memref<32xi32, #tpu.memory_space<smem>>) -> (i32, i32, i32) {
    %get3A = arith.index_cast %arg0 : i32 to index
    %get3A_0 = memref.load %arg1[%get3A] : memref<32xi32, #tpu.memory_space<smem>>
    %c0_i32 = arith.constant 0 : i32
    %c0_i32_1 = arith.constant 0 : i32
    %c0_i32_2 = arith.constant 0 : i32
    return %get3A_0, %c0_i32, %c0_i32_1 : i32, i32, i32
  }
  func.func @transform_3(%arg0: i32, %arg1: memref<32xi32, #tpu.memory_space<smem>>) -> (i32, i32) {
    %c0_i32 = arith.constant 0 : i32
    %c0_i32_0 = arith.constant 0 : i32
    return %arg0, %c0_i32 : i32, i32
  }
}

module attributes {stable_mosaic.version = 14 : i64} {
  func.func @_proj_block(%arg0: i32, %arg1: memref<512x768xf32, #tpu.memory_space<vmem>>, %arg2: memref<768x768xf32, #tpu.memory_space<vmem>>, %arg3: memref<1x768xf32, #tpu.memory_space<vmem>>, %arg4: memref<512x1xf32, #tpu.memory_space<vmem>>, %arg5: memref<512x768xf32, #tpu.memory_space<vmem>>) attributes {dimension_semantics = [#tpu.dimension_semantics<arbitrary>], iteration_bounds = array<i64: 8>, scalar_prefetch = 0 : i64, scratch_operands = 0 : i64, tpu.core_type = #tpu.core_type<tc>, window_params = [{transform_indices = @transform_0, window_bounds = array<i64: 512, 768>}, {pipeline_mode = #tpu.pipeline_mode<synchronous>, transform_indices = @transform_1, window_bounds = array<i64: 768, 768>}, {pipeline_mode = #tpu.pipeline_mode<synchronous>, transform_indices = @transform_2, window_bounds = array<i64: 1, 768>}, {transform_indices = @transform_3, window_bounds = array<i64: 512, 1>}, {transform_indices = @transform_4, window_bounds = array<i64: 512, 768>}]} {
    %get3A = arith.constant 0 : index
    %get3A_0 = arith.constant 0 : index
    %get3A_1 = vector.load %arg1[%get3A, %get3A_0] : memref<512x768xf32, #tpu.memory_space<vmem>>, vector<512x768xf32>
    %get3A_2 = arith.constant 0 : index
    %get3A_3 = arith.constant 0 : index
    %get3A_4 = vector.load %arg2[%get3A_2, %get3A_3] : memref<768x768xf32, #tpu.memory_space<vmem>>, vector<768x768xf32>
    %dot_general3A = arith.constant dense<0.000000e+00> : vector<512x768xf32>
    %dot_general3A_5 = tpu.matmul %get3A_1, %get3A_4, %dot_general3A {dimension_numbers = #tpu.dot_dimension_numbers<[1], [1], [0], [0], [0, 0, 1, 0], [], []>, transpose_lhs_hint = false} : vector<512x768xf32>, vector<768x768xf32>, vector<512x768xf32> -> vector<512x768xf32>
    %get3A_6 = arith.constant 0 : index
    %get3A_7 = arith.constant 0 : index
    %get3A_8 = vector.load %arg3[%get3A_6, %get3A_7] : memref<1x768xf32, #tpu.memory_space<vmem>>, vector<1x768xf32>
    %add3A = vector.broadcast %get3A_8 : vector<1x768xf32> to vector<512x768xf32>
    %add3A_9 = arith.addf %dot_general3A_5, %add3A : vector<512x768xf32>
    %get3A_10 = arith.constant 0 : index
    %get3A_11 = arith.constant 0 : index
    %get3A_12 = vector.load %arg4[%get3A_10, %get3A_11] : memref<512x1xf32, #tpu.memory_space<vmem>>, vector<512x1xf32>
    %mul3A = vector.broadcast %get3A_12 : vector<512x1xf32> to vector<512x768xf32>
    %mul3A_13 = arith.mulf %add3A_9, %mul3A : vector<512x768xf32>
    %swap3A = arith.constant 0 : index
    %swap3A_14 = arith.constant 0 : index
    %swap3A_15 = vector.load %arg5[%swap3A, %swap3A_14] : memref<512x768xf32, #tpu.memory_space<vmem>>, vector<512x768xf32>
    tpu.vector_store %arg5[%swap3A, %swap3A_14], %mul3A_13 {strides = array<i32>} : memref<512x768xf32, #tpu.memory_space<vmem>>, vector<512x768xf32>,
    return
  }
  func.func @transform_0(%arg0: i32) -> (i32, i32) {
    %c0_i32 = arith.constant 0 : i32
    %c0_i32_0 = arith.constant 0 : i32
    return %arg0, %c0_i32 : i32, i32
  }
  func.func @transform_1(%arg0: i32) -> (i32, i32) {
    %c0_i32 = arith.constant 0 : i32
    %c0_i32_0 = arith.constant 0 : i32
    %c0_i32_1 = arith.constant 0 : i32
    return %c0_i32, %c0_i32_0 : i32, i32
  }
  func.func @transform_2(%arg0: i32) -> (i32, i32) {
    %c0_i32 = arith.constant 0 : i32
    %c0_i32_0 = arith.constant 0 : i32
    %c0_i32_1 = arith.constant 0 : i32
    return %c0_i32, %c0_i32_0 : i32, i32
  }
  func.func @transform_3(%arg0: i32) -> (i32, i32) {
    %c0_i32 = arith.constant 0 : i32
    %c0_i32_0 = arith.constant 0 : i32
    return %arg0, %c0_i32 : i32, i32
  }
  func.func @transform_4(%arg0: i32) -> (i32, i32) {
    %c0_i32 = arith.constant 0 : i32
    %c0_i32_0 = arith.constant 0 : i32
    return %arg0, %c0_i32 : i32, i32
  }
}

</mosaic_0001>

<sc_bundles>
// kernel: kernel.10.cloned.1.call-start
scs
__scs_entry_jumppad:
0x0: {  	(pc) =	sbr.rel $0x88, $3  }
0x1: {  	(tag) =	ssettag $0x0;
	lr =	simm.s32 $0x1  }
0x2: {  	[smem:$0x3F99] =	sst lr;
	_ =	strace $0xD0000000  }
0x3: {  	_ = 	snop  }
0x4: {  	_ = 	snop  }
0x5: {  	_ = 	snop  }
0x6: {  	_ = 	snop  }
0x7: {  	_ = 	snop  }
__scs_overlays_trampoline_lowered:
0x8: {  	[smem:$0x3FA8] =	sst s0  }
0x9: {  	[smem:$0x3FA9] =	sst s1  }
0xa: {  	[smem:$0x3FAA] =	sst s2  }
0xb: {  	[smem:$0x3FAB] =	sst s3  }
0xc: {  	[smem:$0x3FAC] =	sst s4  }
0xd: {  	[smem:$0x3FAD] =	sst s5  }
0xe: {  	[smem:$0x3FAE] =	sst s6  }
0xf: {  	[smem:$0x3FAF] =	sst s7  }
0x10: {  	[smem:$0x3FB0] =	sst s8  }
0x11: {  	[smem:$0x3FB1] =	sst s9;
	s0 =	simm.s32 @!p0 $0x0  }
0x12: {  	s1 =	sld [smem:$0x3F97];
	s0 =	simm.s32 @p0 $0x1  }
0x13: {  	[smem:$0x3FB2] =	sst s0;
	s0 =	simm.s32 @!p1 $0x0  }
0x14: {  	s2 =	sld [smem:$0x3F96];
	s0 =	simm.s32 @p1 $0x1  }
0x15: {  	[smem:$0x3FB3] =	sst s0;
	s0 =	simm.s32 @!p2 $0x0  }
0x16: {  	s3 =	sld [smem:$0x3FDB];
	s0 =	simm.s32 @p2 $0x1  }
0x17: {  	s4 =	simm.s32 $0x1BF5;
	[smem:$0x3FB5] =	sst s0  }
0x18: {  	s0 =	sld [smem:$0x3F98];
	_ =	swait.ge [sflag:s4], $0x0  }
0x19: {  	s7 =	sld [smem:$0x3F99]  }
0x1a: {  	s8 =	sadd.s32 $0xFFFFE003, lr  }
0x1b: {  	s9 =	sadd.s32 $0xFFFFFEF7, lr;
	s5 =	simm.s32 $0xFFFFFFFF;
	p2 =	slt.u32 s8, $0xFFFFF086  }
0x1c: {  	p1 =	slt.u32 s9, $0xF7A;
	s5 =	simm.s32 @!p2 $0x0  }
0x1d: {  	s5 =	simm.s32 @p1 $0x1;
	p0 =	seq.s32 s7, s2  }
0x1e: {  	s7 =	smul.u32 @!p0 $0xF7A, s2;
	p2 =	seq.s32 @!p0 s5, $0x0  }
0x1f: {  	s9 =	smul.u32 $0xF7A, s1;
	s8 =	simm.s32 @!p0 $0x1BF5;
	p2 =	por !p2, p0  }
0x20: {  	[sflag:s8] =	ssyncset.s32 @!p0 $0xFFFFF086;
	s6 =	sadd.s32 @!p0 s3, s7;
	s7 =	simm.s32 @!p0 $0x108  }
0x21: {  	s3 =	sadd.s32 s3, s9;
	s6 =	sadd.s32 @!p0 $0x88, s6;
	s7 =	simm.s32 @p2 $0x1082  }
0x22: {  	[simem:s7], [sflag:s8] =	dma.local @!p0 [hbm:s6], $0xF7A  }
0x23: {  	s9 =	sor.u32 $0xD0000000, s2;
	s6 =	simm.s32 $0x108;
	_ =	swait.ge @!p0 [sflag:s8], $0x0  }
0x24: {  	s3 =	sadd.s32 $0x88, s3;
	s6 =	simm.s32 @!p1 $0x1082;
	[sflag:s4] =	ssyncset.s32 $0xFFFFF086  }
0x25: {  	[simem:s6], [sflag:s4] =	dma.local [hbm:s3], $0xF7A  }
0x26: {  	[smem:$0x3F99] =	sst s1;
	(tag) =	ssettag s2;
	_ =	strace s9  }
0x27: {  	s1 =	sld [smem:$0x3FA9]  }
0x28: {  	s2 =	sld [smem:$0x3FAA]  }
0x29: {  	s4 =	sld [smem:$0x3FAC]  }
0x2a: {  	p0 =	seq.s32 s5, $0x0;
	s5 =	sld [smem:$0x3FAD]  }
0x2b: {  	s6 =	sld [smem:$0x3FAE]  }
0x2c: {  	s7 =	sld [smem:$0x3FAF]  }
0x2d: {  	s3 =	simm.s32 $0x108;
	s8 =	sld [smem:$0x3FB0]  }
0x2e: {  	s3 =	simm.s32 @!p0 $0x1082;
	s9 =	sld [smem:$0x3FB1]  }
0x2f: {  	lr =	sadd.s32 s0, s3;
	s0 =	sld [smem:$0x3FA8]  }
0x30: {  	s3 =	sld [smem:$0x3FAB]  }
0x31: {  	[smem:$0x3FB4] =	sst s10  }
0x32: {  	s10 =	sld [smem:$0x3FB2];
	_ =	sdelay $0x3  }
0x33: {  	p0 =	seq.s32 s10, $0x1;
	s10 =	sld [smem:$0x3FB4];
	_ =	sdelay $0x3  }
0x34: {  	[smem:$0x3FB4] =	sst s10  }
0x35: {  	s10 =	sld [smem:$0x3FB3];
	_ =	sdelay $0x3  }
0x36: {  	p1 =	seq.s32 s10, $0x1;
	s10 =	sld [smem:$0x3FB4];
	_ =	sdelay $0x3  }
0x37: {  	[smem:$0x3FB4] =	sst s10  }
0x38: {  	s10 =	sld [smem:$0x3FB5]  }
0x39: {  	_ = 	snop;
	(pc) =	sbr.ind lr, $3  }
0x3a: {  	_ = 	snop  }
0x3b: {  	_ = 	snop  }
0x3c: {  	p2 =	seq.s32 s10, $0x1;
	s10 =	sld [smem:$0x3FB4]  }
0x3d: {  	_ =	shalt  }
0x3e: {  	_ =	shalt  }
0x3f: {  	_ =	shalt  }
0x40: {  	_ =	shalt  }
0x41: {  	_ =	shalt  }
0x42: {  	_ =	shalt  }
0x43: {  	_ =	shalt  }
0x44: {  	_ =	shalt  }
0x45: {  	_ =	shalt  }
0x46: {  	_ =	shalt  }
0x47: {  	_ =	shalt  }
0x48: {  	_ =	shalt  }
0x49: {  	_ =	shalt  }
0x4a: {  	_ =	shalt  }
0x4b: {  	_ =	shalt  }
0x4c: {  	_ =	shalt  }
0x4d: {  	_ =	shalt  }
0x4e: {  	_ =	shalt  }
0x4f: {  	_ =	shalt  }
0x50: {  	_ =	shalt  }
0x51: {  	_ =	shalt  }
0x52: {  	_ =	shalt  }
0x53: {  	_ =	shalt  }
0x54: {  	_ =	shalt  }
0x55: {  	_ =	shalt  }
0x56: {  	_ =	shalt  }
0x57: {  	_ =	shalt  }
0x58: {  	_ =	shalt  }
0x59: {  	_ =	shalt  }
0x5a: {  	_ =	shalt  }
0x5b: {  	_ =	shalt  }
0x5c: {  	_ =	shalt  }
0x5d: {  	_ =	shalt  }
0x5e: {  	_ =	shalt  }
0x5f: {  	_ =	shalt  }
0x60: {  	_ =	shalt  }
0x61: {  	_ =	shalt  }
0x62: {  	_ =	shalt  }
0x63: {  	_ =	shalt  }
0x64: {  	_ =	shalt  }
0x65: {  	_ =	shalt  }
0x66: {  	_ =	shalt  }
0x67: {  	_ =	shalt  }
0x68: {  	_ =	shalt  }
0x69: {  	_ =	shalt  }
0x6a: {  	_ =	shalt  }
0x6b: {  	_ =	shalt  }
0x6c: {  	_ =	shalt  }
0x6d: {  	_ =	shalt  }
0x6e: {  	_ =	shalt  }
0x6f: {  	_ =	shalt  }
0x70: {  	_ =	shalt  }
0x71: {  	_ =	shalt  }
0x72: {  	_ =	shalt  }
0x73: {  	_ =	shalt  }
0x74: {  	_ =	shalt  }
0x75: {  	_ =	shalt  }
0x76: {  	_ =	shalt  }
0x77: {  	_ =	shalt  }
0x78: {  	_ =	shalt  }
0x79: {  	_ =	shalt  }
0x7a: {  	_ =	shalt  }
0x7b: {  	_ =	shalt  }
0x7c: {  	_ =	shalt  }
0x7d: {  	_ =	shalt  }
0x7e: {  	_ =	shalt  }
0x7f: {  	_ =	shalt  }
0x80: {  	_ =	shalt  }
0x81: {  	_ =	shalt  }
0x82: {  	_ =	shalt  }
0x83: {  	_ =	shalt  }
0x84: {  	_ =	shalt  }
0x85: {  	_ =	shalt  }
0x86: {  	_ =	shalt  }
0x87: {  	_ =	shalt  }
.Lfunc_end0:
.L_simem_size_0:
called_computation.1_lowered:
.L_overlay_start_0:
0x88: {  	s2 =	sld [smem:$0x3FD9]  }
0x89: {  	s3 =	sld [smem:$0x3FFE];
	_ =	sdelay $0x1  }
0x8a: {  	s1 =	srdreg.scid  }
0x8b: {  	s0 =	sand.u32 $0x1, s1  }
0x8c: {  	s17 =	sshll.u32 s0, $0xA;
	s2 =	sadd.s32 s3, s2  }
0x8d: {  	s2 =	sadd.s32 s2, s17  }
0x8e: {  	[smem:$0x3FC0] =	sst s2  }
0x8f: {  	_ = 	snop  }
0x90: {  	s2 =	sld [smem:$0x3FD0];
	(tm) =	ssettm $0x1  }
0x91: {  	s18 =	sld [smem:$0x3FFB];
	_ =	sdelay $0x3  }
0x92: {  	_ =	strace s18  }
0x93: {  	s3 =	sld [smem:$0x3FFC];
	_ =	sdelay $0x3  }
0x94: {  	_ =	strace s3  }
0x95: {  	s3 =	sld [smem:$0x3FFD];
	_ =	sdelay $0x3  }
0x96: {  	_ =	strace s3  }
0x97: {  	_ =	strace $0x8FFFFFFF  }
0x98: {  	s19 =	sld [smem:$0x3FDB];
	_ =	sdelay $0x1  }
0x99: {  	s4 =	simm.s32 $_scs_section_size  }
0x9a: {  	s5 =	simm.s32 $_size__tile_overlayer_lowered;
	s6 =	simm.s32 $_tile_overlayer_lowered  }
0x9b: {  	s22 =	simm.s32 $0x1BFF;
	s21 =	sshll.u32 s6, $0x1;
	s3 =	sadd.s32 s4, s19  }
0x9c: {  	s7 =	simm.s32 $0x0;
	s20 =	sshll.u32 s5, $0x1;
	s5 =	sadd.s32 s21, s3  }
0x9d: {  	[timem:s7], [sflag:s22] =	dma.local [hbm:s5], s20  }
0x9e: {  	_ =	swait.ge [sflag:s22], s20  }
0x9f: {  	s4 =	ssub.s32 $0x0, s20;
	[sflag:s22] =	ssyncset.done $0x0  }
0xa0: {  	[sflag:s22] =	ssyncadd.s32 s4;
	_ =	sdelay $0x1  }
0xa1: {  	s23 =	simm.s32 $0x1B8B  }
0xa2: {  	_ =	swait.ge [sflag:s23], $0x1  }
0xa3: {  	[sflag:s23] =	ssyncset.done $0x0  }
0xa4: {  	s25 =	simm.s32 $0x1B8E;
	s24 =	sld [smem:$0x3FFE];
	[sflag:s23] =	ssyncadd.s32 $0xFFFFFFFF  }
0xa5: {  	s26 =	simm.s32 $execute0_lowered;
	[smem:$0x3FD2] =	sst s25  }
0xa6: {  	s5 =	sshll.u32 s26, $0x1;
	_ =	strace $0x80000049;
	[dreg:$0x1] =	wrdreg $0xFFFFFFFF  }
0xa7: {  	s28 =	simm.s32 $_size_execute0_lowered;
	s3 =	sadd.s32 s3, s5;
	[dreg:$0x0] =	wrdreg $0x0  }
0xa8: {  	s5 =	sshll.u32 s28, $0x1;
	[dreg:$0x2] =	wrdreg s3  }
0xa9: {  	[dreg:$0x3] =	wrdreg s5  }
0xaa: {  	[dreg:$0x4] =	wrdreg $0xC0  }
0xab: {  	_ =	task [dreg:s7], $0x5FFFF  }
0xac: {  	[dreg:$0x1] =	wrdreg $0xFFFFFFFF  }
0xad: {  	[dreg:$0x0] =	wrdreg $0x60  }
0xae: {  	[dreg:$0x2] =	wrdreg s24  }
0xaf: {  	[dreg:$0x3] =	wrdreg s2  }
0xb0: {  	[dreg:$0x4] =	wrdreg $0x9  }
0xb1: {  	_ =	task.clear_ibuf [dreg:s7], $0x5FFFF;
	_ =	strace $0x90000049  }
0xb2: {  	s29 =	simm.s32 $0x9;
	_ =	strace $0x8000004B  }
0xb3: {  	_ =	swait.ge [sflag:s29], $0x1  }
0xb4: {  	[sflag:s29] =	ssyncadd.s32 $0xFFFFFFFF  }
0xb5: {  	_ =	strace $0x9000004B  }
0xb6: {  	_ =	sfence  }
0xb7: {  	s30 =	sld [smem:$0x0];
	_ =	sdelay $0x2  }
0xb8: {  	s31 =	sshll.u32 s1, $0xD;
	s1 =	sshrl.u32 s1, $0x2  }
0xb9: {  	s3 =	sand.u32 $0x4000, s31;
	s1 =	sadd.s32 s1, s30  }
0xba: {  	s0 =	sor.u32 s3, s0;
	s1 =	sshll.u32 s1, $0x11  }
0xbb: {  	s0 =	sor.u32 s1, s0  }
0xbc: {  	s0 =	sadd.s32 $0x8F2B, s0  }
0xbd: {  	[sflag:s0] =	ssyncadd.remote.s32 $0x1  }
0xbe: {  	_ =	sfence.sel $0xFFFF  }
0xbf: {  	[dreg:$0x0] =	wrdreg $0xFFFFFFFF;
	(pc) =	sbr.abs _section_cstart, $3  }
0xc0: {  	[dreg:$0x1] =	wrdreg $0xFFFFFFFF  }
0xc1: {  	_ =	task.clear_ibuf [dreg:s7], $0x2FFFF;
	_ =	strace $0x9FFFFFFF  }
0xc2: {  	(tm) =	ssettm $0x7FFFFFFF  }
0xc3: {  	_ =	shalt  }
tec
execute0_lowered:
.L_overlay_start_1:
0x0: {  	(tag) =	ssettag $0x1  }
0x1: {  	s2 =	srdreg.scid;
	s1 =	rddreg [dreg:$0x0]  }
0x2: {  	s3 =	rddreg [dreg:$0x1];
	s4 =	sand.u32 $0x1, s2;
	s2 =	simm.s32 $0x0  }
0x3: {  	s0 =	stileid.u32;
	s25 =	simm.s32 $0x880;
	[smem:$0x7FF] =	sst s2  }
0x4: {  	s26 =	simm.s32 $0x1080;
	_ =	strace $0x8000004A;
	[dreg:$0x5] =	wrdreg s25  }
0x5: {  	s6 =	sshll.u32 s0, $0x4;
	s0 =	simm.s32 $0x1880;
	[dreg:$0x6] =	wrdreg s26  }
0x6: {  	s7 =	simm.s32 $0x3080;
	[dreg:$0x7] =	wrdreg s0  }
0x7: {  	s8 =	simm.s32 $0x3880;
	[dreg:$0xa] =	wrdreg s7  }
0x8: {  	s9 =	simm.s32 $0x4080;
	[dreg:$0xb] =	wrdreg s8  }
0x9: {  	s10 =	simm.s32 $0x4880;
	[dreg:$0xc] =	wrdreg s9  }
0xa: {  	s11 =	simm.s32 $0x5080;
	[dreg:$0xd] =	wrdreg s10  }
0xb: {  	s12 =	simm.s32 $0x5880;
	[dreg:$0xe] =	wrdreg s11  }
0xc: {  	s13 =	simm.s32 $0x6080;
	[dreg:$0xf] =	wrdreg s12  }
0xd: {  	s14 =	simm.s32 $0x6880;
	[dreg:$0x10] =	wrdreg s13  }
0xe: {  	s15 =	simm.s32 $0x7080;
	[dreg:$0x11] =	wrdreg s14  }
0xf: {  	s16 =	simm.s32 $0x7880;
	s17 =	simm.s32 $0x8080;
	[dreg:$0x12] =	wrdreg s15  }
0x10: {  	s18 =	simm.s32 $0x8880;
	s19 =	simm.s32 $0x9080;
	[dreg:$0x13] =	wrdreg s16  }
0x11: {  	s21 =	simm.s32 $0x9880;
	s22 =	simm.s32 $0xA080;
	[dreg:$0x14] =	wrdreg s17  }
0x12: {  	s23 =	simm.s32 $0xB080;
	s24 =	simm.s32 $0xB880;
	[dreg:$0x15] =	wrdreg s18  }
0x13: {  	s28 =	simm.s32 $0x16080;
	s29 =	simm.s32 $0x16880;
	[dreg:$0x16] =	wrdreg s19  }
0x14: {  	s30 =	simm.s32 $0x17080;
	s31 =	simm.s32 $0x17880;
	[dreg:$0x17] =	wrdreg s21  }
0x15: {  	s5 =	sshll.u32 s4, $0x8;
	s4 =	ssub.s32 $0x2, s4;
	[dreg:$0x18] =	wrdreg s22  }
0x16: {  	s5 =	sor.u32 s6, s5;
	s20 =	sshrl.u32 s4, $0x1;
	[dreg:$0x1a] =	wrdreg s23  }
0x17: {  	s7 =	simm.s32 $0xA880;
	[dreg:$0x1b] =	wrdreg s24;
	s25 =	simm.s32 $0xC080  }
0x18: {  	s8 =	simm.s32 $0x80;
	s26 =	simm.s32 $0xC880;
	s10 =	simm.s32 $0xD880  }
0x19: {  	s11 =	simm.s32 $0xE080;
	s12 =	simm.s32 $0xE880;
	s13 =	simm.s32 $0xF080  }
0x1a: {  	s14 =	simm.s32 $0xF880;
	s15 =	simm.s32 $0x10080;
	s16 =	simm.s32 $0x10880  }
0x1b: {  	s17 =	simm.s32 $0x11080;
	s18 =	simm.s32 $0x11880;
	s19 =	simm.s32 $0x12080  }
0x1c: {  	s21 =	simm.s32 $0x13080;
	s22 =	simm.s32 $0x13880;
	[dreg:$0x19] =	wrdreg s7  }
0x1d: {  	s6 =	sadd.s32 s5, s1;
	s5 =	smul.u32 $0x300, s5;
	[dreg:$0x1c] =	wrdreg s25  }
0x1e: {  	s23 =	simm.s32 $0x14080;
	[dreg:$0x1d] =	wrdreg s26;
	s6 =	sadd.s32 $0xC3200, s6  }
0x1f: {  	s24 =	simm.s32 $0x14880;
	[dreg:$0x3] =	wrdreg s6;
	s3 =	sadd.s32 s3, s5  }
0x20: {  	s7 =	simm.s32 $0x2;
	s5 =	simm.s32 $0x2080;
	[dreg:$0x4] =	wrdreg s3  }
0x21: {  	s25 =	simm.s32 $0x15080;
	s6 =	simm.s32 $0x2880;
	[dreg:$0x8] =	wrdreg s5  }
0x22: {  	v2 =	vlaneseq.u32;
	s26 =	simm.s32 $0x15880;
	[dreg:$0x9] =	wrdreg s6;
	s3 =	sadd.s32 $0xC3400, s1  }
0x23: {  	vm0 =	vmmov $0xffff;
	v1 =	vshrl.u32 v2, $0x3;
	s6 =	ssub.s32 s4, s20;
	s4 =	sadd.s32 $0xC3500, s1;
	s5 =	sadd.s32 $0xC3600, s1  }
0x24: {  	v0 =	vand.u32 $0x7, v2;
	v2 =	vor.u32 $0x8, v2;
	v1 =	vmul.u32 $0x8, v1;
	s20 =	simm.s32 $0x12880;
	s1 =	simm.s32 $0x1;
	s6 =	smax.u32 s6, $0x1  }
.LBB2_1:
0x25: {  	s0 =	rddreg [dreg:$0x3]  }
0x26: {  	[tilespmem:s2], [sflag:$0x2] =	stream.linear.gather [hbm4b:s0+s2], $0x80, $0x38;
	[tilespmem:$0x18080] =	vst v63  }
0x27: {  	_ =	swait.ge [sflag:s7], $0x80  }
0x28: {  	[sflag:s7] =	ssyncset.done $0x0  }
0x29: {  	[sflag:s7] =	ssyncadd.s32 $0xFFFFFF80  }
0x2a: {  	v3 =	vld [tilespmem:$0x0];
	_ =	sdelay $0x4  }
0x2b: {  	v4 =	vshrl.u32 v3, $0x3  }
0x2c: {  	v4 =	vmul.u32 $0x30, v4  }
0x2d: {  	v3 =	vand.u32 $0x7, v3  }
0x2e: {  	v3 =	vor.u32 v3, v4  }
0x2f: {  	v4 =	vperm.xlane v3, v0;
	_ =	sdelay $0x1  }
0x30: {  	v4 =	vadd.s32 v1, v4;
	_ =	sdelay $0x3  }
0x31: {  	v3 =	vperm.xlane v3, v2  }
0x32: {  	[tilespmem:s8], [sflag:$0x1] =	stream.indirect_vreg.gather [hbm4b:s3+s2], $0x80, v4, vm0, $0xb8;
	[tilespmem:$0x18080] =	vst v63  }
0x33: {  	s0 =	rddreg [dreg:$0x5];
	v3 =	vadd.s32 v1, v3  }
0x34: {  	[tilespmem:s0], [sflag:$0x1] =	stream.indirect_vreg.gather [hbm4b:s4+s2], $0x80, v4, vm0, $0xb8;
	[tilespmem:$0x18080] =	vst v63  }
0x35: {  	s9 =	rddreg [dreg:$0x6]  }
0x36: {  	[tilespmem:s9], [sflag:$0x1] =	stream.indirect_vreg.gather [hbm4b:s5+s2], $0x80, v4, vm0, $0xb8;
	[tilespmem:$0x18080] =	vst v63  }
0x37: {  	s0 =	rddreg [dreg:$0x7]  }
0x38: {  	[tilespmem:s0], [sflag:$0x1] =	stream.indirect_vreg.gather [hbm4b:s3+s2], $0x80, v3, vm0, $0xb8;
	[tilespmem:$0x18080] =	vst v63  }
0x39: {  	s9 =	rddreg [dreg:$0x8]  }
0x3a: {  	[tilespmem:s9], [sflag:$0x1] =	stream.indirect_vreg.gather [hbm4b:s4+s2], $0x80, v3, vm0, $0xb8;
	[tilespmem:$0x18080] =	vst v63  }
0x3b: {  	s0 =	rddreg [dreg:$0x9]  }
0x3c: {  	[tilespmem:s0], [sflag:$0x1] =	stream.indirect_vreg.gather [hbm4b:s5+s2], $0x80, v3, vm0, $0xb8;
	[tilespmem:$0x18080] =	vst v63  }
0x3d: {  	v3 =	vld [tilespmem:$0x10];
	_ =	sdelay $0x4  }
0x3e: {  	v57 =	vshrl.u32 v3, $0x3  }
0x3f: {  	v4 =	vmul.u32 $0x30, v57  }
0x40: {  	v3 =	vand.u32 $0x7, v3  }
0x41: {  	v3 =	vor.u32 v3, v4  }
0x42: {  	v4 =	vperm.xlane v3, v0;
	_ =	sdelay $0x1  }
0x43: {  	v4 =	vadd.s32 v1, v4;
	_ =	sdelay $0x3  }
0x44: {  	s0 =	rddreg [dreg:$0xa];
	v3 =	vperm.xlane v3, v2  }
0x45: {  	[tilespmem:s0], [sflag:$0x1] =	stream.indirect_vreg.gather [hbm4b:s3+s2], $0x80, v4, vm0, $0xb8;
	[tilespmem:$0x18080] =	vst v63  }
0x46: {  	s9 =	rddreg [dreg:$0xb];
	v3 =	vadd.s32 v1, v3  }
0x47: {  	[tilespmem:s9], [sflag:$0x1] =	stream.indirect_vreg.gather [hbm4b:s4+s2], $0x80, v4, vm0, $0xb8;
	[tilespmem:$0x18080] =	vst v63  }
0x48: {  	s0 =	rddreg [dreg:$0xc]  }
0x49: {  	[tilespmem:s0], [sflag:$0x1] =	stream.indirect_vreg.gather [hbm4b:s5+s2], $0x80, v4, vm0, $0xb8;
	[tilespmem:$0x18080] =	vst v63  }
0x4a: {  	s9 =	rddreg [dreg:$0xd]  }
0x4b: {  	[tilespmem:s9], [sflag:$0x1] =	stream.indirect_vreg.gather [hbm4b:s3+s2], $0x80, v3, vm0, $0xb8;
	[tilespmem:$0x18080] =	vst v63  }
0x4c: {  	s0 =	rddreg [dreg:$0xe]  }
0x4d: {  	[tilespmem:s0], [sflag:$0x1] =	stream.indirect_vreg.gather [hbm4b:s4+s2], $0x80, v3, vm0, $0xb8;
	[tilespmem:$0x18080] =	vst v63  }
0x4e: {  	s9 =	rddreg [dreg:$0xf]  }
0x4f: {  	[tilespmem:s9], [sflag:$0x1] =	stream.indirect_vreg.gather [hbm4b:s5+s2], $0x80, v3, vm0, $0xb8;
	[tilespmem:$0x18080] =	vst v63  }
0x50: {  	v3 =	vld [tilespmem:$0x20];
	_ =	sdelay $0x4  }
0x51: {  	v58 =	vshrl.u32 v3, $0x3  }
0x52: {  	v4 =	vmul.u32 $0x30, v58  }
0x53: {  	v3 =	vand.u32 $0x7, v3  }
0x54: {  	v3 =	vor.u32 v3, v4  }
0x55: {  	v4 =	vperm.xlane v3, v0;
	_ =	sdelay $0x1  }
0x56: {  	v4 =	vadd.s32 v1, v4;
	_ =	sdelay $0x3  }
0x57: {  	s0 =	rddreg [dreg:$0x10];
	v3 =	vperm.xlane v3, v2  }
0x58: {  	[tilespmem:s0], [sflag:$0x1] =	stream.indirect_vreg.gather [hbm4b:s3+s2], $0x80, v4, vm0, $0xb8;
	[tilespmem:$0x18080] =	vst v63  }
0x59: {  	s9 =	rddreg [dreg:$0x11];
	v3 =	vadd.s32 v1, v3  }
0x5a: {  	[tilespmem:s9], [sflag:$0x1] =	stream.indirect_vreg.gather [hbm4b:s4+s2], $0x80, v4, vm0, $0xb8;
	[tilespmem:$0x18080] =	vst v63  }
0x5b: {  	s0 =	rddreg [dreg:$0x12]  }
0x5c: {  	[tilespmem:s0], [sflag:$0x1] =	stream.indirect_vreg.gather [hbm4b:s5+s2], $0x80, v4, vm0, $0xb8;
	[tilespmem:$0x18080] =	vst v63  }
0x5d: {  	s9 =	rddreg [dreg:$0x13]  }
0x5e: {  	[tilespmem:s9], [sflag:$0x1] =	stream.indirect_vreg.gather [hbm4b:s3+s2], $0x80, v3, vm0, $0xb8;
	[tilespmem:$0x18080] =	vst v63  }
0x5f: {  	s0 =	rddreg [dreg:$0x14]  }
0x60: {  	[tilespmem:s0], [sflag:$0x1] =	stream.indirect_vreg.gather [hbm4b:s4+s2], $0x80, v3, vm0, $0xb8;
	[tilespmem:$0x18080] =	vst v63  }
0x61: {  	s9 =	rddreg [dreg:$0x15]  }
0x62: {  	[tilespmem:s9], [sflag:$0x1] =	stream.indirect_vreg.gather [hbm4b:s5+s2], $0x80, v3, vm0, $0xb8;
	[tilespmem:$0x18080] =	vst v63  }
0x63: {  	v3 =	vld [tilespmem:$0x30];
	_ =	sdelay $0x4  }
0x64: {  	v59 =	vshrl.u32 v3, $0x3  }
0x65: {  	v4 =	vmul.u32 $0x30, v59  }
0x66: {  	v3 =	vand.u32 $0x7, v3  }
0x67: {  	v3 =	vor.u32 v3, v4  }
0x68: {  	v4 =	vperm.xlane v3, v0;
	_ =	sdelay $0x1  }
0x69: {  	v4 =	vadd.s32 v1, v4;
	_ =	sdelay $0x3  }
0x6a: {  	s0 =	rddreg [dreg:$0x16];
	v3 =	vperm.xlane v3, v2  }
0x6b: {  	[tilespmem:s0], [sflag:$0x1] =	stream.indirect_vreg.gather [hbm4b:s3+s2], $0x80, v4, vm0, $0xb8;
	[tilespmem:$0x18080] =	vst v63  }
0x6c: {  	s9 =	rddreg [dreg:$0x17];
	v3 =	vadd.s32 v1, v3  }
0x6d: {  	[tilespmem:s9], [sflag:$0x1] =	stream.indirect_vreg.gather [hbm4b:s4+s2], $0x80, v4, vm0, $0xb8;
	[tilespmem:$0x18080] =	vst v63  }
0x6e: {  	s0 =	rddreg [dreg:$0x18]  }
0x6f: {  	[tilespmem:s0], [sflag:$0x1] =	stream.indirect_vreg.gather [hbm4b:s5+s2], $0x80, v4, vm0, $0xb8;
	[tilespmem:$0x18080] =	vst v63  }
0x70: {  	s9 =	rddreg [dreg:$0x19]  }
0x71: {  	[tilespmem:s9], [sflag:$0x1] =	stream.indirect_vreg.gather [hbm4b:s3+s2], $0x80, v3, vm0, $0xb8;
	[tilespmem:$0x18080] =	vst v63  }
0x72: {  	s0 =	rddreg [dreg:$0x1a]  }
0x73: {  	[tilespmem:s0], [sflag:$0x1] =	stream.indirect_vreg.gather [hbm4b:s4+s2], $0x80, v3, vm0, $0xb8;
	[tilespmem:$0x18080] =	vst v63  }
0x74: {  	s9 =	rddreg [dreg:$0x1b]  }
0x75: {  	[tilespmem:s9], [sflag:$0x1] =	stream.indirect_vreg.gather [hbm4b:s5+s2], $0x80, v3, vm0, $0xb8;
	[tilespmem:$0x18080] =	vst v63  }
0x76: {  	v3 =	vld [tilespmem:$0x40];
	_ =	sdelay $0x4  }
0x77: {  	v60 =	vshrl.u32 v3, $0x3  }
0x78: {  	v4 =	vmul.u32 $0x30, v60  }
0x79: {  	v3 =	vand.u32 $0x7, v3  }
0x7a: {  	v3 =	vor.u32 v3, v4  }
0x7b: {  	v4 =	vperm.xlane v3, v0;
	_ =	sdelay $0x1  }
0x7c: {  	v4 =	vadd.s32 v1, v4;
	_ =	sdelay $0x3  }
0x7d: {  	s0 =	rddreg [dreg:$0x1c];
	v3 =	vperm.xlane v3, v2  }
0x7e: {  	[tilespmem:s0], [sflag:$0x1] =	stream.indirect_vreg.gather [hbm4b:s3+s2], $0x80, v4, vm0, $0xb8;
	[tilespmem:$0x18080] =	vst v63  }
0x7f: {  	s9 =	rddreg [dreg:$0x1d];
	v3 =	vadd.s32 v1, v3  }
0x80: {  	[tilespmem:s9], [sflag:$0x1] =	stream.indirect_vreg.gather [hbm4b:s4+s2], $0x80, v4, vm0, $0xb8;
	[tilespmem:$0x18080] =	vst v63  }
0x81: {  	s9 =	simm.s32 $0xD080  }
0x82: {  	[tilespmem:s9], [sflag:$0x1] =	stream.indirect_vreg.gather [hbm4b:s5+s2], $0x80, v4, vm0, $0xb8;
	[tilespmem:$0x18080] =	vst v63  }
0x83: {  	_ = 	snop  }
0x84: {  	[tilespmem:s10], [sflag:$0x1] =	stream.indirect_vreg.gather [hbm4b:s3+s2], $0x80, v3, vm0, $0xb8;
	[tilespmem:$0x18080] =	vst v63  }
0x85: {  	_ = 	snop  }
0x86: {  	[tilespmem:s11], [sflag:$0x1] =	stream.indirect_vreg.gather [hbm4b:s4+s2], $0x80, v3, vm0, $0xb8;
	[tilespmem:$0x18080] =	vst v63  }
0x87: {  	_ = 	snop  }
0x88: {  	[tilespmem:s12], [sflag:$0x1] =	stream.indirect_vreg.gather [hbm4b:s5+s2], $0x80, v3, vm0, $0xb8;
	[tilespmem:$0x18080] =	vst v63  }
0x89: {  	v3 =	vld [tilespmem:$0x50];
	_ =	sdelay $0x4  }
0x8a: {  	v61 =	vshrl.u32 v3, $0x3  }
0x8b: {  	v4 =	vmul.u32 $0x30, v61  }
0x8c: {  	v3 =	vand.u32 $0x7, v3  }
0x8d: {  	v3 =	vor.u32 v3, v4  }
0x8e: {  	v4 =	vperm.xlane v3, v0;
	_ =	sdelay $0x1  }
0x8f: {  	v4 =	vadd.s32 v1, v4;
	_ =	sdelay $0x3  }
0x90: {  	v3 =	vperm.xlane v3, v2  }
0x91: {  	[tilespmem:s13], [sflag:$0x1] =	stream.indirect_vreg.gather [hbm4b:s3+s2], $0x80, v4, vm0, $0xb8;
	[tilespmem:$0x18080] =	vst v63  }
0x92: {  	v3 =	vadd.s32 v1, v3  }
0x93: {  	[tilespmem:s14], [sflag:$0x1] =	stream.indirect_vreg.gather [hbm4b:s4+s2], $0x80, v4, vm0, $0xb8;
	[tilespmem:$0x18080] =	vst v63  }
0x94: {  	_ = 	snop  }
0x95: {  	[tilespmem:s15], [sflag:$0x1] =	stream.indirect_vreg.gather [hbm4b:s5+s2], $0x80, v4, vm0, $0xb8;
	[tilespmem:$0x18080] =	vst v63  }
0x96: {  	_ = 	snop  }
0x97: {  	[tilespmem:s16], [sflag:$0x1] =	stream.indirect_vreg.gather [hbm4b:s3+s2], $0x80, v3, vm0, $0xb8;
	[tilespmem:$0x18080] =	vst v63  }
0x98: {  	_ = 	snop  }
0x99: {  	[tilespmem:s17], [sflag:$0x1] =	stream.indirect_vreg.gather [hbm4b:s4+s2], $0x80, v3, vm0, $0xb8;
	[tilespmem:$0x18080] =	vst v63  }
0x9a: {  	_ = 	snop  }
0x9b: {  	[tilespmem:s18], [sflag:$0x1] =	stream.indirect_vreg.gather [hbm4b:s5+s2], $0x80, v3, vm0, $0xb8;
	[tilespmem:$0x18080] =	vst v63  }
0x9c: {  	v3 =	vld [tilespmem:$0x60];
	_ =	sdelay $0x4  }
0x9d: {  	v62 =	vshrl.u32 v3, $0x3  }
0x9e: {  	v4 =	vmul.u32 $0x30, v62  }
0x9f: {  	v3 =	vand.u32 $0x7, v3  }
0xa0: {  	v3 =	vor.u32 v3, v4  }
0xa1: {  	v4 =	vperm.xlane v3, v0;
	_ =	sdelay $0x1  }
0xa2: {  	v4 =	vadd.s32 v1, v4;
	_ =	sdelay $0x3  }
0xa3: {  	v3 =	vperm.xlane v3, v2  }
0xa4: {  	[tilespmem:s19], [sflag:$0x1] =	stream.indirect_vreg.gather [hbm4b:s3+s2], $0x80, v4, vm0, $0xb8;
	[tilespmem:$0x18080] =	vst v63  }
0xa5: {  	v3 =	vadd.s32 v1, v3  }
0xa6: {  	[tilespmem:s20], [sflag:$0x1] =	stream.indirect_vreg.gather [hbm4b:s4+s2], $0x80, v4, vm0, $0xb8;
	[tilespmem:$0x18080] =	vst v63  }
0xa7: {  	_ = 	snop  }
0xa8: {  	[tilespmem:s21], [sflag:$0x1] =	stream.indirect_vreg.gather [hbm4b:s5+s2], $0x80, v4, vm0, $0xb8;
	[tilespmem:$0x18080] =	vst v63  }
0xa9: {  	_ = 	snop  }
0xaa: {  	[tilespmem:s22], [sflag:$0x1] =	stream.indirect_vreg.gather [hbm4b:s3+s2], $0x80, v3, vm0, $0xb8;
	[tilespmem:$0x18080] =	vst v63  }
0xab: {  	_ = 	snop  }
0xac: {  	[tilespmem:s23], [sflag:$0x1] =	stream.indirect_vreg.gather [hbm4b:s4+s2], $0x80, v3, vm0, $0xb8;
	[tilespmem:$0x18080] =	vst v63  }
0xad: {  	_ = 	snop  }
0xae: {  	[tilespmem:s24], [sflag:$0x1] =	stream.indirect_vreg.gather [hbm4b:s5+s2], $0x80, v3, vm0, $0xb8;
	[tilespmem:$0x18080] =	vst v63  }
0xaf: {  	v3 =	vld [tilespmem:$0x70];
	_ =	sdelay $0x4  }
0xb0: {  	v63 =	vshrl.u32 v3, $0x3  }
0xb1: {  	v4 =	vmul.u32 $0x30, v63  }
0xb2: {  	v3 =	vand.u32 $0x7, v3  }
0xb3: {  	v3 =	vor.u32 v3, v4  }
0xb4: {  	v4 =	vperm.xlane v3, v0;
	_ =	sdelay $0x1  }
0xb5: {  	v4 =	vadd.s32 v1, v4;
	_ =	sdelay $0x3  }
0xb6: {  	v3 =	vperm.xlane v3, v2  }
0xb7: {  	[tilespmem:s25], [sflag:$0x1] =	stream.indirect_vreg.gather [hbm4b:s3+s2], $0x80, v4, vm0, $0xb8;
	[tilespmem:$0x18080] =	vst v63  }
0xb8: {  	v3 =	vadd.s32 v1, v3  }
0xb9: {  	[tilespmem:s26], [sflag:$0x1] =	stream.indirect_vreg.gather [hbm4b:s4+s2], $0x80, v4, vm0, $0xb8;
	[tilespmem:$0x18080] =	vst v63  }
0xba: {  	_ = 	snop  }
0xbb: {  	[tilespmem:s28], [sflag:$0x1] =	stream.indirect_vreg.gather [hbm4b:s5+s2], $0x80, v4, vm0, $0xb8;
	[tilespmem:$0x18080] =	vst v63  }
0xbc: {  	_ = 	snop  }
0xbd: {  	[tilespmem:s29], [sflag:$0x1] =	stream.indirect_vreg.gather [hbm4b:s3+s2], $0x80, v3, vm0, $0xb8;
	[tilespmem:$0x18080] =	vst v63  }
0xbe: {  	_ = 	snop  }
0xbf: {  	[tilespmem:s30], [sflag:$0x1] =	stream.indirect_vreg.gather [hbm4b:s4+s2], $0x80, v3, vm0, $0xb8;
	[tilespmem:$0x18080] =	vst v63  }
0xc0: {  	_ = 	snop  }
0xc1: {  	[tilespmem:s31], [sflag:$0x1] =	stream.indirect_vreg.gather [hbm4b:s5+s2], $0x80, v3, vm0, $0xb8;
	[tilespmem:$0x18080] =	vst v63  }
0xc2: {  	_ =	swait.ge [sflag:s1], $0x18000  }
0xc3: {  	p0 =	sne.s32 s6, $0x1;
	[sflag:s1] =	ssyncset.done $0x0  }
.Ltmp0:
0xc4: {  	s9 =	rddreg [dreg:$0x4];
	[sflag:s1] =	ssyncadd.s32 $0xFFFE8000;
	(pc) =	sbr.rel @p0 .LBB2_1-.Ltmp0, $4  }
0xc5: {  	[hbm4b:s9+s2] =	stream.linear.scatter [tilespmem:s8], [sflag:$0x2], $0x18000, $0x38;
	[tilespmem:$0x18080] =	vst v63  }
0xc6: {  	_ =	swait.ge [sflag:s7], $0x18000  }
0xc7: {  	[sflag:s7] =	ssyncset.done $0x0  }
0xc8: {  	s6 =	sadd.s32 $0xFFFFFFFF, s6;
	[sflag:s7] =	ssyncadd.s32 $0xFFFE8000  }
0xc9: {  	_ =	sfence.sel $0x180000  }
0xca: {  	[bflag:$0x0] =	sbarrier.arrive $0xFFFF  }
0xcb: {  	_ =	strace $0x9000004A  }
0xcc: {  	s0 =	stileid.u32;
	[bflag:$0x2] =	sbarrier.arrive $0xFFFF  }
0xcd: {  	p0 =	sne.s32 s0, $0x0;
	s0 =	rddreg [dreg:$0x2]  }
0xce: {  	s0 =	sadd.s32 @!p0 $0x100000, s0  }
0xcf: {  	[sflag:s0] =	ssyncadd.tile.s32 @!p0 $0x1;
	_ =	shalt  }
.Lfunc_end2:
_tile_overlayer_lowered:
.L_overlay_start_2:
0xd0: {  	(tag) =	ssettag $0x2  }
0xd1: {  	s0 =	rddreg [dreg:$0x0];
	s2 =	stileid.u32  }
0xd2: {  	s1 =	rddreg [dreg:$0x1];
	p0 =	sne.s32 s2, $0x0  }
0xd3: {  	s3 =	rddreg [dreg:$0x2];
	[bflag:$0x3] =	sbarrier.arrive $0xFFFF;
	s2 =	simm.s32 @!p0 $0x1C02  }
0xd4: {  	[timem:s3], [sflag:s2] =	dma.local @!p0 [hbm:s0], s1  }
0xd5: {  	s0 =	simm.s32 @!p0 $0x2  }
0xd6: {  	_ =	swait.ge @!p0 [sflag:s0], s1  }
0xd7: {  	s1 =	ssub.s32 @!p0 $0x0, s1;
	[sflag:s0] =	ssyncset.done @!p0 $0x0  }
0xd8: {  	[sflag:s0] =	ssyncadd.s32 @!p0 s1  }
0xd9: {  	[bflag:$0x3] =	sbarrier.arrive $0xFFFF  }
0xda: {  	_ =	shalt  }

// kernel: kernel.7.cloned.1.call-start
scs
__scs_entry_jumppad:
0x0: {  	(pc) =	sbr.rel $0x88, $3  }
0x1: {  	(tag) =	ssettag $0x0;
	lr =	simm.s32 $0x1  }
0x2: {  	[smem:$0x3F99] =	sst lr;
	_ =	strace $0xD0000000  }
0x3: {  	_ = 	snop  }
0x4: {  	_ = 	snop  }
0x5: {  	_ = 	snop  }
0x6: {  	_ = 	snop  }
0x7: {  	_ = 	snop  }
__scs_overlays_trampoline_lowered:
0x8: {  	[smem:$0x3FA8] =	sst s0  }
0x9: {  	[smem:$0x3FA9] =	sst s1  }
0xa: {  	[smem:$0x3FAA] =	sst s2  }
0xb: {  	[smem:$0x3FAB] =	sst s3  }
0xc: {  	[smem:$0x3FAC] =	sst s4  }
0xd: {  	[smem:$0x3FAD] =	sst s5  }
0xe: {  	[smem:$0x3FAE] =	sst s6  }
0xf: {  	[smem:$0x3FAF] =	sst s7  }
0x10: {  	[smem:$0x3FB0] =	sst s8  }
0x11: {  	[smem:$0x3FB1] =	sst s9;
	s0 =	simm.s32 @!p0 $0x0  }
0x12: {  	s1 =	sld [smem:$0x3F97];
	s0 =	simm.s32 @p0 $0x1  }
0x13: {  	[smem:$0x3FB2] =	sst s0;
	s0 =	simm.s32 @!p1 $0x0  }
0x14: {  	s2 =	sld [smem:$0x3F96];
	s0 =	simm.s32 @p1 $0x1  }
0x15: {  	[smem:$0x3FB3] =	sst s0;
	s0 =	simm.s32 @!p2 $0x0  }
0x16: {  	s3 =	sld [smem:$0x3FDB];
	s0 =	simm.s32 @p2 $0x1  }
0x17: {  	s4 =	simm.s32 $0x1BF5;
	[smem:$0x3FB5] =	sst s0  }
0x18: {  	s0 =	sld [smem:$0x3F98];
	_ =	swait.ge [sflag:s4], $0x0  }
0x19: {  	s7 =	sld [smem:$0x3F99]  }
0x1a: {  	s8 =	sadd.s32 $0xFFFFE003, lr  }
0x1b: {  	s9 =	sadd.s32 $0xFFFFFEF7, lr;
	s5 =	simm.s32 $0xFFFFFFFF;
	p2 =	slt.u32 s8, $0xFFFFF086  }
0x1c: {  	p1 =	slt.u32 s9, $0xF7A;
	s5 =	simm.s32 @!p2 $0x0  }
0x1d: {  	s5 =	simm.s32 @p1 $0x1;
	p0 =	seq.s32 s7, s2  }
0x1e: {  	s7 =	smul.u32 @!p0 $0xF7A, s2;
	p2 =	seq.s32 @!p0 s5, $0x0  }
0x1f: {  	s9 =	smul.u32 $0xF7A, s1;
	s8 =	simm.s32 @!p0 $0x1BF5;
	p2 =	por !p2, p0  }
0x20: {  	[sflag:s8] =	ssyncset.s32 @!p0 $0xFFFFF086;
	s6 =	sadd.s32 @!p0 s3, s7;
	s7 =	simm.s32 @!p0 $0x108  }
0x21: {  	s3 =	sadd.s32 s3, s9;
	s6 =	sadd.s32 @!p0 $0x88, s6;
	s7 =	simm.s32 @p2 $0x1082  }
0x22: {  	[simem:s7], [sflag:s8] =	dma.local @!p0 [hbm:s6], $0xF7A  }
0x23: {  	s9 =	sor.u32 $0xD0000000, s2;
	s6 =	simm.s32 $0x108;
	_ =	swait.ge @!p0 [sflag:s8], $0x0  }
0x24: {  	s3 =	sadd.s32 $0x88, s3;
	s6 =	simm.s32 @!p1 $0x1082;
	[sflag:s4] =	ssyncset.s32 $0xFFFFF086  }
0x25: {  	[simem:s6], [sflag:s4] =	dma.local [hbm:s3], $0xF7A  }
0x26: {  	[smem:$0x3F99] =	sst s1;
	(tag) =	ssettag s2;
	_ =	strace s9  }
0x27: {  	s1 =	sld [smem:$0x3FA9]  }
0x28: {  	s2 =	sld [smem:$0x3FAA]  }
0x29: {  	s4 =	sld [smem:$0x3FAC]  }
0x2a: {  	p0 =	seq.s32 s5, $0x0;
	s5 =	sld [smem:$0x3FAD]  }
0x2b: {  	s6 =	sld [smem:$0x3FAE]  }
0x2c: {  	s7 =	sld [smem:$0x3FAF]  }
0x2d: {  	s3 =	simm.s32 $0x108;
	s8 =	sld [smem:$0x3FB0]  }
0x2e: {  	s3 =	simm.s32 @!p0 $0x1082;
	s9 =	sld [smem:$0x3FB1]  }
0x2f: {  	lr =	sadd.s32 s0, s3;
	s0 =	sld [smem:$0x3FA8]  }
0x30: {  	s3 =	sld [smem:$0x3FAB]  }
0x31: {  	[smem:$0x3FB4] =	sst s10  }
0x32: {  	s10 =	sld [smem:$0x3FB2];
	_ =	sdelay $0x3  }
0x33: {  	p0 =	seq.s32 s10, $0x1;
	s10 =	sld [smem:$0x3FB4];
	_ =	sdelay $0x3  }
0x34: {  	[smem:$0x3FB4] =	sst s10  }
0x35: {  	s10 =	sld [smem:$0x3FB3];
	_ =	sdelay $0x3  }
0x36: {  	p1 =	seq.s32 s10, $0x1;
	s10 =	sld [smem:$0x3FB4];
	_ =	sdelay $0x3  }
0x37: {  	[smem:$0x3FB4] =	sst s10  }
0x38: {  	s10 =	sld [smem:$0x3FB5]  }
0x39: {  	_ = 	snop;
	(pc) =	sbr.ind lr, $3  }
0x3a: {  	_ = 	snop  }
0x3b: {  	_ = 	snop  }
0x3c: {  	p2 =	seq.s32 s10, $0x1;
	s10 =	sld [smem:$0x3FB4]  }
0x3d: {  	_ =	shalt  }
0x3e: {  	_ =	shalt  }
0x3f: {  	_ =	shalt  }
0x40: {  	_ =	shalt  }
0x41: {  	_ =	shalt  }
0x42: {  	_ =	shalt  }
0x43: {  	_ =	shalt  }
0x44: {  	_ =	shalt  }
0x45: {  	_ =	shalt  }
0x46: {  	_ =	shalt  }
0x47: {  	_ =	shalt  }
0x48: {  	_ =	shalt  }
0x49: {  	_ =	shalt  }
0x4a: {  	_ =	shalt  }
0x4b: {  	_ =	shalt  }
0x4c: {  	_ =	shalt  }
0x4d: {  	_ =	shalt  }
0x4e: {  	_ =	shalt  }
0x4f: {  	_ =	shalt  }
0x50: {  	_ =	shalt  }
0x51: {  	_ =	shalt  }
0x52: {  	_ =	shalt  }
0x53: {  	_ =	shalt  }
0x54: {  	_ =	shalt  }
0x55: {  	_ =	shalt  }
0x56: {  	_ =	shalt  }
0x57: {  	_ =	shalt  }
0x58: {  	_ =	shalt  }
0x59: {  	_ =	shalt  }
0x5a: {  	_ =	shalt  }
0x5b: {  	_ =	shalt  }
0x5c: {  	_ =	shalt  }
0x5d: {  	_ =	shalt  }
0x5e: {  	_ =	shalt  }
0x5f: {  	_ =	shalt  }
0x60: {  	_ =	shalt  }
0x61: {  	_ =	shalt  }
0x62: {  	_ =	shalt  }
0x63: {  	_ =	shalt  }
0x64: {  	_ =	shalt  }
0x65: {  	_ =	shalt  }
0x66: {  	_ =	shalt  }
0x67: {  	_ =	shalt  }
0x68: {  	_ =	shalt  }
0x69: {  	_ =	shalt  }
0x6a: {  	_ =	shalt  }
0x6b: {  	_ =	shalt  }
0x6c: {  	_ =	shalt  }
0x6d: {  	_ =	shalt  }
0x6e: {  	_ =	shalt  }
0x6f: {  	_ =	shalt  }
0x70: {  	_ =	shalt  }
0x71: {  	_ =	shalt  }
0x72: {  	_ =	shalt  }
0x73: {  	_ =	shalt  }
0x74: {  	_ =	shalt  }
0x75: {  	_ =	shalt  }
0x76: {  	_ =	shalt  }
0x77: {  	_ =	shalt  }
0x78: {  	_ =	shalt  }
0x79: {  	_ =	shalt  }
0x7a: {  	_ =	shalt  }
0x7b: {  	_ =	shalt  }
0x7c: {  	_ =	shalt  }
0x7d: {  	_ =	shalt  }
0x7e: {  	_ =	shalt  }
0x7f: {  	_ =	shalt  }
0x80: {  	_ =	shalt  }
0x81: {  	_ =	shalt  }
0x82: {  	_ =	shalt  }
0x83: {  	_ =	shalt  }
0x84: {  	_ =	shalt  }
0x85: {  	_ =	shalt  }
0x86: {  	_ =	shalt  }
0x87: {  	_ =	shalt  }
.Lfunc_end0:
.L_simem_size_0:
called_computation_lowered:
.L_overlay_start_0:
0x88: {  	s2 =	sld [smem:$0x3FD9]  }
0x89: {  	s3 =	sld [smem:$0x3FFE];
	_ =	sdelay $0x1  }
0x8a: {  	s1 =	srdreg.scid  }
0x8b: {  	s0 =	sand.u32 $0x1, s1  }
0x8c: {  	s17 =	sshll.u32 s0, $0xA;
	s2 =	sadd.s32 s3, s2  }
0x8d: {  	s2 =	sadd.s32 s2, s17  }
0x8e: {  	[smem:$0x3FC0] =	sst s2  }
0x8f: {  	_ = 	snop  }
0x90: {  	s2 =	sld [smem:$0x3FC9]  }
0x91: {  	s18 =	sld [smem:$0x3FD0];
	(tm) =	ssettm $0x1  }
0x92: {  	s4 =	sld [smem:$0x3FFB];
	_ =	sdelay $0x3  }
0x93: {  	_ =	strace s4  }
0x94: {  	s4 =	sld [smem:$0x3FFC];
	_ =	sdelay $0x3  }
0x95: {  	_ =	strace s4  }
0x96: {  	s4 =	sld [smem:$0x3FFD];
	_ =	sdelay $0x3  }
0x97: {  	_ =	strace s4  }
0x98: {  	_ =	strace $0x8FFFFFFF  }
0x99: {  	s19 =	sld [smem:$0x3FDB];
	_ =	sdelay $0x1  }
0x9a: {  	s5 =	simm.s32 $_scs_section_size  }
0x9b: {  	s6 =	simm.s32 $_size__tile_overlayer_lowered;
	s7 =	simm.s32 $_tile_overlayer_lowered  }
0x9c: {  	s22 =	simm.s32 $0x1BFF;
	s21 =	sshll.u32 s7, $0x1;
	s4 =	sadd.s32 s5, s19  }
0x9d: {  	s8 =	simm.s32 $0x0;
	s20 =	sshll.u32 s6, $0x1;
	s6 =	sadd.s32 s21, s4  }
0x9e: {  	[timem:s8], [sflag:s22] =	dma.local [hbm:s6], s20  }
0x9f: {  	_ =	swait.ge [sflag:s22], s20  }
0xa0: {  	s5 =	ssub.s32 $0x0, s20;
	[sflag:s22] =	ssyncset.done $0x0  }
0xa1: {  	[sflag:s22] =	ssyncadd.s32 s5;
	_ =	sdelay $0x1  }
0xa2: {  	s23 =	simm.s32 $0x1B8B  }
0xa3: {  	_ =	swait.ge [sflag:s23], $0x1  }
0xa4: {  	[sflag:s23] =	ssyncset.done $0x0  }
0xa5: {  	s25 =	simm.s32 $0x1B8E;
	s24 =	sld [smem:$0x3FFE];
	[sflag:s23] =	ssyncadd.s32 $0xFFFFFFFF  }
0xa6: {  	s26 =	simm.s32 $execute0_lowered;
	[smem:$0x3FD2] =	sst s25  }
0xa7: {  	s6 =	sshll.u32 s26, $0x1;
	_ =	strace $0x80000046;
	[dreg:$0x1] =	wrdreg $0xFFFFFFFF  }
0xa8: {  	s28 =	simm.s32 $_size_execute0_lowered;
	s4 =	sadd.s32 s4, s6;
	[dreg:$0x0] =	wrdreg $0x0  }
0xa9: {  	s6 =	sshll.u32 s28, $0x1;
	[dreg:$0x2] =	wrdreg s4  }
0xaa: {  	[dreg:$0x3] =	wrdreg s6  }
0xab: {  	[dreg:$0x4] =	wrdreg $0xC0  }
0xac: {  	_ =	task [dreg:s8], $0x5FFFF  }
0xad: {  	[dreg:$0x1] =	wrdreg $0xFFFFFFFF  }
0xae: {  	[dreg:$0x0] =	wrdreg $0x60  }
0xaf: {  	[dreg:$0x2] =	wrdreg s18  }
0xb0: {  	[dreg:$0x3] =	wrdreg s24  }
0xb1: {  	[dreg:$0x4] =	wrdreg s2  }
0xb2: {  	[dreg:$0x5] =	wrdreg $0x9  }
0xb3: {  	_ =	task.clear_ibuf [dreg:s8], $0x6FFFF;
	_ =	strace $0x90000046  }
0xb4: {  	s29 =	simm.s32 $0x9;
	_ =	strace $0x80000048  }
0xb5: {  	_ =	swait.ge [sflag:s29], $0x1  }
0xb6: {  	[sflag:s29] =	ssyncadd.s32 $0xFFFFFFFF  }
0xb7: {  	_ =	strace $0x90000048  }
0xb8: {  	_ =	sfence  }
0xb9: {  	s30 =	sld [smem:$0x0];
	_ =	sdelay $0x2  }
0xba: {  	s31 =	sshll.u32 s1, $0xD;
	s1 =	sshrl.u32 s1, $0x2  }
0xbb: {  	s3 =	sand.u32 $0x4000, s31;
	s1 =	sadd.s32 s1, s30  }
0xbc: {  	s0 =	sor.u32 s3, s0;
	s1 =	sshll.u32 s1, $0x11  }
0xbd: {  	s0 =	sor.u32 s1, s0  }
0xbe: {  	s0 =	sadd.s32 $0x8F2B, s0  }
0xbf: {  	[sflag:s0] =	ssyncadd.remote.s32 $0x1  }
0xc0: {  	_ =	sfence.sel $0xFFFF  }
0xc1: {  	[dreg:$0x0] =	wrdreg $0xFFFFFFFF;
	(pc) =	sbr.abs _section_cstart, $3  }
0xc2: {  	[dreg:$0x1] =	wrdreg $0xFFFFFFFF  }
0xc3: {  	_ =	task.clear_ibuf [dreg:s8], $0x2FFFF;
	_ =	strace $0x9FFFFFFF  }
0xc4: {  	(tm) =	ssettm $0x7FFFFFFF  }
0xc5: {  	_ =	shalt  }
tec
execute0_lowered:
.L_overlay_start_1:
0x0: {  	(tag) =	ssettag $0x1  }
0x1: {  	s1 =	srdreg.scid  }
0x2: {  	s4 =	sand.u32 $0x1, s1  }
0x3: {  	s1 =	stileid.u32;
	s7 =	sshll.u32 s4, $0x4  }
0x4: {  	s7 =	sor.u32 s1, s7  }
0x5: {  	s3 =	rddreg [dreg:$0x0];
	v6 =	vmov s7  }
0x6: {  	s5 =	rddreg [dreg:$0x1];
	s2 =	simm.s32 $0x0;
	v0 =	vimm.s32 $0x0;
	vm0 =	veq.s32 v6, $0x1F  }
0x7: {  	[smem:$0x7FF] =	sst s2;
	v0 =	vsel vm0, $0xFFFFFFFF, v0  }
0x8: {  	s6 =	rddreg [dreg:$0x2];
	_ =	strace $0x80000047;
	vm9 =	vgt.u32 v6, $0x1D;
	[tilespmem:$0x1FE10] =	vst v0;
	v0 =	vimm.s32 $0x0  }
0x9: {  	v0 =	vsel vm9, $0xFFFFFFFF, v0  }
0xa: {  	vm10 =	vgt.u32 v6, $0x1C;
	[tilespmem:$0x1FE20] =	vst v0;
	v0 =	vimm.s32 $0x0  }
0xb: {  	v0 =	vsel vm10, $0xFFFFFFFF, v0  }
0xc: {  	vm11 =	vgt.u32 v6, $0x1B;
	[tilespmem:$0x1FE30] =	vst v0;
	v0 =	vimm.s32 $0x0  }
0xd: {  	v0 =	vsel vm11, $0xFFFFFFFF, v0  }
0xe: {  	vm9 =	vgt.u32 v6, $0x1A;
	[tilespmem:$0x1FE40] =	vst v0;
	v0 =	vimm.s32 $0x0  }
0xf: {  	v0 =	vsel vm9, $0xFFFFFFFF, v0  }
0x10: {  	vm10 =	vgt.u32 v6, $0x19;
	[tilespmem:$0x1FE50] =	vst v0;
	v0 =	vimm.s32 $0x0  }
0x11: {  	v0 =	vsel vm10, $0xFFFFFFFF, v0  }
0x12: {  	vm11 =	vgt.u32 v6, $0x18;
	[tilespmem:$0x1FE60] =	vst v0;
	v0 =	vimm.s32 $0x0  }
0x13: {  	v0 =	vsel vm11, $0xFFFFFFFF, v0  }
0x14: {  	vm9 =	vgt.u32 v6, $0x17;
	[tilespmem:$0x1FE70] =	vst v0;
	v0 =	vimm.s32 $0x0  }
0x15: {  	s8 =	sadd.s32 $0x2E00, s5;
	v0 =	vsel vm9, $0xFFFFFFFF, v0  }
0x16: {  	s10 =	sadd.s32 $0x3000, s5;
	[dreg:$0x4] =	wrdreg s8;
	vm10 =	vgt.u32 v6, $0x16;
	[tilespmem:$0x1FE80] =	vst v0;
	v0 =	vimm.s32 $0x0  }
0x17: {  	s21 =	simm.s32 $0x80;
	[dreg:$0x5] =	wrdreg s10;
	v0 =	vsel vm10, $0xFFFFFFFF, v0  }
0x18: {  	s22 =	simm.s32 $0x280;
	[dreg:$0x9] =	wrdreg s21;
	vm11 =	vgt.u32 v6, $0x15;
	[tilespmem:$0x1FE90] =	vst v0;
	v0 =	vimm.s32 $0x0  }
0x19: {  	s23 =	simm.s32 $0xB00;
	[dreg:$0xa] =	wrdreg s22;
	v0 =	vsel vm11, $0xFFFFFFFF, v0  }
0x1a: {  	s24 =	simm.s32 $0x1300;
	[dreg:$0xb] =	wrdreg s23;
	vm9 =	vgt.u32 v6, $0x14;
	[tilespmem:$0x1FEA0] =	vst v0;
	v0 =	vimm.s32 $0x0  }
0x1b: {  	s25 =	simm.s32 $0x1B00;
	[dreg:$0xc] =	wrdreg s24;
	v0 =	vsel vm9, $0xFFFFFFFF, v0  }
0x1c: {  	s26 =	simm.s32 $0x2300;
	[dreg:$0xd] =	wrdreg s25;
	vm10 =	vgt.u32 v6, $0x13;
	[tilespmem:$0x1FEB0] =	vst v0;
	v0 =	vimm.s32 $0x0  }
0x1d: {  	s30 =	simm.s32 $0x2B00;
	[dreg:$0xe] =	wrdreg s26;
	v0 =	vsel vm10, $0xFFFFFFFF, v0  }
0x1e: {  	s31 =	simm.s32 $0x3300;
	[dreg:$0xf] =	wrdreg s30;
	vm11 =	vgt.u32 v6, $0x12;
	[tilespmem:$0x1FEC0] =	vst v0;
	v0 =	vimm.s32 $0x0  }
0x1f: {  	s0 =	simm.s32 $0x3B00;
	[dreg:$0x10] =	wrdreg s31;
	v0 =	vsel vm11, $0xFFFFFFFF, v0  }
0x20: {  	s11 =	simm.s32 $0x6300;
	[dreg:$0x11] =	wrdreg s0;
	vm9 =	vgt.u32 v6, $0x11;
	[tilespmem:$0x1FED0] =	vst v0;
	v0 =	vimm.s32 $0x0  }
0x21: {  	s12 =	simm.s32 $0x6B00;
	v7 =	vimm.s32 $0x0;
	[dreg:$0x16] =	wrdreg s11;
	v0 =	vsel vm9, $0xFFFFFFFF, v0;
	vm9 =	vgt.u32 v6, $0xE  }
0x22: {  	s13 =	simm.s32 $0x7300;
	[dreg:$0x17] =	wrdreg s12;
	vm10 =	vgt.u32 v6, $0x10;
	[tilespmem:$0x1FEE0] =	vst v0;
	v0 =	vimm.s32 $0x0;
	v7 =	vsel vm9, $0xFFFFFFFF, v7  }
0x23: {  	s14 =	simm.s32 $0x7B00;
	[dreg:$0x18] =	wrdreg s13;
	v0 =	vsel vm10, $0xFFFFFFFF, v0;
	[tilespmem:$0x1FF10] =	vst v7;
	vm10 =	vgt.u32 v6, $0xD;
	v7 =	vimm.s32 $0x0  }
0x24: {  	s15 =	simm.s32 $0x8300;
	[dreg:$0x19] =	wrdreg s14;
	vm11 =	vgt.u32 v6, $0xF;
	[tilespmem:$0x1FEF0] =	vst v0;
	v0 =	vimm.s32 $0x0;
	v7 =	vsel vm10, $0xFFFFFFFF, v7  }
0x25: {  	s16 =	simm.s32 $0x8B00;
	[dreg:$0x1a] =	wrdreg s15;
	v0 =	vsel vm11, $0xFFFFFFFF, v0;
	[tilespmem:$0x1FF20] =	vst v7;
	vm11 =	vgt.u32 v6, $0xC;
	v7 =	vimm.s32 $0x0  }
0x26: {  	s8 =	simm.s32 $0x4B00;
	[dreg:$0x1b] =	wrdreg s16;
	v7 =	vsel vm11, $0xFFFFFFFF, v7  }
0x27: {  	s10 =	simm.s32 $0x5B00;
	[dreg:$0x13] =	wrdreg s8;
	vm9 =	vgt.u32 v6, $0xB;
	[tilespmem:$0x1FF30] =	vst v7;
	v7 =	vimm.s32 $0x0  }
0x28: {  	s28 =	simm.s32 $0x17B00;
	s21 =	simm.s32 $0xAB00;
	[dreg:$0x15] =	wrdreg s10;
	v7 =	vsel vm9, $0xFFFFFFFF, v7  }
0x29: {  	s29 =	simm.s32 $0x1;
	s22 =	simm.s32 $0xB300;
	[dreg:$0x1f] =	wrdreg s21;
	vm10 =	vgt.u32 v6, $0xA;
	[tilespmem:$0x1FF40] =	vst v7;
	v7 =	vimm.s32 $0x0  }
0x2a: {  	s4 =	ssub.s32 $0x2, s4;
	s23 =	simm.s32 $0xBB00;
	[smem:$0x7F7] =	sst s22;
	v7 =	vsel vm10, $0xFFFFFFFF, v7  }
0x2b: {  	s24 =	simm.s32 $0xC300;
	s25 =	simm.s32 $0xCB00;
	[smem:$0x7F8] =	sst s23;
	vm11 =	vgt.u32 v6, $0x9;
	[tilespmem:$0x1FF50] =	vst v7;
	v7 =	vimm.s32 $0x0  }
0x2c: {  	s26 =	simm.s32 $0xD300;
	s30 =	simm.s32 $0xDB00;
	[smem:$0x7F9] =	sst s24;
	v7 =	vsel vm11, $0xFFFFFFFF, v7  }
0x2d: {  	s31 =	simm.s32 $0xE300;
	s11 =	simm.s32 $0xFB00;
	[smem:$0x7FA] =	sst s25;
	vm9 =	vgt.u32 v6, $0x8;
	[tilespmem:$0x1FF60] =	vst v7;
	v7 =	vimm.s32 $0x0  }
0x2e: {  	s12 =	simm.s32 $0x10300;
	s13 =	simm.s32 $0x10B00;
	[smem:$0x7FB] =	sst s26;
	v7 =	vsel vm9, $0xFFFFFFFF, v7  }
0x2f: {  	s14 =	simm.s32 $0x11300;
	s15 =	simm.s32 $0x11B00;
	[smem:$0x7FC] =	sst s30;
	vm10 =	vgt.u32 v6, $0x7;
	[tilespmem:$0x1FF70] =	vst v7;
	v7 =	vimm.s32 $0x0  }
0x30: {  	s16 =	simm.s32 $0x12300;
	[smem:$0x7FD] =	sst s31;
	s10 =	simm.s32 $0xF300;
	v7 =	vsel vm10, $0xFFFFFFFF, v7  }
0x31: {  	s21 =	simm.s32 $0x14B00;
	s22 =	simm.s32 $0x15300;
	s9 =	sshll.u32 s7, $0x4;
	vm11 =	vgt.u32 v6, $0x6;
	[tilespmem:$0x1FF80] =	vst v7;
	v7 =	vimm.s32 $0x0  }
0x32: {  	s23 =	simm.s32 $0x15B00;
	s18 =	smul.u32 $0x3000, s7;
	s3 =	sadd.s32 s3, s9;
	v7 =	vsel vm11, $0xFFFFFFFF, v7  }
0x33: {  	s17 =	sadd.s32 s9, s5;
	s9 =	simm.s32 $0x5300;
	[dreg:$0x6] =	wrdreg s3;
	vm9 =	vgt.u32 v6, $0x5;
	[tilespmem:$0x1FF90] =	vst v7;
	v7 =	vimm.s32 $0x0  }
0x34: {  	s24 =	simm.s32 $0x16300;
	s19 =	sadd.s32 $0xC3200, s17;
	[dreg:$0x14] =	wrdreg s9;
	v7 =	vsel vm9, $0xFFFFFFFF, v7  }
0x35: {  	v3 =	vlaneseq.u32;
	s25 =	simm.s32 $0x16B00;
	s20 =	sadd.s32 s6, s18;
	[dreg:$0x7] =	wrdreg s19;
	vm10 =	vgt.u32 v6, $0x4;
	[tilespmem:$0x1FFA0] =	vst v7;
	v7 =	vimm.s32 $0x0  }
0x36: {  	vm15 =	vmmov $0xffff;
	vm7 =	vmmov $0x1;
	s26 =	simm.s32 $0x17300;
	s6 =	simm.s32 $0x4300;
	[dreg:$0x8] =	wrdreg s20;
	v7 =	vsel vm10, $0xFFFFFFFF, v7  }
0x37: {  	vm4 =	vcmask $0xF14;
	p0 =	sne.s32 s7, $0x0;
	s17 =	simm.s32 $0x9300;
	[dreg:$0x12] =	wrdreg s6;
	vm11 =	vgt.u32 v6, $0x3;
	[tilespmem:$0x1FFB0] =	vst v7;
	v7 =	vimm.s32 $0x0  }
0x38: {  	v5 =	vmul.u32 $0x200, v3;
	v1 =	vand.u32 $0x7, v3;
	s7 =	simm.s32 $0x2;
	s18 =	simm.s32 $0x9B00;
	[dreg:$0x1c] =	wrdreg s17;
	v7 =	vsel vm11, $0xFFFFFFFF, v7  }
0x39: {  	s3 =	sadd.s32 $0x3200, s5;
	s9 =	simm.s32 $0xEB00;
	[dreg:$0x1d] =	wrdreg s18;
	vm9 =	vgt.u32 v6, $0x2;
	vm10 =	vgt.u32 v6, $0x1;
	[tilespmem:$0x1FFC0] =	vst v7;
	v7 =	vimm.s32 $0x0  }
0x3a: {  	s19 =	simm.s32 $0xA300;
	s20 =	sshrl.u32 s4, $0x1;
	s17 =	simm.s32 $0x12B00;
	[tilespmem:$0x1FF00] =	vst v0;
	vm11 =	veq.s32 v6, $0x0;
	v6 =	vimm.s32 $0x0;
	v7 =	vsel vm9, $0xFFFFFFFF, v7  }
0x3b: {  	v2 =	vshrl.u32 v3, $0x3;
	s18 =	simm.s32 $0x13300;
	[dreg:$0x1e] =	wrdreg s19;
	s8 =	ssub.s32 s4, s20;
	v6 =	vsel vm11, $0xFFFFFFFF, v6;
	[tilespmem:$0x1FFD0] =	vst v7;
	v7 =	vimm.s32 $0x0  }
0x3c: {  	v3 =	vor.u32 $0x8, v3;
	v2 =	vmul.u32 $0x8, v2;
	s4 =	sadd.s32 $0x3300, s5;
	s5 =	sadd.s32 $0x3400, s5;
	s19 =	simm.s32 $0x13B00;
	[tilespmem:$0x1FFF0] =	vst v6;
	v7 =	vsel vm10, $0xFFFFFFFF, v7  }
0x3d: {  	v4 =	vor.u32 $0x1, v5;
	v5 =	vor.u32 $0x2001, v5;
	s20 =	simm.s32 $0x14300;
	s6 =	smax.u32 s8, $0x1;
	s8 =	simm.s32 $0x300;
	v0 =	vimm.s32 $0x0;
	[tilespmem:$0x1FFE0] =	vst v7  }
.LBB2_1:
0x3e: {  	s30 =	rddreg [dreg:$0x6]  }
0x3f: {  	[tilespmem:s2], [sflag:$0x2] =	stream.linear.gather [hbm4b:s30+s2], $0x80, $0x38;
	[tilespmem:$0x18380] =	vst v63  }
0x40: {  	_ =	swait.ge [sflag:s7], $0x80  }
0x41: {  	s0 =	rddreg [dreg:$0x4];
	[sflag:s7] =	ssyncset.done $0x0  }
0x42: {  	s31 =	rddreg [dreg:$0x9];
	[sflag:s7] =	ssyncadd.s32 $0xFFFFFF80  }
0x43: {  	[tilespmem:s31], [sflag:$0x2] =	stream.linear.gather [hbm4b:s0+s2], $0x200, $0x38;
	[tilespmem:$0x18380] =	vst v63  }
0x44: {  	_ =	swait.ge [sflag:s7], $0x200  }
0x45: {  	[sflag:s7] =	ssyncset.done $0x0;
	v23 =	vld [tilespmem:$0x1FFF0]  }
0x46: {  	v45 =	vld [tilespmem:$0x1FFE0];
	[sflag:s7] =	ssyncadd.s32 $0xFFFFFE00  }
0x47: {  	v6 =	vld [tilespmem:$0x80]  }
0x48: {  	v7 =	vld [tilespmem:$0x90];
	_ =	sdelay $0x3  }
0x49: {  	vm0 =	vnez.u8 v23;
	vm10 =	vnez.u8 v45  }
0x4a: {  	v13 =	vadd.s32 v7, v6;
	v6 =	vsel vm0, $0x0, v6;
	v7 =	vnsel vm10, $0x0, v7  }
0x4b: {  	v6 =	vadd.s32 v6, v7;
	v7 =	vld [tilespmem:$0x1FFD0]  }
0x4c: {  	v8 =	vld [tilespmem:$0xA0];
	_ =	sdelay $0x3  }
0x4d: {  	vm11 =	vnez.u8 v7  }
0x4e: {  	v7 =	vnsel vm11, $0x0, v8  }
0x4f: {  	v6 =	vadd.s32 v7, v6;
	v7 =	vld [tilespmem:$0x1FFC0]  }
0x50: {  	v9 =	vld [tilespmem:$0xB0];
	_ =	sdelay $0x3  }
0x51: {  	vm9 =	vnez.u8 v7  }
0x52: {  	v7 =	vnsel vm9, $0x0, v9  }
0x53: {  	v6 =	vadd.s32 v7, v6;
	v7 =	vld [tilespmem:$0x1FFB0]  }
0x54: {  	v10 =	vld [tilespmem:$0xC0];
	_ =	sdelay $0x3  }
0x55: {  	vm10 =	vnez.u8 v7  }
0x56: {  	v7 =	vnsel vm10, $0x0, v10  }
0x57: {  	v6 =	vadd.s32 v7, v6;
	v7 =	vld [tilespmem:$0x1FFA0]  }
0x58: {  	v11 =	vld [tilespmem:$0xD0];
	_ =	sdelay $0x3  }
0x59: {  	vm11 =	vnez.u8 v7  }
0x5a: {  	v7 =	vnsel vm11, $0x0, v11  }
0x5b: {  	v6 =	vadd.s32 v7, v6;
	v7 =	vld [tilespmem:$0x1FF90]  }
0x5c: {  	v12 =	vld [tilespmem:$0xE0];
	_ =	sdelay $0x3  }
0x5d: {  	vm9 =	vnez.u8 v7  }
0x5e: {  	v7 =	vnsel vm9, $0x0, v12  }
0x5f: {  	v6 =	vadd.s32 v7, v6;
	v7 =	vld [tilespmem:$0x1FF80]  }
0x60: {  	v14 =	vld [tilespmem:$0xF0];
	_ =	sdelay $0x3  }
0x61: {  	vm10 =	vnez.u8 v7  }
0x62: {  	v7 =	vnsel vm10, $0x0, v14  }
0x63: {  	v6 =	vadd.s32 v7, v6;
	v7 =	vld [tilespmem:$0x1FF70]  }
0x64: {  	v15 =	vld [tilespmem:$0x100];
	_ =	sdelay $0x3  }
0x65: {  	vm11 =	vnez.u8 v7  }
0x66: {  	v7 =	vnsel vm11, $0x0, v15  }
0x67: {  	v6 =	vadd.s32 v7, v6;
	v7 =	vld [tilespmem:$0x1FF60]  }
0x68: {  	v16 =	vld [tilespmem:$0x110];
	_ =	sdelay $0x3  }
0x69: {  	vm9 =	vnez.u8 v7  }
0x6a: {  	v7 =	vnsel vm9, $0x0, v16  }
0x6b: {  	v6 =	vadd.s32 v7, v6;
	v7 =	vld [tilespmem:$0x1FF50]  }
0x6c: {  	v17 =	vld [tilespmem:$0x120];
	_ =	sdelay $0x3  }
0x6d: {  	vm10 =	vnez.u8 v7  }
0x6e: {  	v7 =	vnsel vm10, $0x0, v17  }
0x6f: {  	v6 =	vadd.s32 v7, v6;
	v7 =	vld [tilespmem:$0x1FF40]  }
0x70: {  	v18 =	vld [tilespmem:$0x130];
	_ =	sdelay $0x3  }
0x71: {  	vm11 =	vnez.u8 v7  }
0x72: {  	v7 =	vnsel vm11, $0x0, v18  }
0x73: {  	v6 =	vadd.s32 v7, v6;
	v7 =	vld [tilespmem:$0x1FF30]  }
0x74: {  	v19 =	vld [tilespmem:$0x140];
	_ =	sdelay $0x3  }
0x75: {  	vm9 =	vnez.u8 v7  }
0x76: {  	v7 =	vnsel vm9, $0x0, v19  }
0x77: {  	v6 =	vadd.s32 v7, v6;
	v7 =	vld [tilespmem:$0x1FF20]  }
0x78: {  	v20 =	vld [tilespmem:$0x150];
	_ =	sdelay $0x3  }
0x79: {  	vm10 =	vnez.u8 v7  }
0x7a: {  	v7 =	vnsel vm10, $0x0, v20  }
0x7b: {  	v6 =	vadd.s32 v7, v6;
	v7 =	vld [tilespmem:$0x1FF10]  }
0x7c: {  	v21 =	vld [tilespmem:$0x160];
	_ =	sdelay $0x3  }
0x7d: {  	vm11 =	vnez.u8 v7  }
0x7e: {  	v7 =	vnsel vm11, $0x0, v21  }
0x7f: {  	v6 =	vadd.s32 v7, v6;
	v7 =	vld [tilespmem:$0x1FF00]  }
0x80: {  	v22 =	vld [tilespmem:$0x170];
	_ =	sdelay $0x3  }
0x81: {  	vm9 =	vnez.u8 v7  }
0x82: {  	v7 =	vnsel vm9, $0x0, v22  }
0x83: {  	v6 =	vadd.s32 v7, v6;
	v7 =	vld [tilespmem:$0x1FEF0]  }
0x84: {  	v46 =	vld [tilespmem:$0x180];
	_ =	sdelay $0x3  }
0x85: {  	vm10 =	vnez.u8 v7  }
0x86: {  	v7 =	vnsel vm10, $0x0, v46  }
0x87: {  	v6 =	vadd.s32 v7, v6;
	v7 =	vld [tilespmem:$0x1FEE0]  }
0x88: {  	v47 =	vld [tilespmem:$0x190];
	_ =	sdelay $0x3  }
0x89: {  	vm11 =	vnez.u8 v7  }
0x8a: {  	v7 =	vnsel vm11, $0x0, v47  }
0x8b: {  	v6 =	vadd.s32 v7, v6;
	v7 =	vld [tilespmem:$0x1FED0]  }
0x8c: {  	v48 =	vld [tilespmem:$0x1A0];
	_ =	sdelay $0x3  }
0x8d: {  	vm9 =	vnez.u8 v7  }
0x8e: {  	v7 =	vnsel vm9, $0x0, v48  }
0x8f: {  	v6 =	vadd.s32 v7, v6;
	v7 =	vld [tilespmem:$0x1FEC0]  }
0x90: {  	v49 =	vld [tilespmem:$0x1B0];
	_ =	sdelay $0x3  }
0x91: {  	vm10 =	vnez.u8 v7  }
0x92: {  	v7 =	vnsel vm10, $0x0, v49  }
0x93: {  	v6 =	vadd.s32 v7, v6;
	v7 =	vld [tilespmem:$0x1FEB0]  }
0x94: {  	v50 =	vld [tilespmem:$0x1C0];
	_ =	sdelay $0x3  }
0x95: {  	vm11 =	vnez.u8 v7  }
0x96: {  	v7 =	vnsel vm11, $0x0, v50  }
0x97: {  	v6 =	vadd.s32 v7, v6;
	v7 =	vld [tilespmem:$0x1FEA0]  }
0x98: {  	v51 =	vld [tilespmem:$0x1D0];
	_ =	sdelay $0x3  }
0x99: {  	vm9 =	vnez.u8 v7  }
0x9a: {  	v7 =	vnsel vm9, $0x0, v51  }
0x9b: {  	v6 =	vadd.s32 v7, v6;
	v7 =	vld [tilespmem:$0x1FE90]  }
0x9c: {  	v52 =	vld [tilespmem:$0x1E0];
	_ =	sdelay $0x3  }
0x9d: {  	vm10 =	vnez.u8 v7  }
0x9e: {  	v7 =	vnsel vm10, $0x0, v52  }
0x9f: {  	v6 =	vadd.s32 v7, v6;
	v7 =	vld [tilespmem:$0x1FE80]  }
0xa0: {  	v53 =	vld [tilespmem:$0x1F0];
	_ =	sdelay $0x3  }
0xa1: {  	vm11 =	vnez.u8 v7  }
0xa2: {  	v7 =	vnsel vm11, $0x0, v53  }
0xa3: {  	v6 =	vadd.s32 v7, v6;
	v7 =	vld [tilespmem:$0x1FE70]  }
0xa4: {  	v54 =	vld [tilespmem:$0x200];
	_ =	sdelay $0x3  }
0xa5: {  	vm9 =	vnez.u8 v7  }
0xa6: {  	v7 =	vnsel vm9, $0x0, v54  }
0xa7: {  	v6 =	vadd.s32 v7, v6;
	v7 =	vld [tilespmem:$0x1FE60]  }
0xa8: {  	v55 =	vld [tilespmem:$0x210];
	_ =	sdelay $0x1  }
0xa9: {  	v13 =	vadd.s32 v8, v13  }
0xaa: {  	v13 =	vadd.s32 v9, v13  }
0xab: {  	v13 =	vadd.s32 v10, v13;
	vm10 =	vnez.u8 v7  }
0xac: {  	v13 =	vadd.s32 v11, v13;
	v7 =	vnsel vm10, $0x0, v55  }
0xad: {  	v13 =	vadd.s32 v12, v13;
	v6 =	vadd.s32 v7, v6;
	v7 =	vld [tilespmem:$0x1FE50]  }
0xae: {  	v56 =	vld [tilespmem:$0x220];
	v13 =	vadd.s32 v14, v13  }
0xaf: {  	v13 =	vadd.s32 v15, v13  }
0xb0: {  	v13 =	vadd.s32 v16, v13  }
0xb1: {  	v13 =	vadd.s32 v17, v13  }
0xb2: {  	v13 =	vadd.s32 v18, v13;
	vm11 =	vnez.u8 v7  }
0xb3: {  	v13 =	vadd.s32 v19, v13;
	v7 =	vnsel vm11, $0x0, v56  }
0xb4: {  	v13 =	vadd.s32 v20, v13;
	v6 =	vadd.s32 v7, v6;
	v7 =	vld [tilespmem:$0x1FE40]  }
0xb5: {  	v57 =	vld [tilespmem:$0x230];
	v13 =	vadd.s32 v21, v13  }
0xb6: {  	v13 =	vadd.s32 v22, v13  }
0xb7: {  	v13 =	vadd.s32 v46, v13  }
0xb8: {  	v13 =	vadd.s32 v47, v13  }
0xb9: {  	v13 =	vadd.s32 v48, v13;
	vm9 =	vnez.u8 v7  }
0xba: {  	v13 =	vadd.s32 v49, v13;
	v7 =	vnsel vm9, $0x0, v57  }
0xbb: {  	v13 =	vadd.s32 v50, v13;
	v6 =	vadd.s32 v7, v6;
	v7 =	vld [tilespmem:$0x1FE30]  }
0xbc: {  	v58 =	vld [tilespmem:$0x240];
	v13 =	vadd.s32 v51, v13  }
0xbd: {  	v13 =	vadd.s32 v52, v13  }
0xbe: {  	v13 =	vadd.s32 v53, v13  }
0xbf: {  	v59 =	vld [tilespmem:$0x250];
	v13 =	vadd.s32 v54, v13  }
0xc0: {  	v60 =	vld [tilespmem:$0x260];
	v13 =	vadd.s32 v55, v13;
	vm10 =	vnez.u8 v7  }
0xc1: {  	v61 =	vld [tilespmem:$0x270];
	v13 =	vadd.s32 v56, v13;
	v7 =	vnsel vm10, $0x0, v58  }
0xc2: {  	v62 =	vadd.s32 v57, v13;
	v6 =	vadd.s32 v7, v6;
	v7 =	vld [tilespmem:$0x1FE20]  }
0xc3: {  	v8 =	vadd.s32 v58, v62  }
0xc4: {  	v8 =	vadd.s32 v59, v8  }
0xc5: {  	v8 =	vadd.s32 v60, v8  }
0xc6: {  	v63 =	vld [tilespmem:$0x0];
	v8 =	vadd.s32 v61, v8  }
0xc7: {  	v8 =	vadd.s32 $0x1FF, v8;
	vm11 =	vnez.u8 v7  }
0xc8: {  	v8 =	vand.u32 $0xFFFFFE00, v8;
	v7 =	vnsel vm11, $0x0, v59  }
0xc9: {  	(xrf0) =	vadd.scan.msk.s32 $0xffff, v8;
	v7 =	vadd.s32 v7, v6;
	v6 =	vld [tilespmem:$0x1FE10]  }
0xca: {  	vm14 =	vcmask $0x308;
	vm2 =	vcmask $0x70C;
	vm3 =	vcmask $0xB10  }
0xcb: {  	vm1 =	vcmask $0x1318;
	vm5 =	veq.s32 v63, $0x1;
	vm6 =	veq.s32 v63, $0x2  }
0xcc: {  	vm0 =	veq.s32 v63, $0x3;
	vm8 =	veq.s32 v63, $0x4;
	vm12 =	veq.s32 v63, $0x6  }
0xcd: {  	v27 =	vsel vm5, $0x1, v0;
	v32 =	vmpcnt.ones.xlane vm5;
	v34 =	vmpcnt.ones.xlane vm6  }
0xce: {  	v35 =	vsel vm6, $0x1, v0;
	v37 =	vmpcnt.ones.xlane vm0;
	vm9 =	vnez.u8 v6  }
0xcf: {  	v38 =	vsel vm0, $0x1, v0;
	vm10 =	veq.s32 v63, $0x0;
	v6, _, _ =	vpop (xrf0);
	v22 =	vnsel vm9, $0x0, v60  }
0xd0: {  	v15 =	vld [tilespmem:$0x10];
	v25 =	vmpcnt.ones.xlane vm10;
	v8 =	vsub.s32 v6, v8;
	v7 =	vadd.s32 v22, v7  }
0xd1: {  	v41 =	vmpcnt.ones.xlane vm8;
	v23 =	vsel vm10, $0x1, v0;
	v7 =	vadd.s32 v8, v7  }
0xd2: {  	v42 =	vsel vm8, $0x1, v0;
	(xrf0) =	vadd.scan.msk.s32 $0xffff, v23;
	v26 =	vnsel vm7, $0x0, v25;
	v24 =	vnsel vm7, $0x0, v7  }
0xd3: {  	v40 =	vsel vm3, $0x0, v37;
	v44 =	vsel vm4, $0x0, v41;
	v7 =	vadd.s32 v26, v7;
	(xrf0) =	vadd.scan.msk.s32 $0xffff, v24  }
0xd4: {  	v13 =	vsel vm2, $0x0, v34;
	v12 =	vsel vm14, $0x0, v32;
	v28 =	vsel vm14, $0x0, v7;
	(xrf0) =	vadd.scan.msk.s32 $0xffff, v27  }
0xd5: {  	vm13 =	veq.s32 v15, $0x2;
	v50 =	vsel vm12, $0x1, v0;
	v51 =	vmpcnt.ones.xlane vm12;
	(xrf0) =	vadd.scan.msk.s32 $0xffff, v28  }
0xd6: {  	vm11 =	vcmask $0x1B20;
	vm9 =	veq.s32 v63, $0x5;
	v7 =	vadd.s32 v12, v7  }
0xd7: {  	v45 =	vmpcnt.ones.xlane vm9;
	v36 =	vsel vm2, $0x0, v7;
	v7 =	vadd.s32 v13, v7  }
0xd8: {  	v29, _, _ =	vpop (xrf0);
	v46 =	vsel vm9, $0x1, v0;
	v39 =	vsel vm3, $0x0, v7;
	v7 =	vadd.s32 v40, v7;
	(xrf0) =	vadd.scan.msk.s32 $0xffff, v35  }
0xd9: {  	v14 =	vsel vm1, $0x0, v45;
	v43 =	vsel vm4, $0x0, v7;
	v7 =	vadd.s32 v44, v7;
	v30, _, _ =	vpop (xrf0);
	(xrf0) =	vadd.scan.msk.s32 $0xffff, v36  }
0xda: {  	v48 =	vsel vm1, $0x0, v7;
	vm1 =	vcmask $0x171C;
	v10 =	vadd.s32 $0xFFFFFFFF, v30;
	v31, _, _ =	vpop (xrf0);
	(xrf0) =	vadd.scan.msk.s32 $0xffff, v38  }
0xdb: {  	v7 =	vadd.s32 v14, v7;
	v56 =	vsel vm1, $0x0, v51;
	v10 =	vbroadcast v10, $0xF;
	v33, _, _ =	vpop (xrf0);
	(xrf0) =	vadd.scan.msk.s32 $0xffff, v39  }
0xdc: {  	v44 =	vsel vm13, $0x1, v0;
	v53 =	vsel vm1, $0x0, v7;
	v7 =	vadd.s32 v56, v7;
	(xrf0) =	vadd.scan.msk.s32 $0xffff, v42  }
0xdd: {  	v8 =	vadd.s32 v29, v10;
	v10 =	vadd.s32 $0xFFFFFFFF, v33;
	(xrf0) =	vadd.scan.msk.s32 $0xffff, v43;
	v43 =	vmpcnt.ones.xlane vm13  }
0xde: {  	v47, _, _ =	vpop (xrf0);
	v10 =	vbroadcast v10, $0xF;
	v8 =	vnsel vm10, $0x0, v8;
	vm10 =	veq.s32 v63, $0x7  }
0xdf: {  	v62 =	vsel vm11, $0x0, v7;
	v49, _, _ =	vpop (xrf0);
	v57 =	vmpcnt.ones.xlane vm10;
	v60 =	vsel vm10, $0x1, v0  }
0xe0: {  	(xrf0) =	vadd.scan.msk.s32 $0xffff, v46;
	v46 =	vsel vm2, $0x0, v43;
	v54 =	vadd.s32 v31, v10;
	v58 =	vadd.s32 $0xFFFFFFFF, v49  }
0xe1: {  	(xrf0) =	vadd.scan.msk.s32 $0xffff, v48;
	v52, _, _ =	vpop (xrf0);
	v12 =	vsel vm11, $0x0, v57;
	vm11 =	veq.s32 v15, $0x0;
	v14 =	vbroadcast v58, $0xF  }
0xe2: {  	(xrf0) =	vadd.scan.msk.s32 $0xffff, v50;
	v55, _, _ =	vpop (xrf0);
	v8 =	vsel vm5, v54, v8;
	vm5 =	veq.s32 v15, $0x4;
	v7 =	vadd.s32 v12, v7  }
0xe3: {  	(xrf0) =	vadd.scan.msk.s32 $0xffff, v53;
	v59, _, _ =	vpop (xrf0);
	v20 =	vsel vm11, $0x1, v0;
	v21 =	vadd.s32 $0xFFFFFFFF, v55;
	v37 =	vmpcnt.ones.xlane vm11  }
0xe4: {  	v51 =	vmpcnt.ones.xlane vm5;
	v61, _, _ =	vpop (xrf0);
	v23 =	vnsel vm7, $0x0, v7;
	v24 =	vadd.s32 v47, v14  }
0xe5: {  	v9 =	vbroadcast v21, $0xF;
	v25 =	vadd.s32 $0xFFFFFFFF, v61;
	v8 =	vsel vm6, v24, v8  }
0xe6: {  	v63, _, _ =	vpop (xrf0);
	v39 =	vnsel vm7, $0x0, v37;
	vm6 =	veq.s32 v15, $0x5;
	v16 =	vsel vm4, $0x0, v51  }
0xe7: {  	v22, _, _ =	vpop (xrf0);
	v27 =	vbroadcast v25, $0xF;
	v9 =	vadd.s32 v52, v9;
	v7 =	vadd.s32 v39, v7  }
0xe8: {  	(xrf0) =	vadd.scan.msk.s32 $0xffff, v60;
	v52 =	vsel vm5, $0x1, v0;
	v55 =	vmpcnt.ones.xlane vm6;
	v57 =	vsel vm6, $0x1, v0;
	v26, _, _ =	vpop (xrf0)  }
0xe9: {  	(xrf0) =	vadd.scan.msk.s32 $0xffff, v62;
	v10 =	vadd.s32 $0xFFFFFFFF, v22;
	v8 =	vsel vm0, v9, v8;
	v42 =	vsel vm14, $0x0, v7;
	v28, _, _ =	vpop (xrf0)  }
0xea: {  	(xrf0) =	vadd.scan.msk.s32 $0xffff, v20;
	vm0 =	vcmask $0x1318;
	v10 =	vbroadcast v10, $0xF;
	v12 =	vadd.s32 $0xFFFFFFFF, v28  }
0xeb: {  	(xrf0) =	vadd.scan.msk.s32 $0xffff, v23;
	v29 =	vadd.s32 v59, v27;
	v17 =	vsel vm0, $0x0, v55;
	v30 =	vbroadcast v12, $0xF  }
0xec: {  	v8 =	vsel vm8, v29, v8;
	vm8 =	veq.s32 v15, $0x7;
	v31 =	vadd.s32 v63, v10  }
0xed: {  	v27 =	vmpcnt.ones.xlane vm8;
	v8 =	vsel vm9, v31, v8;
	v33 =	vadd.s32 v26, v30  }
0xee: {  	vm9 =	veq.s32 v15, $0x6;
	v12, _, _ =	vpop (xrf0);
	v9 =	vsel vm12, v33, v8;
	vm12 =	veq.s32 v15, $0x1  }
0xef: {  	v60 =	vmpcnt.ones.xlane vm9;
	v32, _, _ =	vpop (xrf0);
	v40 =	vmpcnt.ones.xlane vm12;
	v41 =	vsel vm12, $0x1, v0  }
0xf0: {  	v29 =	vsel vm8, $0x1, v0;
	v62 =	vsel vm9, $0x1, v0;
	v34, _, _ =	vpop (xrf0);
	v35 =	vadd.s32 $0xFFFFFFFF, v32;
	(xrf0) =	vadd.scan.msk.s32 $0xffff, v41  }
0xf1: {  	v26 =	vsel vm1, $0x0, v60;
	v36, _, _ =	vpop (xrf0);
	v13 =	vsel vm14, $0x0, v40;
	(xrf0) =	vadd.scan.msk.s32 $0xffff, v42;
	vm14 =	veq.s32 v15, $0x3  }
0xf2: {  	v14 =	vbroadcast v35, $0xF;
	v38 =	vadd.s32 $0xFFFFFFFF, v36;
	v47 =	vmpcnt.ones.xlane vm14  }
0xf3: {  	v8 =	vbroadcast v38, $0xF;
	v7 =	vadd.s32 v13, v7;
	v48 =	vsel vm14, $0x1, v0  }
0xf4: {  	(xrf0) =	vadd.scan.msk.s32 $0xffff, v44;
	v45 =	vsel vm2, $0x0, v7;
	v7 =	vadd.s32 v46, v7;
	v50 =	vsel vm3, $0x0, v47  }
0xf5: {  	v12 =	vadd.s32 v12, v14;
	(xrf0) =	vadd.scan.msk.s32 $0xffff, v45;
	v49 =	vsel vm3, $0x0, v7;
	v7 =	vadd.s32 v50, v7  }
0xf6: {  	v8 =	vadd.s32 v34, v8;
	(xrf0) =	vadd.scan.msk.s32 $0xffff, v48;
	v53, _, _ =	vpop (xrf0);
	v54 =	vsel vm4, $0x0, v7;
	v7 =	vadd.s32 v16, v7;
	v16 =	vld [tilespmem:$0x20]  }
0xf7: {  	v24 =	vnsel vm11, $0x0, v8;
	(xrf0) =	vadd.scan.msk.s32 $0xffff, v49;
	v56, _, _ =	vpop (xrf0);
	v59 =	vsel vm0, $0x0, v7;
	v7 =	vadd.s32 v17, v7  }
0xf8: {  	vm0 =	vcmask $0x1B20;
	v25 =	vsel vm1, $0x0, v7;
	v18 =	vadd.s32 $0xFFFFFFFF, v56  }
0xf9: {  	(xrf0) =	vadd.scan.msk.s32 $0xffff, v52;
	v7 =	vadd.s32 v26, v7;
	v20 =	vsel vm0, $0x0, v27;
	v18 =	vbroadcast v18, $0xF  }
0xfa: {  	(xrf0) =	vadd.scan.msk.s32 $0xffff, v54;
	v58, _, _ =	vpop (xrf0);
	vm1 =	vcmask $0x308;
	v31 =	vsel vm0, $0x0, v7;
	v7 =	vadd.s32 v20, v7  }
0xfb: {  	(xrf0) =	vadd.scan.msk.s32 $0xffff, v57;
	v61, _, _ =	vpop (xrf0);
	v35 =	vnsel vm7, $0x0, v7;
	vm0 =	veq.s32 v16, $0x0;
	v13 =	vadd.s32 v53, v18  }
0xfc: {  	(xrf0) =	vadd.scan.msk.s32 $0xffff, v59;
	v63, _, _ =	vpop (xrf0);
	v37 =	vadd.s32 $0xFFFFFFFF, v61;
	vm11 =	veq.s32 v16, $0x1;
	v33 =	vsel vm0, $0x1, v0  }
0xfd: {  	(xrf0) =	vadd.scan.msk.s32 $0xffff, v62;
	v28, _, _ =	vpop (xrf0);
	v36 =	vmpcnt.ones.xlane vm0;
	v39 =	vbroadcast v37, $0xF;
	v13 =	vsel vm12, v13, v24  }
0xfe: {  	(xrf0) =	vadd.scan.msk.s32 $0xffff, v25;
	v57 =	vmpcnt.ones.xlane vm11;
	vm12 =	veq.s32 v16, $0x3;
	v41 =	vadd.s32 $0xFFFFFFFF, v28  }
0xff: {  	v30, _, _ =	vpop (xrf0);
	(xrf0) =	vadd.scan.msk.s32 $0xffff, v29;
	v61 =	vmpcnt.ones.xlane vm12;
	v62 =	vsel vm12, $0x1, v0;
	v40 =	vnsel vm7, $0x0, v36  }
0x100: {  	v32, _, _ =	vpop (xrf0);
	(xrf0) =	vadd.scan.msk.s32 $0xffff, v31;
	v20 =	vbroadcast v41, $0xF;
	v10 =	vadd.s32 v58, v39;
	v15 =	vsel vm1, $0x0, v57  }
0x101: {  	v34, _, _ =	vpop (xrf0);
	(xrf0) =	vadd.scan.msk.s32 $0xffff, v33;
	v25 =	vadd.s32 v40, v7;
	v7 =	vsel vm11, $0x1, v0;
	v23 =	vadd.s32 $0xFFFFFFFF, v32  }
0x102: {  	v18 =	vld [tilespmem:$0x30];
	v22 =	vsel vm3, $0x0, v61;
	v38, _, _ =	vpop (xrf0);
	(xrf0) =	vadd.scan.msk.s32 $0xffff, v35;
	v43 =	vbroadcast v23, $0xF;
	v45 =	vadd.s32 v63, v20  }
0x103: {  	v15 =	vadd.s32 v15, v25;
	v21, _, _ =	vpop (xrf0);
	(xrf0) =	vadd.scan.msk.s32 $0xffff, v7;
	v7 =	vsel vm1, $0x0, v25;
	v46 =	vadd.s32 $0xFFFFFFFF, v38  }
0x104: {  	v60 =	vsel vm2, $0x0, v15;
	vm1 =	vcmask $0x171C;
	v42, _, _ =	vpop (xrf0);
	(xrf0) =	vadd.scan.msk.s32 $0xffff, v7;
	v7 =	vsel vm13, v10, v13  }
0x105: {  	v48 =	vadd.s32 v30, v43;
	v13 =	vbroadcast v46, $0xF;
	vm13 =	veq.s32 v16, $0x6  }
0x106: {  	v8, _, _ =	vpop (xrf0);
	v7 =	vsel vm14, v45, v7;
	v50 =	vadd.s32 $0xFFFFFFFF, v42;
	v31 =	vmpcnt.ones.xlane vm13  }
0x107: {  	v33 =	vsel vm13, $0x1, v0;
	vm14 =	veq.s32 v18, $0x0;
	v44, _, _ =	vpop (xrf0);
	v10 =	vsel vm5, v48, v7  }
0x108: {  	v11 =	vadd.s32 v34, v13;
	v52 =	vbroadcast v50, $0xF;
	vm5 =	veq.s32 v16, $0x2;
	v47, _, _ =	vpop (xrf0)  }
0x109: {  	v43 =	vsel vm14, $0x1, v0;
	v54 =	vadd.s32 $0xFFFFFFFF, v44;
	v58 =	vmpcnt.ones.xlane vm5;
	v49, _, _ =	vpop (xrf0)  }
0x10a: {  	v59 =	vsel vm5, $0x1, v0;
	v36 =	vsel vm1, $0x0, v31;
	v7 =	vadd.s32 $0xFFFFFFFF, v49  }
0x10b: {  	v17 =	vsel vm2, $0x0, v58;
	v51 =	vbroadcast v7, $0xF;
	v7 =	vsel vm10, v12, v9  }
0x10c: {  	v53, _, _ =	vpop (xrf0);
	v9 =	vsel vm6, v11, v10;
	v15 =	vadd.s32 v17, v15;
	vm6 =	veq.s32 v16, $0x4  }
0x10d: {  	v56, _, _ =	vpop (xrf0);
	vm10 =	vcmask $0x1318;
	v10 =	vadd.s32 v21, v52;
	v12 =	vbroadcast v54, $0xF  }
0x10e: {  	(xrf0) =	vadd.scan.msk.s32 $0xffff, v59;
	v14 =	vadd.s32 $0xFFFFFFFF, v56;
	v63 =	vsel vm3, $0x0, v15;
	v23 =	vmpcnt.ones.xlane vm6  }
0x10f: {  	(xrf0) =	vadd.scan.msk.s32 $0xffff, v60;
	v15 =	vadd.s32 v22, v15;
	v24 =	vsel vm6, $0x1, v0;
	v9 =	vsel vm9, v10, v9  }
0x110: {  	vm9 =	veq.s32 v18, $0x7;
	v55 =	vadd.s32 v47, v51;
	v14 =	vbroadcast v14, $0xF  }
0x111: {  	v25 =	vsel vm4, $0x0, v15;
	v47 =	vmpcnt.ones.xlane vm14;
	v8 =	vadd.s32 v8, v12  }
0x112: {  	v13 =	vnsel vm0, $0x0, v55;
	vm0 =	veq.s32 v16, $0x5;
	v26 =	vsel vm4, $0x0, v23  }
0x113: {  	(xrf0) =	vadd.scan.msk.s32 $0xffff, v62;
	v9 =	vsel vm8, v8, v9;
	v27 =	vmpcnt.ones.xlane vm0;
	v15 =	vadd.s32 v26, v15  }
0x114: {  	(xrf0) =	vadd.scan.msk.s32 $0xffff, v63;
	v28 =	vsel vm0, $0x1, v0;
	v29, _, _ =	vpop (xrf0);
	v11 =	vadd.s32 v53, v14;
	v51 =	vnsel vm7, $0x0, v47  }
0x115: {  	(xrf0) =	vadd.scan.msk.s32 $0xffff, v24;
	v30 =	vsel vm10, $0x0, v15;
	v32, _, _ =	vpop (xrf0);
	v11 =	vsel vm11, v11, v13;
	vm11 =	veq.s32 v18, $0x1  }
0x116: {  	(xrf0) =	vadd.scan.msk.s32 $0xffff, v25;
	v19 =	vsel vm10, $0x0, v27;
	vm10 =	veq.s32 v16, $0x7;
	v23 =	vadd.s32 $0xFFFFFFFF, v32  }
0x117: {  	(xrf0) =	vadd.scan.msk.s32 $0xffff, v28;
	v53 =	vsel vm11, $0x1, v0;
	v31 =	vmpcnt.ones.xlane vm11;
	v15 =	vadd.s32 v19, v15  }
0x118: {  	(xrf0) =	vadd.scan.msk.s32 $0xffff, v30;
	v37 =	vmpcnt.ones.xlane vm10;
	v39 =	vsel vm10, $0x1, v0;
	v44 =	vbroadcast v23, $0xF  }
0x119: {  	v34, _, _ =	vpop (xrf0);
	v35 =	vsel vm1, $0x0, v15;
	v15 =	vadd.s32 v36, v15;
	vm1 =	vcmask $0x1B20  }
0x11a: {  	v38, _, _ =	vpop (xrf0);
	v41 =	vsel vm1, $0x0, v15;
	v22 =	vsel vm1, $0x0, v37;
	v49 =	vadd.s32 v29, v44  }
0x11b: {  	(xrf0) =	vadd.scan.msk.s32 $0xffff, v33;
	v40, _, _ =	vpop (xrf0);
	v14 =	vadd.s32 $0xFFFFFFFF, v38;
	vm1 =	vcmask $0x308;
	v15 =	vadd.s32 v22, v15  }
0x11c: {  	(xrf0) =	vadd.scan.msk.s32 $0xffff, v35;
	v42, _, _ =	vpop (xrf0);
	v14 =	vbroadcast v14, $0xF;
	v11 =	vsel vm5, v49, v11;
	vm5 =	veq.s32 v18, $0x4  }
0x11d: {  	v45, _, _ =	vpop (xrf0);
	v46 =	vnsel vm7, $0x0, v15;
	v15 =	vadd.s32 v15, v51;
	v24 =	vadd.s32 $0xFFFFFFFF, v42  }
0x11e: {  	(xrf0) =	vadd.scan.msk.s32 $0xffff, v39;
	v39 =	vmpcnt.ones.xlane vm5;
	v48, _, _ =	vpop (xrf0);
	v54 =	vsel vm1, $0x0, v15;
	v14 =	vadd.s32 v34, v14  }
0x11f: {  	(xrf0) =	vadd.scan.msk.s32 $0xffff, v41;
	v55 =	vbroadcast v24, $0xF;
	v13 =	vadd.s32 $0xFFFFFFFF, v48;
	v11 =	vsel vm12, v14, v11  }
0x120: {  	(xrf0) =	vadd.scan.msk.s32 $0xffff, v43;
	vm12 =	veq.s32 v18, $0x2;
	v42 =	vsel vm4, $0x0, v39;
	v13 =	vbroadcast v13, $0xF  }
0x121: {  	(xrf0) =	vadd.scan.msk.s32 $0xffff, v46;
	v50, _, _ =	vpop (xrf0);
	v59 =	vadd.s32 v40, v55;
	v32 =	vmpcnt.ones.xlane vm12;
	v33 =	vsel vm12, $0x1, v0  }
0x122: {  	v40 =	vsel vm5, $0x1, v0;
	v55 =	vsel vm9, $0x1, v0;
	v52, _, _ =	vpop (xrf0);
	v11 =	vsel vm6, v59, v11  }
0x123: {  	vm6 =	veq.s32 v18, $0x6;
	v57 =	vadd.s32 $0xFFFFFFFF, v52;
	v13 =	vadd.s32 v45, v13  }
0x124: {  	v25, _, _ =	vpop (xrf0);
	v17 =	vsel vm2, $0x0, v32;
	v47 =	vmpcnt.ones.xlane vm6;
	v49 =	vsel vm6, $0x1, v0  }
0x125: {  	v56, _, _ =	vpop (xrf0);
	v16 =	vbroadcast v57, $0xF;
	v11 =	vsel vm0, v13, v11;
	vm0 =	veq.s32 v18, $0x5  }
0x126: {  	(xrf0) =	vadd.scan.msk.s32 $0xffff, v53;
	v53 =	vmpcnt.ones.xlane vm9;
	v58, _, _ =	vpop (xrf0);
	v28 =	vadd.s32 $0xFFFFFFFF, v56;
	v43 =	vmpcnt.ones.xlane vm0  }
0x127: {  	v44 =	vsel vm0, $0x1, v0;
	v60, _, _ =	vpop (xrf0);
	v62 =	vadd.s32 v50, v16;
	v16 =	vsel vm1, $0x0, v31  }
0x128: {  	(xrf0) =	vadd.scan.msk.s32 $0xffff, v54;
	vm1 =	vcmask $0x1318;
	v12 =	vbroadcast v28, $0xF;
	v61 =	vadd.s32 $0xFFFFFFFF, v60  }
0x129: {  	v10 =	vsel vm13, v62, v11;
	v15 =	vadd.s32 v16, v15;
	vm13 =	veq.s32 v18, $0x3  }
0x12a: {  	v19 =	vsel vm1, $0x0, v43;
	v14 =	vbroadcast v61, $0xF;
	v34 =	vsel vm2, $0x0, v15  }
0x12b: {  	v35 =	vmpcnt.ones.xlane vm13;
	v15 =	vadd.s32 v17, v15;
	v36 =	vsel vm13, $0x1, v0  }
0x12c: {  	(xrf0) =	vadd.scan.msk.s32 $0xffff, v33;
	v17 =	vld [tilespmem:$0x40];
	vm2 =	vcmask $0x171C;
	v12 =	vadd.s32 v25, v12;
	v37 =	vsel vm3, $0x0, v15  }
0x12d: {  	v63, _, _ =	vpop (xrf0);
	(xrf0) =	vadd.scan.msk.s32 $0xffff, v34;
	v52 =	vsel vm2, $0x0, v47;
	v8 =	vsel vm10, v12, v10;
	v38 =	vsel vm3, $0x0, v35  }
0x12e: {  	vm10 =	vcmask $0x70C;
	v29 =	vadd.s32 v58, v14;
	v30, _, _ =	vpop (xrf0);
	v15 =	vadd.s32 v38, v15  }
0x12f: {  	(xrf0) =	vadd.scan.msk.s32 $0xffff, v36;
	v14 =	vadd.s32 $0xFFFFFFFF, v30;
	v41 =	vsel vm4, $0x0, v15;
	v15 =	vadd.s32 v42, v15  }
0x130: {  	v13 =	vnsel vm14, $0x0, v29;
	(xrf0) =	vadd.scan.msk.s32 $0xffff, v37;
	v14 =	vbroadcast v14, $0xF;
	v46 =	vsel vm1, $0x0, v15  }
0x131: {  	(xrf0) =	vadd.scan.msk.s32 $0xffff, v40;
	v15 =	vadd.s32 v19, v15;
	vm14 =	veq.s32 v17, $0x0;
	vm8 =	veq.s32 v17, $0x7  }
0x132: {  	v45, _, _ =	vpop (xrf0);
	(xrf0) =	vadd.scan.msk.s32 $0xffff, v41;
	v51 =	vsel vm2, $0x0, v15;
	v15 =	vadd.s32 v52, v15;
	vm2 =	vcmask $0x1B20  }
0x133: {  	(xrf0) =	vadd.scan.msk.s32 $0xffff, v44;
	v59 =	vsel vm14, $0x1, v0;
	v11 =	vadd.s32 v63, v14;
	v28 =	vmpcnt.ones.xlane vm14;
	v48, _, _ =	vpop (xrf0)  }
0x134: {  	(xrf0) =	vadd.scan.msk.s32 $0xffff, v46;
	v57 =	vsel vm2, $0x0, v15;
	v21 =	vsel vm2, $0x0, v53;
	v22 =	vadd.s32 $0xFFFFFFFF, v48  }
0x135: {  	v11 =	vsel vm11, v11, v13;
	v50, _, _ =	vpop (xrf0);
	(xrf0) =	vadd.scan.msk.s32 $0xffff, v49;
	v15 =	vadd.s32 v21, v15;
	v22 =	vbroadcast v22, $0xF  }
0x136: {  	vm11 =	vcmask $0x308;
	v16 =	vnsel vm7, $0x0, v28;
	v54, _, _ =	vpop (xrf0);
	(xrf0) =	vadd.scan.msk.s32 $0xffff, v51;
	v61 =	vnsel vm7, $0x0, v15  }
0x137: {  	v15 =	vadd.s32 v15, v16;
	v56, _, _ =	vpop (xrf0);
	v29 =	vadd.s32 $0xFFFFFFFF, v54;
	v62 =	vadd.s32 v45, v22  }
0x138: {  	(xrf0) =	vadd.scan.msk.s32 $0xffff, v55;
	v58, _, _ =	vpop (xrf0);
	v13 =	vbroadcast v29, $0xF;
	v11 =	vsel vm12, v62, v11;
	vm12 =	veq.s32 v17, $0x1  }
0x139: {  	v35 =	vsel vm11, $0x0, v15;
	(xrf0) =	vadd.scan.msk.s32 $0xffff, v57;
	v60, _, _ =	vpop (xrf0);
	v32 =	vadd.s32 $0xFFFFFFFF, v58;
	v33 =	vsel vm12, $0x1, v0  }
0x13a: {  	(xrf0) =	vadd.scan.msk.s32 $0xffff, v59;
	v63, _, _ =	vpop (xrf0);
	v23 =	vbroadcast v32, $0xF;
	v13 =	vadd.s32 v50, v13;
	v48 =	vmpcnt.ones.xlane vm12  }
0x13b: {  	(xrf0) =	vadd.scan.msk.s32 $0xffff, v61;
	v32 =	vmpcnt.ones.xlane vm8;
	v30, _, _ =	vpop (xrf0);
	v20 =	vadd.s32 $0xFFFFFFFF, v63;
	v11 =	vsel vm13, v13, v11  }
0x13c: {  	vm13 =	veq.s32 v17, $0x6;
	v31, _, _ =	vpop (xrf0);
	v36 =	vbroadcast v20, $0xF;
	v39 =	vadd.s32 v56, v23  }
0x13d: {  	v26 =	vmpcnt.ones.xlane vm13;
	v28 =	vsel vm13, $0x1, v0;
	v37 =	vadd.s32 $0xFFFFFFFF, v31  }
0x13e: {  	v24, _, _ =	vpop (xrf0);
	v11 =	vsel vm5, v39, v11;
	vm5 =	veq.s32 v17, $0x2;
	v40 =	vbroadcast v37, $0xF  }
0x13f: {  	(xrf0) =	vadd.scan.msk.s32 $0xffff, v33;
	v34, _, _ =	vpop (xrf0);
	v42 =	vadd.s32 v60, v36;
	v50 =	vmpcnt.ones.xlane vm5;
	v51 =	vsel vm5, $0x1, v0  }
0x140: {  	(xrf0) =	vadd.scan.msk.s32 $0xffff, v35;
	v38, _, _ =	vpop (xrf0);
	v11 =	vsel vm0, v42, v11;
	v45 =	vadd.s32 $0xFFFFFFFF, v34;
	vm0 =	veq.s32 v17, $0x3  }
0x141: {  	v34 =	vsel vm8, $0x1, v0;
	v41, _, _ =	vpop (xrf0);
	v44 =	vadd.s32 v30, v40;
	v18 =	vsel vm10, $0x0, v50  }
0x142: {  	v53 =	vmpcnt.ones.xlane vm0;
	v43 =	vadd.s32 $0xFFFFFFFF, v41;
	v10 =	vsel vm6, v44, v11  }
0x143: {  	v11 =	vbroadcast v45, $0xF;
	vm6 =	veq.s32 v17, $0x4;
	v14 =	vbroadcast v43, $0xF  }
0x144: {  	v54 =	vsel vm0, $0x1, v0;
	v56 =	vsel vm3, $0x0, v53;
	v57 =	vmpcnt.ones.xlane vm6  }
0x145: {  	v58 =	vsel vm6, $0x1, v0;
	v47, _, _ =	vpop (xrf0);
	v11 =	vadd.s32 v24, v11;
	v46 =	vadd.s32 v38, v14  }
0x146: {  	v49, _, _ =	vpop (xrf0);
	v14 =	vsel vm11, $0x0, v48;
	v60 =	vsel vm4, $0x0, v57;
	v10 =	vsel vm9, v11, v10  }
0x147: {  	v12 =	vnsel vm14, $0x0, v46;
	v16 =	vadd.s32 $0xFFFFFFFF, v49;
	v14 =	vadd.s32 v14, v15  }
0x148: {  	vm14 =	vmmov vm11;
	vm11 =	vcmask $0x171C;
	v52 =	vsel vm10, $0x0, v14  }
0x149: {  	v14 =	vadd.s32 v18, v14;
	vm10 =	veq.s32 v17, $0x5;
	v31 =	vsel vm11, $0x0, v26  }
0x14a: {  	v16 =	vbroadcast v16, $0xF;
	vm2 =	vmmov vm14;
	v55 =	vsel vm3, $0x0, v14  }
0x14b: {  	(xrf0) =	vadd.scan.msk.s32 $0xffff, v51;
	v18 =	vld [tilespmem:$0x50];
	v14 =	vadd.s32 v56, v14;
	v61 =	vmpcnt.ones.xlane vm10;
	v62 =	vsel vm10, $0x1, v0  }
0x14c: {  	(xrf0) =	vadd.scan.msk.s32 $0xffff, v52;
	vm3 =	vcmask $0x1B20;
	v59 =	vsel vm4, $0x0, v14;
	v14 =	vadd.s32 v60, v14  }
0x14d: {  	v13 =	vadd.s32 v47, v16;
	v25 =	vsel vm1, $0x0, v14;
	v19 =	vsel vm1, $0x0, v61  }
0x14e: {  	(xrf0) =	vadd.scan.msk.s32 $0xffff, v54;
	v12 =	vsel vm12, v13, v12;
	vm1 =	vcmask $0x171C;
	v14 =	vadd.s32 v19, v14  }
0x14f: {  	(xrf0) =	vadd.scan.msk.s32 $0xffff, v55;
	v30 =	vsel vm11, $0x0, v14;
	v14 =	vadd.s32 v31, v14;
	vm11 =	vcmask $0x1B20  }
0x150: {  	(xrf0) =	vadd.scan.msk.s32 $0xffff, v58;
	vm9 =	veq.s32 v18, $0x1;
	vm12 =	veq.s32 v18, $0x4;
	v36 =	vsel vm11, $0x0, v14  }
0x151: {  	v63, _, _ =	vpop (xrf0);
	(xrf0) =	vadd.scan.msk.s32 $0xffff, v59;
	v21 =	vsel vm11, $0x0, v32;
	vm11 =	veq.s32 v18, $0x0;
	v60 =	vmpcnt.ones.xlane vm9  }
0x152: {  	v61 =	vsel vm9, $0x1, v0;
	v31 =	vmpcnt.ones.xlane vm12;
	v32 =	vsel vm12, $0x1, v0;
	v27, _, _ =	vpop (xrf0)  }
0x153: {  	(xrf0) =	vadd.scan.msk.s32 $0xffff, v62;
	v14 =	vadd.s32 v21, v14;
	v57 =	vmpcnt.ones.xlane vm11;
	v22 =	vadd.s32 $0xFFFFFFFF, v27  }
0x154: {  	(xrf0) =	vadd.scan.msk.s32 $0xffff, v25;
	v38 =	vsel vm11, $0x1, v0;
	v29, _, _ =	vpop (xrf0);
	v41 =	vnsel vm7, $0x0, v14;
	v39 =	vbroadcast v22, $0xF  }
0x155: {  	(xrf0) =	vadd.scan.msk.s32 $0xffff, v28;
	v17 =	vsel vm14, $0x0, v60;
	v20 =	vsel vm4, $0x0, v31;
	v33, _, _ =	vpop (xrf0);
	v59 =	vnsel vm7, $0x0, v57  }
0x156: {  	(xrf0) =	vadd.scan.msk.s32 $0xffff, v30;
	v35, _, _ =	vpop (xrf0);
	v42 =	vadd.s32 $0xFFFFFFFF, v33;
	v14 =	vadd.s32 v14, v59;
	v44 =	vadd.s32 v63, v39  }
0x157: {  	v37, _, _ =	vpop (xrf0);
	v13 =	vbroadcast v42, $0xF;
	v62 =	vsel vm14, $0x0, v14;
	v14 =	vadd.s32 v17, v14  }
0x158: {  	(xrf0) =	vadd.scan.msk.s32 $0xffff, v34;
	vm14 =	veq.s32 v18, $0x6;
	v45 =	vadd.s32 $0xFFFFFFFF, v37;
	v15 =	vsel vm5, v44, v12  }
0x159: {  	(xrf0) =	vadd.scan.msk.s32 $0xffff, v36;
	v40, _, _ =	vpop (xrf0);
	vm5 =	veq.s32 v18, $0x2;
	v42 =	vsel vm14, $0x1, v0;
	v16 =	vbroadcast v45, $0xF  }
0x15a: {  	(xrf0) =	vadd.scan.msk.s32 $0xffff, v38;
	v43, _, _ =	vpop (xrf0);
	v13 =	vadd.s32 v29, v13;
	v63 =	vmpcnt.ones.xlane vm5;
	v24 =	vsel vm5, $0x1, v0  }
0x15b: {  	(xrf0) =	vadd.scan.msk.s32 $0xffff, v41;
	v46, _, _ =	vpop (xrf0);
	v47 =	vadd.s32 $0xFFFFFFFF, v43;
	v13 =	vsel vm0, v13, v15;
	vm0 =	veq.s32 v18, $0x5  }
0x15c: {  	v48, _, _ =	vpop (xrf0);
	v49 =	vbroadcast v47, $0xF;
	v50 =	vadd.s32 v35, v16;
	v35 =	vmpcnt.ones.xlane vm0  }
0x15d: {  	v37 =	vsel vm0, $0x1, v0;
	v22 =	vadd.s32 $0xFFFFFFFF, v48;
	v52 =	vsel vm6, v50, v13  }
0x15e: {  	v12, _, _ =	vpop (xrf0);
	vm6 =	veq.s32 v18, $0x3;
	v51 =	vbroadcast v22, $0xF;
	v53 =	vadd.s32 v40, v49  }
0x15f: {  	v19, _, _ =	vpop (xrf0);
	v27 =	vmpcnt.ones.xlane vm6;
	v28 =	vsel vm6, $0x1, v0;
	v40 =	vmpcnt.ones.xlane vm14  }
0x160: {  	v54, _, _ =	vpop (xrf0);
	v11 =	vsel vm10, v53, v52;
	vm10 =	vcmask $0x70C;
	v55 =	vadd.s32 v46, v51  }
0x161: {  	v56, _, _ =	vpop (xrf0);
	v25 =	vsel vm10, $0x0, v14;
	v26 =	vsel vm10, $0x0, v63;
	vm10 =	vcmask $0xB10  }
0x162: {  	(xrf0) =	vadd.scan.msk.s32 $0xffff, v61;
	v45 =	vsel vm1, $0x0, v40;
	v11 =	vsel vm13, v55, v11;
	v58 =	vadd.s32 $0xFFFFFFFF, v56  }
0x163: {  	(xrf0) =	vadd.scan.msk.s32 $0xffff, v62;
	v14 =	vadd.s32 v26, v14;
	v30 =	vsel vm10, $0x0, v27;
	v55 =	vadd.s32 $0xFFFFFFFF, v19  }
0x164: {  	v13 =	vbroadcast v58, $0xF;
	v29 =	vsel vm10, $0x0, v14;
	v14 =	vadd.s32 v30, v14  }
0x165: {  	(xrf0) =	vadd.scan.msk.s32 $0xffff, v24;
	vm10 =	vcmask $0x1318;
	v34 =	vsel vm4, $0x0, v14;
	v14 =	vadd.s32 v20, v14  }
0x166: {  	(xrf0) =	vadd.scan.msk.s32 $0xffff, v25;
	v16 =	vbroadcast v55, $0xF;
	v20 =	vld [tilespmem:$0x60];
	v21 =	vsel vm10, $0x0, v35;
	v39 =	vsel vm10, $0x0, v14  }
0x167: {  	(xrf0) =	vadd.scan.msk.s32 $0xffff, v28;
	v14 =	vadd.s32 v21, v14;
	vm10 =	veq.s32 v18, $0x7;
	v13 =	vadd.s32 v54, v13  }
0x168: {  	(xrf0) =	vadd.scan.msk.s32 $0xffff, v29;
	v12 =	vadd.s32 v12, v16;
	v33, _, _ =	vpop (xrf0);
	v44 =	vsel vm1, $0x0, v14;
	v46 =	vmpcnt.ones.xlane vm10  }
0x169: {  	(xrf0) =	vadd.scan.msk.s32 $0xffff, v32;
	v14 =	vadd.s32 v45, v14;
	v47 =	vsel vm10, $0x1, v0;
	v13 =	vnsel vm11, $0x0, v13;
	v36, _, _ =	vpop (xrf0)  }
0x16a: {  	v11 =	vsel vm8, v12, v11;
	(xrf0) =	vadd.scan.msk.s32 $0xffff, v34;
	v49 =	vsel vm3, $0x0, v14;
	v22 =	vadd.s32 $0xFFFFFFFF, v36  }
0x16b: {  	v38, _, _ =	vpop (xrf0);
	v24 =	vsel vm3, $0x0, v46;
	vm3 =	vcmask $0xB10;
	vm13 =	veq.s32 v20, $0x0  }
0x16c: {  	(xrf0) =	vadd.scan.msk.s32 $0xffff, v37;
	v41, _, _ =	vpop (xrf0);
	v22 =	vbroadcast v22, $0xF;
	v14 =	vadd.s32 v24, v14;
	vm11 =	veq.s32 v20, $0x5  }
0x16d: {  	(xrf0) =	vadd.scan.msk.s32 $0xffff, v39;
	v43, _, _ =	vpop (xrf0);
	v50 =	vsel vm13, $0x1, v0;
	v51 =	vadd.s32 $0xFFFFFFFF, v41;
	v53 =	vnsel vm7, $0x0, v14  }
0x16e: {  	(xrf0) =	vadd.scan.msk.s32 $0xffff, v42;
	v26, _, _ =	vpop (xrf0);
	v17 =	vadd.s32 v33, v22;
	v15 =	vbroadcast v51, $0xF;
	v33 =	vmpcnt.ones.xlane vm13  }
0x16f: {  	(xrf0) =	vadd.scan.msk.s32 $0xffff, v44;
	v48, _, _ =	vpop (xrf0);
	v13 =	vsel vm9, v17, v13;
	v56 =	vadd.s32 $0xFFFFFFFF, v26;
	vm9 =	vcmask $0x70C  }
0x170: {  	(xrf0) =	vadd.scan.msk.s32 $0xffff, v47;
	v27, _, _ =	vpop (xrf0);
	v15 =	vadd.s32 v38, v15;
	v17 =	vbroadcast v56, $0xF;
	v34 =	vnsel vm7, $0x0, v33  }
0x171: {  	(xrf0) =	vadd.scan.msk.s32 $0xffff, v49;
	v58 =	vadd.s32 $0xFFFFFFFF, v27;
	v13 =	vsel vm5, v15, v13;
	vm5 =	veq.s32 v20, $0x1  }
0x172: {  	v52, _, _ =	vpop (xrf0);
	(xrf0) =	vadd.scan.msk.s32 $0xffff, v50;
	v14 =	vadd.s32 v14, v34;
	v50 =	vmpcnt.ones.xlane vm11;
	v60 =	vbroadcast v58, $0xF  }
0x173: {  	v54, _, _ =	vpop (xrf0);
	v17 =	vadd.s32 v43, v17;
	v35 =	vmpcnt.ones.xlane vm5;
	v36 =	vsel vm5, $0x1, v0  }
0x174: {  	v37 =	vsel vm2, $0x0, v14;
	v22 =	vadd.s32 $0xFFFFFFFF, v54;
	v13 =	vsel vm6, v17, v13  }
0x175: {  	v57, _, _ =	vpop (xrf0);
	vm6 =	veq.s32 v20, $0x2;
	v61 =	vbroadcast v22, $0xF;
	v15 =	vadd.s32 v48, v60  }
0x176: {  	v59, _, _ =	vpop (xrf0);
	v19 =	vsel vm2, $0x0, v35;
	v38 =	vmpcnt.ones.xlane vm6;
	v39 =	vsel vm6, $0x1, v0  }
0x177: {  	v62 =	vadd.s32 $0xFFFFFFFF, v59;
	v13 =	vsel vm12, v15, v13;
	v14 =	vadd.s32 v19, v14  }
0x178: {  	(xrf0) =	vadd.scan.msk.s32 $0xffff, v53;
	vm12 =	veq.s32 v20, $0x6;
	v26 =	vbroadcast v62, $0xF;
	v28 =	vadd.s32 v52, v61  }
0x179: {  	v23, _, _ =	vpop (xrf0);
	v40 =	vsel vm9, $0x0, v14;
	v41 =	vsel vm9, $0x0, v38;
	v52 =	vsel vm11, $0x1, v0  }
0x17a: {  	v63, _, _ =	vpop (xrf0);
	v55 =	vmpcnt.ones.xlane vm12;
	vm9 =	veq.s32 v20, $0x7;
	v13 =	vsel vm0, v28, v13  }
0x17b: {  	v32 =	vadd.s32 $0xFFFFFFFF, v63;
	v14 =	vadd.s32 v41, v14;
	vm0 =	veq.s32 v20, $0x4  }
0x17c: {  	(xrf0) =	vadd.scan.msk.s32 $0xffff, v36;
	v61 =	vmpcnt.ones.xlane vm9;
	v62 =	vsel vm9, $0x1, v0;
	v30 =	vadd.s32 v57, v26  }
0x17d: {  	(xrf0) =	vadd.scan.msk.s32 $0xffff, v37;
	v27, _, _ =	vpop (xrf0);
	v15 =	vbroadcast v32, $0xF;
	v44 =	vsel vm3, $0x0, v14;
	v46 =	vmpcnt.ones.xlane vm0  }
0x17e: {  	(xrf0) =	vadd.scan.msk.s32 $0xffff, v39;
	v29, _, _ =	vpop (xrf0);
	v47 =	vsel vm0, $0x1, v0;
	v57 =	vsel vm12, $0x1, v0;
	v60 =	vsel vm1, $0x0, v55  }
0x17f: {  	(xrf0) =	vadd.scan.msk.s32 $0xffff, v40;
	v31 =	vadd.s32 $0xFFFFFFFF, v29;
	v13 =	vsel vm14, v30, v13;
	vm14 =	veq.s32 v20, $0x3  }
0x180: {  	v17 =	vbroadcast v31, $0xF;
	v42 =	vmpcnt.ones.xlane vm14;
	v15 =	vadd.s32 v23, v15  }
0x181: {  	v43 =	vsel vm14, $0x1, v0;
	v21 =	vsel vm4, $0x0, v46;
	v12 =	vsel vm10, v15, v13  }
0x182: {  	(xrf0) =	vadd.scan.msk.s32 $0xffff, v43;
	v48, _, _ =	vpop (xrf0);
	v17 =	vadd.s32 v27, v17;
	v45 =	vsel vm3, $0x0, v42;
	vm3 =	vcmask $0x1318  }
0x183: {  	(xrf0) =	vadd.scan.msk.s32 $0xffff, v44;
	v51, _, _ =	vpop (xrf0);
	v14 =	vadd.s32 v45, v14;
	v22 =	vsel vm3, $0x0, v50;
	v17 =	vnsel vm13, $0x0, v17  }
0x184: {  	v53, _, _ =	vpop (xrf0);
	v24 =	vadd.s32 $0xFFFFFFFF, v51;
	v49 =	vsel vm4, $0x0, v14;
	v14 =	vadd.s32 v21, v14;
	v21 =	vld [tilespmem:$0x70]  }
0x185: {  	(xrf0) =	vadd.scan.msk.s32 $0xffff, v47;
	v56, _, _ =	vpop (xrf0);
	v24 =	vbroadcast v24, $0xF;
	v54 =	vsel vm3, $0x0, v14;
	v14 =	vadd.s32 v22, v14  }
0x186: {  	(xrf0) =	vadd.scan.msk.s32 $0xffff, v49;
	v34 =	vadd.s32 $0xFFFFFFFF, v56;
	v59 =	vsel vm1, $0x0, v14;
	v14 =	vadd.s32 v60, v14  }
0x187: {  	vm1 =	vcmask $0x1B20;
	v37 =	vbroadcast v34, $0xF;
	v19 =	vadd.s32 v48, v24  }
0x188: {  	(xrf0) =	vadd.scan.msk.s32 $0xffff, v52;
	v58, _, _ =	vpop (xrf0);
	v32 =	vsel vm1, $0x0, v14;
	v26 =	vsel vm1, $0x0, v61;
	v17 =	vsel vm5, v19, v17  }
0x189: {  	(xrf0) =	vadd.scan.msk.s32 $0xffff, v54;
	v28, _, _ =	vpop (xrf0);
	v14 =	vadd.s32 v26, v14;
	v18 =	vadd.s32 v53, v37;
	vm13 =	veq.s32 v21, $0x0  }
0x18a: {  	(xrf0) =	vadd.scan.msk.s32 $0xffff, v57;
	v35 =	vnsel vm7, $0x0, v14;
	v38 =	vadd.s32 $0xFFFFFFFF, v28;
	v17 =	vsel vm6, v18, v17  }
0x18b: {  	(xrf0) =	vadd.scan.msk.s32 $0xffff, v59;
	v63, _, _ =	vpop (xrf0);
	vm5 =	veq.s32 v21, $0x1;
	vm8 =	veq.s32 v21, $0x2;
	vm10 =	veq.s32 v21, $0x3  }
0x18c: {  	vm6 =	veq.s32 v21, $0x5;
	(xrf0) =	vadd.scan.msk.s32 $0xffff, v62;
	v33 =	vsel vm13, $0x1, v0;
	v39 =	vbroadcast v38, $0xF;
	v29, _, _ =	vpop (xrf0)  }
0x18d: {  	v45 =	vmpcnt.ones.xlane vm13;
	v47 =	vmpcnt.ones.xlane vm5;
	(xrf0) =	vadd.scan.msk.s32 $0xffff, v32;
	v40 =	vadd.s32 $0xFFFFFFFF, v29  }
0x18e: {  	v48 =	vsel vm5, $0x1, v0;
	v50 =	vmpcnt.ones.xlane vm8;
	v27, _, _ =	vpop (xrf0);
	(xrf0) =	vadd.scan.msk.s32 $0xffff, v33;
	v19 =	vbroadcast v40, $0xF  }
0x18f: {  	v51 =	vsel vm8, $0x1, v0;
	v54 =	vmpcnt.ones.xlane vm10;
	v55 =	vsel vm10, $0x1, v0;
	v36, _, _ =	vpop (xrf0);
	(xrf0) =	vadd.scan.msk.s32 $0xffff, v35  }
0x190: {  	v62 =	vmpcnt.ones.xlane vm6;
	v24, _, _ =	vpop (xrf0);
	v43 =	vadd.s32 v63, v19;
	v19 =	vnsel vm7, $0x0, v45  }
0x191: {  	[tilespmem:$0x280] =	vst v7;
	v31 =	vsel vm6, $0x1, v0;
	v41 =	vadd.s32 v58, v39;
	v25, _, _ =	vpop (xrf0);
	v14 =	vadd.s32 v14, v19  }
0x192: {  	v22 =	vsel vm2, $0x0, v47;
	v42 =	vsel vm14, v41, v17;
	v20, _, _ =	vpop (xrf0);
	(xrf0) =	vadd.scan.msk.s32 $0xffff, v48;
	v49 =	vsel vm2, $0x0, v14  }
0x193: {  	v13 =	vsel vm0, v43, v42;
	vm0 =	vcmask $0x70C;
	v15, _, _ =	vpop (xrf0);
	v14 =	vadd.s32 v22, v14;
	(xrf0) =	vadd.scan.msk.s32 $0xffff, v49  }
0x194: {  	v26 =	vsel vm3, $0x0, v62;
	v53 =	vsel vm0, $0x0, v50;
	v44, _, _ =	vpop (xrf0);
	v52 =	vsel vm0, $0x0, v14;
	(xrf0) =	vadd.scan.msk.s32 $0xffff, v51  }
0x195: {  	vm2 =	vcmask $0xB10;
	v14 =	vadd.s32 v53, v14;
	vm0 =	veq.s32 v21, $0x4;
	v46, _, _ =	vpop (xrf0);
	(xrf0) =	vadd.scan.msk.s32 $0xffff, v52  }
0x196: {  	v57 =	vsel vm2, $0x0, v54;
	v56 =	vsel vm2, $0x0, v14;
	v58 =	vmpcnt.ones.xlane vm0;
	(xrf0) =	vadd.scan.msk.s32 $0xffff, v55  }
0x197: {  	vm14 =	veq.s32 v21, $0x6;
	v14 =	vadd.s32 v57, v14;
	v59 =	vsel vm0, $0x1, v0;
	(xrf0) =	vadd.scan.msk.s32 $0xffff, v56  }
0x198: {  	v17 =	vadd.s32 $0xFFFFFFFF, v46;
	v61 =	vsel vm4, $0x0, v14;
	v23 =	vsel vm4, $0x0, v58;
	v60, _, _ =	vpop (xrf0);
	(xrf0) =	vadd.scan.msk.s32 $0xffff, v59  }
0x199: {  	v16 =	vadd.s32 $0xFFFFFFFF, v36;
	v17 =	vbroadcast v17, $0xF;
	v14 =	vadd.s32 v23, v14;
	v63, _, _ =	vpop (xrf0);
	(xrf0) =	vadd.scan.msk.s32 $0xffff, v61  }
0x19a: {  	v35 =	vsel vm14, $0x1, v0;
	v16 =	vbroadcast v16, $0xF;
	v33 =	vsel vm3, $0x0, v14;
	v32, _, _ =	vpop (xrf0);
	(xrf0) =	vadd.scan.msk.s32 $0xffff, v31  }
0x19b: {  	vm2 =	vcmask $0x171C;
	v17 =	vadd.s32 v44, v17;
	v14 =	vadd.s32 v26, v14;
	v34, _, _ =	vpop (xrf0);
	(xrf0) =	vadd.scan.msk.s32 $0xffff, v33  }
0x19c: {  	v17 =	vnsel vm13, $0x0, v17;
	v37 =	vsel vm2, $0x0, v14;
	vm13 =	veq.s32 v21, $0x7;
	v36, _, _ =	vpop (xrf0);
	(xrf0) =	vadd.scan.msk.s32 $0xffff, v35  }
0x19d: {  	v43 =	vadd.s32 $0xFFFFFFFF, v25;
	v7 =	vadd.s32 $0xFFFFFFFF, v15;
	v40 =	vsel vm13, $0x1, v0;
	v39, _, _ =	vpop (xrf0);
	(xrf0) =	vadd.scan.msk.s32 $0xffff, v37  }
0x19e: {  	v7 =	vbroadcast v7, $0xF;
	v14 =	vsel vm1, $0x0, v14;
	v38 =	vadd.s32 $0xFFFFFFFF, v63;
	v41, _, _ =	vpop (xrf0);
	(xrf0) =	vadd.scan.msk.s32 $0xffff, v40  }
0x19f: {  	v16 =	vadd.s32 v27, v16;
	v21 =	vbroadcast v38, $0xF;
	v18 =	vadd.s32 $0xFFFFFFFF, v34;
	v42, _, _ =	vpop (xrf0);
	(xrf0) =	vadd.scan.msk.s32 $0xffff, v14  }
0x1a0: {  	v13 =	vsel vm11, v16, v13;
	v7 =	vadd.s32 v20, v7;
	v18 =	vbroadcast v18, $0xF;
	v46, _, _ =	vpop (xrf0)  }
0x1a1: {  	v21 =	vadd.s32 v60, v21;
	v44 =	vadd.s32 $0xFFFFFFFF, v39;
	v14 =	vbroadcast v43, $0xF;
	v49, _, _ =	vpop (xrf0)  }
0x1a2: {  	v47 =	vsel vm5, v21, v17;
	v45 =	vbroadcast v44, $0xF;
	v48 =	vadd.s32 v32, v18;
	v51, _, _ =	vpop (xrf0)  }
0x1a3: {  	v16 =	vsel vm8, v48, v47;
	v53 =	vadd.s32 $0xFFFFFFFF, v42;
	v14 =	vadd.s32 v24, v14;
	v54, _, _ =	vpop (xrf0)  }
0x1a4: {  	v50 =	vadd.s32 v36, v45;
	v55 =	vbroadcast v53, $0xF;
	v56 =	vadd.s32 $0xFFFFFFFF, v49;
	v57, _, _ =	vpop (xrf0)  }
0x1a5: {  	[tilespmem:$0x290] =	vst v9;
	v52 =	vsel vm10, v50, v16;
	v58 =	vbroadcast v56, $0xF;
	v59 =	vadd.s32 $0xFFFFFFFF, v54;
	v60, _, _ =	vpop (xrf0)  }
0x1a6: {  	[tilespmem:$0x2A0] =	vst v8;
	v61 =	vadd.s32 v41, v55;
	v62 =	vbroadcast v59, $0xF;
	v63 =	vadd.s32 $0xFFFFFFFF, v60  }
0x1a7: {  	[tilespmem:$0x2B0] =	vst v10;
	v8 =	vsel vm0, v61, v52;
	v9 =	vadd.s32 v46, v58;
	v19 =	vbroadcast v63, $0xF  }
0x1a8: {  	[tilespmem:$0x2C0] =	vst v11;
	v13 =	vsel vm12, v14, v13;
	v8 =	vsel vm6, v9, v8;
	v20 =	vadd.s32 v51, v62  }
0x1a9: {  	[tilespmem:$0x2D0] =	vst v12;
	v7 =	vsel vm9, v7, v13;
	v8 =	vsel vm14, v20, v8;
	v21 =	vadd.s32 v57, v19  }
0x1aa: {  	s30 =	rddreg [dreg:$0x7];
	[tilespmem:$0x2E0] =	vst v7;
	v8 =	vsel vm13, v21, v8  }
0x1ab: {  	s0 =	rddreg [dreg:$0xa];
	[tilespmem:$0x2F0] =	vst v8  }
0x1ac: {  	[hbm4b:s30+s2] =	stream.linear.scatter [tilespmem:s0], [sflag:$0x2], $0x80, $0x38;
	[tilespmem:$0x18380] =	vst v63  }
0x1ad: {  	_ =	swait.ge [sflag:s7], $0x80  }
0x1ae: {  	[sflag:s7] =	ssyncset.done $0x0  }
0x1af: {  	s31 =	rddreg [dreg:$0x8];
	[sflag:s7] =	ssyncadd.s32 $0xFFFFFF80  }
0x1b0: {  	[tilespmem:s8], [sflag:$0x2] =	stream.linear.gather [hbm4b:s31+s2], $0x18000, $0x38;
	[tilespmem:$0x18380] =	vst v63  }
0x1b1: {  	_ =	swait.ge [sflag:s7], $0x18000  }
0x1b2: {  	[sflag:s7] =	ssyncset.done $0x0  }
0x1b3: {  	[sflag:s7] =	ssyncadd.s32 $0xFFFE8000  }
0x1b4: {  	v7 =	vld [tilespmem:$0x280];
	_ =	sdelay $0x4  }
0x1b5: {  	v22 =	vshrl.u32 v7, $0x3  }
0x1b6: {  	v8 =	vmul.u32 $0x30, v22  }
0x1b7: {  	v7 =	vand.u32 $0x7, v7  }
0x1b8: {  	v7 =	vor.u32 v7, v8  }
0x1b9: {  	v8 =	vperm.xlane v7, v1;
	_ =	sdelay $0x1  }
0x1ba: {  	v8 =	vadd.s32 v2, v8;
	_ =	sdelay $0x3  }
0x1bb: {  	v7 =	vperm.xlane v7, v3  }
0x1bc: {  	[hbm4b:s3+s2] =	stream.indirect_vreg.scatter [tilespmem:s8], [sflag:$0x1], $0x80, v8, vm15, $0xb8;
	[tilespmem:$0x18380] =	vst v63  }
0x1bd: {  	s0 =	rddreg [dreg:$0xb];
	v7 =	vadd.s32 v2, v7  }
0x1be: {  	[hbm4b:s4+s2] =	stream.indirect_vreg.scatter [tilespmem:s0], [sflag:$0x1], $0x80, v8, vm15, $0xb8;
	[tilespmem:$0x18380] =	vst v63  }
0x1bf: {  	s31 =	rddreg [dreg:$0xc]  }
0x1c0: {  	[hbm4b:s5+s2] =	stream.indirect_vreg.scatter [tilespmem:s31], [sflag:$0x1], $0x80, v8, vm15, $0xb8;
	[tilespmem:$0x18380] =	vst v63  }
0x1c1: {  	s0 =	rddreg [dreg:$0xd]  }
0x1c2: {  	[hbm4b:s3+s2] =	stream.indirect_vreg.scatter [tilespmem:s0], [sflag:$0x1], $0x80, v7, vm15, $0xb8;
	[tilespmem:$0x18380] =	vst v63  }
0x1c3: {  	s31 =	rddreg [dreg:$0xe]  }
0x1c4: {  	[hbm4b:s4+s2] =	stream.indirect_vreg.scatter [tilespmem:s31], [sflag:$0x1], $0x80, v7, vm15, $0xb8;
	[tilespmem:$0x18380] =	vst v63  }
0x1c5: {  	s0 =	rddreg [dreg:$0xf]  }
0x1c6: {  	[hbm4b:s5+s2] =	stream.indirect_vreg.scatter [tilespmem:s0], [sflag:$0x1], $0x80, v7, vm15, $0xb8;
	[tilespmem:$0x18380] =	vst v63  }
0x1c7: {  	v7 =	vld [tilespmem:$0x290];
	_ =	sdelay $0x4  }
0x1c8: {  	v23 =	vshrl.u32 v7, $0x3  }
0x1c9: {  	v8 =	vmul.u32 $0x30, v23  }
0x1ca: {  	v7 =	vand.u32 $0x7, v7  }
0x1cb: {  	v7 =	vor.u32 v7, v8  }
0x1cc: {  	v8 =	vperm.xlane v7, v1;
	_ =	sdelay $0x1  }
0x1cd: {  	v8 =	vadd.s32 v2, v8;
	_ =	sdelay $0x3  }
0x1ce: {  	s30 =	rddreg [dreg:$0x10];
	v7 =	vperm.xlane v7, v3  }
0x1cf: {  	[hbm4b:s3+s2] =	stream.indirect_vreg.scatter [tilespmem:s30], [sflag:$0x1], $0x80, v8, vm15, $0xb8;
	[tilespmem:$0x18380] =	vst v63  }
0x1d0: {  	s0 =	rddreg [dreg:$0x11];
	v7 =	vadd.s32 v2, v7  }
0x1d1: {  	[hbm4b:s4+s2] =	stream.indirect_vreg.scatter [tilespmem:s0], [sflag:$0x1], $0x80, v8, vm15, $0xb8;
	[tilespmem:$0x18380] =	vst v63  }
0x1d2: {  	s30 =	rddreg [dreg:$0x12]  }
0x1d3: {  	[hbm4b:s5+s2] =	stream.indirect_vreg.scatter [tilespmem:s30], [sflag:$0x1], $0x80, v8, vm15, $0xb8;
	[tilespmem:$0x18380] =	vst v63  }
0x1d4: {  	s0 =	rddreg [dreg:$0x13]  }
0x1d5: {  	[hbm4b:s3+s2] =	stream.indirect_vreg.scatter [tilespmem:s0], [sflag:$0x1], $0x80, v7, vm15, $0xb8;
	[tilespmem:$0x18380] =	vst v63  }
0x1d6: {  	s30 =	rddreg [dreg:$0x14]  }
0x1d7: {  	[hbm4b:s4+s2] =	stream.indirect_vreg.scatter [tilespmem:s30], [sflag:$0x1], $0x80, v7, vm15, $0xb8;
	[tilespmem:$0x18380] =	vst v63  }
0x1d8: {  	s0 =	rddreg [dreg:$0x15]  }
0x1d9: {  	[hbm4b:s5+s2] =	stream.indirect_vreg.scatter [tilespmem:s0], [sflag:$0x1], $0x80, v7, vm15, $0xb8;
	[tilespmem:$0x18380] =	vst v63  }
0x1da: {  	v7 =	vld [tilespmem:$0x2A0];
	_ =	sdelay $0x4  }
0x1db: {  	v24 =	vshrl.u32 v7, $0x3  }
0x1dc: {  	v8 =	vmul.u32 $0x30, v24  }
0x1dd: {  	v7 =	vand.u32 $0x7, v7  }
0x1de: {  	v7 =	vor.u32 v7, v8  }
0x1df: {  	v8 =	vperm.xlane v7, v1;
	_ =	sdelay $0x1  }
0x1e0: {  	v8 =	vadd.s32 v2, v8;
	_ =	sdelay $0x3  }
0x1e1: {  	s30 =	rddreg [dreg:$0x16];
	v7 =	vperm.xlane v7, v3  }
0x1e2: {  	[hbm4b:s3+s2] =	stream.indirect_vreg.scatter [tilespmem:s30], [sflag:$0x1], $0x80, v8, vm15, $0xb8;
	[tilespmem:$0x18380] =	vst v63  }
0x1e3: {  	s0 =	rddreg [dreg:$0x17];
	v7 =	vadd.s32 v2, v7  }
0x1e4: {  	[hbm4b:s4+s2] =	stream.indirect_vreg.scatter [tilespmem:s0], [sflag:$0x1], $0x80, v8, vm15, $0xb8;
	[tilespmem:$0x18380] =	vst v63  }
0x1e5: {  	s30 =	rddreg [dreg:$0x18]  }
0x1e6: {  	[hbm4b:s5+s2] =	stream.indirect_vreg.scatter [tilespmem:s30], [sflag:$0x1], $0x80, v8, vm15, $0xb8;
	[tilespmem:$0x18380] =	vst v63  }
0x1e7: {  	s0 =	rddreg [dreg:$0x19]  }
0x1e8: {  	[hbm4b:s3+s2] =	stream.indirect_vreg.scatter [tilespmem:s0], [sflag:$0x1], $0x80, v7, vm15, $0xb8;
	[tilespmem:$0x18380] =	vst v63  }
0x1e9: {  	s30 =	rddreg [dreg:$0x1a]  }
0x1ea: {  	[hbm4b:s4+s2] =	stream.indirect_vreg.scatter [tilespmem:s30], [sflag:$0x1], $0x80, v7, vm15, $0xb8;
	[tilespmem:$0x18380] =	vst v63  }
0x1eb: {  	s0 =	rddreg [dreg:$0x1b]  }
0x1ec: {  	[hbm4b:s5+s2] =	stream.indirect_vreg.scatter [tilespmem:s0], [sflag:$0x1], $0x80, v7, vm15, $0xb8;
	[tilespmem:$0x18380] =	vst v63  }
0x1ed: {  	v7 =	vld [tilespmem:$0x2B0];
	_ =	sdelay $0x4  }
0x1ee: {  	v25 =	vshrl.u32 v7, $0x3  }
0x1ef: {  	v8 =	vmul.u32 $0x30, v25  }
0x1f0: {  	v7 =	vand.u32 $0x7, v7  }
0x1f1: {  	v7 =	vor.u32 v7, v8  }
0x1f2: {  	v8 =	vperm.xlane v7, v1;
	_ =	sdelay $0x1  }
0x1f3: {  	v8 =	vadd.s32 v2, v8;
	_ =	sdelay $0x2  }
0x1f4: {  	s30 =	rddreg [dreg:$0x1c]  }
0x1f5: {  	s0 =	rddreg [dreg:$0x1d];
	v7 =	vperm.xlane v7, v3  }
0x1f6: {  	[hbm4b:s3+s2] =	stream.indirect_vreg.scatter [tilespmem:s30], [sflag:$0x1], $0x80, v8, vm15, $0xb8;
	[tilespmem:$0x18380] =	vst v63  }
0x1f7: {  	v7 =	vadd.s32 v2, v7;
	s30 =	rddreg [dreg:$0x1e]  }
0x1f8: {  	[hbm4b:s4+s2] =	stream.indirect_vreg.scatter [tilespmem:s0], [sflag:$0x1], $0x80, v8, vm15, $0xb8;
	[tilespmem:$0x18380] =	vst v63  }
0x1f9: {  	s0 =	rddreg [dreg:$0x1f]  }
0x1fa: {  	[hbm4b:s5+s2] =	stream.indirect_vreg.scatter [tilespmem:s30], [sflag:$0x1], $0x80, v8, vm15, $0xb8;
	[tilespmem:$0x18380] =	vst v63  }
0x1fb: {  	s30 =	sld [smem:$0x7F7]  }
0x1fc: {  	[hbm4b:s3+s2] =	stream.indirect_vreg.scatter [tilespmem:s0], [sflag:$0x1], $0x80, v7, vm15, $0xb8;
	[tilespmem:$0x18380] =	vst v63  }
0x1fd: {  	s0 =	sld [smem:$0x7F8]  }
0x1fe: {  	[hbm4b:s4+s2] =	stream.indirect_vreg.scatter [tilespmem:s30], [sflag:$0x1], $0x80, v7, vm15, $0xb8;
	[tilespmem:$0x18380] =	vst v63  }
0x1ff: {  	_ = 	snop  }
0x200: {  	[hbm4b:s5+s2] =	stream.indirect_vreg.scatter [tilespmem:s0], [sflag:$0x1], $0x80, v7, vm15, $0xb8;
	[tilespmem:$0x18380] =	vst v63  }
0x201: {  	v7 =	vld [tilespmem:$0x2C0];
	_ =	sdelay $0x4  }
0x202: {  	v26 =	vshrl.u32 v7, $0x3  }
0x203: {  	v8 =	vmul.u32 $0x30, v26  }
0x204: {  	v7 =	vand.u32 $0x7, v7  }
0x205: {  	v7 =	vor.u32 v7, v8  }
0x206: {  	v8 =	vperm.xlane v7, v1;
	_ =	sdelay $0x1  }
0x207: {  	v8 =	vadd.s32 v2, v8;
	_ =	sdelay $0x1  }
0x208: {  	s0 =	sld [smem:$0x7F9];
	_ =	sdelay $0x1  }
0x209: {  	s31 =	sld [smem:$0x7FA];
	v7 =	vperm.xlane v7, v3  }
0x20a: {  	[hbm4b:s3+s2] =	stream.indirect_vreg.scatter [tilespmem:s0], [sflag:$0x1], $0x80, v8, vm15, $0xb8;
	[tilespmem:$0x18380] =	vst v63  }
0x20b: {  	v7 =	vadd.s32 v2, v7;
	s0 =	sld [smem:$0x7FB]  }
0x20c: {  	[hbm4b:s4+s2] =	stream.indirect_vreg.scatter [tilespmem:s31], [sflag:$0x1], $0x80, v8, vm15, $0xb8;
	[tilespmem:$0x18380] =	vst v63  }
0x20d: {  	s31 =	sld [smem:$0x7FC]  }
0x20e: {  	[hbm4b:s5+s2] =	stream.indirect_vreg.scatter [tilespmem:s0], [sflag:$0x1], $0x80, v8, vm15, $0xb8;
	[tilespmem:$0x18380] =	vst v63  }
0x20f: {  	s0 =	sld [smem:$0x7FD]  }
0x210: {  	[hbm4b:s3+s2] =	stream.indirect_vreg.scatter [tilespmem:s31], [sflag:$0x1], $0x80, v7, vm15, $0xb8;
	[tilespmem:$0x18380] =	vst v63  }
0x211: {  	_ = 	snop  }
0x212: {  	[hbm4b:s4+s2] =	stream.indirect_vreg.scatter [tilespmem:s0], [sflag:$0x1], $0x80, v7, vm15, $0xb8;
	[tilespmem:$0x18380] =	vst v63  }
0x213: {  	_ = 	snop  }
0x214: {  	[hbm4b:s5+s2] =	stream.indirect_vreg.scatter [tilespmem:s9], [sflag:$0x1], $0x80, v7, vm15, $0xb8;
	[tilespmem:$0x18380] =	vst v63  }
0x215: {  	v7 =	vld [tilespmem:$0x2D0];
	_ =	sdelay $0x4  }
0x216: {  	v27 =	vshrl.u32 v7, $0x3  }
0x217: {  	v8 =	vmul.u32 $0x30, v27  }
0x218: {  	v7 =	vand.u32 $0x7, v7  }
0x219: {  	v7 =	vor.u32 v7, v8  }
0x21a: {  	v8 =	vperm.xlane v7, v1;
	_ =	sdelay $0x1  }
0x21b: {  	v8 =	vadd.s32 v2, v8;
	_ =	sdelay $0x3  }
0x21c: {  	v7 =	vperm.xlane v7, v3  }
0x21d: {  	[hbm4b:s3+s2] =	stream.indirect_vreg.scatter [tilespmem:s10], [sflag:$0x1], $0x80, v8, vm15, $0xb8;
	[tilespmem:$0x18380] =	vst v63  }
0x21e: {  	v7 =	vadd.s32 v2, v7  }
0x21f: {  	[hbm4b:s4+s2] =	stream.indirect_vreg.scatter [tilespmem:s11], [sflag:$0x1], $0x80, v8, vm15, $0xb8;
	[tilespmem:$0x18380] =	vst v63  }
0x220: {  	_ = 	snop  }
0x221: {  	[hbm4b:s5+s2] =	stream.indirect_vreg.scatter [tilespmem:s12], [sflag:$0x1], $0x80, v8, vm15, $0xb8;
	[tilespmem:$0x18380] =	vst v63  }
0x222: {  	_ = 	snop  }
0x223: {  	[hbm4b:s3+s2] =	stream.indirect_vreg.scatter [tilespmem:s13], [sflag:$0x1], $0x80, v7, vm15, $0xb8;
	[tilespmem:$0x18380] =	vst v63  }
0x224: {  	_ = 	snop  }
0x225: {  	[hbm4b:s4+s2] =	stream.indirect_vreg.scatter [tilespmem:s14], [sflag:$0x1], $0x80, v7, vm15, $0xb8;
	[tilespmem:$0x18380] =	vst v63  }
0x226: {  	_ = 	snop  }
0x227: {  	[hbm4b:s5+s2] =	stream.indirect_vreg.scatter [tilespmem:s15], [sflag:$0x1], $0x80, v7, vm15, $0xb8;
	[tilespmem:$0x18380] =	vst v63  }
0x228: {  	v7 =	vld [tilespmem:$0x2E0];
	_ =	sdelay $0x4  }
0x229: {  	v28 =	vshrl.u32 v7, $0x3  }
0x22a: {  	v8 =	vmul.u32 $0x30, v28  }
0x22b: {  	v7 =	vand.u32 $0x7, v7  }
0x22c: {  	v7 =	vor.u32 v7, v8  }
0x22d: {  	v8 =	vperm.xlane v7, v1;
	_ =	sdelay $0x1  }
0x22e: {  	v8 =	vadd.s32 v2, v8;
	_ =	sdelay $0x3  }
0x22f: {  	v7 =	vperm.xlane v7, v3  }
0x230: {  	v29 =	vnsel vm7, $0x0, v6;
	[hbm4b:s3+s2] =	stream.indirect_vreg.scatter [tilespmem:s16], [sflag:$0x1], $0x80, v8, vm15, $0xb8;
	[tilespmem:$0x18380] =	vst v63  }
0x231: {  	vm11 =	vcmask $0x308;
	(xrf0) =	vadd.scan.msk.s32 $0xffff, v29;
	v7 =	vadd.s32 v2, v7  }
0x232: {  	v30 =	vsel vm11, $0x0, v6;
	[hbm4b:s4+s2] =	stream.indirect_vreg.scatter [tilespmem:s17], [sflag:$0x1], $0x80, v8, vm15, $0xb8;
	[tilespmem:$0x18380] =	vst v63  }
0x233: {  	vm9 =	vcmask $0x70C;
	(xrf0) =	vadd.scan.msk.s32 $0xffff, v30  }
0x234: {  	v31 =	vsel vm9, $0x0, v6;
	[hbm4b:s5+s2] =	stream.indirect_vreg.scatter [tilespmem:s18], [sflag:$0x1], $0x80, v8, vm15, $0xb8;
	[tilespmem:$0x18380] =	vst v63  }
0x235: {  	vm10 =	vcmask $0xB10;
	(xrf0) =	vadd.scan.msk.s32 $0xffff, v31  }
0x236: {  	v33 =	vsel vm10, $0x0, v6;
	[hbm4b:s3+s2] =	stream.indirect_vreg.scatter [tilespmem:s19], [sflag:$0x1], $0x80, v7, vm15, $0xb8;
	[tilespmem:$0x18380] =	vst v63  }
0x237: {  	(xrf0) =	vadd.scan.msk.s32 $0xffff, v33  }
0x238: {  	v34 =	vsel vm4, $0x0, v6;
	[hbm4b:s4+s2] =	stream.indirect_vreg.scatter [tilespmem:s20], [sflag:$0x1], $0x80, v7, vm15, $0xb8;
	[tilespmem:$0x18380] =	vst v63  }
0x239: {  	(xrf0) =	vadd.scan.msk.s32 $0xffff, v34  }
0x23a: {  	v35 =	vsel vm3, $0x0, v6;
	[hbm4b:s5+s2] =	stream.indirect_vreg.scatter [tilespmem:s21], [sflag:$0x1], $0x80, v7, vm15, $0xb8;
	[tilespmem:$0x18380] =	vst v63  }
0x23b: {  	v37 =	vsel vm2, $0x0, v6;
	v6 =	vsel vm1, $0x0, v6;
	(xrf0) =	vadd.scan.msk.s32 $0xffff, v35;
	v7 =	vld [tilespmem:$0x2F0]  }
0x23c: {  	v36, _, _ =	vpop (xrf0);
	(xrf0) =	vadd.scan.msk.s32 $0xffff, v37  }
0x23d: {  	v39, _, _ =	vpop (xrf0);
	(xrf0) =	vadd.scan.msk.s32 $0xffff, v6  }
0x23e: {  	v6, _, _ =	vpop (xrf0)  }
0x23f: {  	v40 =	vbroadcast v39, $0xF;
	v41, _, _ =	vpop (xrf0)  }
0x240: {  	v43, _, _ =	vpop (xrf0);
	v32 =	vshrl.u32 v7, $0x3  }
0x241: {  	v6 =	vbroadcast v6, $0xF;
	vm9 =	vlt.s32 v40, v4;
	v45, _, _ =	vpop (xrf0);
	v9 =	vmul.u32 $0x30, v32  }
0x242: {  	v44 =	vsel vm9, $0x1, v0;
	v13 =	vbroadcast v43, $0xF;
	v46, _, _ =	vpop (xrf0);
	v7 =	vand.u32 $0x7, v7  }
0x243: {  	vm10 =	vlt.s32 v6, v4;
	v15 =	vbroadcast v45, $0xF;
	v49, _, _ =	vpop (xrf0);
	v7 =	vor.u32 v7, v9  }
0x244: {  	vm9 =	vlt.s32 v13, v4;
	v18 =	vbroadcast v49, $0xF;
	v38 =	vperm.xlane v7, v1  }
0x245: {  	v11 =	vbroadcast v41, $0xF;
	v47 =	vsel vm10, $0x1, v0;
	v50 =	vsel vm9, $0x1, v0  }
0x246: {  	vm10 =	vlt.s32 v15, v4;
	vm9 =	vlt.s32 v18, v4;
	v10 =	vadd.s32 v2, v38  }
0x247: {  	v53 =	vsel vm9, $0x1, v0;
	vm9 =	vlt.s32 v6, v5;
	v9 =	vbroadcast v36, $0xF  }
0x248: {  	v14 =	vbroadcast v46, $0xF;
	v51 =	vsel vm10, $0x1, v0;
	v58 =	vsel vm9, $0x1, v0  }
0x249: {  	vm9 =	vlt.s32 v15, v5;
	v7 =	vperm.xlane v7, v3;
	vm11 =	vlt.s32 v9, v4  }
0x24a: {  	vm10 =	vlt.s32 v9, v5;
	v42 =	vsel vm11, $0x1, v0;
	vm11 =	vlt.s32 v11, v4  }
0x24b: {  	v7 =	vadd.s32 v2, v7;
	v48 =	vsel vm11, $0x1, v0;
	vm11 =	vlt.s32 v14, v4;
	[hbm4b:s3+s2] =	stream.indirect_vreg.scatter [tilespmem:s22], [sflag:$0x1], $0x80, v10, vm15, $0xb8;
	[tilespmem:$0x18380] =	vst v63  }
0x24c: {  	v55 =	vsel vm10, $0x1, v0;
	v52 =	vsel vm11, $0x1, v0;
	vm11 =	vlt.s32 v40, v5  }
0x24d: {  	vm10 =	vlt.s32 v11, v5;
	v12 =	vadd.s32 v44, v42;
	v57 =	vsel vm11, $0x1, v0;
	[hbm4b:s4+s2] =	stream.indirect_vreg.scatter [tilespmem:s23], [sflag:$0x1], $0x80, v10, vm15, $0xb8;
	[tilespmem:$0x18380] =	vst v63  }
0x24e: {  	v59 =	vsel vm10, $0x1, v0;
	vm10 =	vlt.s32 v14, v5;
	v6 =	vadd.s32 v57, v55  }
0x24f: {  	v61 =	vsel vm9, $0x1, v0;
	vm11 =	vlt.s32 v13, v5;
	v6 =	vadd.s32 v58, v6;
	[hbm4b:s5+s2] =	stream.indirect_vreg.scatter [tilespmem:s24], [sflag:$0x1], $0x80, v10, vm15, $0xb8;
	[tilespmem:$0x18380] =	vst v63  }
0x250: {  	v12 =	vadd.s32 v47, v12;
	v60 =	vsel vm11, $0x1, v0;
	v6 =	vadd.s32 v59, v6  }
0x251: {  	v62 =	vsel vm10, $0x1, v0;
	v12 =	vadd.s32 v48, v12;
	v6 =	vadd.s32 v60, v6;
	[hbm4b:s3+s2] =	stream.indirect_vreg.scatter [tilespmem:s25], [sflag:$0x1], $0x80, v7, vm15, $0xb8;
	[tilespmem:$0x18380] =	vst v63  }
0x252: {  	v12 =	vadd.s32 v50, v12;
	vm11 =	vlt.s32 v18, v5;
	v6 =	vadd.s32 v61, v6  }
0x253: {  	v54 =	vadd.s32 v51, v12;
	v63 =	vsel vm11, $0x1, v0;
	v6 =	vadd.s32 v62, v6;
	[hbm4b:s4+s2] =	stream.indirect_vreg.scatter [tilespmem:s26], [sflag:$0x1], $0x80, v7, vm15, $0xb8;
	[tilespmem:$0x18380] =	vst v63  }
0x254: {  	v56 =	vadd.s32 v52, v54;
	v6 =	vadd.s32 v63, v6  }
0x255: {  	v6 =	vmin.u32 v6, $0x7;
	[hbm4b:s5+s2] =	stream.indirect_vreg.scatter [tilespmem:s28], [sflag:$0x1], $0x80, v7, vm15, $0xb8;
	v7 =	vadd.s32 v53, v56;
	[tilespmem:$0x18380] =	vst v63  }
0x256: {  	v7 =	vmin.u32 v7, $0x7;
	[tilespmem:$0x18310] =	vst v6  }
0x257: {  	s30 =	rddreg [dreg:$0x5];
	s31 =	simm.s32 @!p0 $0x0;
	s0 =	simm.s32 @!p0 $0x18300;
	[tilespmem:$0x18300] =	vst v7  }
0x258: {  	[hbm4b:s30+s31] =	stream.linear.scatter @!p0 [tilespmem:s0], [sflag:$0x2], $0x80, $0x38;
	[tilespmem:$0x18380] =	vst v63  }
0x259: {  	s6 =	sadd.s32 $0xFFFFFFFF, s6;
	s0 =	simm.s32 @!p0 $0x2  }
0x25a: {  	p1 =	sne.s32 s6, $0x0;
	_ =	swait.ge @!p0 [sflag:s0], $0x80  }
.Ltmp0:
0x25b: {  	[sflag:s0] =	ssyncset.done @!p0 $0x0;
	(pc) =	sbr.rel @p1 .LBB2_1-.Ltmp0, $4  }
0x25c: {  	[sflag:s0] =	ssyncadd.s32 @!p0 $0xFFFFFF80  }
0x25d: {  	_ =	swait.ge [sflag:s29], $0x18000  }
0x25e: {  	[sflag:s29] =	ssyncset.done $0x0  }
0x25f: {  	[sflag:s29] =	ssyncadd.s32 $0xFFFE8000  }
0x260: {  	_ =	sfence.sel $0x180000  }
0x261: {  	[bflag:$0x0] =	sbarrier.arrive $0xFFFF  }
0x262: {  	_ =	strace $0x90000047  }
0x263: {  	[bflag:$0x2] =	sbarrier.arrive $0xFFFF  }
0x264: {  	p0 =	sne.s32 s1, $0x0;
	s0 =	rddreg [dreg:$0x3]  }
0x265: {  	s0 =	sadd.s32 @!p0 $0x100000, s0  }
0x266: {  	[sflag:s0] =	ssyncadd.tile.s32 @!p0 $0x1;
	_ =	shalt  }
.Lfunc_end2:
_tile_overlayer_lowered:
.L_overlay_start_2:
0x267: {  	(tag) =	ssettag $0x2  }
0x268: {  	s0 =	rddreg [dreg:$0x0];
	s2 =	stileid.u32  }
0x269: {  	s1 =	rddreg [dreg:$0x1];
	p0 =	sne.s32 s2, $0x0  }
0x26a: {  	s3 =	rddreg [dreg:$0x2];
	[bflag:$0x3] =	sbarrier.arrive $0xFFFF;
	s2 =	simm.s32 @!p0 $0x1C02  }
0x26b: {  	[timem:s3], [sflag:s2] =	dma.local @!p0 [hbm:s0], s1  }
0x26c: {  	s0 =	simm.s32 @!p0 $0x2  }
0x26d: {  	_ =	swait.ge @!p0 [sflag:s0], s1  }
0x26e: {  	s1 =	ssub.s32 @!p0 $0x0, s1;
	[sflag:s0] =	ssyncset.done @!p0 $0x0  }
0x26f: {  	[sflag:s0] =	ssyncadd.s32 @!p0 s1  }
0x270: {  	[bflag:$0x3] =	sbarrier.arrive $0xFFFF  }
0x271: {  	_ =	shalt  }

</sc_bundles>
